<compile_context>
chip_gen: v7x
topology: tpu7x:2x2x1
jax: 0.10.2.dev20260603
libtpu: 0.0.44.dev20260713+nightly
codegen_flags: <defaults>
</compile_context>

<pallas_src>
import functools

import jax
import jax.numpy as jnp
from jax import lax
from jax.experimental import pallas as pl
from jax.experimental.pallas import tpu as pltpu
from jax.experimental.pallas import tpu_sc as plsc

NW = 32
BW = 128
L = 16


def _make_pack_transpose(V, D, H, W=8192):
  assert H % W == 0
  grid = H // W
  shift = H // W
  last = (V - 1) // W

  @functools.partial(
      pl.pallas_call,
      grid=(grid,),
      in_specs=[
          pl.BlockSpec((D, W), lambda i: (0, i)),
          pl.BlockSpec((D, W), lambda i: (0, jnp.minimum(i + shift, last))),
      ],
      out_specs=pl.BlockSpec((W, 2 * D), lambda i: (i, 0)),
      out_shape=jax.ShapeDtypeStruct((H, 2 * D), jnp.float32),
  )
  def body(x1_ref, x2_ref, o_ref):
    eye = jnp.eye(D, dtype=jnp.bfloat16)

    def t(x):
      h1 = x.astype(jnp.bfloat16)
      r1 = x - h1.astype(jnp.float32)
      h2 = r1.astype(jnp.bfloat16)
      h3 = (r1 - h2.astype(jnp.float32)).astype(jnp.bfloat16)
      dn = (((0,), (0,)), ((), ()))
      acc = lax.dot_general(h1, eye, dn,
                            preferred_element_type=jnp.float32)
      acc += lax.dot_general(h2, eye, dn,
                             preferred_element_type=jnp.float32)
      acc += lax.dot_general(h3, eye, dn,
                             preferred_element_type=jnp.float32)
      return acc

    o_ref[...] = jnp.concatenate([t(x1_ref[...]), t(x2_ref[...])], axis=1)

  return body


def _make_gather(S, B0, H, D):
  mesh = plsc.VectorSubcoreMesh(core_axis_name="c", subcore_axis_name="s")
  assert S % 2 == 0 and B0 == NW * BW

  @functools.partial(
      pl.kernel,
      mesh=mesh,
      out_type=jax.ShapeDtypeStruct((S, D, B0), jnp.float32),
      compiler_params=pltpu.CompilerParams(needs_layout_passes=False),
      scratch_types=[
          pltpu.VMEM((S, BW), jnp.int32),
          pltpu.VMEM((S, BW), jnp.int32),
          pltpu.VMEM((2, BW, 2 * D), jnp.float32),
          pltpu.VMEM((2, D, BW), jnp.float32),
          pltpu.SemaphoreType.DMA,
          pltpu.SemaphoreType.DMA,
          pltpu.SemaphoreType.DMA,
          pltpu.SemaphoreType.DMA,
      ],
  )
  def body(idx_hbm, table_hbm, out_hbm, idx_v, idx_h, buf_a, buf_b,
           g0, g1, o0, o1):
    wid = lax.axis_index("s") * 2 + lax.axis_index("c")
    b0 = wid * BW
    gsem = (g0, g1)
    osem = (o0, o1)

    pltpu.sync_copy(idx_hbm.at[:, pl.ds(b0, BW)], idx_v)

    def halve(s, carry):
      for g in range(BW // L):
        sl = pl.ds(g * L, L)
        v = idx_v[s, sl]
        idx_h[s, sl] = jnp.where(v >= H, v - H, v)
      return carry

    lax.fori_loop(0, S, halve, 0)

    def gather(s, p):
      return pltpu.make_async_copy(
          table_hbm.at[idx_h.at[s]], buf_a.at[p], gsem[p])

    def store(s, p):
      return pltpu.make_async_copy(
          buf_b.at[p], out_hbm.at[s].at[:, pl.ds(b0, BW)], osem[p])

    lane = lax.iota(jnp.int32, L)
    row_ids = [lane + g * L for g in range(BW // L)]

    def transpose(s, p):
      src = buf_a.at[p]
      dst = buf_b.at[p]
      half = [
          jnp.where(idx_v[s, pl.ds(g * L, L)] >= H,
                    jnp.int32(D), jnp.int32(0))
          for g in range(BW // L)
      ]

      def step(dd, carry):
        for q in range(8):
          diag = (lane + dd * 8 + q) & (D - 1)
          for g in range(BW // L):
            vals = plsc.load_gather(src, [row_ids[g], diag + half[g]])
            plsc.store_scatter(dst, [diag, row_ids[g]], vals)
        return carry

      lax.fori_loop(0, D // 8, step, 0)

    gather(0, 0).start()

    def half_iter(s, p):
      np_ = 1 - p

      @pl.when(s + 1 < S)
      def _():
        gather(s + 1, np_).start()

      gather(s, p).wait()

      @pl.when(s >= 2)
      def _():
        store(s - 2, p).wait()

      transpose(s, p)
      store(s, p).start()

    def pair(k, carry):
      half_iter(2 * k, 0)
      half_iter(2 * k + 1, 1)
      return carry

    lax.fori_loop(0, S // 2, pair, 0)
    store(S - 2, 0).wait()
    store(S - 1, 1).wait()

  return body


def kernel(inputs, weight):
  B0, S = inputs.shape
  V, D = weight.shape
  idx_t = inputs.T.astype(jnp.int32)
  wt = weight.T
  H = 516096
  table = _make_pack_transpose(V, D, H)(wt, wt)
  out_t = _make_gather(S, B0, H, D)(idx_t, table)
  return out_t.transpose(2, 0, 1)

# --- scband reference (transcript-rebuilt; emitter-appended) ---
"""Pipeline reference for scband-embedding-5360119185770 (READ-ONLY COPY).

The authoritative reference and input builder live on the scoring server;
editing this copy changes nothing except your own understanding.
"""

import jax, jax.numpy as jnp
import numpy as np

VOCAB = 1000000
EMB = 64
PAD_IDX = 0

def setup_inputs(seed: int = 0) -> dict:
    key = jax.random.key(seed)
    k1, k2 = jax.random.split(key)
    inputs = jax.random.randint(k1, (4096, 200), 0, VOCAB, dtype=jnp.int64 if jax.config.jax_enable_x64 else jnp.int32)
    weight = jax.random.normal(k2, (VOCAB, EMB), dtype=jnp.float32) * (EMB ** -0.5)
    weight = weight.at[PAD_IDX].set(0.0)
    return {"inputs": inputs, "weight": weight}

def reference(inputs, weight):
    # embedding lookup; dropout is identity in eval mode
    embedding_state = jnp.take(weight, inputs, axis=0)
    return embedding_state

if __name__ == "__main__":
    import jax
    _d = setup_inputs()
    print(jax.jit(kernel)(*tuple(_d.values())))

</pallas_src>

<mosaic_0001>
#map = affine_map<(d0, d1) -> (0, 0)>
#map1 = affine_map<(d0, d1) -> (0, 0, 0)>
module attributes {stable_mosaic.version = 14 : i64} {
  func.func @body(%arg0: i32, %arg1: i32, %arg2: memref<200x4096xi32, #tpu.memory_space<hbm>>, %arg3: memref<516096x128xf32, #tpu.memory_space<hbm>>, %arg4: memref<200x64x4096xf32, #tpu.memory_space<hbm>>, %arg5: memref<200x128xi32, #tpu.memory_space<vmem>>, %arg6: memref<200x128xi32, #tpu.memory_space<vmem>>, %arg7: memref<2x128x128xf32, #tpu.memory_space<vmem>>, %arg8: memref<2x64x128xf32, #tpu.memory_space<vmem>>, %arg9: memref<!tpu.dma_semaphore, #tpu.memory_space<semaphore_mem>>, %arg10: memref<!tpu.dma_semaphore, #tpu.memory_space<semaphore_mem>>, %arg11: memref<!tpu.dma_semaphore, #tpu.memory_space<semaphore_mem>>, %arg12: memref<!tpu.dma_semaphore, #tpu.memory_space<semaphore_mem>>) attributes {dimension_semantics = [#tpu.dimension_semantics<core_parallel>, #tpu.dimension_semantics<subcore_parallel>], iteration_bounds = array<i64: 2, 16>, scalar_prefetch = 0 : i64, scratch_operands = 8 : i64, tpu.core_type = #tpu.core_type<sc_vector_subcore>, window_params = [{transform_indices = #map}, {transform_indices = #map}, {transform_indices = #map1}]} {
    %mul3A = arith.constant 2 : i32
    %mul3A_0 = arith.muli %arg1, %mul3A : i32
    %add3A = arith.addi %mul3A_0, %arg0 : i32
    %mul3A_1 = arith.constant 128 : i32
    %mul3A_2 = arith.muli %add3A, %mul3A_1 : i32
    "tpu.region"() ({
      %run_scoped3A = tpu.sem_alloc : memref<!tpu.dma_semaphore, #tpu.memory_space<semaphore_mem>>
      %dma_start3A_92 = arith.constant 0 : i32
      %dma_start3A_93 = tpu.memref_slice %arg2[%dma_start3A_92, %mul3A_2] : memref<200x4096xi32, #tpu.memory_space<hbm>> -> memref<200x128xi32, #tpu.memory_space<hbm>>
      %dma_start3A_94 = arith.constant 0 : i32
      %dma_start3A_95 = tpu.memref_slice %arg2[%dma_start3A_94, %mul3A_2] : memref<200x4096xi32, #tpu.memory_space<hbm>> -> memref<200x128xi32, #tpu.memory_space<hbm>>
      tpu.enqueue_dma source(%dma_start3A_95 : memref<200x128xi32, #tpu.memory_space<hbm>>) target(%arg5 : memref<200x128xi32, #tpu.memory_space<vmem>>) target_semaphore(%run_scoped3A : memref<!tpu.dma_semaphore, #tpu.memory_space<semaphore_mem>>)
      %dma_wait3A_96 = arith.constant 0 : i32
      %dma_wait3A_97 = tpu.memref_slice %arg2[%dma_wait3A_96, %mul3A_2] : memref<200x4096xi32, #tpu.memory_space<hbm>> -> memref<200x128xi32, #tpu.memory_space<hbm>>
      %dma_wait3A_98 = arith.constant 0 : i32
      %dma_wait3A_99 = tpu.memref_slice %arg2[%dma_wait3A_98, %mul3A_2] : memref<200x4096xi32, #tpu.memory_space<hbm>> -> memref<200x128xi32, #tpu.memory_space<hbm>>
      tpu.wait_dma2 semaphore(%run_scoped3A : memref<!tpu.dma_semaphore, #tpu.memory_space<semaphore_mem>>) src(%dma_wait3A_99 : memref<200x128xi32, #tpu.memory_space<hbm>>) dst(%arg5 : memref<200x128xi32, #tpu.memory_space<vmem>>)
      tpu.yield
    }) : () -> ()
    %scan3A = arith.constant 0 : i32
    %scan3A_3 = arith.constant 0 : i32
    %scan3A_4 = arith.constant 200 : i32
    %scan3A_5 = arith.addi %scan3A_3, %scan3A_4 : i32
    %scan3A_6 = arith.constant 1 : i32
    scf.for %scan3A_92 = %scan3A_3 to %scan3A_5 step %scan3A_6  : i32 {
      %get3A = arith.index_cast %scan3A_92 : i32 to index
      %get3A_93 = arith.constant 0 : index
      %get3A_94 = tpu.vector_load %arg5[%get3A, %get3A_93] {strides = array<i32>} : memref<200x128xi32, #tpu.memory_space<vmem>>, vector<16xi32>,
      %ge3A = arith.constant 516096 : i32
      %ge3A_95 = vector.broadcast %ge3A : i32 to vector<16xi32>
      %ge3A_96 = arith.cmpi sge, %get3A_94, %ge3A_95 : vector<16xi32>
      %sub3A = arith.constant 516096 : i32
      %sub3A_97 = vector.broadcast %sub3A : i32 to vector<16xi32>
      %sub3A_98 = arith.subi %get3A_94, %sub3A_97 : vector<16xi32>
      %select_n3A = arith.select %ge3A_96, %sub3A_98, %get3A_94 : vector<16xi1>, vector<16xi32>
      %swap3A = arith.index_cast %scan3A_92 : i32 to index
      %swap3A_99 = arith.constant 0 : index
      %swap3A_100 = tpu.vector_load %arg6[%swap3A, %swap3A_99] {strides = array<i32>} : memref<200x128xi32, #tpu.memory_space<vmem>>, vector<16xi32>,
      tpu.vector_store %arg6[%swap3A, %swap3A_99], %select_n3A {strides = array<i32>} : memref<200x128xi32, #tpu.memory_space<vmem>>, vector<16xi32>,
      %get3A_101 = arith.index_cast %scan3A_92 : i32 to index
      %get3A_102 = arith.constant 16 : index
      %get3A_103 = tpu.vector_load %arg5[%get3A_101, %get3A_102] {strides = array<i32>} : memref<200x128xi32, #tpu.memory_space<vmem>>, vector<16xi32>,
      %ge3A_104 = arith.constant 516096 : i32
      %ge3A_105 = vector.broadcast %ge3A_104 : i32 to vector<16xi32>
      %ge3A_106 = arith.cmpi sge, %get3A_103, %ge3A_105 : vector<16xi32>
      %sub3A_107 = arith.constant 516096 : i32
      %sub3A_108 = vector.broadcast %sub3A_107 : i32 to vector<16xi32>
      %sub3A_109 = arith.subi %get3A_103, %sub3A_108 : vector<16xi32>
      %select_n3A_110 = arith.select %ge3A_106, %sub3A_109, %get3A_103 : vector<16xi1>, vector<16xi32>
      %swap3A_111 = arith.index_cast %scan3A_92 : i32 to index
      %swap3A_112 = arith.constant 16 : index
      %swap3A_113 = tpu.vector_load %arg6[%swap3A_111, %swap3A_112] {strides = array<i32>} : memref<200x128xi32, #tpu.memory_space<vmem>>, vector<16xi32>,
      tpu.vector_store %arg6[%swap3A_111, %swap3A_112], %select_n3A_110 {strides = array<i32>} : memref<200x128xi32, #tpu.memory_space<vmem>>, vector<16xi32>,
      %get3A_114 = arith.index_cast %scan3A_92 : i32 to index
      %get3A_115 = arith.constant 32 : index
      %get3A_116 = tpu.vector_load %arg5[%get3A_114, %get3A_115] {strides = array<i32>} : memref<200x128xi32, #tpu.memory_space<vmem>>, vector<16xi32>,
      %ge3A_117 = arith.constant 516096 : i32
      %ge3A_118 = vector.broadcast %ge3A_117 : i32 to vector<16xi32>
      %ge3A_119 = arith.cmpi sge, %get3A_116, %ge3A_118 : vector<16xi32>
      %sub3A_120 = arith.constant 516096 : i32
      %sub3A_121 = vector.broadcast %sub3A_120 : i32 to vector<16xi32>
      %sub3A_122 = arith.subi %get3A_116, %sub3A_121 : vector<16xi32>
      %select_n3A_123 = arith.select %ge3A_119, %sub3A_122, %get3A_116 : vector<16xi1>, vector<16xi32>
      %swap3A_124 = arith.index_cast %scan3A_92 : i32 to index
      %swap3A_125 = arith.constant 32 : index
      %swap3A_126 = tpu.vector_load %arg6[%swap3A_124, %swap3A_125] {strides = array<i32>} : memref<200x128xi32, #tpu.memory_space<vmem>>, vector<16xi32>,
      tpu.vector_store %arg6[%swap3A_124, %swap3A_125], %select_n3A_123 {strides = array<i32>} : memref<200x128xi32, #tpu.memory_space<vmem>>, vector<16xi32>,
      %get3A_127 = arith.index_cast %scan3A_92 : i32 to index
      %get3A_128 = arith.constant 48 : index
      %get3A_129 = tpu.vector_load %arg5[%get3A_127, %get3A_128] {strides = array<i32>} : memref<200x128xi32, #tpu.memory_space<vmem>>, vector<16xi32>,
      %ge3A_130 = arith.constant 516096 : i32
      %ge3A_131 = vector.broadcast %ge3A_130 : i32 to vector<16xi32>
      %ge3A_132 = arith.cmpi sge, %get3A_129, %ge3A_131 : vector<16xi32>
      %sub3A_133 = arith.constant 516096 : i32
      %sub3A_134 = vector.broadcast %sub3A_133 : i32 to vector<16xi32>
      %sub3A_135 = arith.subi %get3A_129, %sub3A_134 : vector<16xi32>
      %select_n3A_136 = arith.select %ge3A_132, %sub3A_135, %get3A_129 : vector<16xi1>, vector<16xi32>
      %swap3A_137 = arith.index_cast %scan3A_92 : i32 to index
      %swap3A_138 = arith.constant 48 : index
      %swap3A_139 = tpu.vector_load %arg6[%swap3A_137, %swap3A_138] {strides = array<i32>} : memref<200x128xi32, #tpu.memory_space<vmem>>, vector<16xi32>,
      tpu.vector_store %arg6[%swap3A_137, %swap3A_138], %select_n3A_136 {strides = array<i32>} : memref<200x128xi32, #tpu.memory_space<vmem>>, vector<16xi32>,
      %get3A_140 = arith.index_cast %scan3A_92 : i32 to index
      %get3A_141 = arith.constant 64 : index
      %get3A_142 = tpu.vector_load %arg5[%get3A_140, %get3A_141] {strides = array<i32>} : memref<200x128xi32, #tpu.memory_space<vmem>>, vector<16xi32>,
      %ge3A_143 = arith.constant 516096 : i32
      %ge3A_144 = vector.broadcast %ge3A_143 : i32 to vector<16xi32>
      %ge3A_145 = arith.cmpi sge, %get3A_142, %ge3A_144 : vector<16xi32>
      %sub3A_146 = arith.constant 516096 : i32
      %sub3A_147 = vector.broadcast %sub3A_146 : i32 to vector<16xi32>
      %sub3A_148 = arith.subi %get3A_142, %sub3A_147 : vector<16xi32>
      %select_n3A_149 = arith.select %ge3A_145, %sub3A_148, %get3A_142 : vector<16xi1>, vector<16xi32>
      %swap3A_150 = arith.index_cast %scan3A_92 : i32 to index
      %swap3A_151 = arith.constant 64 : index
      %swap3A_152 = tpu.vector_load %arg6[%swap3A_150, %swap3A_151] {strides = array<i32>} : memref<200x128xi32, #tpu.memory_space<vmem>>, vector<16xi32>,
      tpu.vector_store %arg6[%swap3A_150, %swap3A_151], %select_n3A_149 {strides = array<i32>} : memref<200x128xi32, #tpu.memory_space<vmem>>, vector<16xi32>,
      %get3A_153 = arith.index_cast %scan3A_92 : i32 to index
      %get3A_154 = arith.constant 80 : index
      %get3A_155 = tpu.vector_load %arg5[%get3A_153, %get3A_154] {strides = array<i32>} : memref<200x128xi32, #tpu.memory_space<vmem>>, vector<16xi32>,
      %ge3A_156 = arith.constant 516096 : i32
      %ge3A_157 = vector.broadcast %ge3A_156 : i32 to vector<16xi32>
      %ge3A_158 = arith.cmpi sge, %get3A_155, %ge3A_157 : vector<16xi32>
      %sub3A_159 = arith.constant 516096 : i32
      %sub3A_160 = vector.broadcast %sub3A_159 : i32 to vector<16xi32>
      %sub3A_161 = arith.subi %get3A_155, %sub3A_160 : vector<16xi32>
      %select_n3A_162 = arith.select %ge3A_158, %sub3A_161, %get3A_155 : vector<16xi1>, vector<16xi32>
      %swap3A_163 = arith.index_cast %scan3A_92 : i32 to index
      %swap3A_164 = arith.constant 80 : index
      %swap3A_165 = tpu.vector_load %arg6[%swap3A_163, %swap3A_164] {strides = array<i32>} : memref<200x128xi32, #tpu.memory_space<vmem>>, vector<16xi32>,
      tpu.vector_store %arg6[%swap3A_163, %swap3A_164], %select_n3A_162 {strides = array<i32>} : memref<200x128xi32, #tpu.memory_space<vmem>>, vector<16xi32>,
      %get3A_166 = arith.index_cast %scan3A_92 : i32 to index
      %get3A_167 = arith.constant 96 : index
      %get3A_168 = tpu.vector_load %arg5[%get3A_166, %get3A_167] {strides = array<i32>} : memref<200x128xi32, #tpu.memory_space<vmem>>, vector<16xi32>,
      %ge3A_169 = arith.constant 516096 : i32
      %ge3A_170 = vector.broadcast %ge3A_169 : i32 to vector<16xi32>
      %ge3A_171 = arith.cmpi sge, %get3A_168, %ge3A_170 : vector<16xi32>
      %sub3A_172 = arith.constant 516096 : i32
      %sub3A_173 = vector.broadcast %sub3A_172 : i32 to vector<16xi32>
      %sub3A_174 = arith.subi %get3A_168, %sub3A_173 : vector<16xi32>
      %select_n3A_175 = arith.select %ge3A_171, %sub3A_174, %get3A_168 : vector<16xi1>, vector<16xi32>
      %swap3A_176 = arith.index_cast %scan3A_92 : i32 to index
      %swap3A_177 = arith.constant 96 : index
      %swap3A_178 = tpu.vector_load %arg6[%swap3A_176, %swap3A_177] {strides = array<i32>} : memref<200x128xi32, #tpu.memory_space<vmem>>, vector<16xi32>,
      tpu.vector_store %arg6[%swap3A_176, %swap3A_177], %select_n3A_175 {strides = array<i32>} : memref<200x128xi32, #tpu.memory_space<vmem>>, vector<16xi32>,
      %get3A_179 = arith.index_cast %scan3A_92 : i32 to index
      %get3A_180 = arith.constant 112 : index
      %get3A_181 = tpu.vector_load %arg5[%get3A_179, %get3A_180] {strides = array<i32>} : memref<200x128xi32, #tpu.memory_space<vmem>>, vector<16xi32>,
      %ge3A_182 = arith.constant 516096 : i32
      %ge3A_183 = vector.broadcast %ge3A_182 : i32 to vector<16xi32>
      %ge3A_184 = arith.cmpi sge, %get3A_181, %ge3A_183 : vector<16xi32>
      %sub3A_185 = arith.constant 516096 : i32
      %sub3A_186 = vector.broadcast %sub3A_185 : i32 to vector<16xi32>
      %sub3A_187 = arith.subi %get3A_181, %sub3A_186 : vector<16xi32>
      %select_n3A_188 = arith.select %ge3A_184, %sub3A_187, %get3A_181 : vector<16xi1>, vector<16xi32>
      %swap3A_189 = arith.index_cast %scan3A_92 : i32 to index
      %swap3A_190 = arith.constant 112 : index
      %swap3A_191 = tpu.vector_load %arg6[%swap3A_189, %swap3A_190] {strides = array<i32>} : memref<200x128xi32, #tpu.memory_space<vmem>>, vector<16xi32>,
      tpu.vector_store %arg6[%swap3A_189, %swap3A_190], %select_n3A_188 {strides = array<i32>} : memref<200x128xi32, #tpu.memory_space<vmem>>, vector<16xi32>,
    }
    %scan3A_7 = arith.constant 200 : i32
    %iota3A = tpu.iota {dimensions = array<i32: 0>} : vector<16xi32>
    %add3A_8 = arith.constant 0 : i32
    %add3A_9 = vector.broadcast %add3A_8 : i32 to vector<16xi32>
    %add3A_10 = arith.addi %iota3A, %add3A_9 : vector<16xi32>
    %add3A_11 = arith.constant 16 : i32
    %add3A_12 = vector.broadcast %add3A_11 : i32 to vector<16xi32>
    %add3A_13 = arith.addi %iota3A, %add3A_12 : vector<16xi32>
    %add3A_14 = arith.constant 32 : i32
    %add3A_15 = vector.broadcast %add3A_14 : i32 to vector<16xi32>
    %add3A_16 = arith.addi %iota3A, %add3A_15 : vector<16xi32>
    %add3A_17 = arith.constant 48 : i32
    %add3A_18 = vector.broadcast %add3A_17 : i32 to vector<16xi32>
    %add3A_19 = arith.addi %iota3A, %add3A_18 : vector<16xi32>
    %add3A_20 = arith.constant 64 : i32
    %add3A_21 = vector.broadcast %add3A_20 : i32 to vector<16xi32>
    %add3A_22 = arith.addi %iota3A, %add3A_21 : vector<16xi32>
    %add3A_23 = arith.constant 80 : i32
    %add3A_24 = vector.broadcast %add3A_23 : i32 to vector<16xi32>
    %add3A_25 = arith.addi %iota3A, %add3A_24 : vector<16xi32>
    %add3A_26 = arith.constant 96 : i32
    %add3A_27 = vector.broadcast %add3A_26 : i32 to vector<16xi32>
    %add3A_28 = arith.addi %iota3A, %add3A_27 : vector<16xi32>
    %add3A_29 = arith.constant 112 : i32
    %add3A_30 = vector.broadcast %add3A_29 : i32 to vector<16xi32>
    %add3A_31 = arith.addi %iota3A, %add3A_30 : vector<16xi32>
    %dma_start3A = arith.constant 0 : i32
    %dma_start3A_32 = arith.constant 0 : i32
    %dma_start3A_33 = arith.constant 0 : i32
    %dma_start3A_34 = arith.constant 0 : i32
    %dma_start3A_35 = tpu.memref_slice %arg7[%dma_start3A_32, %dma_start3A_33, %dma_start3A_34] : memref<2x128x128xf32, #tpu.memory_space<vmem>> -> memref<1x128x128xf32, #tpu.memory_space<vmem>>
    %dma_start3A_36 = tpu.memref_squeeze %dma_start3A_35 : memref<1x128x128xf32, #tpu.memory_space<vmem>> -> memref<128x128xf32, #tpu.memory_space<vmem>>
    %dma_start3A_37 = arith.constant 0 : i32
    %dma_start3A_38 = tpu.memref_slice %arg6[%dma_start3A, %dma_start3A_37] : memref<200x128xi32, #tpu.memory_space<vmem>> -> memref<1x128xi32, #tpu.memory_space<vmem>>
    %dma_start3A_39 = tpu.memref_squeeze %dma_start3A_38 : memref<1x128xi32, #tpu.memory_space<vmem>> -> memref<128xi32, #tpu.memory_space<vmem>>
    %dma_start3A_40 = arith.constant 0 : i32
    %dma_start3A_41 = arith.constant 0 : i32
    %dma_start3A_42 = tpu.memref_slice %arg3[%dma_start3A_40, %dma_start3A_41] : memref<516096x128xf32, #tpu.memory_space<hbm>> -> memref<516096x128xf32, #tpu.memory_space<hbm>>
    tpu.enqueue_indirect_dma source(%dma_start3A_42 : memref<516096x128xf32, #tpu.memory_space<hbm>>) target(%dma_start3A_36 : memref<128x128xf32, #tpu.memory_space<vmem>>) offsets(%dma_start3A_39 : memref<128xi32, #tpu.memory_space<vmem>>) semaphore(%arg9 : memref<!tpu.dma_semaphore, #tpu.memory_space<semaphore_mem>>)
    %scan3A_43 = arith.constant 0 : i32
    %scan3A_44 = arith.constant 0 : i32
    %scan3A_45 = arith.constant 100 : i32
    %scan3A_46 = arith.addi %scan3A_44, %scan3A_45 : i32
    %scan3A_47 = arith.constant 1 : i32
    scf.for %scan3A_92 = %scan3A_44 to %scan3A_46 step %scan3A_47  : i32 {
      %mul3A_93 = arith.constant 2 : i32
      %mul3A_94 = arith.muli %mul3A_93, %scan3A_92 : i32
      %add3A_95 = arith.constant 1 : i32
      %add3A_96 = arith.addi %mul3A_94, %add3A_95 : i32
      %lt3A = arith.constant 200 : i32
      %lt3A_97 = arith.cmpi slt, %add3A_96, %lt3A : i32
      %convert_element_type3A = arith.extui %lt3A_97 : i1 to i32
      %cond3A = arith.constant 0 : i32
      %cond3A_98 = arith.cmpi ne, %convert_element_type3A, %cond3A : i32
      scf.if %cond3A_98 {
        %add3A_371 = arith.constant 1 : i32
        %add3A_372 = arith.addi %mul3A_94, %add3A_371 : i32
        %dma_start3A_373 = arith.constant 1 : i32
        %dma_start3A_374 = arith.constant 0 : i32
        %dma_start3A_375 = arith.constant 0 : i32
        %dma_start3A_376 = tpu.memref_slice %arg7[%dma_start3A_373, %dma_start3A_374, %dma_start3A_375] : memref<2x128x128xf32, #tpu.memory_space<vmem>> -> memref<1x128x128xf32, #tpu.memory_space<vmem>>
        %dma_start3A_377 = tpu.memref_squeeze %dma_start3A_376 : memref<1x128x128xf32, #tpu.memory_space<vmem>> -> memref<128x128xf32, #tpu.memory_space<vmem>>
        %dma_start3A_378 = arith.constant 0 : i32
        %dma_start3A_379 = tpu.memref_slice %arg6[%add3A_372, %dma_start3A_378] : memref<200x128xi32, #tpu.memory_space<vmem>> -> memref<1x128xi32, #tpu.memory_space<vmem>>
        %dma_start3A_380 = tpu.memref_squeeze %dma_start3A_379 : memref<1x128xi32, #tpu.memory_space<vmem>> -> memref<128xi32, #tpu.memory_space<vmem>>
        %dma_start3A_381 = arith.constant 0 : i32
        %dma_start3A_382 = arith.constant 0 : i32
        %dma_start3A_383 = tpu.memref_slice %arg3[%dma_start3A_381, %dma_start3A_382] : memref<516096x128xf32, #tpu.memory_space<hbm>> -> memref<516096x128xf32, #tpu.memory_space<hbm>>
        tpu.enqueue_indirect_dma source(%dma_start3A_383 : memref<516096x128xf32, #tpu.memory_space<hbm>>) target(%dma_start3A_377 : memref<128x128xf32, #tpu.memory_space<vmem>>) offsets(%dma_start3A_380 : memref<128xi32, #tpu.memory_space<vmem>>) semaphore(%arg10 : memref<!tpu.dma_semaphore, #tpu.memory_space<semaphore_mem>>)
      } else {
      }
      %dma_wait3A_99 = arith.constant 0 : i32
      %dma_wait3A_100 = arith.constant 0 : i32
      %dma_wait3A_101 = arith.constant 0 : i32
      %dma_wait3A_102 = tpu.memref_slice %arg7[%dma_wait3A_99, %dma_wait3A_100, %dma_wait3A_101] : memref<2x128x128xf32, #tpu.memory_space<vmem>> -> memref<1x128x128xf32, #tpu.memory_space<vmem>>
      %dma_wait3A_103 = tpu.memref_squeeze %dma_wait3A_102 : memref<1x128x128xf32, #tpu.memory_space<vmem>> -> memref<128x128xf32, #tpu.memory_space<vmem>>
      %dma_wait3A_104 = arith.constant 0 : i32
      %dma_wait3A_105 = tpu.memref_slice %arg6[%mul3A_94, %dma_wait3A_104] : memref<200x128xi32, #tpu.memory_space<vmem>> -> memref<1x128xi32, #tpu.memory_space<vmem>>
      %dma_wait3A_106 = tpu.memref_squeeze %dma_wait3A_105 : memref<1x128xi32, #tpu.memory_space<vmem>> -> memref<128xi32, #tpu.memory_space<vmem>>
      %dma_wait3A_107 = arith.constant 0 : i32
      %dma_wait3A_108 = arith.constant 0 : i32
      %dma_wait3A_109 = tpu.memref_slice %arg3[%dma_wait3A_107, %dma_wait3A_108] : memref<516096x128xf32, #tpu.memory_space<hbm>> -> memref<516096x128xf32, #tpu.memory_space<hbm>>
      tpu.wait_indirect_dma semaphore(%arg9 : memref<!tpu.dma_semaphore, #tpu.memory_space<semaphore_mem>>) src(%dma_wait3A_109 : memref<516096x128xf32, #tpu.memory_space<hbm>>) dst(%dma_wait3A_103 : memref<128x128xf32, #tpu.memory_space<vmem>>)
      %ge3A = arith.constant 2 : i32
      %ge3A_110 = arith.cmpi sge, %mul3A_94, %ge3A : i32
      %convert_element_type3A_111 = arith.extui %ge3A_110 : i1 to i32
      %cond3A_112 = arith.constant 0 : i32
      %cond3A_113 = arith.cmpi ne, %convert_element_type3A_111, %cond3A_112 : i32
      scf.if %cond3A_113 {
        %sub3A = arith.constant 2 : i32
        %sub3A_371 = arith.subi %mul3A_94, %sub3A : i32
        %dma_wait3A_372 = arith.constant 0 : i32
        %dma_wait3A_373 = arith.constant 0 : i32
        %dma_wait3A_374 = arith.constant 0 : i32
        %dma_wait3A_375 = tpu.memref_slice %arg8[%dma_wait3A_372, %dma_wait3A_373, %dma_wait3A_374] : memref<2x64x128xf32, #tpu.memory_space<vmem>> -> memref<1x64x128xf32, #tpu.memory_space<vmem>>
        %dma_wait3A_376 = tpu.memref_squeeze %dma_wait3A_375 : memref<1x64x128xf32, #tpu.memory_space<vmem>> -> memref<64x128xf32, #tpu.memory_space<vmem>>
        %dma_wait3A_377 = arith.constant 0 : i32
        %dma_wait3A_378 = arith.constant 0 : i32
        %dma_wait3A_379 = tpu.memref_slice %arg4[%sub3A_371, %dma_wait3A_377, %dma_wait3A_378] : memref<200x64x4096xf32, #tpu.memory_space<hbm>> -> memref<1x64x4096xf32, #tpu.memory_space<hbm>>
        %dma_wait3A_380 = tpu.memref_squeeze %dma_wait3A_379 : memref<1x64x4096xf32, #tpu.memory_space<hbm>> -> memref<64x4096xf32, #tpu.memory_space<hbm>>
        %dma_wait3A_381 = arith.constant 0 : i32
        %dma_wait3A_382 = tpu.memref_slice %dma_wait3A_380[%dma_wait3A_381, %mul3A_2] : memref<64x4096xf32, #tpu.memory_space<hbm>> -> memref<64x128xf32, #tpu.memory_space<hbm>>
        %dma_wait3A_383 = arith.constant 0 : i32
        %dma_wait3A_384 = arith.constant 0 : i32
        %dma_wait3A_385 = tpu.memref_slice %arg4[%sub3A_371, %dma_wait3A_383, %dma_wait3A_384] : memref<200x64x4096xf32, #tpu.memory_space<hbm>> -> memref<1x64x4096xf32, #tpu.memory_space<hbm>>
        %dma_wait3A_386 = tpu.memref_squeeze %dma_wait3A_385 : memref<1x64x4096xf32, #tpu.memory_space<hbm>> -> memref<64x4096xf32, #tpu.memory_space<hbm>>
        %dma_wait3A_387 = arith.constant 0 : i32
        %dma_wait3A_388 = tpu.memref_slice %dma_wait3A_386[%dma_wait3A_387, %mul3A_2] : memref<64x4096xf32, #tpu.memory_space<hbm>> -> memref<64x128xf32, #tpu.memory_space<hbm>>
        %dma_wait3A_389 = arith.constant 0 : i32
        %dma_wait3A_390 = arith.constant 0 : i32
        %dma_wait3A_391 = tpu.memref_slice %arg8[%dma_wait3A_372, %dma_wait3A_389, %dma_wait3A_390] : memref<2x64x128xf32, #tpu.memory_space<vmem>> -> memref<1x64x128xf32, #tpu.memory_space<vmem>>
        %dma_wait3A_392 = tpu.memref_squeeze %dma_wait3A_391 : memref<1x64x128xf32, #tpu.memory_space<vmem>> -> memref<64x128xf32, #tpu.memory_space<vmem>>
        tpu.wait_dma2 semaphore(%arg11 : memref<!tpu.dma_semaphore, #tpu.memory_space<semaphore_mem>>) src(%dma_wait3A_392 : memref<64x128xf32, #tpu.memory_space<vmem>>) dst(%dma_wait3A_388 : memref<64x128xf32, #tpu.memory_space<hbm>>)
      } else {
      }
      %get3A = arith.index_cast %mul3A_94 : i32 to index
      %get3A_114 = arith.constant 0 : index
      %get3A_115 = tpu.vector_load %arg5[%get3A, %get3A_114] {strides = array<i32>} : memref<200x128xi32, #tpu.memory_space<vmem>>, vector<16xi32>,
      %ge3A_116 = arith.constant 516096 : i32
      %ge3A_117 = vector.broadcast %ge3A_116 : i32 to vector<16xi32>
      %ge3A_118 = arith.cmpi sge, %get3A_115, %ge3A_117 : vector<16xi32>
      %jit3A = arith.constant 64 : i32
      %jit3A_119 = arith.constant 0 : i32
      %broadcast_in_dim3A = vector.broadcast %jit3A : i32 to vector<16xi32>
      %broadcast_in_dim3A_120 = vector.broadcast %jit3A_119 : i32 to vector<16xi32>
      %select_n3A = arith.select %ge3A_118, %broadcast_in_dim3A, %broadcast_in_dim3A_120 : vector<16xi1>, vector<16xi32>
      %get3A_121 = arith.index_cast %mul3A_94 : i32 to index
      %get3A_122 = arith.constant 16 : index
      %get3A_123 = tpu.vector_load %arg5[%get3A_121, %get3A_122] {strides = array<i32>} : memref<200x128xi32, #tpu.memory_space<vmem>>, vector<16xi32>,
      %ge3A_124 = arith.constant 516096 : i32
      %ge3A_125 = vector.broadcast %ge3A_124 : i32 to vector<16xi32>
      %ge3A_126 = arith.cmpi sge, %get3A_123, %ge3A_125 : vector<16xi32>
      %jit3A_127 = arith.constant 64 : i32
      %jit3A_128 = arith.constant 0 : i32
      %broadcast_in_dim3A_129 = vector.broadcast %jit3A_127 : i32 to vector<16xi32>
      %broadcast_in_dim3A_130 = vector.broadcast %jit3A_128 : i32 to vector<16xi32>
      %select_n3A_131 = arith.select %ge3A_126, %broadcast_in_dim3A_129, %broadcast_in_dim3A_130 : vector<16xi1>, vector<16xi32>
      %get3A_132 = arith.index_cast %mul3A_94 : i32 to index
      %get3A_133 = arith.constant 32 : index
      %get3A_134 = tpu.vector_load %arg5[%get3A_132, %get3A_133] {strides = array<i32>} : memref<200x128xi32, #tpu.memory_space<vmem>>, vector<16xi32>,
      %ge3A_135 = arith.constant 516096 : i32
      %ge3A_136 = vector.broadcast %ge3A_135 : i32 to vector<16xi32>
      %ge3A_137 = arith.cmpi sge, %get3A_134, %ge3A_136 : vector<16xi32>
      %jit3A_138 = arith.constant 64 : i32
      %jit3A_139 = arith.constant 0 : i32
      %broadcast_in_dim3A_140 = vector.broadcast %jit3A_138 : i32 to vector<16xi32>
      %broadcast_in_dim3A_141 = vector.broadcast %jit3A_139 : i32 to vector<16xi32>
      %select_n3A_142 = arith.select %ge3A_137, %broadcast_in_dim3A_140, %broadcast_in_dim3A_141 : vector<16xi1>, vector<16xi32>
      %get3A_143 = arith.index_cast %mul3A_94 : i32 to index
      %get3A_144 = arith.constant 48 : index
      %get3A_145 = tpu.vector_load %arg5[%get3A_143, %get3A_144] {strides = array<i32>} : memref<200x128xi32, #tpu.memory_space<vmem>>, vector<16xi32>,
      %ge3A_146 = arith.constant 516096 : i32
      %ge3A_147 = vector.broadcast %ge3A_146 : i32 to vector<16xi32>
      %ge3A_148 = arith.cmpi sge, %get3A_145, %ge3A_147 : vector<16xi32>
      %jit3A_149 = arith.constant 64 : i32
      %jit3A_150 = arith.constant 0 : i32
      %broadcast_in_dim3A_151 = vector.broadcast %jit3A_149 : i32 to vector<16xi32>
      %broadcast_in_dim3A_152 = vector.broadcast %jit3A_150 : i32 to vector<16xi32>
      %select_n3A_153 = arith.select %ge3A_148, %broadcast_in_dim3A_151, %broadcast_in_dim3A_152 : vector<16xi1>, vector<16xi32>
      %get3A_154 = arith.index_cast %mul3A_94 : i32 to index
      %get3A_155 = arith.constant 64 : index
      %get3A_156 = tpu.vector_load %arg5[%get3A_154, %get3A_155] {strides = array<i32>} : memref<200x128xi32, #tpu.memory_space<vmem>>, vector<16xi32>,
      %ge3A_157 = arith.constant 516096 : i32
      %ge3A_158 = vector.broadcast %ge3A_157 : i32 to vector<16xi32>
      %ge3A_159 = arith.cmpi sge, %get3A_156, %ge3A_158 : vector<16xi32>
      %jit3A_160 = arith.constant 64 : i32
      %jit3A_161 = arith.constant 0 : i32
      %broadcast_in_dim3A_162 = vector.broadcast %jit3A_160 : i32 to vector<16xi32>
      %broadcast_in_dim3A_163 = vector.broadcast %jit3A_161 : i32 to vector<16xi32>
      %select_n3A_164 = arith.select %ge3A_159, %broadcast_in_dim3A_162, %broadcast_in_dim3A_163 : vector<16xi1>, vector<16xi32>
      %get3A_165 = arith.index_cast %mul3A_94 : i32 to index
      %get3A_166 = arith.constant 80 : index
      %get3A_167 = tpu.vector_load %arg5[%get3A_165, %get3A_166] {strides = array<i32>} : memref<200x128xi32, #tpu.memory_space<vmem>>, vector<16xi32>,
      %ge3A_168 = arith.constant 516096 : i32
      %ge3A_169 = vector.broadcast %ge3A_168 : i32 to vector<16xi32>
      %ge3A_170 = arith.cmpi sge, %get3A_167, %ge3A_169 : vector<16xi32>
      %jit3A_171 = arith.constant 64 : i32
      %jit3A_172 = arith.constant 0 : i32
      %broadcast_in_dim3A_173 = vector.broadcast %jit3A_171 : i32 to vector<16xi32>
      %broadcast_in_dim3A_174 = vector.broadcast %jit3A_172 : i32 to vector<16xi32>
      %select_n3A_175 = arith.select %ge3A_170, %broadcast_in_dim3A_173, %broadcast_in_dim3A_174 : vector<16xi1>, vector<16xi32>
      %get3A_176 = arith.index_cast %mul3A_94 : i32 to index
      %get3A_177 = arith.constant 96 : index
      %get3A_178 = tpu.vector_load %arg5[%get3A_176, %get3A_177] {strides = array<i32>} : memref<200x128xi32, #tpu.memory_space<vmem>>, vector<16xi32>,
      %ge3A_179 = arith.constant 516096 : i32
      %ge3A_180 = vector.broadcast %ge3A_179 : i32 to vector<16xi32>
      %ge3A_181 = arith.cmpi sge, %get3A_178, %ge3A_180 : vector<16xi32>
      %jit3A_182 = arith.constant 64 : i32
      %jit3A_183 = arith.constant 0 : i32
      %broadcast_in_dim3A_184 = vector.broadcast %jit3A_182 : i32 to vector<16xi32>
      %broadcast_in_dim3A_185 = vector.broadcast %jit3A_183 : i32 to vector<16xi32>
      %select_n3A_186 = arith.select %ge3A_181, %broadcast_in_dim3A_184, %broadcast_in_dim3A_185 : vector<16xi1>, vector<16xi32>
      %get3A_187 = arith.index_cast %mul3A_94 : i32 to index
      %get3A_188 = arith.constant 112 : index
      %get3A_189 = tpu.vector_load %arg5[%get3A_187, %get3A_188] {strides = array<i32>} : memref<200x128xi32, #tpu.memory_space<vmem>>, vector<16xi32>,
      %ge3A_190 = arith.constant 516096 : i32
      %ge3A_191 = vector.broadcast %ge3A_190 : i32 to vector<16xi32>
      %ge3A_192 = arith.cmpi sge, %get3A_189, %ge3A_191 : vector<16xi32>
      %jit3A_193 = arith.constant 64 : i32
      %jit3A_194 = arith.constant 0 : i32
      %broadcast_in_dim3A_195 = vector.broadcast %jit3A_193 : i32 to vector<16xi32>
      %broadcast_in_dim3A_196 = vector.broadcast %jit3A_194 : i32 to vector<16xi32>
      %select_n3A_197 = arith.select %ge3A_192, %broadcast_in_dim3A_195, %broadcast_in_dim3A_196 : vector<16xi1>, vector<16xi32>
      %scan3A_198 = arith.constant 0 : i32
      %scan3A_199 = arith.constant 0 : i32
      %scan3A_200 = arith.constant 0 : i32
      %scan3A_201 = arith.constant 0 : i32
      %scan3A_202 = arith.constant 8 : i32
      %scan3A_203 = arith.addi %scan3A_201, %scan3A_202 : i32
      %scan3A_204 = arith.constant 1 : i32
      scf.for %scan3A_371 = %scan3A_201 to %scan3A_203 step %scan3A_204  : i32 {
        %mul3A_372 = arith.constant 8 : i32
        %mul3A_373 = arith.muli %scan3A_371, %mul3A_372 : i32
        %add3A_374 = vector.broadcast %mul3A_373 : i32 to vector<16xi32>
        %add3A_375 = arith.addi %iota3A, %add3A_374 : vector<16xi32>
        %add3A_376 = arith.constant 0 : i32
        %add3A_377 = vector.broadcast %add3A_376 : i32 to vector<16xi32>
        %add3A_378 = arith.addi %add3A_375, %add3A_377 : vector<16xi32>
        %and3A = arith.constant 63 : i32
        %and3A_379 = vector.broadcast %and3A : i32 to vector<16xi32>
        %and3A_380 = arith.andi %add3A_378, %and3A_379 : vector<16xi32>
        %add3A_381 = arith.addi %and3A_380, %select_n3A : vector<16xi32>
        %gather3A = arith.constant 0 : i32
        %gather3A_382 = arith.constant 0 : i32
        %gather3A_383 = tpu.memref_slice %arg7[%scan3A_199, %gather3A, %gather3A_382] : memref<2x128x128xf32, #tpu.memory_space<vmem>> -> memref<1x128x128xf32, #tpu.memory_space<vmem>>
        %gather3A_384 = tpu.memref_squeeze %gather3A_383 : memref<1x128x128xf32, #tpu.memory_space<vmem>> -> memref<128x128xf32, #tpu.memory_space<vmem>>
        %gather3A_385 = tpu.vector_load_idx %gather3A_384[%add3A_10, %add3A_381] : memref<128x128xf32, #tpu.memory_space<vmem>>[vector<16xi32>, vector<16xi32>], vector<16xf32>,
        %scatter3A = arith.constant 0 : i32
        %scatter3A_386 = arith.constant 0 : i32
        %scatter3A_387 = tpu.memref_slice %arg8[%scan3A_200, %scatter3A, %scatter3A_386] : memref<2x64x128xf32, #tpu.memory_space<vmem>> -> memref<1x64x128xf32, #tpu.memory_space<vmem>>
        %scatter3A_388 = tpu.memref_squeeze %scatter3A_387 : memref<1x64x128xf32, #tpu.memory_space<vmem>> -> memref<64x128xf32, #tpu.memory_space<vmem>>
        tpu.vector_store_idx %scatter3A_388[%and3A_380, %add3A_10], %gather3A_385 : memref<64x128xf32, #tpu.memory_space<vmem>>[vector<16xi32>, vector<16xi32>], vector<16xf32>,
        %add3A_389 = arith.addi %and3A_380, %select_n3A_131 : vector<16xi32>
        %gather3A_390 = arith.constant 0 : i32
        %gather3A_391 = arith.constant 0 : i32
        %gather3A_392 = tpu.memref_slice %arg7[%scan3A_199, %gather3A_390, %gather3A_391] : memref<2x128x128xf32, #tpu.memory_space<vmem>> -> memref<1x128x128xf32, #tpu.memory_space<vmem>>
        %gather3A_393 = tpu.memref_squeeze %gather3A_392 : memref<1x128x128xf32, #tpu.memory_space<vmem>> -> memref<128x128xf32, #tpu.memory_space<vmem>>
        %gather3A_394 = tpu.vector_load_idx %gather3A_393[%add3A_13, %add3A_389] : memref<128x128xf32, #tpu.memory_space<vmem>>[vector<16xi32>, vector<16xi32>], vector<16xf32>,
        %scatter3A_395 = arith.constant 0 : i32
        %scatter3A_396 = arith.constant 0 : i32
        %scatter3A_397 = tpu.memref_slice %arg8[%scan3A_200, %scatter3A_395, %scatter3A_396] : memref<2x64x128xf32, #tpu.memory_space<vmem>> -> memref<1x64x128xf32, #tpu.memory_space<vmem>>
        %scatter3A_398 = tpu.memref_squeeze %scatter3A_397 : memref<1x64x128xf32, #tpu.memory_space<vmem>> -> memref<64x128xf32, #tpu.memory_space<vmem>>
        tpu.vector_store_idx %scatter3A_398[%and3A_380, %add3A_13], %gather3A_394 : memref<64x128xf32, #tpu.memory_space<vmem>>[vector<16xi32>, vector<16xi32>], vector<16xf32>,
        %add3A_399 = arith.addi %and3A_380, %select_n3A_142 : vector<16xi32>
        %gather3A_400 = arith.constant 0 : i32
        %gather3A_401 = arith.constant 0 : i32
        %gather3A_402 = tpu.memref_slice %arg7[%scan3A_199, %gather3A_400, %gather3A_401] : memref<2x128x128xf32, #tpu.memory_space<vmem>> -> memref<1x128x128xf32, #tpu.memory_space<vmem>>
        %gather3A_403 = tpu.memref_squeeze %gather3A_402 : memref<1x128x128xf32, #tpu.memory_space<vmem>> -> memref<128x128xf32, #tpu.memory_space<vmem>>
        %gather3A_404 = tpu.vector_load_idx %gather3A_403[%add3A_16, %add3A_399] : memref<128x128xf32, #tpu.memory_space<vmem>>[vector<16xi32>, vector<16xi32>], vector<16xf32>,
        %scatter3A_405 = arith.constant 0 : i32
        %scatter3A_406 = arith.constant 0 : i32
        %scatter3A_407 = tpu.memref_slice %arg8[%scan3A_200, %scatter3A_405, %scatter3A_406] : memref<2x64x128xf32, #tpu.memory_space<vmem>> -> memref<1x64x128xf32, #tpu.memory_space<vmem>>
        %scatter3A_408 = tpu.memref_squeeze %scatter3A_407 : memref<1x64x128xf32, #tpu.memory_space<vmem>> -> memref<64x128xf32, #tpu.memory_space<vmem>>
        tpu.vector_store_idx %scatter3A_408[%and3A_380, %add3A_16], %gather3A_404 : memref<64x128xf32, #tpu.memory_space<vmem>>[vector<16xi32>, vector<16xi32>], vector<16xf32>,
        %add3A_409 = arith.addi %and3A_380, %select_n3A_153 : vector<16xi32>
        %gather3A_410 = arith.constant 0 : i32
        %gather3A_411 = arith.constant 0 : i32
        %gather3A_412 = tpu.memref_slice %arg7[%scan3A_199, %gather3A_410, %gather3A_411] : memref<2x128x128xf32, #tpu.memory_space<vmem>> -> memref<1x128x128xf32, #tpu.memory_space<vmem>>
        %gather3A_413 = tpu.memref_squeeze %gather3A_412 : memref<1x128x128xf32, #tpu.memory_space<vmem>> -> memref<128x128xf32, #tpu.memory_space<vmem>>
        %gather3A_414 = tpu.vector_load_idx %gather3A_413[%add3A_19, %add3A_409] : memref<128x128xf32, #tpu.memory_space<vmem>>[vector<16xi32>, vector<16xi32>], vector<16xf32>,
        %scatter3A_415 = arith.constant 0 : i32
        %scatter3A_416 = arith.constant 0 : i32
        %scatter3A_417 = tpu.memref_slice %arg8[%scan3A_200, %scatter3A_415, %scatter3A_416] : memref<2x64x128xf32, #tpu.memory_space<vmem>> -> memref<1x64x128xf32, #tpu.memory_space<vmem>>
        %scatter3A_418 = tpu.memref_squeeze %scatter3A_417 : memref<1x64x128xf32, #tpu.memory_space<vmem>> -> memref<64x128xf32, #tpu.memory_space<vmem>>
        tpu.vector_store_idx %scatter3A_418[%and3A_380, %add3A_19], %gather3A_414 : memref<64x128xf32, #tpu.memory_space<vmem>>[vector<16xi32>, vector<16xi32>], vector<16xf32>,
        %add3A_419 = arith.addi %and3A_380, %select_n3A_164 : vector<16xi32>
        %gather3A_420 = arith.constant 0 : i32
        %gather3A_421 = arith.constant 0 : i32
        %gather3A_422 = tpu.memref_slice %arg7[%scan3A_199, %gather3A_420, %gather3A_421] : memref<2x128x128xf32, #tpu.memory_space<vmem>> -> memref<1x128x128xf32, #tpu.memory_space<vmem>>
        %gather3A_423 = tpu.memref_squeeze %gather3A_422 : memref<1x128x128xf32, #tpu.memory_space<vmem>> -> memref<128x128xf32, #tpu.memory_space<vmem>>
        %gather3A_424 = tpu.vector_load_idx %gather3A_423[%add3A_22, %add3A_419] : memref<128x128xf32, #tpu.memory_space<vmem>>[vector<16xi32>, vector<16xi32>], vector<16xf32>,
        %scatter3A_425 = arith.constant 0 : i32
        %scatter3A_426 = arith.constant 0 : i32
        %scatter3A_427 = tpu.memref_slice %arg8[%scan3A_200, %scatter3A_425, %scatter3A_426] : memref<2x64x128xf32, #tpu.memory_space<vmem>> -> memref<1x64x128xf32, #tpu.memory_space<vmem>>
        %scatter3A_428 = tpu.memref_squeeze %scatter3A_427 : memref<1x64x128xf32, #tpu.memory_space<vmem>> -> memref<64x128xf32, #tpu.memory_space<vmem>>
        tpu.vector_store_idx %scatter3A_428[%and3A_380, %add3A_22], %gather3A_424 : memref<64x128xf32, #tpu.memory_space<vmem>>[vector<16xi32>, vector<16xi32>], vector<16xf32>,
        %add3A_429 = arith.addi %and3A_380, %select_n3A_175 : vector<16xi32>
        %gather3A_430 = arith.constant 0 : i32
        %gather3A_431 = arith.constant 0 : i32
        %gather3A_432 = tpu.memref_slice %arg7[%scan3A_199, %gather3A_430, %gather3A_431] : memref<2x128x128xf32, #tpu.memory_space<vmem>> -> memref<1x128x128xf32, #tpu.memory_space<vmem>>
        %gather3A_433 = tpu.memref_squeeze %gather3A_432 : memref<1x128x128xf32, #tpu.memory_space<vmem>> -> memref<128x128xf32, #tpu.memory_space<vmem>>
        %gather3A_434 = tpu.vector_load_idx %gather3A_433[%add3A_25, %add3A_429] : memref<128x128xf32, #tpu.memory_space<vmem>>[vector<16xi32>, vector<16xi32>], vector<16xf32>,
        %scatter3A_435 = arith.constant 0 : i32
        %scatter3A_436 = arith.constant 0 : i32
        %scatter3A_437 = tpu.memref_slice %arg8[%scan3A_200, %scatter3A_435, %scatter3A_436] : memref<2x64x128xf32, #tpu.memory_space<vmem>> -> memref<1x64x128xf32, #tpu.memory_space<vmem>>
        %scatter3A_438 = tpu.memref_squeeze %scatter3A_437 : memref<1x64x128xf32, #tpu.memory_space<vmem>> -> memref<64x128xf32, #tpu.memory_space<vmem>>
        tpu.vector_store_idx %scatter3A_438[%and3A_380, %add3A_25], %gather3A_434 : memref<64x128xf32, #tpu.memory_space<vmem>>[vector<16xi32>, vector<16xi32>], vector<16xf32>,
        %add3A_439 = arith.addi %and3A_380, %select_n3A_186 : vector<16xi32>
        %gather3A_440 = arith.constant 0 : i32
        %gather3A_441 = arith.constant 0 : i32
        %gather3A_442 = tpu.memref_slice %arg7[%scan3A_199, %gather3A_440, %gather3A_441] : memref<2x128x128xf32, #tpu.memory_space<vmem>> -> memref<1x128x128xf32, #tpu.memory_space<vmem>>
        %gather3A_443 = tpu.memref_squeeze %gather3A_442 : memref<1x128x128xf32, #tpu.memory_space<vmem>> -> memref<128x128xf32, #tpu.memory_space<vmem>>
        %gather3A_444 = tpu.vector_load_idx %gather3A_443[%add3A_28, %add3A_439] : memref<128x128xf32, #tpu.memory_space<vmem>>[vector<16xi32>, vector<16xi32>], vector<16xf32>,
        %scatter3A_445 = arith.constant 0 : i32
        %scatter3A_446 = arith.constant 0 : i32
        %scatter3A_447 = tpu.memref_slice %arg8[%scan3A_200, %scatter3A_445, %scatter3A_446] : memref<2x64x128xf32, #tpu.memory_space<vmem>> -> memref<1x64x128xf32, #tpu.memory_space<vmem>>
        %scatter3A_448 = tpu.memref_squeeze %scatter3A_447 : memref<1x64x128xf32, #tpu.memory_space<vmem>> -> memref<64x128xf32, #tpu.memory_space<vmem>>
        tpu.vector_store_idx %scatter3A_448[%and3A_380, %add3A_28], %gather3A_444 : memref<64x128xf32, #tpu.memory_space<vmem>>[vector<16xi32>, vector<16xi32>], vector<16xf32>,
        %add3A_449 = arith.addi %and3A_380, %select_n3A_197 : vector<16xi32>
        %gather3A_450 = arith.constant 0 : i32
        %gather3A_451 = arith.constant 0 : i32
        %gather3A_452 = tpu.memref_slice %arg7[%scan3A_199, %gather3A_450, %gather3A_451] : memref<2x128x128xf32, #tpu.memory_space<vmem>> -> memref<1x128x128xf32, #tpu.memory_space<vmem>>
        %gather3A_453 = tpu.memref_squeeze %gather3A_452 : memref<1x128x128xf32, #tpu.memory_space<vmem>> -> memref<128x128xf32, #tpu.memory_space<vmem>>
        %gather3A_454 = tpu.vector_load_idx %gather3A_453[%add3A_31, %add3A_449] : memref<128x128xf32, #tpu.memory_space<vmem>>[vector<16xi32>, vector<16xi32>], vector<16xf32>,
        %scatter3A_455 = arith.constant 0 : i32
        %scatter3A_456 = arith.constant 0 : i32
        %scatter3A_457 = tpu.memref_slice %arg8[%scan3A_200, %scatter3A_455, %scatter3A_456] : memref<2x64x128xf32, #tpu.memory_space<vmem>> -> memref<1x64x128xf32, #tpu.memory_space<vmem>>
        %scatter3A_458 = tpu.memref_squeeze %scatter3A_457 : memref<1x64x128xf32, #tpu.memory_space<vmem>> -> memref<64x128xf32, #tpu.memory_space<vmem>>
        tpu.vector_store_idx %scatter3A_458[%and3A_380, %add3A_31], %gather3A_454 : memref<64x128xf32, #tpu.memory_space<vmem>>[vector<16xi32>, vector<16xi32>], vector<16xf32>,
        %mul3A_459 = arith.constant 8 : i32
        %mul3A_460 = arith.muli %scan3A_371, %mul3A_459 : i32
        %add3A_461 = vector.broadcast %mul3A_460 : i32 to vector<16xi32>
        %add3A_462 = arith.addi %iota3A, %add3A_461 : vector<16xi32>
        %add3A_463 = arith.constant 1 : i32
        %add3A_464 = vector.broadcast %add3A_463 : i32 to vector<16xi32>
        %add3A_465 = arith.addi %add3A_462, %add3A_464 : vector<16xi32>
        %and3A_466 = arith.constant 63 : i32
        %and3A_467 = vector.broadcast %and3A_466 : i32 to vector<16xi32>
        %and3A_468 = arith.andi %add3A_465, %and3A_467 : vector<16xi32>
        %add3A_469 = arith.addi %and3A_468, %select_n3A : vector<16xi32>
        %gather3A_470 = arith.constant 0 : i32
        %gather3A_471 = arith.constant 0 : i32
        %gather3A_472 = tpu.memref_slice %arg7[%scan3A_199, %gather3A_470, %gather3A_471] : memref<2x128x128xf32, #tpu.memory_space<vmem>> -> memref<1x128x128xf32, #tpu.memory_space<vmem>>
        %gather3A_473 = tpu.memref_squeeze %gather3A_472 : memref<1x128x128xf32, #tpu.memory_space<vmem>> -> memref<128x128xf32, #tpu.memory_space<vmem>>
        %gather3A_474 = tpu.vector_load_idx %gather3A_473[%add3A_10, %add3A_469] : memref<128x128xf32, #tpu.memory_space<vmem>>[vector<16xi32>, vector<16xi32>], vector<16xf32>,
        %scatter3A_475 = arith.constant 0 : i32
        %scatter3A_476 = arith.constant 0 : i32
        %scatter3A_477 = tpu.memref_slice %arg8[%scan3A_200, %scatter3A_475, %scatter3A_476] : memref<2x64x128xf32, #tpu.memory_space<vmem>> -> memref<1x64x128xf32, #tpu.memory_space<vmem>>
        %scatter3A_478 = tpu.memref_squeeze %scatter3A_477 : memref<1x64x128xf32, #tpu.memory_space<vmem>> -> memref<64x128xf32, #tpu.memory_space<vmem>>
        tpu.vector_store_idx %scatter3A_478[%and3A_468, %add3A_10], %gather3A_474 : memref<64x128xf32, #tpu.memory_space<vmem>>[vector<16xi32>, vector<16xi32>], vector<16xf32>,
        %add3A_479 = arith.addi %and3A_468, %select_n3A_131 : vector<16xi32>
        %gather3A_480 = arith.constant 0 : i32
        %gather3A_481 = arith.constant 0 : i32
        %gather3A_482 = tpu.memref_slice %arg7[%scan3A_199, %gather3A_480, %gather3A_481] : memref<2x128x128xf32, #tpu.memory_space<vmem>> -> memref<1x128x128xf32, #tpu.memory_space<vmem>>
        %gather3A_483 = tpu.memref_squeeze %gather3A_482 : memref<1x128x128xf32, #tpu.memory_space<vmem>> -> memref<128x128xf32, #tpu.memory_space<vmem>>
        %gather3A_484 = tpu.vector_load_idx %gather3A_483[%add3A_13, %add3A_479] : memref<128x128xf32, #tpu.memory_space<vmem>>[vector<16xi32>, vector<16xi32>], vector<16xf32>,
        %scatter3A_485 = arith.constant 0 : i32
        %scatter3A_486 = arith.constant 0 : i32
        %scatter3A_487 = tpu.memref_slice %arg8[%scan3A_200, %scatter3A_485, %scatter3A_486] : memref<2x64x128xf32, #tpu.memory_space<vmem>> -> memref<1x64x128xf32, #tpu.memory_space<vmem>>
        %scatter3A_488 = tpu.memref_squeeze %scatter3A_487 : memref<1x64x128xf32, #tpu.memory_space<vmem>> -> memref<64x128xf32, #tpu.memory_space<vmem>>
        tpu.vector_store_idx %scatter3A_488[%and3A_468, %add3A_13], %gather3A_484 : memref<64x128xf32, #tpu.memory_space<vmem>>[vector<16xi32>, vector<16xi32>], vector<16xf32>,
        %add3A_489 = arith.addi %and3A_468, %select_n3A_142 : vector<16xi32>
        %gather3A_490 = arith.constant 0 : i32
        %gather3A_491 = arith.constant 0 : i32
        %gather3A_492 = tpu.memref_slice %arg7[%scan3A_199, %gather3A_490, %gather3A_491] : memref<2x128x128xf32, #tpu.memory_space<vmem>> -> memref<1x128x128xf32, #tpu.memory_space<vmem>>
        %gather3A_493 = tpu.memref_squeeze %gather3A_492 : memref<1x128x128xf32, #tpu.memory_space<vmem>> -> memref<128x128xf32, #tpu.memory_space<vmem>>
        %gather3A_494 = tpu.vector_load_idx %gather3A_493[%add3A_16, %add3A_489] : memref<128x128xf32, #tpu.memory_space<vmem>>[vector<16xi32>, vector<16xi32>], vector<16xf32>,
        %scatter3A_495 = arith.constant 0 : i32
        %scatter3A_496 = arith.constant 0 : i32
        %scatter3A_497 = tpu.memref_slice %arg8[%scan3A_200, %scatter3A_495, %scatter3A_496] : memref<2x64x128xf32, #tpu.memory_space<vmem>> -> memref<1x64x128xf32, #tpu.memory_space<vmem>>
        %scatter3A_498 = tpu.memref_squeeze %scatter3A_497 : memref<1x64x128xf32, #tpu.memory_space<vmem>> -> memref<64x128xf32, #tpu.memory_space<vmem>>
        tpu.vector_store_idx %scatter3A_498[%and3A_468, %add3A_16], %gather3A_494 : memref<64x128xf32, #tpu.memory_space<vmem>>[vector<16xi32>, vector<16xi32>], vector<16xf32>,
        %add3A_499 = arith.addi %and3A_468, %select_n3A_153 : vector<16xi32>
        %gather3A_500 = arith.constant 0 : i32
        %gather3A_501 = arith.constant 0 : i32
        %gather3A_502 = tpu.memref_slice %arg7[%scan3A_199, %gather3A_500, %gather3A_501] : memref<2x128x128xf32, #tpu.memory_space<vmem>> -> memref<1x128x128xf32, #tpu.memory_space<vmem>>
        %gather3A_503 = tpu.memref_squeeze %gather3A_502 : memref<1x128x128xf32, #tpu.memory_space<vmem>> -> memref<128x128xf32, #tpu.memory_space<vmem>>
        %gather3A_504 = tpu.vector_load_idx %gather3A_503[%add3A_19, %add3A_499] : memref<128x128xf32, #tpu.memory_space<vmem>>[vector<16xi32>, vector<16xi32>], vector<16xf32>,
        %scatter3A_505 = arith.constant 0 : i32
        %scatter3A_506 = arith.constant 0 : i32
        %scatter3A_507 = tpu.memref_slice %arg8[%scan3A_200, %scatter3A_505, %scatter3A_506] : memref<2x64x128xf32, #tpu.memory_space<vmem>> -> memref<1x64x128xf32, #tpu.memory_space<vmem>>
        %scatter3A_508 = tpu.memref_squeeze %scatter3A_507 : memref<1x64x128xf32, #tpu.memory_space<vmem>> -> memref<64x128xf32, #tpu.memory_space<vmem>>
        tpu.vector_store_idx %scatter3A_508[%and3A_468, %add3A_19], %gather3A_504 : memref<64x128xf32, #tpu.memory_space<vmem>>[vector<16xi32>, vector<16xi32>], vector<16xf32>,
        %add3A_509 = arith.addi %and3A_468, %select_n3A_164 : vector<16xi32>
        %gather3A_510 = arith.constant 0 : i32
        %gather3A_511 = arith.constant 0 : i32
        %gather3A_512 = tpu.memref_slice %arg7[%scan3A_199, %gather3A_510, %gather3A_511] : memref<2x128x128xf32, #tpu.memory_space<vmem>> -> memref<1x128x128xf32, #tpu.memory_space<vmem>>
        %gather3A_513 = tpu.memref_squeeze %gather3A_512 : memref<1x128x128xf32, #tpu.memory_space<vmem>> -> memref<128x128xf32, #tpu.memory_space<vmem>>
        %gather3A_514 = tpu.vector_load_idx %gather3A_513[%add3A_22, %add3A_509] : memref<128x128xf32, #tpu.memory_space<vmem>>[vector<16xi32>, vector<16xi32>], vector<16xf32>,
        %scatter3A_515 = arith.constant 0 : i32
        %scatter3A_516 = arith.constant 0 : i32
        %scatter3A_517 = tpu.memref_slice %arg8[%scan3A_200, %scatter3A_515, %scatter3A_516] : memref<2x64x128xf32, #tpu.memory_space<vmem>> -> memref<1x64x128xf32, #tpu.memory_space<vmem>>
        %scatter3A_518 = tpu.memref_squeeze %scatter3A_517 : memref<1x64x128xf32, #tpu.memory_space<vmem>> -> memref<64x128xf32, #tpu.memory_space<vmem>>
        tpu.vector_store_idx %scatter3A_518[%and3A_468, %add3A_22], %gather3A_514 : memref<64x128xf32, #tpu.memory_space<vmem>>[vector<16xi32>, vector<16xi32>], vector<16xf32>,
        %add3A_519 = arith.addi %and3A_468, %select_n3A_175 : vector<16xi32>
        %gather3A_520 = arith.constant 0 : i32
        %gather3A_521 = arith.constant 0 : i32
        %gather3A_522 = tpu.memref_slice %arg7[%scan3A_199, %gather3A_520, %gather3A_521] : memref<2x128x128xf32, #tpu.memory_space<vmem>> -> memref<1x128x128xf32, #tpu.memory_space<vmem>>
        %gather3A_523 = tpu.memref_squeeze %gather3A_522 : memref<1x128x128xf32, #tpu.memory_space<vmem>> -> memref<128x128xf32, #tpu.memory_space<vmem>>
        %gather3A_524 = tpu.vector_load_idx %gather3A_523[%add3A_25, %add3A_519] : memref<128x128xf32, #tpu.memory_space<vmem>>[vector<16xi32>, vector<16xi32>], vector<16xf32>,
        %scatter3A_525 = arith.constant 0 : i32
        %scatter3A_526 = arith.constant 0 : i32
        %scatter3A_527 = tpu.memref_slice %arg8[%scan3A_200, %scatter3A_525, %scatter3A_526] : memref<2x64x128xf32, #tpu.memory_space<vmem>> -> memref<1x64x128xf32, #tpu.memory_space<vmem>>
        %scatter3A_528 = tpu.memref_squeeze %scatter3A_527 : memref<1x64x128xf32, #tpu.memory_space<vmem>> -> memref<64x128xf32, #tpu.memory_space<vmem>>
        tpu.vector_store_idx %scatter3A_528[%and3A_468, %add3A_25], %gather3A_524 : memref<64x128xf32, #tpu.memory_space<vmem>>[vector<16xi32>, vector<16xi32>], vector<16xf32>,
        %add3A_529 = arith.addi %and3A_468, %select_n3A_186 : vector<16xi32>
        %gather3A_530 = arith.constant 0 : i32
        %gather3A_531 = arith.constant 0 : i32
        %gather3A_532 = tpu.memref_slice %arg7[%scan3A_199, %gather3A_530, %gather3A_531] : memref<2x128x128xf32, #tpu.memory_space<vmem>> -> memref<1x128x128xf32, #tpu.memory_space<vmem>>
        %gather3A_533 = tpu.memref_squeeze %gather3A_532 : memref<1x128x128xf32, #tpu.memory_space<vmem>> -> memref<128x128xf32, #tpu.memory_space<vmem>>
        %gather3A_534 = tpu.vector_load_idx %gather3A_533[%add3A_28, %add3A_529] : memref<128x128xf32, #tpu.memory_space<vmem>>[vector<16xi32>, vector<16xi32>], vector<16xf32>,
        %scatter3A_535 = arith.constant 0 : i32
        %scatter3A_536 = arith.constant 0 : i32
        %scatter3A_537 = tpu.memref_slice %arg8[%scan3A_200, %scatter3A_535, %scatter3A_536] : memref<2x64x128xf32, #tpu.memory_space<vmem>> -> memref<1x64x128xf32, #tpu.memory_space<vmem>>
        %scatter3A_538 = tpu.memref_squeeze %scatter3A_537 : memref<1x64x128xf32, #tpu.memory_space<vmem>> -> memref<64x128xf32, #tpu.memory_space<vmem>>
        tpu.vector_store_idx %scatter3A_538[%and3A_468, %add3A_28], %gather3A_534 : memref<64x128xf32, #tpu.memory_space<vmem>>[vector<16xi32>, vector<16xi32>], vector<16xf32>,
        %add3A_539 = arith.addi %and3A_468, %select_n3A_197 : vector<16xi32>
        %gather3A_540 = arith.constant 0 : i32
        %gather3A_541 = arith.constant 0 : i32
        %gather3A_542 = tpu.memref_slice %arg7[%scan3A_199, %gather3A_540, %gather3A_541] : memref<2x128x128xf32, #tpu.memory_space<vmem>> -> memref<1x128x128xf32, #tpu.memory_space<vmem>>
        %gather3A_543 = tpu.memref_squeeze %gather3A_542 : memref<1x128x128xf32, #tpu.memory_space<vmem>> -> memref<128x128xf32, #tpu.memory_space<vmem>>
        %gather3A_544 = tpu.vector_load_idx %gather3A_543[%add3A_31, %add3A_539] : memref<128x128xf32, #tpu.memory_space<vmem>>[vector<16xi32>, vector<16xi32>], vector<16xf32>,
        %scatter3A_545 = arith.constant 0 : i32
        %scatter3A_546 = arith.constant 0 : i32
        %scatter3A_547 = tpu.memref_slice %arg8[%scan3A_200, %scatter3A_545, %scatter3A_546] : memref<2x64x128xf32, #tpu.memory_space<vmem>> -> memref<1x64x128xf32, #tpu.memory_space<vmem>>
        %scatter3A_548 = tpu.memref_squeeze %scatter3A_547 : memref<1x64x128xf32, #tpu.memory_space<vmem>> -> memref<64x128xf32, #tpu.memory_space<vmem>>
        tpu.vector_store_idx %scatter3A_548[%and3A_468, %add3A_31], %gather3A_544 : memref<64x128xf32, #tpu.memory_space<vmem>>[vector<16xi32>, vector<16xi32>], vector<16xf32>,
        %mul3A_549 = arith.constant 8 : i32
        %mul3A_550 = arith.muli %scan3A_371, %mul3A_549 : i32
        %add3A_551 = vector.broadcast %mul3A_550 : i32 to vector<16xi32>
        %add3A_552 = arith.addi %iota3A, %add3A_551 : vector<16xi32>
        %add3A_553 = arith.constant 2 : i32
        %add3A_554 = vector.broadcast %add3A_553 : i32 to vector<16xi32>
        %add3A_555 = arith.addi %add3A_552, %add3A_554 : vector<16xi32>
        %and3A_556 = arith.constant 63 : i32
        %and3A_557 = vector.broadcast %and3A_556 : i32 to vector<16xi32>
        %and3A_558 = arith.andi %add3A_555, %and3A_557 : vector<16xi32>
        %add3A_559 = arith.addi %and3A_558, %select_n3A : vector<16xi32>
        %gather3A_560 = arith.constant 0 : i32
        %gather3A_561 = arith.constant 0 : i32
        %gather3A_562 = tpu.memref_slice %arg7[%scan3A_199, %gather3A_560, %gather3A_561] : memref<2x128x128xf32, #tpu.memory_space<vmem>> -> memref<1x128x128xf32, #tpu.memory_space<vmem>>
        %gather3A_563 = tpu.memref_squeeze %gather3A_562 : memref<1x128x128xf32, #tpu.memory_space<vmem>> -> memref<128x128xf32, #tpu.memory_space<vmem>>
        %gather3A_564 = tpu.vector_load_idx %gather3A_563[%add3A_10, %add3A_559] : memref<128x128xf32, #tpu.memory_space<vmem>>[vector<16xi32>, vector<16xi32>], vector<16xf32>,
        %scatter3A_565 = arith.constant 0 : i32
        %scatter3A_566 = arith.constant 0 : i32
        %scatter3A_567 = tpu.memref_slice %arg8[%scan3A_200, %scatter3A_565, %scatter3A_566] : memref<2x64x128xf32, #tpu.memory_space<vmem>> -> memref<1x64x128xf32, #tpu.memory_space<vmem>>
        %scatter3A_568 = tpu.memref_squeeze %scatter3A_567 : memref<1x64x128xf32, #tpu.memory_space<vmem>> -> memref<64x128xf32, #tpu.memory_space<vmem>>
        tpu.vector_store_idx %scatter3A_568[%and3A_558, %add3A_10], %gather3A_564 : memref<64x128xf32, #tpu.memory_space<vmem>>[vector<16xi32>, vector<16xi32>], vector<16xf32>,
        %add3A_569 = arith.addi %and3A_558, %select_n3A_131 : vector<16xi32>
        %gather3A_570 = arith.constant 0 : i32
        %gather3A_571 = arith.constant 0 : i32
        %gather3A_572 = tpu.memref_slice %arg7[%scan3A_199, %gather3A_570, %gather3A_571] : memref<2x128x128xf32, #tpu.memory_space<vmem>> -> memref<1x128x128xf32, #tpu.memory_space<vmem>>
        %gather3A_573 = tpu.memref_squeeze %gather3A_572 : memref<1x128x128xf32, #tpu.memory_space<vmem>> -> memref<128x128xf32, #tpu.memory_space<vmem>>
        %gather3A_574 = tpu.vector_load_idx %gather3A_573[%add3A_13, %add3A_569] : memref<128x128xf32, #tpu.memory_space<vmem>>[vector<16xi32>, vector<16xi32>], vector<16xf32>,
        %scatter3A_575 = arith.constant 0 : i32
        %scatter3A_576 = arith.constant 0 : i32
        %scatter3A_577 = tpu.memref_slice %arg8[%scan3A_200, %scatter3A_575, %scatter3A_576] : memref<2x64x128xf32, #tpu.memory_space<vmem>> -> memref<1x64x128xf32, #tpu.memory_space<vmem>>
        %scatter3A_578 = tpu.memref_squeeze %scatter3A_577 : memref<1x64x128xf32, #tpu.memory_space<vmem>> -> memref<64x128xf32, #tpu.memory_space<vmem>>
        tpu.vector_store_idx %scatter3A_578[%and3A_558, %add3A_13], %gather3A_574 : memref<64x128xf32, #tpu.memory_space<vmem>>[vector<16xi32>, vector<16xi32>], vector<16xf32>,
        %add3A_579 = arith.addi %and3A_558, %select_n3A_142 : vector<16xi32>
        %gather3A_580 = arith.constant 0 : i32
        %gather3A_581 = arith.constant 0 : i32
        %gather3A_582 = tpu.memref_slice %arg7[%scan3A_199, %gather3A_580, %gather3A_581] : memref<2x128x128xf32, #tpu.memory_space<vmem>> -> memref<1x128x128xf32, #tpu.memory_space<vmem>>
        %gather3A_583 = tpu.memref_squeeze %gather3A_582 : memref<1x128x128xf32, #tpu.memory_space<vmem>> -> memref<128x128xf32, #tpu.memory_space<vmem>>
        %gather3A_584 = tpu.vector_load_idx %gather3A_583[%add3A_16, %add3A_579] : memref<128x128xf32, #tpu.memory_space<vmem>>[vector<16xi32>, vector<16xi32>], vector<16xf32>,
        %scatter3A_585 = arith.constant 0 : i32
        %scatter3A_586 = arith.constant 0 : i32
        %scatter3A_587 = tpu.memref_slice %arg8[%scan3A_200, %scatter3A_585, %scatter3A_586] : memref<2x64x128xf32, #tpu.memory_space<vmem>> -> memref<1x64x128xf32, #tpu.memory_space<vmem>>
        %scatter3A_588 = tpu.memref_squeeze %scatter3A_587 : memref<1x64x128xf32, #tpu.memory_space<vmem>> -> memref<64x128xf32, #tpu.memory_space<vmem>>
        tpu.vector_store_idx %scatter3A_588[%and3A_558, %add3A_16], %gather3A_584 : memref<64x128xf32, #tpu.memory_space<vmem>>[vector<16xi32>, vector<16xi32>], vector<16xf32>,
        %add3A_589 = arith.addi %and3A_558, %select_n3A_153 : vector<16xi32>
        %gather3A_590 = arith.constant 0 : i32
        %gather3A_591 = arith.constant 0 : i32
        %gather3A_592 = tpu.memref_slice %arg7[%scan3A_199, %gather3A_590, %gather3A_591] : memref<2x128x128xf32, #tpu.memory_space<vmem>> -> memref<1x128x128xf32, #tpu.memory_space<vmem>>
        %gather3A_593 = tpu.memref_squeeze %gather3A_592 : memref<1x128x128xf32, #tpu.memory_space<vmem>> -> memref<128x128xf32, #tpu.memory_space<vmem>>
        %gather3A_594 = tpu.vector_load_idx %gather3A_593[%add3A_19, %add3A_589] : memref<128x128xf32, #tpu.memory_space<vmem>>[vector<16xi32>, vector<16xi32>], vector<16xf32>,
        %scatter3A_595 = arith.constant 0 : i32
        %scatter3A_596 = arith.constant 0 : i32
        %scatter3A_597 = tpu.memref_slice %arg8[%scan3A_200, %scatter3A_595, %scatter3A_596] : memref<2x64x128xf32, #tpu.memory_space<vmem>> -> memref<1x64x128xf32, #tpu.memory_space<vmem>>
        %scatter3A_598 = tpu.memref_squeeze %scatter3A_597 : memref<1x64x128xf32, #tpu.memory_space<vmem>> -> memref<64x128xf32, #tpu.memory_space<vmem>>
        tpu.vector_store_idx %scatter3A_598[%and3A_558, %add3A_19], %gather3A_594 : memref<64x128xf32, #tpu.memory_space<vmem>>[vector<16xi32>, vector<16xi32>], vector<16xf32>,
        %add3A_599 = arith.addi %and3A_558, %select_n3A_164 : vector<16xi32>
        %gather3A_600 = arith.constant 0 : i32
        %gather3A_601 = arith.constant 0 : i32
        %gather3A_602 = tpu.memref_slice %arg7[%scan3A_199, %gather3A_600, %gather3A_601] : memref<2x128x128xf32, #tpu.memory_space<vmem>> -> memref<1x128x128xf32, #tpu.memory_space<vmem>>
        %gather3A_603 = tpu.memref_squeeze %gather3A_602 : memref<1x128x128xf32, #tpu.memory_space<vmem>> -> memref<128x128xf32, #tpu.memory_space<vmem>>
        %gather3A_604 = tpu.vector_load_idx %gather3A_603[%add3A_22, %add3A_599] : memref<128x128xf32, #tpu.memory_space<vmem>>[vector<16xi32>, vector<16xi32>], vector<16xf32>,
        %scatter3A_605 = arith.constant 0 : i32
        %scatter3A_606 = arith.constant 0 : i32
        %scatter3A_607 = tpu.memref_slice %arg8[%scan3A_200, %scatter3A_605, %scatter3A_606] : memref<2x64x128xf32, #tpu.memory_space<vmem>> -> memref<1x64x128xf32, #tpu.memory_space<vmem>>
        %scatter3A_608 = tpu.memref_squeeze %scatter3A_607 : memref<1x64x128xf32, #tpu.memory_space<vmem>> -> memref<64x128xf32, #tpu.memory_space<vmem>>
        tpu.vector_store_idx %scatter3A_608[%and3A_558, %add3A_22], %gather3A_604 : memref<64x128xf32, #tpu.memory_space<vmem>>[vector<16xi32>, vector<16xi32>], vector<16xf32>,
        %add3A_609 = arith.addi %and3A_558, %select_n3A_175 : vector<16xi32>
        %gather3A_610 = arith.constant 0 : i32
        %gather3A_611 = arith.constant 0 : i32
        %gather3A_612 = tpu.memref_slice %arg7[%scan3A_199, %gather3A_610, %gather3A_611] : memref<2x128x128xf32, #tpu.memory_space<vmem>> -> memref<1x128x128xf32, #tpu.memory_space<vmem>>
        %gather3A_613 = tpu.memref_squeeze %gather3A_612 : memref<1x128x128xf32, #tpu.memory_space<vmem>> -> memref<128x128xf32, #tpu.memory_space<vmem>>
        %gather3A_614 = tpu.vector_load_idx %gather3A_613[%add3A_25, %add3A_609] : memref<128x128xf32, #tpu.memory_space<vmem>>[vector<16xi32>, vector<16xi32>], vector<16xf32>,
        %scatter3A_615 = arith.constant 0 : i32
        %scatter3A_616 = arith.constant 0 : i32
        %scatter3A_617 = tpu.memref_slice %arg8[%scan3A_200, %scatter3A_615, %scatter3A_616] : memref<2x64x128xf32, #tpu.memory_space<vmem>> -> memref<1x64x128xf32, #tpu.memory_space<vmem>>
        %scatter3A_618 = tpu.memref_squeeze %scatter3A_617 : memref<1x64x128xf32, #tpu.memory_space<vmem>> -> memref<64x128xf32, #tpu.memory_space<vmem>>
        tpu.vector_store_idx %scatter3A_618[%and3A_558, %add3A_25], %gather3A_614 : memref<64x128xf32, #tpu.memory_space<vmem>>[vector<16xi32>, vector<16xi32>], vector<16xf32>,
        %add3A_619 = arith.addi %and3A_558, %select_n3A_186 : vector<16xi32>
        %gather3A_620 = arith.constant 0 : i32
        %gather3A_621 = arith.constant 0 : i32
        %gather3A_622 = tpu.memref_slice %arg7[%scan3A_199, %gather3A_620, %gather3A_621] : memref<2x128x128xf32, #tpu.memory_space<vmem>> -> memref<1x128x128xf32, #tpu.memory_space<vmem>>
        %gather3A_623 = tpu.memref_squeeze %gather3A_622 : memref<1x128x128xf32, #tpu.memory_space<vmem>> -> memref<128x128xf32, #tpu.memory_space<vmem>>
        %gather3A_624 = tpu.vector_load_idx %gather3A_623[%add3A_28, %add3A_619] : memref<128x128xf32, #tpu.memory_space<vmem>>[vector<16xi32>, vector<16xi32>], vector<16xf32>,
        %scatter3A_625 = arith.constant 0 : i32
        %scatter3A_626 = arith.constant 0 : i32
        %scatter3A_627 = tpu.memref_slice %arg8[%scan3A_200, %scatter3A_625, %scatter3A_626] : memref<2x64x128xf32, #tpu.memory_space<vmem>> -> memref<1x64x128xf32, #tpu.memory_space<vmem>>
        %scatter3A_628 = tpu.memref_squeeze %scatter3A_627 : memref<1x64x128xf32, #tpu.memory_space<vmem>> -> memref<64x128xf32, #tpu.memory_space<vmem>>
        tpu.vector_store_idx %scatter3A_628[%and3A_558, %add3A_28], %gather3A_624 : memref<64x128xf32, #tpu.memory_space<vmem>>[vector<16xi32>, vector<16xi32>], vector<16xf32>,
        %add3A_629 = arith.addi %and3A_558, %select_n3A_197 : vector<16xi32>
        %gather3A_630 = arith.constant 0 : i32
        %gather3A_631 = arith.constant 0 : i32
        %gather3A_632 = tpu.memref_slice %arg7[%scan3A_199, %gather3A_630, %gather3A_631] : memref<2x128x128xf32, #tpu.memory_space<vmem>> -> memref<1x128x128xf32, #tpu.memory_space<vmem>>
        %gather3A_633 = tpu.memref_squeeze %gather3A_632 : memref<1x128x128xf32, #tpu.memory_space<vmem>> -> memref<128x128xf32, #tpu.memory_space<vmem>>
        %gather3A_634 = tpu.vector_load_idx %gather3A_633[%add3A_31, %add3A_629] : memref<128x128xf32, #tpu.memory_space<vmem>>[vector<16xi32>, vector<16xi32>], vector<16xf32>,
        %scatter3A_635 = arith.constant 0 : i32
        %scatter3A_636 = arith.constant 0 : i32
        %scatter3A_637 = tpu.memref_slice %arg8[%scan3A_200, %scatter3A_635, %scatter3A_636] : memref<2x64x128xf32, #tpu.memory_space<vmem>> -> memref<1x64x128xf32, #tpu.memory_space<vmem>>
        %scatter3A_638 = tpu.memref_squeeze %scatter3A_637 : memref<1x64x128xf32, #tpu.memory_space<vmem>> -> memref<64x128xf32, #tpu.memory_space<vmem>>
        tpu.vector_store_idx %scatter3A_638[%and3A_558, %add3A_31], %gather3A_634 : memref<64x128xf32, #tpu.memory_space<vmem>>[vector<16xi32>, vector<16xi32>], vector<16xf32>,
        %mul3A_639 = arith.constant 8 : i32
        %mul3A_640 = arith.muli %scan3A_371, %mul3A_639 : i32
        %add3A_641 = vector.broadcast %mul3A_640 : i32 to vector<16xi32>
        %add3A_642 = arith.addi %iota3A, %add3A_641 : vector<16xi32>
        %add3A_643 = arith.constant 3 : i32
        %add3A_644 = vector.broadcast %add3A_643 : i32 to vector<16xi32>
        %add3A_645 = arith.addi %add3A_642, %add3A_644 : vector<16xi32>
        %and3A_646 = arith.constant 63 : i32
        %and3A_647 = vector.broadcast %and3A_646 : i32 to vector<16xi32>
        %and3A_648 = arith.andi %add3A_645, %and3A_647 : vector<16xi32>
        %add3A_649 = arith.addi %and3A_648, %select_n3A : vector<16xi32>
        %gather3A_650 = arith.constant 0 : i32
        %gather3A_651 = arith.constant 0 : i32
        %gather3A_652 = tpu.memref_slice %arg7[%scan3A_199, %gather3A_650, %gather3A_651] : memref<2x128x128xf32, #tpu.memory_space<vmem>> -> memref<1x128x128xf32, #tpu.memory_space<vmem>>
        %gather3A_653 = tpu.memref_squeeze %gather3A_652 : memref<1x128x128xf32, #tpu.memory_space<vmem>> -> memref<128x128xf32, #tpu.memory_space<vmem>>
        %gather3A_654 = tpu.vector_load_idx %gather3A_653[%add3A_10, %add3A_649] : memref<128x128xf32, #tpu.memory_space<vmem>>[vector<16xi32>, vector<16xi32>], vector<16xf32>,
        %scatter3A_655 = arith.constant 0 : i32
        %scatter3A_656 = arith.constant 0 : i32
        %scatter3A_657 = tpu.memref_slice %arg8[%scan3A_200, %scatter3A_655, %scatter3A_656] : memref<2x64x128xf32, #tpu.memory_space<vmem>> -> memref<1x64x128xf32, #tpu.memory_space<vmem>>
        %scatter3A_658 = tpu.memref_squeeze %scatter3A_657 : memref<1x64x128xf32, #tpu.memory_space<vmem>> -> memref<64x128xf32, #tpu.memory_space<vmem>>
        tpu.vector_store_idx %scatter3A_658[%and3A_648, %add3A_10], %gather3A_654 : memref<64x128xf32, #tpu.memory_space<vmem>>[vector<16xi32>, vector<16xi32>], vector<16xf32>,
        %add3A_659 = arith.addi %and3A_648, %select_n3A_131 : vector<16xi32>
        %gather3A_660 = arith.constant 0 : i32
        %gather3A_661 = arith.constant 0 : i32
        %gather3A_662 = tpu.memref_slice %arg7[%scan3A_199, %gather3A_660, %gather3A_661] : memref<2x128x128xf32, #tpu.memory_space<vmem>> -> memref<1x128x128xf32, #tpu.memory_space<vmem>>
        %gather3A_663 = tpu.memref_squeeze %gather3A_662 : memref<1x128x128xf32, #tpu.memory_space<vmem>> -> memref<128x128xf32, #tpu.memory_space<vmem>>
        %gather3A_664 = tpu.vector_load_idx %gather3A_663[%add3A_13, %add3A_659] : memref<128x128xf32, #tpu.memory_space<vmem>>[vector<16xi32>, vector<16xi32>], vector<16xf32>,
        %scatter3A_665 = arith.constant 0 : i32
        %scatter3A_666 = arith.constant 0 : i32
        %scatter3A_667 = tpu.memref_slice %arg8[%scan3A_200, %scatter3A_665, %scatter3A_666] : memref<2x64x128xf32, #tpu.memory_space<vmem>> -> memref<1x64x128xf32, #tpu.memory_space<vmem>>
        %scatter3A_668 = tpu.memref_squeeze %scatter3A_667 : memref<1x64x128xf32, #tpu.memory_space<vmem>> -> memref<64x128xf32, #tpu.memory_space<vmem>>
        tpu.vector_store_idx %scatter3A_668[%and3A_648, %add3A_13], %gather3A_664 : memref<64x128xf32, #tpu.memory_space<vmem>>[vector<16xi32>, vector<16xi32>], vector<16xf32>,
        %add3A_669 = arith.addi %and3A_648, %select_n3A_142 : vector<16xi32>
        %gather3A_670 = arith.constant 0 : i32
        %gather3A_671 = arith.constant 0 : i32
        %gather3A_672 = tpu.memref_slice %arg7[%scan3A_199, %gather3A_670, %gather3A_671] : memref<2x128x128xf32, #tpu.memory_space<vmem>> -> memref<1x128x128xf32, #tpu.memory_space<vmem>>
        %gather3A_673 = tpu.memref_squeeze %gather3A_672 : memref<1x128x128xf32, #tpu.memory_space<vmem>> -> memref<128x128xf32, #tpu.memory_space<vmem>>
        %gather3A_674 = tpu.vector_load_idx %gather3A_673[%add3A_16, %add3A_669] : memref<128x128xf32, #tpu.memory_space<vmem>>[vector<16xi32>, vector<16xi32>], vector<16xf32>,
        %scatter3A_675 = arith.constant 0 : i32
        %scatter3A_676 = arith.constant 0 : i32
        %scatter3A_677 = tpu.memref_slice %arg8[%scan3A_200, %scatter3A_675, %scatter3A_676] : memref<2x64x128xf32, #tpu.memory_space<vmem>> -> memref<1x64x128xf32, #tpu.memory_space<vmem>>
        %scatter3A_678 = tpu.memref_squeeze %scatter3A_677 : memref<1x64x128xf32, #tpu.memory_space<vmem>> -> memref<64x128xf32, #tpu.memory_space<vmem>>
        tpu.vector_store_idx %scatter3A_678[%and3A_648, %add3A_16], %gather3A_674 : memref<64x128xf32, #tpu.memory_space<vmem>>[vector<16xi32>, vector<16xi32>], vector<16xf32>,
        %add3A_679 = arith.addi %and3A_648, %select_n3A_153 : vector<16xi32>
        %gather3A_680 = arith.constant 0 : i32
        %gather3A_681 = arith.constant 0 : i32
        %gather3A_682 = tpu.memref_slice %arg7[%scan3A_199, %gather3A_680, %gather3A_681] : memref<2x128x128xf32, #tpu.memory_space<vmem>> -> memref<1x128x128xf32, #tpu.memory_space<vmem>>
        %gather3A_683 = tpu.memref_squeeze %gather3A_682 : memref<1x128x128xf32, #tpu.memory_space<vmem>> -> memref<128x128xf32, #tpu.memory_space<vmem>>
        %gather3A_684 = tpu.vector_load_idx %gather3A_683[%add3A_19, %add3A_679] : memref<128x128xf32, #tpu.memory_space<vmem>>[vector<16xi32>, vector<16xi32>], vector<16xf32>,
        %scatter3A_685 = arith.constant 0 : i32
        %scatter3A_686 = arith.constant 0 : i32
        %scatter3A_687 = tpu.memref_slice %arg8[%scan3A_200, %scatter3A_685, %scatter3A_686] : memref<2x64x128xf32, #tpu.memory_space<vmem>> -> memref<1x64x128xf32, #tpu.memory_space<vmem>>
        %scatter3A_688 = tpu.memref_squeeze %scatter3A_687 : memref<1x64x128xf32, #tpu.memory_space<vmem>> -> memref<64x128xf32, #tpu.memory_space<vmem>>
        tpu.vector_store_idx %scatter3A_688[%and3A_648, %add3A_19], %gather3A_684 : memref<64x128xf32, #tpu.memory_space<vmem>>[vector<16xi32>, vector<16xi32>], vector<16xf32>,
        %add3A_689 = arith.addi %and3A_648, %select_n3A_164 : vector<16xi32>
        %gather3A_690 = arith.constant 0 : i32
        %gather3A_691 = arith.constant 0 : i32
        %gather3A_692 = tpu.memref_slice %arg7[%scan3A_199, %gather3A_690, %gather3A_691] : memref<2x128x128xf32, #tpu.memory_space<vmem>> -> memref<1x128x128xf32, #tpu.memory_space<vmem>>
        %gather3A_693 = tpu.memref_squeeze %gather3A_692 : memref<1x128x128xf32, #tpu.memory_space<vmem>> -> memref<128x128xf32, #tpu.memory_space<vmem>>
        %gather3A_694 = tpu.vector_load_idx %gather3A_693[%add3A_22, %add3A_689] : memref<128x128xf32, #tpu.memory_space<vmem>>[vector<16xi32>, vector<16xi32>], vector<16xf32>,
        %scatter3A_695 = arith.constant 0 : i32
        %scatter3A_696 = arith.constant 0 : i32
        %scatter3A_697 = tpu.memref_slice %arg8[%scan3A_200, %scatter3A_695, %scatter3A_696] : memref<2x64x128xf32, #tpu.memory_space<vmem>> -> memref<1x64x128xf32, #tpu.memory_space<vmem>>
        %scatter3A_698 = tpu.memref_squeeze %scatter3A_697 : memref<1x64x128xf32, #tpu.memory_space<vmem>> -> memref<64x128xf32, #tpu.memory_space<vmem>>
        tpu.vector_store_idx %scatter3A_698[%and3A_648, %add3A_22], %gather3A_694 : memref<64x128xf32, #tpu.memory_space<vmem>>[vector<16xi32>, vector<16xi32>], vector<16xf32>,
        %add3A_699 = arith.addi %and3A_648, %select_n3A_175 : vector<16xi32>
        %gather3A_700 = arith.constant 0 : i32
        %gather3A_701 = arith.constant 0 : i32
        %gather3A_702 = tpu.memref_slice %arg7[%scan3A_199, %gather3A_700, %gather3A_701] : memref<2x128x128xf32, #tpu.memory_space<vmem>> -> memref<1x128x128xf32, #tpu.memory_space<vmem>>
        %gather3A_703 = tpu.memref_squeeze %gather3A_702 : memref<1x128x128xf32, #tpu.memory_space<vmem>> -> memref<128x128xf32, #tpu.memory_space<vmem>>
        %gather3A_704 = tpu.vector_load_idx %gather3A_703[%add3A_25, %add3A_699] : memref<128x128xf32, #tpu.memory_space<vmem>>[vector<16xi32>, vector<16xi32>], vector<16xf32>,
        %scatter3A_705 = arith.constant 0 : i32
        %scatter3A_706 = arith.constant 0 : i32
        %scatter3A_707 = tpu.memref_slice %arg8[%scan3A_200, %scatter3A_705, %scatter3A_706] : memref<2x64x128xf32, #tpu.memory_space<vmem>> -> memref<1x64x128xf32, #tpu.memory_space<vmem>>
        %scatter3A_708 = tpu.memref_squeeze %scatter3A_707 : memref<1x64x128xf32, #tpu.memory_space<vmem>> -> memref<64x128xf32, #tpu.memory_space<vmem>>
        tpu.vector_store_idx %scatter3A_708[%and3A_648, %add3A_25], %gather3A_704 : memref<64x128xf32, #tpu.memory_space<vmem>>[vector<16xi32>, vector<16xi32>], vector<16xf32>,
        %add3A_709 = arith.addi %and3A_648, %select_n3A_186 : vector<16xi32>
        %gather3A_710 = arith.constant 0 : i32
        %gather3A_711 = arith.constant 0 : i32
        %gather3A_712 = tpu.memref_slice %arg7[%scan3A_199, %gather3A_710, %gather3A_711] : memref<2x128x128xf32, #tpu.memory_space<vmem>> -> memref<1x128x128xf32, #tpu.memory_space<vmem>>
        %gather3A_713 = tpu.memref_squeeze %gather3A_712 : memref<1x128x128xf32, #tpu.memory_space<vmem>> -> memref<128x128xf32, #tpu.memory_space<vmem>>
        %gather3A_714 = tpu.vector_load_idx %gather3A_713[%add3A_28, %add3A_709] : memref<128x128xf32, #tpu.memory_space<vmem>>[vector<16xi32>, vector<16xi32>], vector<16xf32>,
        %scatter3A_715 = arith.constant 0 : i32
        %scatter3A_716 = arith.constant 0 : i32
        %scatter3A_717 = tpu.memref_slice %arg8[%scan3A_200, %scatter3A_715, %scatter3A_716] : memref<2x64x128xf32, #tpu.memory_space<vmem>> -> memref<1x64x128xf32, #tpu.memory_space<vmem>>
        %scatter3A_718 = tpu.memref_squeeze %scatter3A_717 : memref<1x64x128xf32, #tpu.memory_space<vmem>> -> memref<64x128xf32, #tpu.memory_space<vmem>>
        tpu.vector_store_idx %scatter3A_718[%and3A_648, %add3A_28], %gather3A_714 : memref<64x128xf32, #tpu.memory_space<vmem>>[vector<16xi32>, vector<16xi32>], vector<16xf32>,
        %add3A_719 = arith.addi %and3A_648, %select_n3A_197 : vector<16xi32>
        %gather3A_720 = arith.constant 0 : i32
        %gather3A_721 = arith.constant 0 : i32
        %gather3A_722 = tpu.memref_slice %arg7[%scan3A_199, %gather3A_720, %gather3A_721] : memref<2x128x128xf32, #tpu.memory_space<vmem>> -> memref<1x128x128xf32, #tpu.memory_space<vmem>>
        %gather3A_723 = tpu.memref_squeeze %gather3A_722 : memref<1x128x128xf32, #tpu.memory_space<vmem>> -> memref<128x128xf32, #tpu.memory_space<vmem>>
        %gather3A_724 = tpu.vector_load_idx %gather3A_723[%add3A_31, %add3A_719] : memref<128x128xf32, #tpu.memory_space<vmem>>[vector<16xi32>, vector<16xi32>], vector<16xf32>,
        %scatter3A_725 = arith.constant 0 : i32
        %scatter3A_726 = arith.constant 0 : i32
        %scatter3A_727 = tpu.memref_slice %arg8[%scan3A_200, %scatter3A_725, %scatter3A_726] : memref<2x64x128xf32, #tpu.memory_space<vmem>> -> memref<1x64x128xf32, #tpu.memory_space<vmem>>
        %scatter3A_728 = tpu.memref_squeeze %scatter3A_727 : memref<1x64x128xf32, #tpu.memory_space<vmem>> -> memref<64x128xf32, #tpu.memory_space<vmem>>
        tpu.vector_store_idx %scatter3A_728[%and3A_648, %add3A_31], %gather3A_724 : memref<64x128xf32, #tpu.memory_space<vmem>>[vector<16xi32>, vector<16xi32>], vector<16xf32>,
        %mul3A_729 = arith.constant 8 : i32
        %mul3A_730 = arith.muli %scan3A_371, %mul3A_729 : i32
        %add3A_731 = vector.broadcast %mul3A_730 : i32 to vector<16xi32>
        %add3A_732 = arith.addi %iota3A, %add3A_731 : vector<16xi32>
        %add3A_733 = arith.constant 4 : i32
        %add3A_734 = vector.broadcast %add3A_733 : i32 to vector<16xi32>
        %add3A_735 = arith.addi %add3A_732, %add3A_734 : vector<16xi32>
        %and3A_736 = arith.constant 63 : i32
        %and3A_737 = vector.broadcast %and3A_736 : i32 to vector<16xi32>
        %and3A_738 = arith.andi %add3A_735, %and3A_737 : vector<16xi32>
        %add3A_739 = arith.addi %and3A_738, %select_n3A : vector<16xi32>
        %gather3A_740 = arith.constant 0 : i32
        %gather3A_741 = arith.constant 0 : i32
        %gather3A_742 = tpu.memref_slice %arg7[%scan3A_199, %gather3A_740, %gather3A_741] : memref<2x128x128xf32, #tpu.memory_space<vmem>> -> memref<1x128x128xf32, #tpu.memory_space<vmem>>
        %gather3A_743 = tpu.memref_squeeze %gather3A_742 : memref<1x128x128xf32, #tpu.memory_space<vmem>> -> memref<128x128xf32, #tpu.memory_space<vmem>>
        %gather3A_744 = tpu.vector_load_idx %gather3A_743[%add3A_10, %add3A_739] : memref<128x128xf32, #tpu.memory_space<vmem>>[vector<16xi32>, vector<16xi32>], vector<16xf32>,
        %scatter3A_745 = arith.constant 0 : i32
        %scatter3A_746 = arith.constant 0 : i32
        %scatter3A_747 = tpu.memref_slice %arg8[%scan3A_200, %scatter3A_745, %scatter3A_746] : memref<2x64x128xf32, #tpu.memory_space<vmem>> -> memref<1x64x128xf32, #tpu.memory_space<vmem>>
        %scatter3A_748 = tpu.memref_squeeze %scatter3A_747 : memref<1x64x128xf32, #tpu.memory_space<vmem>> -> memref<64x128xf32, #tpu.memory_space<vmem>>
        tpu.vector_store_idx %scatter3A_748[%and3A_738, %add3A_10], %gather3A_744 : memref<64x128xf32, #tpu.memory_space<vmem>>[vector<16xi32>, vector<16xi32>], vector<16xf32>,
        %add3A_749 = arith.addi %and3A_738, %select_n3A_131 : vector<16xi32>
        %gather3A_750 = arith.constant 0 : i32
        %gather3A_751 = arith.constant 0 : i32
        %gather3A_752 = tpu.memref_slice %arg7[%scan3A_199, %gather3A_750, %gather3A_751] : memref<2x128x128xf32, #tpu.memory_space<vmem>> -> memref<1x128x128xf32, #tpu.memory_space<vmem>>
        %gather3A_753 = tpu.memref_squeeze %gather3A_752 : memref<1x128x128xf32, #tpu.memory_space<vmem>> -> memref<128x128xf32, #tpu.memory_space<vmem>>
        %gather3A_754 = tpu.vector_load_idx %gather3A_753[%add3A_13, %add3A_749] : memref<128x128xf32, #tpu.memory_space<vmem>>[vector<16xi32>, vector<16xi32>], vector<16xf32>,
        %scatter3A_755 = arith.constant 0 : i32
        %scatter3A_756 = arith.constant 0 : i32
        %scatter3A_757 = tpu.memref_slice %arg8[%scan3A_200, %scatter3A_755, %scatter3A_756] : memref<2x64x128xf32, #tpu.memory_space<vmem>> -> memref<1x64x128xf32, #tpu.memory_space<vmem>>
        %scatter3A_758 = tpu.memref_squeeze %scatter3A_757 : memref<1x64x128xf32, #tpu.memory_space<vmem>> -> memref<64x128xf32, #tpu.memory_space<vmem>>
        tpu.vector_store_idx %scatter3A_758[%and3A_738, %add3A_13], %gather3A_754 : memref<64x128xf32, #tpu.memory_space<vmem>>[vector<16xi32>, vector<16xi32>], vector<16xf32>,
        %add3A_759 = arith.addi %and3A_738, %select_n3A_142 : vector<16xi32>
        %gather3A_760 = arith.constant 0 : i32
        %gather3A_761 = arith.constant 0 : i32
        %gather3A_762 = tpu.memref_slice %arg7[%scan3A_199, %gather3A_760, %gather3A_761] : memref<2x128x128xf32, #tpu.memory_space<vmem>> -> memref<1x128x128xf32, #tpu.memory_space<vmem>>
        %gather3A_763 = tpu.memref_squeeze %gather3A_762 : memref<1x128x128xf32, #tpu.memory_space<vmem>> -> memref<128x128xf32, #tpu.memory_space<vmem>>
        %gather3A_764 = tpu.vector_load_idx %gather3A_763[%add3A_16, %add3A_759] : memref<128x128xf32, #tpu.memory_space<vmem>>[vector<16xi32>, vector<16xi32>], vector<16xf32>,
        %scatter3A_765 = arith.constant 0 : i32
        %scatter3A_766 = arith.constant 0 : i32
        %scatter3A_767 = tpu.memref_slice %arg8[%scan3A_200, %scatter3A_765, %scatter3A_766] : memref<2x64x128xf32, #tpu.memory_space<vmem>> -> memref<1x64x128xf32, #tpu.memory_space<vmem>>
        %scatter3A_768 = tpu.memref_squeeze %scatter3A_767 : memref<1x64x128xf32, #tpu.memory_space<vmem>> -> memref<64x128xf32, #tpu.memory_space<vmem>>
        tpu.vector_store_idx %scatter3A_768[%and3A_738, %add3A_16], %gather3A_764 : memref<64x128xf32, #tpu.memory_space<vmem>>[vector<16xi32>, vector<16xi32>], vector<16xf32>,
        %add3A_769 = arith.addi %and3A_738, %select_n3A_153 : vector<16xi32>
        %gather3A_770 = arith.constant 0 : i32
        %gather3A_771 = arith.constant 0 : i32
        %gather3A_772 = tpu.memref_slice %arg7[%scan3A_199, %gather3A_770, %gather3A_771] : memref<2x128x128xf32, #tpu.memory_space<vmem>> -> memref<1x128x128xf32, #tpu.memory_space<vmem>>
        %gather3A_773 = tpu.memref_squeeze %gather3A_772 : memref<1x128x128xf32, #tpu.memory_space<vmem>> -> memref<128x128xf32, #tpu.memory_space<vmem>>
        %gather3A_774 = tpu.vector_load_idx %gather3A_773[%add3A_19, %add3A_769] : memref<128x128xf32, #tpu.memory_space<vmem>>[vector<16xi32>, vector<16xi32>], vector<16xf32>,
        %scatter3A_775 = arith.constant 0 : i32
        %scatter3A_776 = arith.constant 0 : i32
        %scatter3A_777 = tpu.memref_slice %arg8[%scan3A_200, %scatter3A_775, %scatter3A_776] : memref<2x64x128xf32, #tpu.memory_space<vmem>> -> memref<1x64x128xf32, #tpu.memory_space<vmem>>
        %scatter3A_778 = tpu.memref_squeeze %scatter3A_777 : memref<1x64x128xf32, #tpu.memory_space<vmem>> -> memref<64x128xf32, #tpu.memory_space<vmem>>
        tpu.vector_store_idx %scatter3A_778[%and3A_738, %add3A_19], %gather3A_774 : memref<64x128xf32, #tpu.memory_space<vmem>>[vector<16xi32>, vector<16xi32>], vector<16xf32>,
        %add3A_779 = arith.addi %and3A_738, %select_n3A_164 : vector<16xi32>
        %gather3A_780 = arith.constant 0 : i32
        %gather3A_781 = arith.constant 0 : i32
        %gather3A_782 = tpu.memref_slice %arg7[%scan3A_199, %gather3A_780, %gather3A_781] : memref<2x128x128xf32, #tpu.memory_space<vmem>> -> memref<1x128x128xf32, #tpu.memory_space<vmem>>
        %gather3A_783 = tpu.memref_squeeze %gather3A_782 : memref<1x128x128xf32, #tpu.memory_space<vmem>> -> memref<128x128xf32, #tpu.memory_space<vmem>>
        %gather3A_784 = tpu.vector_load_idx %gather3A_783[%add3A_22, %add3A_779] : memref<128x128xf32, #tpu.memory_space<vmem>>[vector<16xi32>, vector<16xi32>], vector<16xf32>,
        %scatter3A_785 = arith.constant 0 : i32
        %scatter3A_786 = arith.constant 0 : i32
        %scatter3A_787 = tpu.memref_slice %arg8[%scan3A_200, %scatter3A_785, %scatter3A_786] : memref<2x64x128xf32, #tpu.memory_space<vmem>> -> memref<1x64x128xf32, #tpu.memory_space<vmem>>
        %scatter3A_788 = tpu.memref_squeeze %scatter3A_787 : memref<1x64x128xf32, #tpu.memory_space<vmem>> -> memref<64x128xf32, #tpu.memory_space<vmem>>
        tpu.vector_store_idx %scatter3A_788[%and3A_738, %add3A_22], %gather3A_784 : memref<64x128xf32, #tpu.memory_space<vmem>>[vector<16xi32>, vector<16xi32>], vector<16xf32>,
        %add3A_789 = arith.addi %and3A_738, %select_n3A_175 : vector<16xi32>
        %gather3A_790 = arith.constant 0 : i32
        %gather3A_791 = arith.constant 0 : i32
        %gather3A_792 = tpu.memref_slice %arg7[%scan3A_199, %gather3A_790, %gather3A_791] : memref<2x128x128xf32, #tpu.memory_space<vmem>> -> memref<1x128x128xf32, #tpu.memory_space<vmem>>
        %gather3A_793 = tpu.memref_squeeze %gather3A_792 : memref<1x128x128xf32, #tpu.memory_space<vmem>> -> memref<128x128xf32, #tpu.memory_space<vmem>>
        %gather3A_794 = tpu.vector_load_idx %gather3A_793[%add3A_25, %add3A_789] : memref<128x128xf32, #tpu.memory_space<vmem>>[vector<16xi32>, vector<16xi32>], vector<16xf32>,
        %scatter3A_795 = arith.constant 0 : i32
        %scatter3A_796 = arith.constant 0 : i32
        %scatter3A_797 = tpu.memref_slice %arg8[%scan3A_200, %scatter3A_795, %scatter3A_796] : memref<2x64x128xf32, #tpu.memory_space<vmem>> -> memref<1x64x128xf32, #tpu.memory_space<vmem>>
        %scatter3A_798 = tpu.memref_squeeze %scatter3A_797 : memref<1x64x128xf32, #tpu.memory_space<vmem>> -> memref<64x128xf32, #tpu.memory_space<vmem>>
        tpu.vector_store_idx %scatter3A_798[%and3A_738, %add3A_25], %gather3A_794 : memref<64x128xf32, #tpu.memory_space<vmem>>[vector<16xi32>, vector<16xi32>], vector<16xf32>,
        %add3A_799 = arith.addi %and3A_738, %select_n3A_186 : vector<16xi32>
        %gather3A_800 = arith.constant 0 : i32
        %gather3A_801 = arith.constant 0 : i32
        %gather3A_802 = tpu.memref_slice %arg7[%scan3A_199, %gather3A_800, %gather3A_801] : memref<2x128x128xf32, #tpu.memory_space<vmem>> -> memref<1x128x128xf32, #tpu.memory_space<vmem>>
        %gather3A_803 = tpu.memref_squeeze %gather3A_802 : memref<1x128x128xf32, #tpu.memory_space<vmem>> -> memref<128x128xf32, #tpu.memory_space<vmem>>
        %gather3A_804 = tpu.vector_load_idx %gather3A_803[%add3A_28, %add3A_799] : memref<128x128xf32, #tpu.memory_space<vmem>>[vector<16xi32>, vector<16xi32>], vector<16xf32>,
        %scatter3A_805 = arith.constant 0 : i32
        %scatter3A_806 = arith.constant 0 : i32
        %scatter3A_807 = tpu.memref_slice %arg8[%scan3A_200, %scatter3A_805, %scatter3A_806] : memref<2x64x128xf32, #tpu.memory_space<vmem>> -> memref<1x64x128xf32, #tpu.memory_space<vmem>>
        %scatter3A_808 = tpu.memref_squeeze %scatter3A_807 : memref<1x64x128xf32, #tpu.memory_space<vmem>> -> memref<64x128xf32, #tpu.memory_space<vmem>>
        tpu.vector_store_idx %scatter3A_808[%and3A_738, %add3A_28], %gather3A_804 : memref<64x128xf32, #tpu.memory_space<vmem>>[vector<16xi32>, vector<16xi32>], vector<16xf32>,
        %add3A_809 = arith.addi %and3A_738, %select_n3A_197 : vector<16xi32>
        %gather3A_810 = arith.constant 0 : i32
        %gather3A_811 = arith.constant 0 : i32
        %gather3A_812 = tpu.memref_slice %arg7[%scan3A_199, %gather3A_810, %gather3A_811] : memref<2x128x128xf32, #tpu.memory_space<vmem>> -> memref<1x128x128xf32, #tpu.memory_space<vmem>>
        %gather3A_813 = tpu.memref_squeeze %gather3A_812 : memref<1x128x128xf32, #tpu.memory_space<vmem>> -> memref<128x128xf32, #tpu.memory_space<vmem>>
        %gather3A_814 = tpu.vector_load_idx %gather3A_813[%add3A_31, %add3A_809] : memref<128x128xf32, #tpu.memory_space<vmem>>[vector<16xi32>, vector<16xi32>], vector<16xf32>,
        %scatter3A_815 = arith.constant 0 : i32
        %scatter3A_816 = arith.constant 0 : i32
        %scatter3A_817 = tpu.memref_slice %arg8[%scan3A_200, %scatter3A_815, %scatter3A_816] : memref<2x64x128xf32, #tpu.memory_space<vmem>> -> memref<1x64x128xf32, #tpu.memory_space<vmem>>
        %scatter3A_818 = tpu.memref_squeeze %scatter3A_817 : memref<1x64x128xf32, #tpu.memory_space<vmem>> -> memref<64x128xf32, #tpu.memory_space<vmem>>
        tpu.vector_store_idx %scatter3A_818[%and3A_738, %add3A_31], %gather3A_814 : memref<64x128xf32, #tpu.memory_space<vmem>>[vector<16xi32>, vector<16xi32>], vector<16xf32>,
        %mul3A_819 = arith.constant 8 : i32
        %mul3A_820 = arith.muli %scan3A_371, %mul3A_819 : i32
        %add3A_821 = vector.broadcast %mul3A_820 : i32 to vector<16xi32>
        %add3A_822 = arith.addi %iota3A, %add3A_821 : vector<16xi32>
        %add3A_823 = arith.constant 5 : i32
        %add3A_824 = vector.broadcast %add3A_823 : i32 to vector<16xi32>
        %add3A_825 = arith.addi %add3A_822, %add3A_824 : vector<16xi32>
        %and3A_826 = arith.constant 63 : i32
        %and3A_827 = vector.broadcast %and3A_826 : i32 to vector<16xi32>
        %and3A_828 = arith.andi %add3A_825, %and3A_827 : vector<16xi32>
        %add3A_829 = arith.addi %and3A_828, %select_n3A : vector<16xi32>
        %gather3A_830 = arith.constant 0 : i32
        %gather3A_831 = arith.constant 0 : i32
        %gather3A_832 = tpu.memref_slice %arg7[%scan3A_199, %gather3A_830, %gather3A_831] : memref<2x128x128xf32, #tpu.memory_space<vmem>> -> memref<1x128x128xf32, #tpu.memory_space<vmem>>
        %gather3A_833 = tpu.memref_squeeze %gather3A_832 : memref<1x128x128xf32, #tpu.memory_space<vmem>> -> memref<128x128xf32, #tpu.memory_space<vmem>>
        %gather3A_834 = tpu.vector_load_idx %gather3A_833[%add3A_10, %add3A_829] : memref<128x128xf32, #tpu.memory_space<vmem>>[vector<16xi32>, vector<16xi32>], vector<16xf32>,
        %scatter3A_835 = arith.constant 0 : i32
        %scatter3A_836 = arith.constant 0 : i32
        %scatter3A_837 = tpu.memref_slice %arg8[%scan3A_200, %scatter3A_835, %scatter3A_836] : memref<2x64x128xf32, #tpu.memory_space<vmem>> -> memref<1x64x128xf32, #tpu.memory_space<vmem>>
        %scatter3A_838 = tpu.memref_squeeze %scatter3A_837 : memref<1x64x128xf32, #tpu.memory_space<vmem>> -> memref<64x128xf32, #tpu.memory_space<vmem>>
        tpu.vector_store_idx %scatter3A_838[%and3A_828, %add3A_10], %gather3A_834 : memref<64x128xf32, #tpu.memory_space<vmem>>[vector<16xi32>, vector<16xi32>], vector<16xf32>,
        %add3A_839 = arith.addi %and3A_828, %select_n3A_131 : vector<16xi32>
        %gather3A_840 = arith.constant 0 : i32
        %gather3A_841 = arith.constant 0 : i32
        %gather3A_842 = tpu.memref_slice %arg7[%scan3A_199, %gather3A_840, %gather3A_841] : memref<2x128x128xf32, #tpu.memory_space<vmem>> -> memref<1x128x128xf32, #tpu.memory_space<vmem>>
        %gather3A_843 = tpu.memref_squeeze %gather3A_842 : memref<1x128x128xf32, #tpu.memory_space<vmem>> -> memref<128x128xf32, #tpu.memory_space<vmem>>
        %gather3A_844 = tpu.vector_load_idx %gather3A_843[%add3A_13, %add3A_839] : memref<128x128xf32, #tpu.memory_space<vmem>>[vector<16xi32>, vector<16xi32>], vector<16xf32>,
        %scatter3A_845 = arith.constant 0 : i32
        %scatter3A_846 = arith.constant 0 : i32
        %scatter3A_847 = tpu.memref_slice %arg8[%scan3A_200, %scatter3A_845, %scatter3A_846] : memref<2x64x128xf32, #tpu.memory_space<vmem>> -> memref<1x64x128xf32, #tpu.memory_space<vmem>>
        %scatter3A_848 = tpu.memref_squeeze %scatter3A_847 : memref<1x64x128xf32, #tpu.memory_space<vmem>> -> memref<64x128xf32, #tpu.memory_space<vmem>>
        tpu.vector_store_idx %scatter3A_848[%and3A_828, %add3A_13], %gather3A_844 : memref<64x128xf32, #tpu.memory_space<vmem>>[vector<16xi32>, vector<16xi32>], vector<16xf32>,
        %add3A_849 = arith.addi %and3A_828, %select_n3A_142 : vector<16xi32>
        %gather3A_850 = arith.constant 0 : i32
        %gather3A_851 = arith.constant 0 : i32
        %gather3A_852 = tpu.memref_slice %arg7[%scan3A_199, %gather3A_850, %gather3A_851] : memref<2x128x128xf32, #tpu.memory_space<vmem>> -> memref<1x128x128xf32, #tpu.memory_space<vmem>>
        %gather3A_853 = tpu.memref_squeeze %gather3A_852 : memref<1x128x128xf32, #tpu.memory_space<vmem>> -> memref<128x128xf32, #tpu.memory_space<vmem>>
        %gather3A_854 = tpu.vector_load_idx %gather3A_853[%add3A_16, %add3A_849] : memref<128x128xf32, #tpu.memory_space<vmem>>[vector<16xi32>, vector<16xi32>], vector<16xf32>,
        %scatter3A_855 = arith.constant 0 : i32
        %scatter3A_856 = arith.constant 0 : i32
        %scatter3A_857 = tpu.memref_slice %arg8[%scan3A_200, %scatter3A_855, %scatter3A_856] : memref<2x64x128xf32, #tpu.memory_space<vmem>> -> memref<1x64x128xf32, #tpu.memory_space<vmem>>
        %scatter3A_858 = tpu.memref_squeeze %scatter3A_857 : memref<1x64x128xf32, #tpu.memory_space<vmem>> -> memref<64x128xf32, #tpu.memory_space<vmem>>
        tpu.vector_store_idx %scatter3A_858[%and3A_828, %add3A_16], %gather3A_854 : memref<64x128xf32, #tpu.memory_space<vmem>>[vector<16xi32>, vector<16xi32>], vector<16xf32>,
        %add3A_859 = arith.addi %and3A_828, %select_n3A_153 : vector<16xi32>
        %gather3A_860 = arith.constant 0 : i32
        %gather3A_861 = arith.constant 0 : i32
        %gather3A_862 = tpu.memref_slice %arg7[%scan3A_199, %gather3A_860, %gather3A_861] : memref<2x128x128xf32, #tpu.memory_space<vmem>> -> memref<1x128x128xf32, #tpu.memory_space<vmem>>
        %gather3A_863 = tpu.memref_squeeze %gather3A_862 : memref<1x128x128xf32, #tpu.memory_space<vmem>> -> memref<128x128xf32, #tpu.memory_space<vmem>>
        %gather3A_864 = tpu.vector_load_idx %gather3A_863[%add3A_19, %add3A_859] : memref<128x128xf32, #tpu.memory_space<vmem>>[vector<16xi32>, vector<16xi32>], vector<16xf32>,
        %scatter3A_865 = arith.constant 0 : i32
        %scatter3A_866 = arith.constant 0 : i32
        %scatter3A_867 = tpu.memref_slice %arg8[%scan3A_200, %scatter3A_865, %scatter3A_866] : memref<2x64x128xf32, #tpu.memory_space<vmem>> -> memref<1x64x128xf32, #tpu.memory_space<vmem>>
        %scatter3A_868 = tpu.memref_squeeze %scatter3A_867 : memref<1x64x128xf32, #tpu.memory_space<vmem>> -> memref<64x128xf32, #tpu.memory_space<vmem>>
        tpu.vector_store_idx %scatter3A_868[%and3A_828, %add3A_19], %gather3A_864 : memref<64x128xf32, #tpu.memory_space<vmem>>[vector<16xi32>, vector<16xi32>], vector<16xf32>,
        %add3A_869 = arith.addi %and3A_828, %select_n3A_164 : vector<16xi32>
        %gather3A_870 = arith.constant 0 : i32
        %gather3A_871 = arith.constant 0 : i32
        %gather3A_872 = tpu.memref_slice %arg7[%scan3A_199, %gather3A_870, %gather3A_871] : memref<2x128x128xf32, #tpu.memory_space<vmem>> -> memref<1x128x128xf32, #tpu.memory_space<vmem>>
        %gather3A_873 = tpu.memref_squeeze %gather3A_872 : memref<1x128x128xf32, #tpu.memory_space<vmem>> -> memref<128x128xf32, #tpu.memory_space<vmem>>
        %gather3A_874 = tpu.vector_load_idx %gather3A_873[%add3A_22, %add3A_869] : memref<128x128xf32, #tpu.memory_space<vmem>>[vector<16xi32>, vector<16xi32>], vector<16xf32>,
        %scatter3A_875 = arith.constant 0 : i32
        %scatter3A_876 = arith.constant 0 : i32
        %scatter3A_877 = tpu.memref_slice %arg8[%scan3A_200, %scatter3A_875, %scatter3A_876] : memref<2x64x128xf32, #tpu.memory_space<vmem>> -> memref<1x64x128xf32, #tpu.memory_space<vmem>>
        %scatter3A_878 = tpu.memref_squeeze %scatter3A_877 : memref<1x64x128xf32, #tpu.memory_space<vmem>> -> memref<64x128xf32, #tpu.memory_space<vmem>>
        tpu.vector_store_idx %scatter3A_878[%and3A_828, %add3A_22], %gather3A_874 : memref<64x128xf32, #tpu.memory_space<vmem>>[vector<16xi32>, vector<16xi32>], vector<16xf32>,
        %add3A_879 = arith.addi %and3A_828, %select_n3A_175 : vector<16xi32>
        %gather3A_880 = arith.constant 0 : i32
        %gather3A_881 = arith.constant 0 : i32
        %gather3A_882 = tpu.memref_slice %arg7[%scan3A_199, %gather3A_880, %gather3A_881] : memref<2x128x128xf32, #tpu.memory_space<vmem>> -> memref<1x128x128xf32, #tpu.memory_space<vmem>>
        %gather3A_883 = tpu.memref_squeeze %gather3A_882 : memref<1x128x128xf32, #tpu.memory_space<vmem>> -> memref<128x128xf32, #tpu.memory_space<vmem>>
        %gather3A_884 = tpu.vector_load_idx %gather3A_883[%add3A_25, %add3A_879] : memref<128x128xf32, #tpu.memory_space<vmem>>[vector<16xi32>, vector<16xi32>], vector<16xf32>,
        %scatter3A_885 = arith.constant 0 : i32
        %scatter3A_886 = arith.constant 0 : i32
        %scatter3A_887 = tpu.memref_slice %arg8[%scan3A_200, %scatter3A_885, %scatter3A_886] : memref<2x64x128xf32, #tpu.memory_space<vmem>> -> memref<1x64x128xf32, #tpu.memory_space<vmem>>
        %scatter3A_888 = tpu.memref_squeeze %scatter3A_887 : memref<1x64x128xf32, #tpu.memory_space<vmem>> -> memref<64x128xf32, #tpu.memory_space<vmem>>
        tpu.vector_store_idx %scatter3A_888[%and3A_828, %add3A_25], %gather3A_884 : memref<64x128xf32, #tpu.memory_space<vmem>>[vector<16xi32>, vector<16xi32>], vector<16xf32>,
        %add3A_889 = arith.addi %and3A_828, %select_n3A_186 : vector<16xi32>
        %gather3A_890 = arith.constant 0 : i32
        %gather3A_891 = arith.constant 0 : i32
        %gather3A_892 = tpu.memref_slice %arg7[%scan3A_199, %gather3A_890, %gather3A_891] : memref<2x128x128xf32, #tpu.memory_space<vmem>> -> memref<1x128x128xf32, #tpu.memory_space<vmem>>
        %gather3A_893 = tpu.memref_squeeze %gather3A_892 : memref<1x128x128xf32, #tpu.memory_space<vmem>> -> memref<128x128xf32, #tpu.memory_space<vmem>>
        %gather3A_894 = tpu.vector_load_idx %gather3A_893[%add3A_28, %add3A_889] : memref<128x128xf32, #tpu.memory_space<vmem>>[vector<16xi32>, vector<16xi32>], vector<16xf32>,
        %scatter3A_895 = arith.constant 0 : i32
        %scatter3A_896 = arith.constant 0 : i32
        %scatter3A_897 = tpu.memref_slice %arg8[%scan3A_200, %scatter3A_895, %scatter3A_896] : memref<2x64x128xf32, #tpu.memory_space<vmem>> -> memref<1x64x128xf32, #tpu.memory_space<vmem>>
        %scatter3A_898 = tpu.memref_squeeze %scatter3A_897 : memref<1x64x128xf32, #tpu.memory_space<vmem>> -> memref<64x128xf32, #tpu.memory_space<vmem>>
        tpu.vector_store_idx %scatter3A_898[%and3A_828, %add3A_28], %gather3A_894 : memref<64x128xf32, #tpu.memory_space<vmem>>[vector<16xi32>, vector<16xi32>], vector<16xf32>,
        %add3A_899 = arith.addi %and3A_828, %select_n3A_197 : vector<16xi32>
        %gather3A_900 = arith.constant 0 : i32
        %gather3A_901 = arith.constant 0 : i32
        %gather3A_902 = tpu.memref_slice %arg7[%scan3A_199, %gather3A_900, %gather3A_901] : memref<2x128x128xf32, #tpu.memory_space<vmem>> -> memref<1x128x128xf32, #tpu.memory_space<vmem>>
        %gather3A_903 = tpu.memref_squeeze %gather3A_902 : memref<1x128x128xf32, #tpu.memory_space<vmem>> -> memref<128x128xf32, #tpu.memory_space<vmem>>
        %gather3A_904 = tpu.vector_load_idx %gather3A_903[%add3A_31, %add3A_899] : memref<128x128xf32, #tpu.memory_space<vmem>>[vector<16xi32>, vector<16xi32>], vector<16xf32>,
        %scatter3A_905 = arith.constant 0 : i32
        %scatter3A_906 = arith.constant 0 : i32
        %scatter3A_907 = tpu.memref_slice %arg8[%scan3A_200, %scatter3A_905, %scatter3A_906] : memref<2x64x128xf32, #tpu.memory_space<vmem>> -> memref<1x64x128xf32, #tpu.memory_space<vmem>>
        %scatter3A_908 = tpu.memref_squeeze %scatter3A_907 : memref<1x64x128xf32, #tpu.memory_space<vmem>> -> memref<64x128xf32, #tpu.memory_space<vmem>>
        tpu.vector_store_idx %scatter3A_908[%and3A_828, %add3A_31], %gather3A_904 : memref<64x128xf32, #tpu.memory_space<vmem>>[vector<16xi32>, vector<16xi32>], vector<16xf32>,
        %mul3A_909 = arith.constant 8 : i32
        %mul3A_910 = arith.muli %scan3A_371, %mul3A_909 : i32
        %add3A_911 = vector.broadcast %mul3A_910 : i32 to vector<16xi32>
        %add3A_912 = arith.addi %iota3A, %add3A_911 : vector<16xi32>
        %add3A_913 = arith.constant 6 : i32
        %add3A_914 = vector.broadcast %add3A_913 : i32 to vector<16xi32>
        %add3A_915 = arith.addi %add3A_912, %add3A_914 : vector<16xi32>
        %and3A_916 = arith.constant 63 : i32
        %and3A_917 = vector.broadcast %and3A_916 : i32 to vector<16xi32>
        %and3A_918 = arith.andi %add3A_915, %and3A_917 : vector<16xi32>
        %add3A_919 = arith.addi %and3A_918, %select_n3A : vector<16xi32>
        %gather3A_920 = arith.constant 0 : i32
        %gather3A_921 = arith.constant 0 : i32
        %gather3A_922 = tpu.memref_slice %arg7[%scan3A_199, %gather3A_920, %gather3A_921] : memref<2x128x128xf32, #tpu.memory_space<vmem>> -> memref<1x128x128xf32, #tpu.memory_space<vmem>>
        %gather3A_923 = tpu.memref_squeeze %gather3A_922 : memref<1x128x128xf32, #tpu.memory_space<vmem>> -> memref<128x128xf32, #tpu.memory_space<vmem>>
        %gather3A_924 = tpu.vector_load_idx %gather3A_923[%add3A_10, %add3A_919] : memref<128x128xf32, #tpu.memory_space<vmem>>[vector<16xi32>, vector<16xi32>], vector<16xf32>,
        %scatter3A_925 = arith.constant 0 : i32
        %scatter3A_926 = arith.constant 0 : i32
        %scatter3A_927 = tpu.memref_slice %arg8[%scan3A_200, %scatter3A_925, %scatter3A_926] : memref<2x64x128xf32, #tpu.memory_space<vmem>> -> memref<1x64x128xf32, #tpu.memory_space<vmem>>
        %scatter3A_928 = tpu.memref_squeeze %scatter3A_927 : memref<1x64x128xf32, #tpu.memory_space<vmem>> -> memref<64x128xf32, #tpu.memory_space<vmem>>
        tpu.vector_store_idx %scatter3A_928[%and3A_918, %add3A_10], %gather3A_924 : memref<64x128xf32, #tpu.memory_space<vmem>>[vector<16xi32>, vector<16xi32>], vector<16xf32>,
        %add3A_929 = arith.addi %and3A_918, %select_n3A_131 : vector<16xi32>
        %gather3A_930 = arith.constant 0 : i32
        %gather3A_931 = arith.constant 0 : i32
        %gather3A_932 = tpu.memref_slice %arg7[%scan3A_199, %gather3A_930, %gather3A_931] : memref<2x128x128xf32, #tpu.memory_space<vmem>> -> memref<1x128x128xf32, #tpu.memory_space<vmem>>
        %gather3A_933 = tpu.memref_squeeze %gather3A_932 : memref<1x128x128xf32, #tpu.memory_space<vmem>> -> memref<128x128xf32, #tpu.memory_space<vmem>>
        %gather3A_934 = tpu.vector_load_idx %gather3A_933[%add3A_13, %add3A_929] : memref<128x128xf32, #tpu.memory_space<vmem>>[vector<16xi32>, vector<16xi32>], vector<16xf32>,
        %scatter3A_935 = arith.constant 0 : i32
        %scatter3A_936 = arith.constant 0 : i32
        %scatter3A_937 = tpu.memref_slice %arg8[%scan3A_200, %scatter3A_935, %scatter3A_936] : memref<2x64x128xf32, #tpu.memory_space<vmem>> -> memref<1x64x128xf32, #tpu.memory_space<vmem>>
        %scatter3A_938 = tpu.memref_squeeze %scatter3A_937 : memref<1x64x128xf32, #tpu.memory_space<vmem>> -> memref<64x128xf32, #tpu.memory_space<vmem>>
        tpu.vector_store_idx %scatter3A_938[%and3A_918, %add3A_13], %gather3A_934 : memref<64x128xf32, #tpu.memory_space<vmem>>[vector<16xi32>, vector<16xi32>], vector<16xf32>,
        %add3A_939 = arith.addi %and3A_918, %select_n3A_142 : vector<16xi32>
        %gather3A_940 = arith.constant 0 : i32
        %gather3A_941 = arith.constant 0 : i32
        %gather3A_942 = tpu.memref_slice %arg7[%scan3A_199, %gather3A_940, %gather3A_941] : memref<2x128x128xf32, #tpu.memory_space<vmem>> -> memref<1x128x128xf32, #tpu.memory_space<vmem>>
        %gather3A_943 = tpu.memref_squeeze %gather3A_942 : memref<1x128x128xf32, #tpu.memory_space<vmem>> -> memref<128x128xf32, #tpu.memory_space<vmem>>
        %gather3A_944 = tpu.vector_load_idx %gather3A_943[%add3A_16, %add3A_939] : memref<128x128xf32, #tpu.memory_space<vmem>>[vector<16xi32>, vector<16xi32>], vector<16xf32>,
        %scatter3A_945 = arith.constant 0 : i32
        %scatter3A_946 = arith.constant 0 : i32
        %scatter3A_947 = tpu.memref_slice %arg8[%scan3A_200, %scatter3A_945, %scatter3A_946] : memref<2x64x128xf32, #tpu.memory_space<vmem>> -> memref<1x64x128xf32, #tpu.memory_space<vmem>>
        %scatter3A_948 = tpu.memref_squeeze %scatter3A_947 : memref<1x64x128xf32, #tpu.memory_space<vmem>> -> memref<64x128xf32, #tpu.memory_space<vmem>>
        tpu.vector_store_idx %scatter3A_948[%and3A_918, %add3A_16], %gather3A_944 : memref<64x128xf32, #tpu.memory_space<vmem>>[vector<16xi32>, vector<16xi32>], vector<16xf32>,
        %add3A_949 = arith.addi %and3A_918, %select_n3A_153 : vector<16xi32>
        %gather3A_950 = arith.constant 0 : i32
        %gather3A_951 = arith.constant 0 : i32
        %gather3A_952 = tpu.memref_slice %arg7[%scan3A_199, %gather3A_950, %gather3A_951] : memref<2x128x128xf32, #tpu.memory_space<vmem>> -> memref<1x128x128xf32, #tpu.memory_space<vmem>>
        %gather3A_953 = tpu.memref_squeeze %gather3A_952 : memref<1x128x128xf32, #tpu.memory_space<vmem>> -> memref<128x128xf32, #tpu.memory_space<vmem>>
        %gather3A_954 = tpu.vector_load_idx %gather3A_953[%add3A_19, %add3A_949] : memref<128x128xf32, #tpu.memory_space<vmem>>[vector<16xi32>, vector<16xi32>], vector<16xf32>,
        %scatter3A_955 = arith.constant 0 : i32
        %scatter3A_956 = arith.constant 0 : i32
        %scatter3A_957 = tpu.memref_slice %arg8[%scan3A_200, %scatter3A_955, %scatter3A_956] : memref<2x64x128xf32, #tpu.memory_space<vmem>> -> memref<1x64x128xf32, #tpu.memory_space<vmem>>
        %scatter3A_958 = tpu.memref_squeeze %scatter3A_957 : memref<1x64x128xf32, #tpu.memory_space<vmem>> -> memref<64x128xf32, #tpu.memory_space<vmem>>
        tpu.vector_store_idx %scatter3A_958[%and3A_918, %add3A_19], %gather3A_954 : memref<64x128xf32, #tpu.memory_space<vmem>>[vector<16xi32>, vector<16xi32>], vector<16xf32>,
        %add3A_959 = arith.addi %and3A_918, %select_n3A_164 : vector<16xi32>
        %gather3A_960 = arith.constant 0 : i32
        %gather3A_961 = arith.constant 0 : i32
        %gather3A_962 = tpu.memref_slice %arg7[%scan3A_199, %gather3A_960, %gather3A_961] : memref<2x128x128xf32, #tpu.memory_space<vmem>> -> memref<1x128x128xf32, #tpu.memory_space<vmem>>
        %gather3A_963 = tpu.memref_squeeze %gather3A_962 : memref<1x128x128xf32, #tpu.memory_space<vmem>> -> memref<128x128xf32, #tpu.memory_space<vmem>>
        %gather3A_964 = tpu.vector_load_idx %gather3A_963[%add3A_22, %add3A_959] : memref<128x128xf32, #tpu.memory_space<vmem>>[vector<16xi32>, vector<16xi32>], vector<16xf32>,
        %scatter3A_965 = arith.constant 0 : i32
        %scatter3A_966 = arith.constant 0 : i32
        %scatter3A_967 = tpu.memref_slice %arg8[%scan3A_200, %scatter3A_965, %scatter3A_966] : memref<2x64x128xf32, #tpu.memory_space<vmem>> -> memref<1x64x128xf32, #tpu.memory_space<vmem>>
        %scatter3A_968 = tpu.memref_squeeze %scatter3A_967 : memref<1x64x128xf32, #tpu.memory_space<vmem>> -> memref<64x128xf32, #tpu.memory_space<vmem>>
        tpu.vector_store_idx %scatter3A_968[%and3A_918, %add3A_22], %gather3A_964 : memref<64x128xf32, #tpu.memory_space<vmem>>[vector<16xi32>, vector<16xi32>], vector<16xf32>,
        %add3A_969 = arith.addi %and3A_918, %select_n3A_175 : vector<16xi32>
        %gather3A_970 = arith.constant 0 : i32
        %gather3A_971 = arith.constant 0 : i32
        %gather3A_972 = tpu.memref_slice %arg7[%scan3A_199, %gather3A_970, %gather3A_971] : memref<2x128x128xf32, #tpu.memory_space<vmem>> -> memref<1x128x128xf32, #tpu.memory_space<vmem>>
        %gather3A_973 = tpu.memref_squeeze %gather3A_972 : memref<1x128x128xf32, #tpu.memory_space<vmem>> -> memref<128x128xf32, #tpu.memory_space<vmem>>
        %gather3A_974 = tpu.vector_load_idx %gather3A_973[%add3A_25, %add3A_969] : memref<128x128xf32, #tpu.memory_space<vmem>>[vector<16xi32>, vector<16xi32>], vector<16xf32>,
        %scatter3A_975 = arith.constant 0 : i32
        %scatter3A_976 = arith.constant 0 : i32
        %scatter3A_977 = tpu.memref_slice %arg8[%scan3A_200, %scatter3A_975, %scatter3A_976] : memref<2x64x128xf32, #tpu.memory_space<vmem>> -> memref<1x64x128xf32, #tpu.memory_space<vmem>>
        %scatter3A_978 = tpu.memref_squeeze %scatter3A_977 : memref<1x64x128xf32, #tpu.memory_space<vmem>> -> memref<64x128xf32, #tpu.memory_space<vmem>>
        tpu.vector_store_idx %scatter3A_978[%and3A_918, %add3A_25], %gather3A_974 : memref<64x128xf32, #tpu.memory_space<vmem>>[vector<16xi32>, vector<16xi32>], vector<16xf32>,
        %add3A_979 = arith.addi %and3A_918, %select_n3A_186 : vector<16xi32>
        %gather3A_980 = arith.constant 0 : i32
        %gather3A_981 = arith.constant 0 : i32
        %gather3A_982 = tpu.memref_slice %arg7[%scan3A_199, %gather3A_980, %gather3A_981] : memref<2x128x128xf32, #tpu.memory_space<vmem>> -> memref<1x128x128xf32, #tpu.memory_space<vmem>>
        %gather3A_983 = tpu.memref_squeeze %gather3A_982 : memref<1x128x128xf32, #tpu.memory_space<vmem>> -> memref<128x128xf32, #tpu.memory_space<vmem>>
        %gather3A_984 = tpu.vector_load_idx %gather3A_983[%add3A_28, %add3A_979] : memref<128x128xf32, #tpu.memory_space<vmem>>[vector<16xi32>, vector<16xi32>], vector<16xf32>,
        %scatter3A_985 = arith.constant 0 : i32
        %scatter3A_986 = arith.constant 0 : i32
        %scatter3A_987 = tpu.memref_slice %arg8[%scan3A_200, %scatter3A_985, %scatter3A_986] : memref<2x64x128xf32, #tpu.memory_space<vmem>> -> memref<1x64x128xf32, #tpu.memory_space<vmem>>
        %scatter3A_988 = tpu.memref_squeeze %scatter3A_987 : memref<1x64x128xf32, #tpu.memory_space<vmem>> -> memref<64x128xf32, #tpu.memory_space<vmem>>
        tpu.vector_store_idx %scatter3A_988[%and3A_918, %add3A_28], %gather3A_984 : memref<64x128xf32, #tpu.memory_space<vmem>>[vector<16xi32>, vector<16xi32>], vector<16xf32>,
        %add3A_989 = arith.addi %and3A_918, %select_n3A_197 : vector<16xi32>
        %gather3A_990 = arith.constant 0 : i32
        %gather3A_991 = arith.constant 0 : i32
        %gather3A_992 = tpu.memref_slice %arg7[%scan3A_199, %gather3A_990, %gather3A_991] : memref<2x128x128xf32, #tpu.memory_space<vmem>> -> memref<1x128x128xf32, #tpu.memory_space<vmem>>
        %gather3A_993 = tpu.memref_squeeze %gather3A_992 : memref<1x128x128xf32, #tpu.memory_space<vmem>> -> memref<128x128xf32, #tpu.memory_space<vmem>>
        %gather3A_994 = tpu.vector_load_idx %gather3A_993[%add3A_31, %add3A_989] : memref<128x128xf32, #tpu.memory_space<vmem>>[vector<16xi32>, vector<16xi32>], vector<16xf32>,
        %scatter3A_995 = arith.constant 0 : i32
        %scatter3A_996 = arith.constant 0 : i32
        %scatter3A_997 = tpu.memref_slice %arg8[%scan3A_200, %scatter3A_995, %scatter3A_996] : memref<2x64x128xf32, #tpu.memory_space<vmem>> -> memref<1x64x128xf32, #tpu.memory_space<vmem>>
        %scatter3A_998 = tpu.memref_squeeze %scatter3A_997 : memref<1x64x128xf32, #tpu.memory_space<vmem>> -> memref<64x128xf32, #tpu.memory_space<vmem>>
        tpu.vector_store_idx %scatter3A_998[%and3A_918, %add3A_31], %gather3A_994 : memref<64x128xf32, #tpu.memory_space<vmem>>[vector<16xi32>, vector<16xi32>], vector<16xf32>,
        %mul3A_999 = arith.constant 8 : i32
        %mul3A_1000 = arith.muli %scan3A_371, %mul3A_999 : i32
        %add3A_1001 = vector.broadcast %mul3A_1000 : i32 to vector<16xi32>
        %add3A_1002 = arith.addi %iota3A, %add3A_1001 : vector<16xi32>
        %add3A_1003 = arith.constant 7 : i32
        %add3A_1004 = vector.broadcast %add3A_1003 : i32 to vector<16xi32>
        %add3A_1005 = arith.addi %add3A_1002, %add3A_1004 : vector<16xi32>
        %and3A_1006 = arith.constant 63 : i32
        %and3A_1007 = vector.broadcast %and3A_1006 : i32 to vector<16xi32>
        %and3A_1008 = arith.andi %add3A_1005, %and3A_1007 : vector<16xi32>
        %add3A_1009 = arith.addi %and3A_1008, %select_n3A : vector<16xi32>
        %gather3A_1010 = arith.constant 0 : i32
        %gather3A_1011 = arith.constant 0 : i32
        %gather3A_1012 = tpu.memref_slice %arg7[%scan3A_199, %gather3A_1010, %gather3A_1011] : memref<2x128x128xf32, #tpu.memory_space<vmem>> -> memref<1x128x128xf32, #tpu.memory_space<vmem>>
        %gather3A_1013 = tpu.memref_squeeze %gather3A_1012 : memref<1x128x128xf32, #tpu.memory_space<vmem>> -> memref<128x128xf32, #tpu.memory_space<vmem>>
        %gather3A_1014 = tpu.vector_load_idx %gather3A_1013[%add3A_10, %add3A_1009] : memref<128x128xf32, #tpu.memory_space<vmem>>[vector<16xi32>, vector<16xi32>], vector<16xf32>,
        %scatter3A_1015 = arith.constant 0 : i32
        %scatter3A_1016 = arith.constant 0 : i32
        %scatter3A_1017 = tpu.memref_slice %arg8[%scan3A_200, %scatter3A_1015, %scatter3A_1016] : memref<2x64x128xf32, #tpu.memory_space<vmem>> -> memref<1x64x128xf32, #tpu.memory_space<vmem>>
        %scatter3A_1018 = tpu.memref_squeeze %scatter3A_1017 : memref<1x64x128xf32, #tpu.memory_space<vmem>> -> memref<64x128xf32, #tpu.memory_space<vmem>>
        tpu.vector_store_idx %scatter3A_1018[%and3A_1008, %add3A_10], %gather3A_1014 : memref<64x128xf32, #tpu.memory_space<vmem>>[vector<16xi32>, vector<16xi32>], vector<16xf32>,
        %add3A_1019 = arith.addi %and3A_1008, %select_n3A_131 : vector<16xi32>
        %gather3A_1020 = arith.constant 0 : i32
        %gather3A_1021 = arith.constant 0 : i32
        %gather3A_1022 = tpu.memref_slice %arg7[%scan3A_199, %gather3A_1020, %gather3A_1021] : memref<2x128x128xf32, #tpu.memory_space<vmem>> -> memref<1x128x128xf32, #tpu.memory_space<vmem>>
        %gather3A_1023 = tpu.memref_squeeze %gather3A_1022 : memref<1x128x128xf32, #tpu.memory_space<vmem>> -> memref<128x128xf32, #tpu.memory_space<vmem>>
        %gather3A_1024 = tpu.vector_load_idx %gather3A_1023[%add3A_13, %add3A_1019] : memref<128x128xf32, #tpu.memory_space<vmem>>[vector<16xi32>, vector<16xi32>], vector<16xf32>,
        %scatter3A_1025 = arith.constant 0 : i32
        %scatter3A_1026 = arith.constant 0 : i32
        %scatter3A_1027 = tpu.memref_slice %arg8[%scan3A_200, %scatter3A_1025, %scatter3A_1026] : memref<2x64x128xf32, #tpu.memory_space<vmem>> -> memref<1x64x128xf32, #tpu.memory_space<vmem>>
        %scatter3A_1028 = tpu.memref_squeeze %scatter3A_1027 : memref<1x64x128xf32, #tpu.memory_space<vmem>> -> memref<64x128xf32, #tpu.memory_space<vmem>>
        tpu.vector_store_idx %scatter3A_1028[%and3A_1008, %add3A_13], %gather3A_1024 : memref<64x128xf32, #tpu.memory_space<vmem>>[vector<16xi32>, vector<16xi32>], vector<16xf32>,
        %add3A_1029 = arith.addi %and3A_1008, %select_n3A_142 : vector<16xi32>
        %gather3A_1030 = arith.constant 0 : i32
        %gather3A_1031 = arith.constant 0 : i32
        %gather3A_1032 = tpu.memref_slice %arg7[%scan3A_199, %gather3A_1030, %gather3A_1031] : memref<2x128x128xf32, #tpu.memory_space<vmem>> -> memref<1x128x128xf32, #tpu.memory_space<vmem>>
        %gather3A_1033 = tpu.memref_squeeze %gather3A_1032 : memref<1x128x128xf32, #tpu.memory_space<vmem>> -> memref<128x128xf32, #tpu.memory_space<vmem>>
        %gather3A_1034 = tpu.vector_load_idx %gather3A_1033[%add3A_16, %add3A_1029] : memref<128x128xf32, #tpu.memory_space<vmem>>[vector<16xi32>, vector<16xi32>], vector<16xf32>,
        %scatter3A_1035 = arith.constant 0 : i32
        %scatter3A_1036 = arith.constant 0 : i32
        %scatter3A_1037 = tpu.memref_slice %arg8[%scan3A_200, %scatter3A_1035, %scatter3A_1036] : memref<2x64x128xf32, #tpu.memory_space<vmem>> -> memref<1x64x128xf32, #tpu.memory_space<vmem>>
        %scatter3A_1038 = tpu.memref_squeeze %scatter3A_1037 : memref<1x64x128xf32, #tpu.memory_space<vmem>> -> memref<64x128xf32, #tpu.memory_space<vmem>>
        tpu.vector_store_idx %scatter3A_1038[%and3A_1008, %add3A_16], %gather3A_1034 : memref<64x128xf32, #tpu.memory_space<vmem>>[vector<16xi32>, vector<16xi32>], vector<16xf32>,
        %add3A_1039 = arith.addi %and3A_1008, %select_n3A_153 : vector<16xi32>
        %gather3A_1040 = arith.constant 0 : i32
        %gather3A_1041 = arith.constant 0 : i32
        %gather3A_1042 = tpu.memref_slice %arg7[%scan3A_199, %gather3A_1040, %gather3A_1041] : memref<2x128x128xf32, #tpu.memory_space<vmem>> -> memref<1x128x128xf32, #tpu.memory_space<vmem>>
        %gather3A_1043 = tpu.memref_squeeze %gather3A_1042 : memref<1x128x128xf32, #tpu.memory_space<vmem>> -> memref<128x128xf32, #tpu.memory_space<vmem>>
        %gather3A_1044 = tpu.vector_load_idx %gather3A_1043[%add3A_19, %add3A_1039] : memref<128x128xf32, #tpu.memory_space<vmem>>[vector<16xi32>, vector<16xi32>], vector<16xf32>,
        %scatter3A_1045 = arith.constant 0 : i32
        %scatter3A_1046 = arith.constant 0 : i32
        %scatter3A_1047 = tpu.memref_slice %arg8[%scan3A_200, %scatter3A_1045, %scatter3A_1046] : memref<2x64x128xf32, #tpu.memory_space<vmem>> -> memref<1x64x128xf32, #tpu.memory_space<vmem>>
        %scatter3A_1048 = tpu.memref_squeeze %scatter3A_1047 : memref<1x64x128xf32, #tpu.memory_space<vmem>> -> memref<64x128xf32, #tpu.memory_space<vmem>>
        tpu.vector_store_idx %scatter3A_1048[%and3A_1008, %add3A_19], %gather3A_1044 : memref<64x128xf32, #tpu.memory_space<vmem>>[vector<16xi32>, vector<16xi32>], vector<16xf32>,
        %add3A_1049 = arith.addi %and3A_1008, %select_n3A_164 : vector<16xi32>
        %gather3A_1050 = arith.constant 0 : i32
        %gather3A_1051 = arith.constant 0 : i32
        %gather3A_1052 = tpu.memref_slice %arg7[%scan3A_199, %gather3A_1050, %gather3A_1051] : memref<2x128x128xf32, #tpu.memory_space<vmem>> -> memref<1x128x128xf32, #tpu.memory_space<vmem>>
        %gather3A_1053 = tpu.memref_squeeze %gather3A_1052 : memref<1x128x128xf32, #tpu.memory_space<vmem>> -> memref<128x128xf32, #tpu.memory_space<vmem>>
        %gather3A_1054 = tpu.vector_load_idx %gather3A_1053[%add3A_22, %add3A_1049] : memref<128x128xf32, #tpu.memory_space<vmem>>[vector<16xi32>, vector<16xi32>], vector<16xf32>,
        %scatter3A_1055 = arith.constant 0 : i32
        %scatter3A_1056 = arith.constant 0 : i32
        %scatter3A_1057 = tpu.memref_slice %arg8[%scan3A_200, %scatter3A_1055, %scatter3A_1056] : memref<2x64x128xf32, #tpu.memory_space<vmem>> -> memref<1x64x128xf32, #tpu.memory_space<vmem>>
        %scatter3A_1058 = tpu.memref_squeeze %scatter3A_1057 : memref<1x64x128xf32, #tpu.memory_space<vmem>> -> memref<64x128xf32, #tpu.memory_space<vmem>>
        tpu.vector_store_idx %scatter3A_1058[%and3A_1008, %add3A_22], %gather3A_1054 : memref<64x128xf32, #tpu.memory_space<vmem>>[vector<16xi32>, vector<16xi32>], vector<16xf32>,
        %add3A_1059 = arith.addi %and3A_1008, %select_n3A_175 : vector<16xi32>
        %gather3A_1060 = arith.constant 0 : i32
        %gather3A_1061 = arith.constant 0 : i32
        %gather3A_1062 = tpu.memref_slice %arg7[%scan3A_199, %gather3A_1060, %gather3A_1061] : memref<2x128x128xf32, #tpu.memory_space<vmem>> -> memref<1x128x128xf32, #tpu.memory_space<vmem>>
        %gather3A_1063 = tpu.memref_squeeze %gather3A_1062 : memref<1x128x128xf32, #tpu.memory_space<vmem>> -> memref<128x128xf32, #tpu.memory_space<vmem>>
        %gather3A_1064 = tpu.vector_load_idx %gather3A_1063[%add3A_25, %add3A_1059] : memref<128x128xf32, #tpu.memory_space<vmem>>[vector<16xi32>, vector<16xi32>], vector<16xf32>,
        %scatter3A_1065 = arith.constant 0 : i32
        %scatter3A_1066 = arith.constant 0 : i32
        %scatter3A_1067 = tpu.memref_slice %arg8[%scan3A_200, %scatter3A_1065, %scatter3A_1066] : memref<2x64x128xf32, #tpu.memory_space<vmem>> -> memref<1x64x128xf32, #tpu.memory_space<vmem>>
        %scatter3A_1068 = tpu.memref_squeeze %scatter3A_1067 : memref<1x64x128xf32, #tpu.memory_space<vmem>> -> memref<64x128xf32, #tpu.memory_space<vmem>>
        tpu.vector_store_idx %scatter3A_1068[%and3A_1008, %add3A_25], %gather3A_1064 : memref<64x128xf32, #tpu.memory_space<vmem>>[vector<16xi32>, vector<16xi32>], vector<16xf32>,
        %add3A_1069 = arith.addi %and3A_1008, %select_n3A_186 : vector<16xi32>
        %gather3A_1070 = arith.constant 0 : i32
        %gather3A_1071 = arith.constant 0 : i32
        %gather3A_1072 = tpu.memref_slice %arg7[%scan3A_199, %gather3A_1070, %gather3A_1071] : memref<2x128x128xf32, #tpu.memory_space<vmem>> -> memref<1x128x128xf32, #tpu.memory_space<vmem>>
        %gather3A_1073 = tpu.memref_squeeze %gather3A_1072 : memref<1x128x128xf32, #tpu.memory_space<vmem>> -> memref<128x128xf32, #tpu.memory_space<vmem>>
        %gather3A_1074 = tpu.vector_load_idx %gather3A_1073[%add3A_28, %add3A_1069] : memref<128x128xf32, #tpu.memory_space<vmem>>[vector<16xi32>, vector<16xi32>], vector<16xf32>,
        %scatter3A_1075 = arith.constant 0 : i32
        %scatter3A_1076 = arith.constant 0 : i32
        %scatter3A_1077 = tpu.memref_slice %arg8[%scan3A_200, %scatter3A_1075, %scatter3A_1076] : memref<2x64x128xf32, #tpu.memory_space<vmem>> -> memref<1x64x128xf32, #tpu.memory_space<vmem>>
        %scatter3A_1078 = tpu.memref_squeeze %scatter3A_1077 : memref<1x64x128xf32, #tpu.memory_space<vmem>> -> memref<64x128xf32, #tpu.memory_space<vmem>>
        tpu.vector_store_idx %scatter3A_1078[%and3A_1008, %add3A_28], %gather3A_1074 : memref<64x128xf32, #tpu.memory_space<vmem>>[vector<16xi32>, vector<16xi32>], vector<16xf32>,
        %add3A_1079 = arith.addi %and3A_1008, %select_n3A_197 : vector<16xi32>
        %gather3A_1080 = arith.constant 0 : i32
        %gather3A_1081 = arith.constant 0 : i32
        %gather3A_1082 = tpu.memref_slice %arg7[%scan3A_199, %gather3A_1080, %gather3A_1081] : memref<2x128x128xf32, #tpu.memory_space<vmem>> -> memref<1x128x128xf32, #tpu.memory_space<vmem>>
        %gather3A_1083 = tpu.memref_squeeze %gather3A_1082 : memref<1x128x128xf32, #tpu.memory_space<vmem>> -> memref<128x128xf32, #tpu.memory_space<vmem>>
        %gather3A_1084 = tpu.vector_load_idx %gather3A_1083[%add3A_31, %add3A_1079] : memref<128x128xf32, #tpu.memory_space<vmem>>[vector<16xi32>, vector<16xi32>], vector<16xf32>,
        %scatter3A_1085 = arith.constant 0 : i32
        %scatter3A_1086 = arith.constant 0 : i32
        %scatter3A_1087 = tpu.memref_slice %arg8[%scan3A_200, %scatter3A_1085, %scatter3A_1086] : memref<2x64x128xf32, #tpu.memory_space<vmem>> -> memref<1x64x128xf32, #tpu.memory_space<vmem>>
        %scatter3A_1088 = tpu.memref_squeeze %scatter3A_1087 : memref<1x64x128xf32, #tpu.memory_space<vmem>> -> memref<64x128xf32, #tpu.memory_space<vmem>>
        tpu.vector_store_idx %scatter3A_1088[%and3A_1008, %add3A_31], %gather3A_1084 : memref<64x128xf32, #tpu.memory_space<vmem>>[vector<16xi32>, vector<16xi32>], vector<16xf32>,
      }
      %scan3A_205 = arith.constant 8 : i32
      %dma_start3A_206 = arith.constant 0 : i32
      %dma_start3A_207 = arith.constant 0 : i32
      %dma_start3A_208 = arith.constant 0 : i32
      %dma_start3A_209 = tpu.memref_slice %arg8[%dma_start3A_206, %dma_start3A_207, %dma_start3A_208] : memref<2x64x128xf32, #tpu.memory_space<vmem>> -> memref<1x64x128xf32, #tpu.memory_space<vmem>>
      %dma_start3A_210 = tpu.memref_squeeze %dma_start3A_209 : memref<1x64x128xf32, #tpu.memory_space<vmem>> -> memref<64x128xf32, #tpu.memory_space<vmem>>
      %dma_start3A_211 = arith.constant 0 : i32
      %dma_start3A_212 = arith.constant 0 : i32
      %dma_start3A_213 = tpu.memref_slice %arg4[%mul3A_94, %dma_start3A_211, %dma_start3A_212] : memref<200x64x4096xf32, #tpu.memory_space<hbm>> -> memref<1x64x4096xf32, #tpu.memory_space<hbm>>
      %dma_start3A_214 = tpu.memref_squeeze %dma_start3A_213 : memref<1x64x4096xf32, #tpu.memory_space<hbm>> -> memref<64x4096xf32, #tpu.memory_space<hbm>>
      %dma_start3A_215 = arith.constant 0 : i32
      %dma_start3A_216 = tpu.memref_slice %dma_start3A_214[%dma_start3A_215, %mul3A_2] : memref<64x4096xf32, #tpu.memory_space<hbm>> -> memref<64x128xf32, #tpu.memory_space<hbm>>
      %dma_start3A_217 = arith.constant 0 : i32
      %dma_start3A_218 = arith.constant 0 : i32
      %dma_start3A_219 = tpu.memref_slice %arg4[%mul3A_94, %dma_start3A_217, %dma_start3A_218] : memref<200x64x4096xf32, #tpu.memory_space<hbm>> -> memref<1x64x4096xf32, #tpu.memory_space<hbm>>
      %dma_start3A_220 = tpu.memref_squeeze %dma_start3A_219 : memref<1x64x4096xf32, #tpu.memory_space<hbm>> -> memref<64x4096xf32, #tpu.memory_space<hbm>>
      %dma_start3A_221 = arith.constant 0 : i32
      %dma_start3A_222 = tpu.memref_slice %dma_start3A_220[%dma_start3A_221, %mul3A_2] : memref<64x4096xf32, #tpu.memory_space<hbm>> -> memref<64x128xf32, #tpu.memory_space<hbm>>
      %dma_start3A_223 = arith.constant 0 : i32
      %dma_start3A_224 = arith.constant 0 : i32
      %dma_start3A_225 = tpu.memref_slice %arg8[%dma_start3A_206, %dma_start3A_223, %dma_start3A_224] : memref<2x64x128xf32, #tpu.memory_space<vmem>> -> memref<1x64x128xf32, #tpu.memory_space<vmem>>
      %dma_start3A_226 = tpu.memref_squeeze %dma_start3A_225 : memref<1x64x128xf32, #tpu.memory_space<vmem>> -> memref<64x128xf32, #tpu.memory_space<vmem>>
      tpu.enqueue_dma source(%dma_start3A_226 : memref<64x128xf32, #tpu.memory_space<vmem>>) target(%dma_start3A_222 : memref<64x128xf32, #tpu.memory_space<hbm>>) target_semaphore(%arg11 : memref<!tpu.dma_semaphore, #tpu.memory_space<semaphore_mem>>)
      %mul3A_227 = arith.constant 2 : i32
      %mul3A_228 = arith.muli %mul3A_227, %scan3A_92 : i32
      %add3A_229 = arith.constant 1 : i32
      %add3A_230 = arith.addi %mul3A_228, %add3A_229 : i32
      %add3A_231 = arith.constant 1 : i32
      %add3A_232 = arith.addi %add3A_230, %add3A_231 : i32
      %lt3A_233 = arith.constant 200 : i32
      %lt3A_234 = arith.cmpi slt, %add3A_232, %lt3A_233 : i32
      %convert_element_type3A_235 = arith.extui %lt3A_234 : i1 to i32
      %cond3A_236 = arith.constant 0 : i32
      %cond3A_237 = arith.cmpi ne, %convert_element_type3A_235, %cond3A_236 : i32
      scf.if %cond3A_237 {
        %add3A_371 = arith.constant 1 : i32
        %add3A_372 = arith.addi %add3A_230, %add3A_371 : i32
        %dma_start3A_373 = arith.constant 0 : i32
        %dma_start3A_374 = arith.constant 0 : i32
        %dma_start3A_375 = arith.constant 0 : i32
        %dma_start3A_376 = tpu.memref_slice %arg7[%dma_start3A_373, %dma_start3A_374, %dma_start3A_375] : memref<2x128x128xf32, #tpu.memory_space<vmem>> -> memref<1x128x128xf32, #tpu.memory_space<vmem>>
        %dma_start3A_377 = tpu.memref_squeeze %dma_start3A_376 : memref<1x128x128xf32, #tpu.memory_space<vmem>> -> memref<128x128xf32, #tpu.memory_space<vmem>>
        %dma_start3A_378 = arith.constant 0 : i32
        %dma_start3A_379 = tpu.memref_slice %arg6[%add3A_372, %dma_start3A_378] : memref<200x128xi32, #tpu.memory_space<vmem>> -> memref<1x128xi32, #tpu.memory_space<vmem>>
        %dma_start3A_380 = tpu.memref_squeeze %dma_start3A_379 : memref<1x128xi32, #tpu.memory_space<vmem>> -> memref<128xi32, #tpu.memory_space<vmem>>
        %dma_start3A_381 = arith.constant 0 : i32
        %dma_start3A_382 = arith.constant 0 : i32
        %dma_start3A_383 = tpu.memref_slice %arg3[%dma_start3A_381, %dma_start3A_382] : memref<516096x128xf32, #tpu.memory_space<hbm>> -> memref<516096x128xf32, #tpu.memory_space<hbm>>
        tpu.enqueue_indirect_dma source(%dma_start3A_383 : memref<516096x128xf32, #tpu.memory_space<hbm>>) target(%dma_start3A_377 : memref<128x128xf32, #tpu.memory_space<vmem>>) offsets(%dma_start3A_380 : memref<128xi32, #tpu.memory_space<vmem>>) semaphore(%arg9 : memref<!tpu.dma_semaphore, #tpu.memory_space<semaphore_mem>>)
      } else {
      }
      %dma_wait3A_238 = arith.constant 1 : i32
      %dma_wait3A_239 = arith.constant 0 : i32
      %dma_wait3A_240 = arith.constant 0 : i32
      %dma_wait3A_241 = tpu.memref_slice %arg7[%dma_wait3A_238, %dma_wait3A_239, %dma_wait3A_240] : memref<2x128x128xf32, #tpu.memory_space<vmem>> -> memref<1x128x128xf32, #tpu.memory_space<vmem>>
      %dma_wait3A_242 = tpu.memref_squeeze %dma_wait3A_241 : memref<1x128x128xf32, #tpu.memory_space<vmem>> -> memref<128x128xf32, #tpu.memory_space<vmem>>
      %dma_wait3A_243 = arith.constant 0 : i32
      %dma_wait3A_244 = tpu.memref_slice %arg6[%add3A_230, %dma_wait3A_243] : memref<200x128xi32, #tpu.memory_space<vmem>> -> memref<1x128xi32, #tpu.memory_space<vmem>>
      %dma_wait3A_245 = tpu.memref_squeeze %dma_wait3A_244 : memref<1x128xi32, #tpu.memory_space<vmem>> -> memref<128xi32, #tpu.memory_space<vmem>>
      %dma_wait3A_246 = arith.constant 0 : i32
      %dma_wait3A_247 = arith.constant 0 : i32
      %dma_wait3A_248 = tpu.memref_slice %arg3[%dma_wait3A_246, %dma_wait3A_247] : memref<516096x128xf32, #tpu.memory_space<hbm>> -> memref<516096x128xf32, #tpu.memory_space<hbm>>
      tpu.wait_indirect_dma semaphore(%arg10 : memref<!tpu.dma_semaphore, #tpu.memory_space<semaphore_mem>>) src(%dma_wait3A_248 : memref<516096x128xf32, #tpu.memory_space<hbm>>) dst(%dma_wait3A_242 : memref<128x128xf32, #tpu.memory_space<vmem>>)
      %ge3A_249 = arith.constant 2 : i32
      %ge3A_250 = arith.cmpi sge, %add3A_230, %ge3A_249 : i32
      %convert_element_type3A_251 = arith.extui %ge3A_250 : i1 to i32
      %cond3A_252 = arith.constant 0 : i32
      %cond3A_253 = arith.cmpi ne, %convert_element_type3A_251, %cond3A_252 : i32
      scf.if %cond3A_253 {
        %sub3A = arith.constant 2 : i32
        %sub3A_371 = arith.subi %add3A_230, %sub3A : i32
        %dma_wait3A_372 = arith.constant 1 : i32
        %dma_wait3A_373 = arith.constant 0 : i32
        %dma_wait3A_374 = arith.constant 0 : i32
        %dma_wait3A_375 = tpu.memref_slice %arg8[%dma_wait3A_372, %dma_wait3A_373, %dma_wait3A_374] : memref<2x64x128xf32, #tpu.memory_space<vmem>> -> memref<1x64x128xf32, #tpu.memory_space<vmem>>
        %dma_wait3A_376 = tpu.memref_squeeze %dma_wait3A_375 : memref<1x64x128xf32, #tpu.memory_space<vmem>> -> memref<64x128xf32, #tpu.memory_space<vmem>>
        %dma_wait3A_377 = arith.constant 0 : i32
        %dma_wait3A_378 = arith.constant 0 : i32
        %dma_wait3A_379 = tpu.memref_slice %arg4[%sub3A_371, %dma_wait3A_377, %dma_wait3A_378] : memref<200x64x4096xf32, #tpu.memory_space<hbm>> -> memref<1x64x4096xf32, #tpu.memory_space<hbm>>
        %dma_wait3A_380 = tpu.memref_squeeze %dma_wait3A_379 : memref<1x64x4096xf32, #tpu.memory_space<hbm>> -> memref<64x4096xf32, #tpu.memory_space<hbm>>
        %dma_wait3A_381 = arith.constant 0 : i32
        %dma_wait3A_382 = tpu.memref_slice %dma_wait3A_380[%dma_wait3A_381, %mul3A_2] : memref<64x4096xf32, #tpu.memory_space<hbm>> -> memref<64x128xf32, #tpu.memory_space<hbm>>
        %dma_wait3A_383 = arith.constant 0 : i32
        %dma_wait3A_384 = arith.constant 0 : i32
        %dma_wait3A_385 = tpu.memref_slice %arg4[%sub3A_371, %dma_wait3A_383, %dma_wait3A_384] : memref<200x64x4096xf32, #tpu.memory_space<hbm>> -> memref<1x64x4096xf32, #tpu.memory_space<hbm>>
        %dma_wait3A_386 = tpu.memref_squeeze %dma_wait3A_385 : memref<1x64x4096xf32, #tpu.memory_space<hbm>> -> memref<64x4096xf32, #tpu.memory_space<hbm>>
        %dma_wait3A_387 = arith.constant 0 : i32
        %dma_wait3A_388 = tpu.memref_slice %dma_wait3A_386[%dma_wait3A_387, %mul3A_2] : memref<64x4096xf32, #tpu.memory_space<hbm>> -> memref<64x128xf32, #tpu.memory_space<hbm>>
        %dma_wait3A_389 = arith.constant 0 : i32
        %dma_wait3A_390 = arith.constant 0 : i32
        %dma_wait3A_391 = tpu.memref_slice %arg8[%dma_wait3A_372, %dma_wait3A_389, %dma_wait3A_390] : memref<2x64x128xf32, #tpu.memory_space<vmem>> -> memref<1x64x128xf32, #tpu.memory_space<vmem>>
        %dma_wait3A_392 = tpu.memref_squeeze %dma_wait3A_391 : memref<1x64x128xf32, #tpu.memory_space<vmem>> -> memref<64x128xf32, #tpu.memory_space<vmem>>
        tpu.wait_dma2 semaphore(%arg12 : memref<!tpu.dma_semaphore, #tpu.memory_space<semaphore_mem>>) src(%dma_wait3A_392 : memref<64x128xf32, #tpu.memory_space<vmem>>) dst(%dma_wait3A_388 : memref<64x128xf32, #tpu.memory_space<hbm>>)
      } else {
      }
      %get3A_254 = arith.index_cast %add3A_230 : i32 to index
      %get3A_255 = arith.constant 0 : index
      %get3A_256 = tpu.vector_load %arg5[%get3A_254, %get3A_255] {strides = array<i32>} : memref<200x128xi32, #tpu.memory_space<vmem>>, vector<16xi32>,
      %ge3A_257 = arith.constant 516096 : i32
      %ge3A_258 = vector.broadcast %ge3A_257 : i32 to vector<16xi32>
      %ge3A_259 = arith.cmpi sge, %get3A_256, %ge3A_258 : vector<16xi32>
      %jit3A_260 = arith.constant 64 : i32
      %jit3A_261 = arith.constant 0 : i32
      %broadcast_in_dim3A_262 = vector.broadcast %jit3A_260 : i32 to vector<16xi32>
      %broadcast_in_dim3A_263 = vector.broadcast %jit3A_261 : i32 to vector<16xi32>
      %select_n3A_264 = arith.select %ge3A_259, %broadcast_in_dim3A_262, %broadcast_in_dim3A_263 : vector<16xi1>, vector<16xi32>
      %get3A_265 = arith.index_cast %add3A_230 : i32 to index
      %get3A_266 = arith.constant 16 : index
      %get3A_267 = tpu.vector_load %arg5[%get3A_265, %get3A_266] {strides = array<i32>} : memref<200x128xi32, #tpu.memory_space<vmem>>, vector<16xi32>,
      %ge3A_268 = arith.constant 516096 : i32
      %ge3A_269 = vector.broadcast %ge3A_268 : i32 to vector<16xi32>
      %ge3A_270 = arith.cmpi sge, %get3A_267, %ge3A_269 : vector<16xi32>
      %jit3A_271 = arith.constant 64 : i32
      %jit3A_272 = arith.constant 0 : i32
      %broadcast_in_dim3A_273 = vector.broadcast %jit3A_271 : i32 to vector<16xi32>
      %broadcast_in_dim3A_274 = vector.broadcast %jit3A_272 : i32 to vector<16xi32>
      %select_n3A_275 = arith.select %ge3A_270, %broadcast_in_dim3A_273, %broadcast_in_dim3A_274 : vector<16xi1>, vector<16xi32>
      %get3A_276 = arith.index_cast %add3A_230 : i32 to index
      %get3A_277 = arith.constant 32 : index
      %get3A_278 = tpu.vector_load %arg5[%get3A_276, %get3A_277] {strides = array<i32>} : memref<200x128xi32, #tpu.memory_space<vmem>>, vector<16xi32>,
      %ge3A_279 = arith.constant 516096 : i32
      %ge3A_280 = vector.broadcast %ge3A_279 : i32 to vector<16xi32>
      %ge3A_281 = arith.cmpi sge, %get3A_278, %ge3A_280 : vector<16xi32>
      %jit3A_282 = arith.constant 64 : i32
      %jit3A_283 = arith.constant 0 : i32
      %broadcast_in_dim3A_284 = vector.broadcast %jit3A_282 : i32 to vector<16xi32>
      %broadcast_in_dim3A_285 = vector.broadcast %jit3A_283 : i32 to vector<16xi32>
      %select_n3A_286 = arith.select %ge3A_281, %broadcast_in_dim3A_284, %broadcast_in_dim3A_285 : vector<16xi1>, vector<16xi32>
      %get3A_287 = arith.index_cast %add3A_230 : i32 to index
      %get3A_288 = arith.constant 48 : index
      %get3A_289 = tpu.vector_load %arg5[%get3A_287, %get3A_288] {strides = array<i32>} : memref<200x128xi32, #tpu.memory_space<vmem>>, vector<16xi32>,
      %ge3A_290 = arith.constant 516096 : i32
      %ge3A_291 = vector.broadcast %ge3A_290 : i32 to vector<16xi32>
      %ge3A_292 = arith.cmpi sge, %get3A_289, %ge3A_291 : vector<16xi32>
      %jit3A_293 = arith.constant 64 : i32
      %jit3A_294 = arith.constant 0 : i32
      %broadcast_in_dim3A_295 = vector.broadcast %jit3A_293 : i32 to vector<16xi32>
      %broadcast_in_dim3A_296 = vector.broadcast %jit3A_294 : i32 to vector<16xi32>
      %select_n3A_297 = arith.select %ge3A_292, %broadcast_in_dim3A_295, %broadcast_in_dim3A_296 : vector<16xi1>, vector<16xi32>
      %get3A_298 = arith.index_cast %add3A_230 : i32 to index
      %get3A_299 = arith.constant 64 : index
      %get3A_300 = tpu.vector_load %arg5[%get3A_298, %get3A_299] {strides = array<i32>} : memref<200x128xi32, #tpu.memory_space<vmem>>, vector<16xi32>,
      %ge3A_301 = arith.constant 516096 : i32
      %ge3A_302 = vector.broadcast %ge3A_301 : i32 to vector<16xi32>
      %ge3A_303 = arith.cmpi sge, %get3A_300, %ge3A_302 : vector<16xi32>
      %jit3A_304 = arith.constant 64 : i32
      %jit3A_305 = arith.constant 0 : i32
      %broadcast_in_dim3A_306 = vector.broadcast %jit3A_304 : i32 to vector<16xi32>
      %broadcast_in_dim3A_307 = vector.broadcast %jit3A_305 : i32 to vector<16xi32>
      %select_n3A_308 = arith.select %ge3A_303, %broadcast_in_dim3A_306, %broadcast_in_dim3A_307 : vector<16xi1>, vector<16xi32>
      %get3A_309 = arith.index_cast %add3A_230 : i32 to index
      %get3A_310 = arith.constant 80 : index
      %get3A_311 = tpu.vector_load %arg5[%get3A_309, %get3A_310] {strides = array<i32>} : memref<200x128xi32, #tpu.memory_space<vmem>>, vector<16xi32>,
      %ge3A_312 = arith.constant 516096 : i32
      %ge3A_313 = vector.broadcast %ge3A_312 : i32 to vector<16xi32>
      %ge3A_314 = arith.cmpi sge, %get3A_311, %ge3A_313 : vector<16xi32>
      %jit3A_315 = arith.constant 64 : i32
      %jit3A_316 = arith.constant 0 : i32
      %broadcast_in_dim3A_317 = vector.broadcast %jit3A_315 : i32 to vector<16xi32>
      %broadcast_in_dim3A_318 = vector.broadcast %jit3A_316 : i32 to vector<16xi32>
      %select_n3A_319 = arith.select %ge3A_314, %broadcast_in_dim3A_317, %broadcast_in_dim3A_318 : vector<16xi1>, vector<16xi32>
      %get3A_320 = arith.index_cast %add3A_230 : i32 to index
      %get3A_321 = arith.constant 96 : index
      %get3A_322 = tpu.vector_load %arg5[%get3A_320, %get3A_321] {strides = array<i32>} : memref<200x128xi32, #tpu.memory_space<vmem>>, vector<16xi32>,
      %ge3A_323 = arith.constant 516096 : i32
      %ge3A_324 = vector.broadcast %ge3A_323 : i32 to vector<16xi32>
      %ge3A_325 = arith.cmpi sge, %get3A_322, %ge3A_324 : vector<16xi32>
      %jit3A_326 = arith.constant 64 : i32
      %jit3A_327 = arith.constant 0 : i32
      %broadcast_in_dim3A_328 = vector.broadcast %jit3A_326 : i32 to vector<16xi32>
      %broadcast_in_dim3A_329 = vector.broadcast %jit3A_327 : i32 to vector<16xi32>
      %select_n3A_330 = arith.select %ge3A_325, %broadcast_in_dim3A_328, %broadcast_in_dim3A_329 : vector<16xi1>, vector<16xi32>
      %get3A_331 = arith.index_cast %add3A_230 : i32 to index
      %get3A_332 = arith.constant 112 : index
      %get3A_333 = tpu.vector_load %arg5[%get3A_331, %get3A_332] {strides = array<i32>} : memref<200x128xi32, #tpu.memory_space<vmem>>, vector<16xi32>,
      %ge3A_334 = arith.constant 516096 : i32
      %ge3A_335 = vector.broadcast %ge3A_334 : i32 to vector<16xi32>
      %ge3A_336 = arith.cmpi sge, %get3A_333, %ge3A_335 : vector<16xi32>
      %jit3A_337 = arith.constant 64 : i32
      %jit3A_338 = arith.constant 0 : i32
      %broadcast_in_dim3A_339 = vector.broadcast %jit3A_337 : i32 to vector<16xi32>
      %broadcast_in_dim3A_340 = vector.broadcast %jit3A_338 : i32 to vector<16xi32>
      %select_n3A_341 = arith.select %ge3A_336, %broadcast_in_dim3A_339, %broadcast_in_dim3A_340 : vector<16xi1>, vector<16xi32>
      %scan3A_342 = arith.constant 0 : i32
      %scan3A_343 = arith.constant 1 : i32
      %scan3A_344 = arith.constant 1 : i32
      %scan3A_345 = arith.constant 0 : i32
      %scan3A_346 = arith.constant 8 : i32
      %scan3A_347 = arith.addi %scan3A_345, %scan3A_346 : i32
      %scan3A_348 = arith.constant 1 : i32
      scf.for %scan3A_371 = %scan3A_345 to %scan3A_347 step %scan3A_348  : i32 {
        %mul3A_372 = arith.constant 8 : i32
        %mul3A_373 = arith.muli %scan3A_371, %mul3A_372 : i32
        %add3A_374 = vector.broadcast %mul3A_373 : i32 to vector<16xi32>
        %add3A_375 = arith.addi %iota3A, %add3A_374 : vector<16xi32>
        %add3A_376 = arith.constant 0 : i32
        %add3A_377 = vector.broadcast %add3A_376 : i32 to vector<16xi32>
        %add3A_378 = arith.addi %add3A_375, %add3A_377 : vector<16xi32>
        %and3A = arith.constant 63 : i32
        %and3A_379 = vector.broadcast %and3A : i32 to vector<16xi32>
        %and3A_380 = arith.andi %add3A_378, %and3A_379 : vector<16xi32>
        %add3A_381 = arith.addi %and3A_380, %select_n3A_264 : vector<16xi32>
        %gather3A = arith.constant 0 : i32
        %gather3A_382 = arith.constant 0 : i32
        %gather3A_383 = tpu.memref_slice %arg7[%scan3A_343, %gather3A, %gather3A_382] : memref<2x128x128xf32, #tpu.memory_space<vmem>> -> memref<1x128x128xf32, #tpu.memory_space<vmem>>
        %gather3A_384 = tpu.memref_squeeze %gather3A_383 : memref<1x128x128xf32, #tpu.memory_space<vmem>> -> memref<128x128xf32, #tpu.memory_space<vmem>>
        %gather3A_385 = tpu.vector_load_idx %gather3A_384[%add3A_10, %add3A_381] : memref<128x128xf32, #tpu.memory_space<vmem>>[vector<16xi32>, vector<16xi32>], vector<16xf32>,
        %scatter3A = arith.constant 0 : i32
        %scatter3A_386 = arith.constant 0 : i32
        %scatter3A_387 = tpu.memref_slice %arg8[%scan3A_344, %scatter3A, %scatter3A_386] : memref<2x64x128xf32, #tpu.memory_space<vmem>> -> memref<1x64x128xf32, #tpu.memory_space<vmem>>
        %scatter3A_388 = tpu.memref_squeeze %scatter3A_387 : memref<1x64x128xf32, #tpu.memory_space<vmem>> -> memref<64x128xf32, #tpu.memory_space<vmem>>
        tpu.vector_store_idx %scatter3A_388[%and3A_380, %add3A_10], %gather3A_385 : memref<64x128xf32, #tpu.memory_space<vmem>>[vector<16xi32>, vector<16xi32>], vector<16xf32>,
        %add3A_389 = arith.addi %and3A_380, %select_n3A_275 : vector<16xi32>
        %gather3A_390 = arith.constant 0 : i32
        %gather3A_391 = arith.constant 0 : i32
        %gather3A_392 = tpu.memref_slice %arg7[%scan3A_343, %gather3A_390, %gather3A_391] : memref<2x128x128xf32, #tpu.memory_space<vmem>> -> memref<1x128x128xf32, #tpu.memory_space<vmem>>
        %gather3A_393 = tpu.memref_squeeze %gather3A_392 : memref<1x128x128xf32, #tpu.memory_space<vmem>> -> memref<128x128xf32, #tpu.memory_space<vmem>>
        %gather3A_394 = tpu.vector_load_idx %gather3A_393[%add3A_13, %add3A_389] : memref<128x128xf32, #tpu.memory_space<vmem>>[vector<16xi32>, vector<16xi32>], vector<16xf32>,
        %scatter3A_395 = arith.constant 0 : i32
        %scatter3A_396 = arith.constant 0 : i32
        %scatter3A_397 = tpu.memref_slice %arg8[%scan3A_344, %scatter3A_395, %scatter3A_396] : memref<2x64x128xf32, #tpu.memory_space<vmem>> -> memref<1x64x128xf32, #tpu.memory_space<vmem>>
        %scatter3A_398 = tpu.memref_squeeze %scatter3A_397 : memref<1x64x128xf32, #tpu.memory_space<vmem>> -> memref<64x128xf32, #tpu.memory_space<vmem>>
        tpu.vector_store_idx %scatter3A_398[%and3A_380, %add3A_13], %gather3A_394 : memref<64x128xf32, #tpu.memory_space<vmem>>[vector<16xi32>, vector<16xi32>], vector<16xf32>,
        %add3A_399 = arith.addi %and3A_380, %select_n3A_286 : vector<16xi32>
        %gather3A_400 = arith.constant 0 : i32
        %gather3A_401 = arith.constant 0 : i32
        %gather3A_402 = tpu.memref_slice %arg7[%scan3A_343, %gather3A_400, %gather3A_401] : memref<2x128x128xf32, #tpu.memory_space<vmem>> -> memref<1x128x128xf32, #tpu.memory_space<vmem>>
        %gather3A_403 = tpu.memref_squeeze %gather3A_402 : memref<1x128x128xf32, #tpu.memory_space<vmem>> -> memref<128x128xf32, #tpu.memory_space<vmem>>
        %gather3A_404 = tpu.vector_load_idx %gather3A_403[%add3A_16, %add3A_399] : memref<128x128xf32, #tpu.memory_space<vmem>>[vector<16xi32>, vector<16xi32>], vector<16xf32>,
        %scatter3A_405 = arith.constant 0 : i32
        %scatter3A_406 = arith.constant 0 : i32
        %scatter3A_407 = tpu.memref_slice %arg8[%scan3A_344, %scatter3A_405, %scatter3A_406] : memref<2x64x128xf32, #tpu.memory_space<vmem>> -> memref<1x64x128xf32, #tpu.memory_space<vmem>>
        %scatter3A_408 = tpu.memref_squeeze %scatter3A_407 : memref<1x64x128xf32, #tpu.memory_space<vmem>> -> memref<64x128xf32, #tpu.memory_space<vmem>>
        tpu.vector_store_idx %scatter3A_408[%and3A_380, %add3A_16], %gather3A_404 : memref<64x128xf32, #tpu.memory_space<vmem>>[vector<16xi32>, vector<16xi32>], vector<16xf32>,
        %add3A_409 = arith.addi %and3A_380, %select_n3A_297 : vector<16xi32>
        %gather3A_410 = arith.constant 0 : i32
        %gather3A_411 = arith.constant 0 : i32
        %gather3A_412 = tpu.memref_slice %arg7[%scan3A_343, %gather3A_410, %gather3A_411] : memref<2x128x128xf32, #tpu.memory_space<vmem>> -> memref<1x128x128xf32, #tpu.memory_space<vmem>>
        %gather3A_413 = tpu.memref_squeeze %gather3A_412 : memref<1x128x128xf32, #tpu.memory_space<vmem>> -> memref<128x128xf32, #tpu.memory_space<vmem>>
        %gather3A_414 = tpu.vector_load_idx %gather3A_413[%add3A_19, %add3A_409] : memref<128x128xf32, #tpu.memory_space<vmem>>[vector<16xi32>, vector<16xi32>], vector<16xf32>,
        %scatter3A_415 = arith.constant 0 : i32
        %scatter3A_416 = arith.constant 0 : i32
        %scatter3A_417 = tpu.memref_slice %arg8[%scan3A_344, %scatter3A_415, %scatter3A_416] : memref<2x64x128xf32, #tpu.memory_space<vmem>> -> memref<1x64x128xf32, #tpu.memory_space<vmem>>
        %scatter3A_418 = tpu.memref_squeeze %scatter3A_417 : memref<1x64x128xf32, #tpu.memory_space<vmem>> -> memref<64x128xf32, #tpu.memory_space<vmem>>
        tpu.vector_store_idx %scatter3A_418[%and3A_380, %add3A_19], %gather3A_414 : memref<64x128xf32, #tpu.memory_space<vmem>>[vector<16xi32>, vector<16xi32>], vector<16xf32>,
        %add3A_419 = arith.addi %and3A_380, %select_n3A_308 : vector<16xi32>
        %gather3A_420 = arith.constant 0 : i32
        %gather3A_421 = arith.constant 0 : i32
        %gather3A_422 = tpu.memref_slice %arg7[%scan3A_343, %gather3A_420, %gather3A_421] : memref<2x128x128xf32, #tpu.memory_space<vmem>> -> memref<1x128x128xf32, #tpu.memory_space<vmem>>
        %gather3A_423 = tpu.memref_squeeze %gather3A_422 : memref<1x128x128xf32, #tpu.memory_space<vmem>> -> memref<128x128xf32, #tpu.memory_space<vmem>>
        %gather3A_424 = tpu.vector_load_idx %gather3A_423[%add3A_22, %add3A_419] : memref<128x128xf32, #tpu.memory_space<vmem>>[vector<16xi32>, vector<16xi32>], vector<16xf32>,
        %scatter3A_425 = arith.constant 0 : i32
        %scatter3A_426 = arith.constant 0 : i32
        %scatter3A_427 = tpu.memref_slice %arg8[%scan3A_344, %scatter3A_425, %scatter3A_426] : memref<2x64x128xf32, #tpu.memory_space<vmem>> -> memref<1x64x128xf32, #tpu.memory_space<vmem>>
        %scatter3A_428 = tpu.memref_squeeze %scatter3A_427 : memref<1x64x128xf32, #tpu.memory_space<vmem>> -> memref<64x128xf32, #tpu.memory_space<vmem>>
        tpu.vector_store_idx %scatter3A_428[%and3A_380, %add3A_22], %gather3A_424 : memref<64x128xf32, #tpu.memory_space<vmem>>[vector<16xi32>, vector<16xi32>], vector<16xf32>,
        %add3A_429 = arith.addi %and3A_380, %select_n3A_319 : vector<16xi32>
        %gather3A_430 = arith.constant 0 : i32
        %gather3A_431 = arith.constant 0 : i32
        %gather3A_432 = tpu.memref_slice %arg7[%scan3A_343, %gather3A_430, %gather3A_431] : memref<2x128x128xf32, #tpu.memory_space<vmem>> -> memref<1x128x128xf32, #tpu.memory_space<vmem>>
        %gather3A_433 = tpu.memref_squeeze %gather3A_432 : memref<1x128x128xf32, #tpu.memory_space<vmem>> -> memref<128x128xf32, #tpu.memory_space<vmem>>
        %gather3A_434 = tpu.vector_load_idx %gather3A_433[%add3A_25, %add3A_429] : memref<128x128xf32, #tpu.memory_space<vmem>>[vector<16xi32>, vector<16xi32>], vector<16xf32>,
        %scatter3A_435 = arith.constant 0 : i32
        %scatter3A_436 = arith.constant 0 : i32
        %scatter3A_437 = tpu.memref_slice %arg8[%scan3A_344, %scatter3A_435, %scatter3A_436] : memref<2x64x128xf32, #tpu.memory_space<vmem>> -> memref<1x64x128xf32, #tpu.memory_space<vmem>>
        %scatter3A_438 = tpu.memref_squeeze %scatter3A_437 : memref<1x64x128xf32, #tpu.memory_space<vmem>> -> memref<64x128xf32, #tpu.memory_space<vmem>>
        tpu.vector_store_idx %scatter3A_438[%and3A_380, %add3A_25], %gather3A_434 : memref<64x128xf32, #tpu.memory_space<vmem>>[vector<16xi32>, vector<16xi32>], vector<16xf32>,
        %add3A_439 = arith.addi %and3A_380, %select_n3A_330 : vector<16xi32>
        %gather3A_440 = arith.constant 0 : i32
        %gather3A_441 = arith.constant 0 : i32
        %gather3A_442 = tpu.memref_slice %arg7[%scan3A_343, %gather3A_440, %gather3A_441] : memref<2x128x128xf32, #tpu.memory_space<vmem>> -> memref<1x128x128xf32, #tpu.memory_space<vmem>>
        %gather3A_443 = tpu.memref_squeeze %gather3A_442 : memref<1x128x128xf32, #tpu.memory_space<vmem>> -> memref<128x128xf32, #tpu.memory_space<vmem>>
        %gather3A_444 = tpu.vector_load_idx %gather3A_443[%add3A_28, %add3A_439] : memref<128x128xf32, #tpu.memory_space<vmem>>[vector<16xi32>, vector<16xi32>], vector<16xf32>,
        %scatter3A_445 = arith.constant 0 : i32
        %scatter3A_446 = arith.constant 0 : i32
        %scatter3A_447 = tpu.memref_slice %arg8[%scan3A_344, %scatter3A_445, %scatter3A_446] : memref<2x64x128xf32, #tpu.memory_space<vmem>> -> memref<1x64x128xf32, #tpu.memory_space<vmem>>
        %scatter3A_448 = tpu.memref_squeeze %scatter3A_447 : memref<1x64x128xf32, #tpu.memory_space<vmem>> -> memref<64x128xf32, #tpu.memory_space<vmem>>
        tpu.vector_store_idx %scatter3A_448[%and3A_380, %add3A_28], %gather3A_444 : memref<64x128xf32, #tpu.memory_space<vmem>>[vector<16xi32>, vector<16xi32>], vector<16xf32>,
        %add3A_449 = arith.addi %and3A_380, %select_n3A_341 : vector<16xi32>
        %gather3A_450 = arith.constant 0 : i32
        %gather3A_451 = arith.constant 0 : i32
        %gather3A_452 = tpu.memref_slice %arg7[%scan3A_343, %gather3A_450, %gather3A_451] : memref<2x128x128xf32, #tpu.memory_space<vmem>> -> memref<1x128x128xf32, #tpu.memory_space<vmem>>
        %gather3A_453 = tpu.memref_squeeze %gather3A_452 : memref<1x128x128xf32, #tpu.memory_space<vmem>> -> memref<128x128xf32, #tpu.memory_space<vmem>>
        %gather3A_454 = tpu.vector_load_idx %gather3A_453[%add3A_31, %add3A_449] : memref<128x128xf32, #tpu.memory_space<vmem>>[vector<16xi32>, vector<16xi32>], vector<16xf32>,
        %scatter3A_455 = arith.constant 0 : i32
        %scatter3A_456 = arith.constant 0 : i32
        %scatter3A_457 = tpu.memref_slice %arg8[%scan3A_344, %scatter3A_455, %scatter3A_456] : memref<2x64x128xf32, #tpu.memory_space<vmem>> -> memref<1x64x128xf32, #tpu.memory_space<vmem>>
        %scatter3A_458 = tpu.memref_squeeze %scatter3A_457 : memref<1x64x128xf32, #tpu.memory_space<vmem>> -> memref<64x128xf32, #tpu.memory_space<vmem>>
        tpu.vector_store_idx %scatter3A_458[%and3A_380, %add3A_31], %gather3A_454 : memref<64x128xf32, #tpu.memory_space<vmem>>[vector<16xi32>, vector<16xi32>], vector<16xf32>,
        %mul3A_459 = arith.constant 8 : i32
        %mul3A_460 = arith.muli %scan3A_371, %mul3A_459 : i32
        %add3A_461 = vector.broadcast %mul3A_460 : i32 to vector<16xi32>
        %add3A_462 = arith.addi %iota3A, %add3A_461 : vector<16xi32>
        %add3A_463 = arith.constant 1 : i32
        %add3A_464 = vector.broadcast %add3A_463 : i32 to vector<16xi32>
        %add3A_465 = arith.addi %add3A_462, %add3A_464 : vector<16xi32>
        %and3A_466 = arith.constant 63 : i32
        %and3A_467 = vector.broadcast %and3A_466 : i32 to vector<16xi32>
        %and3A_468 = arith.andi %add3A_465, %and3A_467 : vector<16xi32>
        %add3A_469 = arith.addi %and3A_468, %select_n3A_264 : vector<16xi32>
        %gather3A_470 = arith.constant 0 : i32
        %gather3A_471 = arith.constant 0 : i32
        %gather3A_472 = tpu.memref_slice %arg7[%scan3A_343, %gather3A_470, %gather3A_471] : memref<2x128x128xf32, #tpu.memory_space<vmem>> -> memref<1x128x128xf32, #tpu.memory_space<vmem>>
        %gather3A_473 = tpu.memref_squeeze %gather3A_472 : memref<1x128x128xf32, #tpu.memory_space<vmem>> -> memref<128x128xf32, #tpu.memory_space<vmem>>
        %gather3A_474 = tpu.vector_load_idx %gather3A_473[%add3A_10, %add3A_469] : memref<128x128xf32, #tpu.memory_space<vmem>>[vector<16xi32>, vector<16xi32>], vector<16xf32>,
        %scatter3A_475 = arith.constant 0 : i32
        %scatter3A_476 = arith.constant 0 : i32
        %scatter3A_477 = tpu.memref_slice %arg8[%scan3A_344, %scatter3A_475, %scatter3A_476] : memref<2x64x128xf32, #tpu.memory_space<vmem>> -> memref<1x64x128xf32, #tpu.memory_space<vmem>>
        %scatter3A_478 = tpu.memref_squeeze %scatter3A_477 : memref<1x64x128xf32, #tpu.memory_space<vmem>> -> memref<64x128xf32, #tpu.memory_space<vmem>>
        tpu.vector_store_idx %scatter3A_478[%and3A_468, %add3A_10], %gather3A_474 : memref<64x128xf32, #tpu.memory_space<vmem>>[vector<16xi32>, vector<16xi32>], vector<16xf32>,
        %add3A_479 = arith.addi %and3A_468, %select_n3A_275 : vector<16xi32>
        %gather3A_480 = arith.constant 0 : i32
        %gather3A_481 = arith.constant 0 : i32
        %gather3A_482 = tpu.memref_slice %arg7[%scan3A_343, %gather3A_480, %gather3A_481] : memref<2x128x128xf32, #tpu.memory_space<vmem>> -> memref<1x128x128xf32, #tpu.memory_space<vmem>>
        %gather3A_483 = tpu.memref_squeeze %gather3A_482 : memref<1x128x128xf32, #tpu.memory_space<vmem>> -> memref<128x128xf32, #tpu.memory_space<vmem>>
        %gather3A_484 = tpu.vector_load_idx %gather3A_483[%add3A_13, %add3A_479] : memref<128x128xf32, #tpu.memory_space<vmem>>[vector<16xi32>, vector<16xi32>], vector<16xf32>,
        %scatter3A_485 = arith.constant 0 : i32
        %scatter3A_486 = arith.constant 0 : i32
        %scatter3A_487 = tpu.memref_slice %arg8[%scan3A_344, %scatter3A_485, %scatter3A_486] : memref<2x64x128xf32, #tpu.memory_space<vmem>> -> memref<1x64x128xf32, #tpu.memory_space<vmem>>
        %scatter3A_488 = tpu.memref_squeeze %scatter3A_487 : memref<1x64x128xf32, #tpu.memory_space<vmem>> -> memref<64x128xf32, #tpu.memory_space<vmem>>
        tpu.vector_store_idx %scatter3A_488[%and3A_468, %add3A_13], %gather3A_484 : memref<64x128xf32, #tpu.memory_space<vmem>>[vector<16xi32>, vector<16xi32>], vector<16xf32>,
        %add3A_489 = arith.addi %and3A_468, %select_n3A_286 : vector<16xi32>
        %gather3A_490 = arith.constant 0 : i32
        %gather3A_491 = arith.constant 0 : i32
        %gather3A_492 = tpu.memref_slice %arg7[%scan3A_343, %gather3A_490, %gather3A_491] : memref<2x128x128xf32, #tpu.memory_space<vmem>> -> memref<1x128x128xf32, #tpu.memory_space<vmem>>
        %gather3A_493 = tpu.memref_squeeze %gather3A_492 : memref<1x128x128xf32, #tpu.memory_space<vmem>> -> memref<128x128xf32, #tpu.memory_space<vmem>>
        %gather3A_494 = tpu.vector_load_idx %gather3A_493[%add3A_16, %add3A_489] : memref<128x128xf32, #tpu.memory_space<vmem>>[vector<16xi32>, vector<16xi32>], vector<16xf32>,
        %scatter3A_495 = arith.constant 0 : i32
        %scatter3A_496 = arith.constant 0 : i32
        %scatter3A_497 = tpu.memref_slice %arg8[%scan3A_344, %scatter3A_495, %scatter3A_496] : memref<2x64x128xf32, #tpu.memory_space<vmem>> -> memref<1x64x128xf32, #tpu.memory_space<vmem>>
        %scatter3A_498 = tpu.memref_squeeze %scatter3A_497 : memref<1x64x128xf32, #tpu.memory_space<vmem>> -> memref<64x128xf32, #tpu.memory_space<vmem>>
        tpu.vector_store_idx %scatter3A_498[%and3A_468, %add3A_16], %gather3A_494 : memref<64x128xf32, #tpu.memory_space<vmem>>[vector<16xi32>, vector<16xi32>], vector<16xf32>,
        %add3A_499 = arith.addi %and3A_468, %select_n3A_297 : vector<16xi32>
        %gather3A_500 = arith.constant 0 : i32
        %gather3A_501 = arith.constant 0 : i32
        %gather3A_502 = tpu.memref_slice %arg7[%scan3A_343, %gather3A_500, %gather3A_501] : memref<2x128x128xf32, #tpu.memory_space<vmem>> -> memref<1x128x128xf32, #tpu.memory_space<vmem>>
        %gather3A_503 = tpu.memref_squeeze %gather3A_502 : memref<1x128x128xf32, #tpu.memory_space<vmem>> -> memref<128x128xf32, #tpu.memory_space<vmem>>
        %gather3A_504 = tpu.vector_load_idx %gather3A_503[%add3A_19, %add3A_499] : memref<128x128xf32, #tpu.memory_space<vmem>>[vector<16xi32>, vector<16xi32>], vector<16xf32>,
        %scatter3A_505 = arith.constant 0 : i32
        %scatter3A_506 = arith.constant 0 : i32
        %scatter3A_507 = tpu.memref_slice %arg8[%scan3A_344, %scatter3A_505, %scatter3A_506] : memref<2x64x128xf32, #tpu.memory_space<vmem>> -> memref<1x64x128xf32, #tpu.memory_space<vmem>>
        %scatter3A_508 = tpu.memref_squeeze %scatter3A_507 : memref<1x64x128xf32, #tpu.memory_space<vmem>> -> memref<64x128xf32, #tpu.memory_space<vmem>>
        tpu.vector_store_idx %scatter3A_508[%and3A_468, %add3A_19], %gather3A_504 : memref<64x128xf32, #tpu.memory_space<vmem>>[vector<16xi32>, vector<16xi32>], vector<16xf32>,
        %add3A_509 = arith.addi %and3A_468, %select_n3A_308 : vector<16xi32>
        %gather3A_510 = arith.constant 0 : i32
        %gather3A_511 = arith.constant 0 : i32
        %gather3A_512 = tpu.memref_slice %arg7[%scan3A_343, %gather3A_510, %gather3A_511] : memref<2x128x128xf32, #tpu.memory_space<vmem>> -> memref<1x128x128xf32, #tpu.memory_space<vmem>>
        %gather3A_513 = tpu.memref_squeeze %gather3A_512 : memref<1x128x128xf32, #tpu.memory_space<vmem>> -> memref<128x128xf32, #tpu.memory_space<vmem>>
        %gather3A_514 = tpu.vector_load_idx %gather3A_513[%add3A_22, %add3A_509] : memref<128x128xf32, #tpu.memory_space<vmem>>[vector<16xi32>, vector<16xi32>], vector<16xf32>,
        %scatter3A_515 = arith.constant 0 : i32
        %scatter3A_516 = arith.constant 0 : i32
        %scatter3A_517 = tpu.memref_slice %arg8[%scan3A_344, %scatter3A_515, %scatter3A_516] : memref<2x64x128xf32, #tpu.memory_space<vmem>> -> memref<1x64x128xf32, #tpu.memory_space<vmem>>
        %scatter3A_518 = tpu.memref_squeeze %scatter3A_517 : memref<1x64x128xf32, #tpu.memory_space<vmem>> -> memref<64x128xf32, #tpu.memory_space<vmem>>
        tpu.vector_store_idx %scatter3A_518[%and3A_468, %add3A_22], %gather3A_514 : memref<64x128xf32, #tpu.memory_space<vmem>>[vector<16xi32>, vector<16xi32>], vector<16xf32>,
        %add3A_519 = arith.addi %and3A_468, %select_n3A_319 : vector<16xi32>
        %gather3A_520 = arith.constant 0 : i32
        %gather3A_521 = arith.constant 0 : i32
        %gather3A_522 = tpu.memref_slice %arg7[%scan3A_343, %gather3A_520, %gather3A_521] : memref<2x128x128xf32, #tpu.memory_space<vmem>> -> memref<1x128x128xf32, #tpu.memory_space<vmem>>
        %gather3A_523 = tpu.memref_squeeze %gather3A_522 : memref<1x128x128xf32, #tpu.memory_space<vmem>> -> memref<128x128xf32, #tpu.memory_space<vmem>>
        %gather3A_524 = tpu.vector_load_idx %gather3A_523[%add3A_25, %add3A_519] : memref<128x128xf32, #tpu.memory_space<vmem>>[vector<16xi32>, vector<16xi32>], vector<16xf32>,
        %scatter3A_525 = arith.constant 0 : i32
        %scatter3A_526 = arith.constant 0 : i32
        %scatter3A_527 = tpu.memref_slice %arg8[%scan3A_344, %scatter3A_525, %scatter3A_526] : memref<2x64x128xf32, #tpu.memory_space<vmem>> -> memref<1x64x128xf32, #tpu.memory_space<vmem>>
        %scatter3A_528 = tpu.memref_squeeze %scatter3A_527 : memref<1x64x128xf32, #tpu.memory_space<vmem>> -> memref<64x128xf32, #tpu.memory_space<vmem>>
        tpu.vector_store_idx %scatter3A_528[%and3A_468, %add3A_25], %gather3A_524 : memref<64x128xf32, #tpu.memory_space<vmem>>[vector<16xi32>, vector<16xi32>], vector<16xf32>,
        %add3A_529 = arith.addi %and3A_468, %select_n3A_330 : vector<16xi32>
        %gather3A_530 = arith.constant 0 : i32
        %gather3A_531 = arith.constant 0 : i32
        %gather3A_532 = tpu.memref_slice %arg7[%scan3A_343, %gather3A_530, %gather3A_531] : memref<2x128x128xf32, #tpu.memory_space<vmem>> -> memref<1x128x128xf32, #tpu.memory_space<vmem>>
        %gather3A_533 = tpu.memref_squeeze %gather3A_532 : memref<1x128x128xf32, #tpu.memory_space<vmem>> -> memref<128x128xf32, #tpu.memory_space<vmem>>
        %gather3A_534 = tpu.vector_load_idx %gather3A_533[%add3A_28, %add3A_529] : memref<128x128xf32, #tpu.memory_space<vmem>>[vector<16xi32>, vector<16xi32>], vector<16xf32>,
        %scatter3A_535 = arith.constant 0 : i32
        %scatter3A_536 = arith.constant 0 : i32
        %scatter3A_537 = tpu.memref_slice %arg8[%scan3A_344, %scatter3A_535, %scatter3A_536] : memref<2x64x128xf32, #tpu.memory_space<vmem>> -> memref<1x64x128xf32, #tpu.memory_space<vmem>>
        %scatter3A_538 = tpu.memref_squeeze %scatter3A_537 : memref<1x64x128xf32, #tpu.memory_space<vmem>> -> memref<64x128xf32, #tpu.memory_space<vmem>>
        tpu.vector_store_idx %scatter3A_538[%and3A_468, %add3A_28], %gather3A_534 : memref<64x128xf32, #tpu.memory_space<vmem>>[vector<16xi32>, vector<16xi32>], vector<16xf32>,
        %add3A_539 = arith.addi %and3A_468, %select_n3A_341 : vector<16xi32>
        %gather3A_540 = arith.constant 0 : i32
        %gather3A_541 = arith.constant 0 : i32
        %gather3A_542 = tpu.memref_slice %arg7[%scan3A_343, %gather3A_540, %gather3A_541] : memref<2x128x128xf32, #tpu.memory_space<vmem>> -> memref<1x128x128xf32, #tpu.memory_space<vmem>>
        %gather3A_543 = tpu.memref_squeeze %gather3A_542 : memref<1x128x128xf32, #tpu.memory_space<vmem>> -> memref<128x128xf32, #tpu.memory_space<vmem>>
        %gather3A_544 = tpu.vector_load_idx %gather3A_543[%add3A_31, %add3A_539] : memref<128x128xf32, #tpu.memory_space<vmem>>[vector<16xi32>, vector<16xi32>], vector<16xf32>,
        %scatter3A_545 = arith.constant 0 : i32
        %scatter3A_546 = arith.constant 0 : i32
        %scatter3A_547 = tpu.memref_slice %arg8[%scan3A_344, %scatter3A_545, %scatter3A_546] : memref<2x64x128xf32, #tpu.memory_space<vmem>> -> memref<1x64x128xf32, #tpu.memory_space<vmem>>
        %scatter3A_548 = tpu.memref_squeeze %scatter3A_547 : memref<1x64x128xf32, #tpu.memory_space<vmem>> -> memref<64x128xf32, #tpu.memory_space<vmem>>
        tpu.vector_store_idx %scatter3A_548[%and3A_468, %add3A_31], %gather3A_544 : memref<64x128xf32, #tpu.memory_space<vmem>>[vector<16xi32>, vector<16xi32>], vector<16xf32>,
        %mul3A_549 = arith.constant 8 : i32
        %mul3A_550 = arith.muli %scan3A_371, %mul3A_549 : i32
        %add3A_551 = vector.broadcast %mul3A_550 : i32 to vector<16xi32>
        %add3A_552 = arith.addi %iota3A, %add3A_551 : vector<16xi32>
        %add3A_553 = arith.constant 2 : i32
        %add3A_554 = vector.broadcast %add3A_553 : i32 to vector<16xi32>
        %add3A_555 = arith.addi %add3A_552, %add3A_554 : vector<16xi32>
        %and3A_556 = arith.constant 63 : i32
        %and3A_557 = vector.broadcast %and3A_556 : i32 to vector<16xi32>
        %and3A_558 = arith.andi %add3A_555, %and3A_557 : vector<16xi32>
        %add3A_559 = arith.addi %and3A_558, %select_n3A_264 : vector<16xi32>
        %gather3A_560 = arith.constant 0 : i32
        %gather3A_561 = arith.constant 0 : i32
        %gather3A_562 = tpu.memref_slice %arg7[%scan3A_343, %gather3A_560, %gather3A_561] : memref<2x128x128xf32, #tpu.memory_space<vmem>> -> memref<1x128x128xf32, #tpu.memory_space<vmem>>
        %gather3A_563 = tpu.memref_squeeze %gather3A_562 : memref<1x128x128xf32, #tpu.memory_space<vmem>> -> memref<128x128xf32, #tpu.memory_space<vmem>>
        %gather3A_564 = tpu.vector_load_idx %gather3A_563[%add3A_10, %add3A_559] : memref<128x128xf32, #tpu.memory_space<vmem>>[vector<16xi32>, vector<16xi32>], vector<16xf32>,
        %scatter3A_565 = arith.constant 0 : i32
        %scatter3A_566 = arith.constant 0 : i32
        %scatter3A_567 = tpu.memref_slice %arg8[%scan3A_344, %scatter3A_565, %scatter3A_566] : memref<2x64x128xf32, #tpu.memory_space<vmem>> -> memref<1x64x128xf32, #tpu.memory_space<vmem>>
        %scatter3A_568 = tpu.memref_squeeze %scatter3A_567 : memref<1x64x128xf32, #tpu.memory_space<vmem>> -> memref<64x128xf32, #tpu.memory_space<vmem>>
        tpu.vector_store_idx %scatter3A_568[%and3A_558, %add3A_10], %gather3A_564 : memref<64x128xf32, #tpu.memory_space<vmem>>[vector<16xi32>, vector<16xi32>], vector<16xf32>,
        %add3A_569 = arith.addi %and3A_558, %select_n3A_275 : vector<16xi32>
        %gather3A_570 = arith.constant 0 : i32
        %gather3A_571 = arith.constant 0 : i32
        %gather3A_572 = tpu.memref_slice %arg7[%scan3A_343, %gather3A_570, %gather3A_571] : memref<2x128x128xf32, #tpu.memory_space<vmem>> -> memref<1x128x128xf32, #tpu.memory_space<vmem>>
        %gather3A_573 = tpu.memref_squeeze %gather3A_572 : memref<1x128x128xf32, #tpu.memory_space<vmem>> -> memref<128x128xf32, #tpu.memory_space<vmem>>
        %gather3A_574 = tpu.vector_load_idx %gather3A_573[%add3A_13, %add3A_569] : memref<128x128xf32, #tpu.memory_space<vmem>>[vector<16xi32>, vector<16xi32>], vector<16xf32>,
        %scatter3A_575 = arith.constant 0 : i32
        %scatter3A_576 = arith.constant 0 : i32
        %scatter3A_577 = tpu.memref_slice %arg8[%scan3A_344, %scatter3A_575, %scatter3A_576] : memref<2x64x128xf32, #tpu.memory_space<vmem>> -> memref<1x64x128xf32, #tpu.memory_space<vmem>>
        %scatter3A_578 = tpu.memref_squeeze %scatter3A_577 : memref<1x64x128xf32, #tpu.memory_space<vmem>> -> memref<64x128xf32, #tpu.memory_space<vmem>>
        tpu.vector_store_idx %scatter3A_578[%and3A_558, %add3A_13], %gather3A_574 : memref<64x128xf32, #tpu.memory_space<vmem>>[vector<16xi32>, vector<16xi32>], vector<16xf32>,
        %add3A_579 = arith.addi %and3A_558, %select_n3A_286 : vector<16xi32>
        %gather3A_580 = arith.constant 0 : i32
        %gather3A_581 = arith.constant 0 : i32
        %gather3A_582 = tpu.memref_slice %arg7[%scan3A_343, %gather3A_580, %gather3A_581] : memref<2x128x128xf32, #tpu.memory_space<vmem>> -> memref<1x128x128xf32, #tpu.memory_space<vmem>>
        %gather3A_583 = tpu.memref_squeeze %gather3A_582 : memref<1x128x128xf32, #tpu.memory_space<vmem>> -> memref<128x128xf32, #tpu.memory_space<vmem>>
        %gather3A_584 = tpu.vector_load_idx %gather3A_583[%add3A_16, %add3A_579] : memref<128x128xf32, #tpu.memory_space<vmem>>[vector<16xi32>, vector<16xi32>], vector<16xf32>,
        %scatter3A_585 = arith.constant 0 : i32
        %scatter3A_586 = arith.constant 0 : i32
        %scatter3A_587 = tpu.memref_slice %arg8[%scan3A_344, %scatter3A_585, %scatter3A_586] : memref<2x64x128xf32, #tpu.memory_space<vmem>> -> memref<1x64x128xf32, #tpu.memory_space<vmem>>
        %scatter3A_588 = tpu.memref_squeeze %scatter3A_587 : memref<1x64x128xf32, #tpu.memory_space<vmem>> -> memref<64x128xf32, #tpu.memory_space<vmem>>
        tpu.vector_store_idx %scatter3A_588[%and3A_558, %add3A_16], %gather3A_584 : memref<64x128xf32, #tpu.memory_space<vmem>>[vector<16xi32>, vector<16xi32>], vector<16xf32>,
        %add3A_589 = arith.addi %and3A_558, %select_n3A_297 : vector<16xi32>
        %gather3A_590 = arith.constant 0 : i32
        %gather3A_591 = arith.constant 0 : i32
        %gather3A_592 = tpu.memref_slice %arg7[%scan3A_343, %gather3A_590, %gather3A_591] : memref<2x128x128xf32, #tpu.memory_space<vmem>> -> memref<1x128x128xf32, #tpu.memory_space<vmem>>
        %gather3A_593 = tpu.memref_squeeze %gather3A_592 : memref<1x128x128xf32, #tpu.memory_space<vmem>> -> memref<128x128xf32, #tpu.memory_space<vmem>>
        %gather3A_594 = tpu.vector_load_idx %gather3A_593[%add3A_19, %add3A_589] : memref<128x128xf32, #tpu.memory_space<vmem>>[vector<16xi32>, vector<16xi32>], vector<16xf32>,
        %scatter3A_595 = arith.constant 0 : i32
        %scatter3A_596 = arith.constant 0 : i32
        %scatter3A_597 = tpu.memref_slice %arg8[%scan3A_344, %scatter3A_595, %scatter3A_596] : memref<2x64x128xf32, #tpu.memory_space<vmem>> -> memref<1x64x128xf32, #tpu.memory_space<vmem>>
        %scatter3A_598 = tpu.memref_squeeze %scatter3A_597 : memref<1x64x128xf32, #tpu.memory_space<vmem>> -> memref<64x128xf32, #tpu.memory_space<vmem>>
        tpu.vector_store_idx %scatter3A_598[%and3A_558, %add3A_19], %gather3A_594 : memref<64x128xf32, #tpu.memory_space<vmem>>[vector<16xi32>, vector<16xi32>], vector<16xf32>,
        %add3A_599 = arith.addi %and3A_558, %select_n3A_308 : vector<16xi32>
        %gather3A_600 = arith.constant 0 : i32
        %gather3A_601 = arith.constant 0 : i32
        %gather3A_602 = tpu.memref_slice %arg7[%scan3A_343, %gather3A_600, %gather3A_601] : memref<2x128x128xf32, #tpu.memory_space<vmem>> -> memref<1x128x128xf32, #tpu.memory_space<vmem>>
        %gather3A_603 = tpu.memref_squeeze %gather3A_602 : memref<1x128x128xf32, #tpu.memory_space<vmem>> -> memref<128x128xf32, #tpu.memory_space<vmem>>
        %gather3A_604 = tpu.vector_load_idx %gather3A_603[%add3A_22, %add3A_599] : memref<128x128xf32, #tpu.memory_space<vmem>>[vector<16xi32>, vector<16xi32>], vector<16xf32>,
        %scatter3A_605 = arith.constant 0 : i32
        %scatter3A_606 = arith.constant 0 : i32
        %scatter3A_607 = tpu.memref_slice %arg8[%scan3A_344, %scatter3A_605, %scatter3A_606] : memref<2x64x128xf32, #tpu.memory_space<vmem>> -> memref<1x64x128xf32, #tpu.memory_space<vmem>>
        %scatter3A_608 = tpu.memref_squeeze %scatter3A_607 : memref<1x64x128xf32, #tpu.memory_space<vmem>> -> memref<64x128xf32, #tpu.memory_space<vmem>>
        tpu.vector_store_idx %scatter3A_608[%and3A_558, %add3A_22], %gather3A_604 : memref<64x128xf32, #tpu.memory_space<vmem>>[vector<16xi32>, vector<16xi32>], vector<16xf32>,
        %add3A_609 = arith.addi %and3A_558, %select_n3A_319 : vector<16xi32>
        %gather3A_610 = arith.constant 0 : i32
        %gather3A_611 = arith.constant 0 : i32
        %gather3A_612 = tpu.memref_slice %arg7[%scan3A_343, %gather3A_610, %gather3A_611] : memref<2x128x128xf32, #tpu.memory_space<vmem>> -> memref<1x128x128xf32, #tpu.memory_space<vmem>>
        %gather3A_613 = tpu.memref_squeeze %gather3A_612 : memref<1x128x128xf32, #tpu.memory_space<vmem>> -> memref<128x128xf32, #tpu.memory_space<vmem>>
        %gather3A_614 = tpu.vector_load_idx %gather3A_613[%add3A_25, %add3A_609] : memref<128x128xf32, #tpu.memory_space<vmem>>[vector<16xi32>, vector<16xi32>], vector<16xf32>,
        %scatter3A_615 = arith.constant 0 : i32
        %scatter3A_616 = arith.constant 0 : i32
        %scatter3A_617 = tpu.memref_slice %arg8[%scan3A_344, %scatter3A_615, %scatter3A_616] : memref<2x64x128xf32, #tpu.memory_space<vmem>> -> memref<1x64x128xf32, #tpu.memory_space<vmem>>
        %scatter3A_618 = tpu.memref_squeeze %scatter3A_617 : memref<1x64x128xf32, #tpu.memory_space<vmem>> -> memref<64x128xf32, #tpu.memory_space<vmem>>
        tpu.vector_store_idx %scatter3A_618[%and3A_558, %add3A_25], %gather3A_614 : memref<64x128xf32, #tpu.memory_space<vmem>>[vector<16xi32>, vector<16xi32>], vector<16xf32>,
        %add3A_619 = arith.addi %and3A_558, %select_n3A_330 : vector<16xi32>
        %gather3A_620 = arith.constant 0 : i32
        %gather3A_621 = arith.constant 0 : i32
        %gather3A_622 = tpu.memref_slice %arg7[%scan3A_343, %gather3A_620, %gather3A_621] : memref<2x128x128xf32, #tpu.memory_space<vmem>> -> memref<1x128x128xf32, #tpu.memory_space<vmem>>
        %gather3A_623 = tpu.memref_squeeze %gather3A_622 : memref<1x128x128xf32, #tpu.memory_space<vmem>> -> memref<128x128xf32, #tpu.memory_space<vmem>>
        %gather3A_624 = tpu.vector_load_idx %gather3A_623[%add3A_28, %add3A_619] : memref<128x128xf32, #tpu.memory_space<vmem>>[vector<16xi32>, vector<16xi32>], vector<16xf32>,
        %scatter3A_625 = arith.constant 0 : i32
        %scatter3A_626 = arith.constant 0 : i32
        %scatter3A_627 = tpu.memref_slice %arg8[%scan3A_344, %scatter3A_625, %scatter3A_626] : memref<2x64x128xf32, #tpu.memory_space<vmem>> -> memref<1x64x128xf32, #tpu.memory_space<vmem>>
        %scatter3A_628 = tpu.memref_squeeze %scatter3A_627 : memref<1x64x128xf32, #tpu.memory_space<vmem>> -> memref<64x128xf32, #tpu.memory_space<vmem>>
        tpu.vector_store_idx %scatter3A_628[%and3A_558, %add3A_28], %gather3A_624 : memref<64x128xf32, #tpu.memory_space<vmem>>[vector<16xi32>, vector<16xi32>], vector<16xf32>,
        %add3A_629 = arith.addi %and3A_558, %select_n3A_341 : vector<16xi32>
        %gather3A_630 = arith.constant 0 : i32
        %gather3A_631 = arith.constant 0 : i32
        %gather3A_632 = tpu.memref_slice %arg7[%scan3A_343, %gather3A_630, %gather3A_631] : memref<2x128x128xf32, #tpu.memory_space<vmem>> -> memref<1x128x128xf32, #tpu.memory_space<vmem>>
        %gather3A_633 = tpu.memref_squeeze %gather3A_632 : memref<1x128x128xf32, #tpu.memory_space<vmem>> -> memref<128x128xf32, #tpu.memory_space<vmem>>
        %gather3A_634 = tpu.vector_load_idx %gather3A_633[%add3A_31, %add3A_629] : memref<128x128xf32, #tpu.memory_space<vmem>>[vector<16xi32>, vector<16xi32>], vector<16xf32>,
        %scatter3A_635 = arith.constant 0 : i32
        %scatter3A_636 = arith.constant 0 : i32
        %scatter3A_637 = tpu.memref_slice %arg8[%scan3A_344, %scatter3A_635, %scatter3A_636] : memref<2x64x128xf32, #tpu.memory_space<vmem>> -> memref<1x64x128xf32, #tpu.memory_space<vmem>>
        %scatter3A_638 = tpu.memref_squeeze %scatter3A_637 : memref<1x64x128xf32, #tpu.memory_space<vmem>> -> memref<64x128xf32, #tpu.memory_space<vmem>>
        tpu.vector_store_idx %scatter3A_638[%and3A_558, %add3A_31], %gather3A_634 : memref<64x128xf32, #tpu.memory_space<vmem>>[vector<16xi32>, vector<16xi32>], vector<16xf32>,
        %mul3A_639 = arith.constant 8 : i32
        %mul3A_640 = arith.muli %scan3A_371, %mul3A_639 : i32
        %add3A_641 = vector.broadcast %mul3A_640 : i32 to vector<16xi32>
        %add3A_642 = arith.addi %iota3A, %add3A_641 : vector<16xi32>
        %add3A_643 = arith.constant 3 : i32
        %add3A_644 = vector.broadcast %add3A_643 : i32 to vector<16xi32>
        %add3A_645 = arith.addi %add3A_642, %add3A_644 : vector<16xi32>
        %and3A_646 = arith.constant 63 : i32
        %and3A_647 = vector.broadcast %and3A_646 : i32 to vector<16xi32>
        %and3A_648 = arith.andi %add3A_645, %and3A_647 : vector<16xi32>
        %add3A_649 = arith.addi %and3A_648, %select_n3A_264 : vector<16xi32>
        %gather3A_650 = arith.constant 0 : i32
        %gather3A_651 = arith.constant 0 : i32
        %gather3A_652 = tpu.memref_slice %arg7[%scan3A_343, %gather3A_650, %gather3A_651] : memref<2x128x128xf32, #tpu.memory_space<vmem>> -> memref<1x128x128xf32, #tpu.memory_space<vmem>>
        %gather3A_653 = tpu.memref_squeeze %gather3A_652 : memref<1x128x128xf32, #tpu.memory_space<vmem>> -> memref<128x128xf32, #tpu.memory_space<vmem>>
        %gather3A_654 = tpu.vector_load_idx %gather3A_653[%add3A_10, %add3A_649] : memref<128x128xf32, #tpu.memory_space<vmem>>[vector<16xi32>, vector<16xi32>], vector<16xf32>,
        %scatter3A_655 = arith.constant 0 : i32
        %scatter3A_656 = arith.constant 0 : i32
        %scatter3A_657 = tpu.memref_slice %arg8[%scan3A_344, %scatter3A_655, %scatter3A_656] : memref<2x64x128xf32, #tpu.memory_space<vmem>> -> memref<1x64x128xf32, #tpu.memory_space<vmem>>
        %scatter3A_658 = tpu.memref_squeeze %scatter3A_657 : memref<1x64x128xf32, #tpu.memory_space<vmem>> -> memref<64x128xf32, #tpu.memory_space<vmem>>
        tpu.vector_store_idx %scatter3A_658[%and3A_648, %add3A_10], %gather3A_654 : memref<64x128xf32, #tpu.memory_space<vmem>>[vector<16xi32>, vector<16xi32>], vector<16xf32>,
        %add3A_659 = arith.addi %and3A_648, %select_n3A_275 : vector<16xi32>
        %gather3A_660 = arith.constant 0 : i32
        %gather3A_661 = arith.constant 0 : i32
        %gather3A_662 = tpu.memref_slice %arg7[%scan3A_343, %gather3A_660, %gather3A_661] : memref<2x128x128xf32, #tpu.memory_space<vmem>> -> memref<1x128x128xf32, #tpu.memory_space<vmem>>
        %gather3A_663 = tpu.memref_squeeze %gather3A_662 : memref<1x128x128xf32, #tpu.memory_space<vmem>> -> memref<128x128xf32, #tpu.memory_space<vmem>>
        %gather3A_664 = tpu.vector_load_idx %gather3A_663[%add3A_13, %add3A_659] : memref<128x128xf32, #tpu.memory_space<vmem>>[vector<16xi32>, vector<16xi32>], vector<16xf32>,
        %scatter3A_665 = arith.constant 0 : i32
        %scatter3A_666 = arith.constant 0 : i32
        %scatter3A_667 = tpu.memref_slice %arg8[%scan3A_344, %scatter3A_665, %scatter3A_666] : memref<2x64x128xf32, #tpu.memory_space<vmem>> -> memref<1x64x128xf32, #tpu.memory_space<vmem>>
        %scatter3A_668 = tpu.memref_squeeze %scatter3A_667 : memref<1x64x128xf32, #tpu.memory_space<vmem>> -> memref<64x128xf32, #tpu.memory_space<vmem>>
        tpu.vector_store_idx %scatter3A_668[%and3A_648, %add3A_13], %gather3A_664 : memref<64x128xf32, #tpu.memory_space<vmem>>[vector<16xi32>, vector<16xi32>], vector<16xf32>,
        %add3A_669 = arith.addi %and3A_648, %select_n3A_286 : vector<16xi32>
        %gather3A_670 = arith.constant 0 : i32
        %gather3A_671 = arith.constant 0 : i32
        %gather3A_672 = tpu.memref_slice %arg7[%scan3A_343, %gather3A_670, %gather3A_671] : memref<2x128x128xf32, #tpu.memory_space<vmem>> -> memref<1x128x128xf32, #tpu.memory_space<vmem>>
        %gather3A_673 = tpu.memref_squeeze %gather3A_672 : memref<1x128x128xf32, #tpu.memory_space<vmem>> -> memref<128x128xf32, #tpu.memory_space<vmem>>
        %gather3A_674 = tpu.vector_load_idx %gather3A_673[%add3A_16, %add3A_669] : memref<128x128xf32, #tpu.memory_space<vmem>>[vector<16xi32>, vector<16xi32>], vector<16xf32>,
        %scatter3A_675 = arith.constant 0 : i32
        %scatter3A_676 = arith.constant 0 : i32
        %scatter3A_677 = tpu.memref_slice %arg8[%scan3A_344, %scatter3A_675, %scatter3A_676] : memref<2x64x128xf32, #tpu.memory_space<vmem>> -> memref<1x64x128xf32, #tpu.memory_space<vmem>>
        %scatter3A_678 = tpu.memref_squeeze %scatter3A_677 : memref<1x64x128xf32, #tpu.memory_space<vmem>> -> memref<64x128xf32, #tpu.memory_space<vmem>>
        tpu.vector_store_idx %scatter3A_678[%and3A_648, %add3A_16], %gather3A_674 : memref<64x128xf32, #tpu.memory_space<vmem>>[vector<16xi32>, vector<16xi32>], vector<16xf32>,
        %add3A_679 = arith.addi %and3A_648, %select_n3A_297 : vector<16xi32>
        %gather3A_680 = arith.constant 0 : i32
        %gather3A_681 = arith.constant 0 : i32
        %gather3A_682 = tpu.memref_slice %arg7[%scan3A_343, %gather3A_680, %gather3A_681] : memref<2x128x128xf32, #tpu.memory_space<vmem>> -> memref<1x128x128xf32, #tpu.memory_space<vmem>>
        %gather3A_683 = tpu.memref_squeeze %gather3A_682 : memref<1x128x128xf32, #tpu.memory_space<vmem>> -> memref<128x128xf32, #tpu.memory_space<vmem>>
        %gather3A_684 = tpu.vector_load_idx %gather3A_683[%add3A_19, %add3A_679] : memref<128x128xf32, #tpu.memory_space<vmem>>[vector<16xi32>, vector<16xi32>], vector<16xf32>,
        %scatter3A_685 = arith.constant 0 : i32
        %scatter3A_686 = arith.constant 0 : i32
        %scatter3A_687 = tpu.memref_slice %arg8[%scan3A_344, %scatter3A_685, %scatter3A_686] : memref<2x64x128xf32, #tpu.memory_space<vmem>> -> memref<1x64x128xf32, #tpu.memory_space<vmem>>
        %scatter3A_688 = tpu.memref_squeeze %scatter3A_687 : memref<1x64x128xf32, #tpu.memory_space<vmem>> -> memref<64x128xf32, #tpu.memory_space<vmem>>
        tpu.vector_store_idx %scatter3A_688[%and3A_648, %add3A_19], %gather3A_684 : memref<64x128xf32, #tpu.memory_space<vmem>>[vector<16xi32>, vector<16xi32>], vector<16xf32>,
        %add3A_689 = arith.addi %and3A_648, %select_n3A_308 : vector<16xi32>
        %gather3A_690 = arith.constant 0 : i32
        %gather3A_691 = arith.constant 0 : i32
        %gather3A_692 = tpu.memref_slice %arg7[%scan3A_343, %gather3A_690, %gather3A_691] : memref<2x128x128xf32, #tpu.memory_space<vmem>> -> memref<1x128x128xf32, #tpu.memory_space<vmem>>
        %gather3A_693 = tpu.memref_squeeze %gather3A_692 : memref<1x128x128xf32, #tpu.memory_space<vmem>> -> memref<128x128xf32, #tpu.memory_space<vmem>>
        %gather3A_694 = tpu.vector_load_idx %gather3A_693[%add3A_22, %add3A_689] : memref<128x128xf32, #tpu.memory_space<vmem>>[vector<16xi32>, vector<16xi32>], vector<16xf32>,
        %scatter3A_695 = arith.constant 0 : i32
        %scatter3A_696 = arith.constant 0 : i32
        %scatter3A_697 = tpu.memref_slice %arg8[%scan3A_344, %scatter3A_695, %scatter3A_696] : memref<2x64x128xf32, #tpu.memory_space<vmem>> -> memref<1x64x128xf32, #tpu.memory_space<vmem>>
        %scatter3A_698 = tpu.memref_squeeze %scatter3A_697 : memref<1x64x128xf32, #tpu.memory_space<vmem>> -> memref<64x128xf32, #tpu.memory_space<vmem>>
        tpu.vector_store_idx %scatter3A_698[%and3A_648, %add3A_22], %gather3A_694 : memref<64x128xf32, #tpu.memory_space<vmem>>[vector<16xi32>, vector<16xi32>], vector<16xf32>,
        %add3A_699 = arith.addi %and3A_648, %select_n3A_319 : vector<16xi32>
        %gather3A_700 = arith.constant 0 : i32
        %gather3A_701 = arith.constant 0 : i32
        %gather3A_702 = tpu.memref_slice %arg7[%scan3A_343, %gather3A_700, %gather3A_701] : memref<2x128x128xf32, #tpu.memory_space<vmem>> -> memref<1x128x128xf32, #tpu.memory_space<vmem>>
        %gather3A_703 = tpu.memref_squeeze %gather3A_702 : memref<1x128x128xf32, #tpu.memory_space<vmem>> -> memref<128x128xf32, #tpu.memory_space<vmem>>
        %gather3A_704 = tpu.vector_load_idx %gather3A_703[%add3A_25, %add3A_699] : memref<128x128xf32, #tpu.memory_space<vmem>>[vector<16xi32>, vector<16xi32>], vector<16xf32>,
        %scatter3A_705 = arith.constant 0 : i32
        %scatter3A_706 = arith.constant 0 : i32
        %scatter3A_707 = tpu.memref_slice %arg8[%scan3A_344, %scatter3A_705, %scatter3A_706] : memref<2x64x128xf32, #tpu.memory_space<vmem>> -> memref<1x64x128xf32, #tpu.memory_space<vmem>>
        %scatter3A_708 = tpu.memref_squeeze %scatter3A_707 : memref<1x64x128xf32, #tpu.memory_space<vmem>> -> memref<64x128xf32, #tpu.memory_space<vmem>>
        tpu.vector_store_idx %scatter3A_708[%and3A_648, %add3A_25], %gather3A_704 : memref<64x128xf32, #tpu.memory_space<vmem>>[vector<16xi32>, vector<16xi32>], vector<16xf32>,
        %add3A_709 = arith.addi %and3A_648, %select_n3A_330 : vector<16xi32>
        %gather3A_710 = arith.constant 0 : i32
        %gather3A_711 = arith.constant 0 : i32
        %gather3A_712 = tpu.memref_slice %arg7[%scan3A_343, %gather3A_710, %gather3A_711] : memref<2x128x128xf32, #tpu.memory_space<vmem>> -> memref<1x128x128xf32, #tpu.memory_space<vmem>>
        %gather3A_713 = tpu.memref_squeeze %gather3A_712 : memref<1x128x128xf32, #tpu.memory_space<vmem>> -> memref<128x128xf32, #tpu.memory_space<vmem>>
        %gather3A_714 = tpu.vector_load_idx %gather3A_713[%add3A_28, %add3A_709] : memref<128x128xf32, #tpu.memory_space<vmem>>[vector<16xi32>, vector<16xi32>], vector<16xf32>,
        %scatter3A_715 = arith.constant 0 : i32
        %scatter3A_716 = arith.constant 0 : i32
        %scatter3A_717 = tpu.memref_slice %arg8[%scan3A_344, %scatter3A_715, %scatter3A_716] : memref<2x64x128xf32, #tpu.memory_space<vmem>> -> memref<1x64x128xf32, #tpu.memory_space<vmem>>
        %scatter3A_718 = tpu.memref_squeeze %scatter3A_717 : memref<1x64x128xf32, #tpu.memory_space<vmem>> -> memref<64x128xf32, #tpu.memory_space<vmem>>
        tpu.vector_store_idx %scatter3A_718[%and3A_648, %add3A_28], %gather3A_714 : memref<64x128xf32, #tpu.memory_space<vmem>>[vector<16xi32>, vector<16xi32>], vector<16xf32>,
        %add3A_719 = arith.addi %and3A_648, %select_n3A_341 : vector<16xi32>
        %gather3A_720 = arith.constant 0 : i32
        %gather3A_721 = arith.constant 0 : i32
        %gather3A_722 = tpu.memref_slice %arg7[%scan3A_343, %gather3A_720, %gather3A_721] : memref<2x128x128xf32, #tpu.memory_space<vmem>> -> memref<1x128x128xf32, #tpu.memory_space<vmem>>
        %gather3A_723 = tpu.memref_squeeze %gather3A_722 : memref<1x128x128xf32, #tpu.memory_space<vmem>> -> memref<128x128xf32, #tpu.memory_space<vmem>>
        %gather3A_724 = tpu.vector_load_idx %gather3A_723[%add3A_31, %add3A_719] : memref<128x128xf32, #tpu.memory_space<vmem>>[vector<16xi32>, vector<16xi32>], vector<16xf32>,
        %scatter3A_725 = arith.constant 0 : i32
        %scatter3A_726 = arith.constant 0 : i32
        %scatter3A_727 = tpu.memref_slice %arg8[%scan3A_344, %scatter3A_725, %scatter3A_726] : memref<2x64x128xf32, #tpu.memory_space<vmem>> -> memref<1x64x128xf32, #tpu.memory_space<vmem>>
        %scatter3A_728 = tpu.memref_squeeze %scatter3A_727 : memref<1x64x128xf32, #tpu.memory_space<vmem>> -> memref<64x128xf32, #tpu.memory_space<vmem>>
        tpu.vector_store_idx %scatter3A_728[%and3A_648, %add3A_31], %gather3A_724 : memref<64x128xf32, #tpu.memory_space<vmem>>[vector<16xi32>, vector<16xi32>], vector<16xf32>,
        %mul3A_729 = arith.constant 8 : i32
        %mul3A_730 = arith.muli %scan3A_371, %mul3A_729 : i32
        %add3A_731 = vector.broadcast %mul3A_730 : i32 to vector<16xi32>
        %add3A_732 = arith.addi %iota3A, %add3A_731 : vector<16xi32>
        %add3A_733 = arith.constant 4 : i32
        %add3A_734 = vector.broadcast %add3A_733 : i32 to vector<16xi32>
        %add3A_735 = arith.addi %add3A_732, %add3A_734 : vector<16xi32>
        %and3A_736 = arith.constant 63 : i32
        %and3A_737 = vector.broadcast %and3A_736 : i32 to vector<16xi32>
        %and3A_738 = arith.andi %add3A_735, %and3A_737 : vector<16xi32>
        %add3A_739 = arith.addi %and3A_738, %select_n3A_264 : vector<16xi32>
        %gather3A_740 = arith.constant 0 : i32
        %gather3A_741 = arith.constant 0 : i32
        %gather3A_742 = tpu.memref_slice %arg7[%scan3A_343, %gather3A_740, %gather3A_741] : memref<2x128x128xf32, #tpu.memory_space<vmem>> -> memref<1x128x128xf32, #tpu.memory_space<vmem>>
        %gather3A_743 = tpu.memref_squeeze %gather3A_742 : memref<1x128x128xf32, #tpu.memory_space<vmem>> -> memref<128x128xf32, #tpu.memory_space<vmem>>
        %gather3A_744 = tpu.vector_load_idx %gather3A_743[%add3A_10, %add3A_739] : memref<128x128xf32, #tpu.memory_space<vmem>>[vector<16xi32>, vector<16xi32>], vector<16xf32>,
        %scatter3A_745 = arith.constant 0 : i32
        %scatter3A_746 = arith.constant 0 : i32
        %scatter3A_747 = tpu.memref_slice %arg8[%scan3A_344, %scatter3A_745, %scatter3A_746] : memref<2x64x128xf32, #tpu.memory_space<vmem>> -> memref<1x64x128xf32, #tpu.memory_space<vmem>>
        %scatter3A_748 = tpu.memref_squeeze %scatter3A_747 : memref<1x64x128xf32, #tpu.memory_space<vmem>> -> memref<64x128xf32, #tpu.memory_space<vmem>>
        tpu.vector_store_idx %scatter3A_748[%and3A_738, %add3A_10], %gather3A_744 : memref<64x128xf32, #tpu.memory_space<vmem>>[vector<16xi32>, vector<16xi32>], vector<16xf32>,
        %add3A_749 = arith.addi %and3A_738, %select_n3A_275 : vector<16xi32>
        %gather3A_750 = arith.constant 0 : i32
        %gather3A_751 = arith.constant 0 : i32
        %gather3A_752 = tpu.memref_slice %arg7[%scan3A_343, %gather3A_750, %gather3A_751] : memref<2x128x128xf32, #tpu.memory_space<vmem>> -> memref<1x128x128xf32, #tpu.memory_space<vmem>>
        %gather3A_753 = tpu.memref_squeeze %gather3A_752 : memref<1x128x128xf32, #tpu.memory_space<vmem>> -> memref<128x128xf32, #tpu.memory_space<vmem>>
        %gather3A_754 = tpu.vector_load_idx %gather3A_753[%add3A_13, %add3A_749] : memref<128x128xf32, #tpu.memory_space<vmem>>[vector<16xi32>, vector<16xi32>], vector<16xf32>,
        %scatter3A_755 = arith.constant 0 : i32
        %scatter3A_756 = arith.constant 0 : i32
        %scatter3A_757 = tpu.memref_slice %arg8[%scan3A_344, %scatter3A_755, %scatter3A_756] : memref<2x64x128xf32, #tpu.memory_space<vmem>> -> memref<1x64x128xf32, #tpu.memory_space<vmem>>
        %scatter3A_758 = tpu.memref_squeeze %scatter3A_757 : memref<1x64x128xf32, #tpu.memory_space<vmem>> -> memref<64x128xf32, #tpu.memory_space<vmem>>
        tpu.vector_store_idx %scatter3A_758[%and3A_738, %add3A_13], %gather3A_754 : memref<64x128xf32, #tpu.memory_space<vmem>>[vector<16xi32>, vector<16xi32>], vector<16xf32>,
        %add3A_759 = arith.addi %and3A_738, %select_n3A_286 : vector<16xi32>
        %gather3A_760 = arith.constant 0 : i32
        %gather3A_761 = arith.constant 0 : i32
        %gather3A_762 = tpu.memref_slice %arg7[%scan3A_343, %gather3A_760, %gather3A_761] : memref<2x128x128xf32, #tpu.memory_space<vmem>> -> memref<1x128x128xf32, #tpu.memory_space<vmem>>
        %gather3A_763 = tpu.memref_squeeze %gather3A_762 : memref<1x128x128xf32, #tpu.memory_space<vmem>> -> memref<128x128xf32, #tpu.memory_space<vmem>>
        %gather3A_764 = tpu.vector_load_idx %gather3A_763[%add3A_16, %add3A_759] : memref<128x128xf32, #tpu.memory_space<vmem>>[vector<16xi32>, vector<16xi32>], vector<16xf32>,
        %scatter3A_765 = arith.constant 0 : i32
        %scatter3A_766 = arith.constant 0 : i32
        %scatter3A_767 = tpu.memref_slice %arg8[%scan3A_344, %scatter3A_765, %scatter3A_766] : memref<2x64x128xf32, #tpu.memory_space<vmem>> -> memref<1x64x128xf32, #tpu.memory_space<vmem>>
        %scatter3A_768 = tpu.memref_squeeze %scatter3A_767 : memref<1x64x128xf32, #tpu.memory_space<vmem>> -> memref<64x128xf32, #tpu.memory_space<vmem>>
        tpu.vector_store_idx %scatter3A_768[%and3A_738, %add3A_16], %gather3A_764 : memref<64x128xf32, #tpu.memory_space<vmem>>[vector<16xi32>, vector<16xi32>], vector<16xf32>,
        %add3A_769 = arith.addi %and3A_738, %select_n3A_297 : vector<16xi32>
        %gather3A_770 = arith.constant 0 : i32
        %gather3A_771 = arith.constant 0 : i32
        %gather3A_772 = tpu.memref_slice %arg7[%scan3A_343, %gather3A_770, %gather3A_771] : memref<2x128x128xf32, #tpu.memory_space<vmem>> -> memref<1x128x128xf32, #tpu.memory_space<vmem>>
        %gather3A_773 = tpu.memref_squeeze %gather3A_772 : memref<1x128x128xf32, #tpu.memory_space<vmem>> -> memref<128x128xf32, #tpu.memory_space<vmem>>
        %gather3A_774 = tpu.vector_load_idx %gather3A_773[%add3A_19, %add3A_769] : memref<128x128xf32, #tpu.memory_space<vmem>>[vector<16xi32>, vector<16xi32>], vector<16xf32>,
        %scatter3A_775 = arith.constant 0 : i32
        %scatter3A_776 = arith.constant 0 : i32
        %scatter3A_777 = tpu.memref_slice %arg8[%scan3A_344, %scatter3A_775, %scatter3A_776] : memref<2x64x128xf32, #tpu.memory_space<vmem>> -> memref<1x64x128xf32, #tpu.memory_space<vmem>>
        %scatter3A_778 = tpu.memref_squeeze %scatter3A_777 : memref<1x64x128xf32, #tpu.memory_space<vmem>> -> memref<64x128xf32, #tpu.memory_space<vmem>>
        tpu.vector_store_idx %scatter3A_778[%and3A_738, %add3A_19], %gather3A_774 : memref<64x128xf32, #tpu.memory_space<vmem>>[vector<16xi32>, vector<16xi32>], vector<16xf32>,
        %add3A_779 = arith.addi %and3A_738, %select_n3A_308 : vector<16xi32>
        %gather3A_780 = arith.constant 0 : i32
        %gather3A_781 = arith.constant 0 : i32
        %gather3A_782 = tpu.memref_slice %arg7[%scan3A_343, %gather3A_780, %gather3A_781] : memref<2x128x128xf32, #tpu.memory_space<vmem>> -> memref<1x128x128xf32, #tpu.memory_space<vmem>>
        %gather3A_783 = tpu.memref_squeeze %gather3A_782 : memref<1x128x128xf32, #tpu.memory_space<vmem>> -> memref<128x128xf32, #tpu.memory_space<vmem>>
        %gather3A_784 = tpu.vector_load_idx %gather3A_783[%add3A_22, %add3A_779] : memref<128x128xf32, #tpu.memory_space<vmem>>[vector<16xi32>, vector<16xi32>], vector<16xf32>,
        %scatter3A_785 = arith.constant 0 : i32
        %scatter3A_786 = arith.constant 0 : i32
        %scatter3A_787 = tpu.memref_slice %arg8[%scan3A_344, %scatter3A_785, %scatter3A_786] : memref<2x64x128xf32, #tpu.memory_space<vmem>> -> memref<1x64x128xf32, #tpu.memory_space<vmem>>
        %scatter3A_788 = tpu.memref_squeeze %scatter3A_787 : memref<1x64x128xf32, #tpu.memory_space<vmem>> -> memref<64x128xf32, #tpu.memory_space<vmem>>
        tpu.vector_store_idx %scatter3A_788[%and3A_738, %add3A_22], %gather3A_784 : memref<64x128xf32, #tpu.memory_space<vmem>>[vector<16xi32>, vector<16xi32>], vector<16xf32>,
        %add3A_789 = arith.addi %and3A_738, %select_n3A_319 : vector<16xi32>
        %gather3A_790 = arith.constant 0 : i32
        %gather3A_791 = arith.constant 0 : i32
        %gather3A_792 = tpu.memref_slice %arg7[%scan3A_343, %gather3A_790, %gather3A_791] : memref<2x128x128xf32, #tpu.memory_space<vmem>> -> memref<1x128x128xf32, #tpu.memory_space<vmem>>
        %gather3A_793 = tpu.memref_squeeze %gather3A_792 : memref<1x128x128xf32, #tpu.memory_space<vmem>> -> memref<128x128xf32, #tpu.memory_space<vmem>>
        %gather3A_794 = tpu.vector_load_idx %gather3A_793[%add3A_25, %add3A_789] : memref<128x128xf32, #tpu.memory_space<vmem>>[vector<16xi32>, vector<16xi32>], vector<16xf32>,
        %scatter3A_795 = arith.constant 0 : i32
        %scatter3A_796 = arith.constant 0 : i32
        %scatter3A_797 = tpu.memref_slice %arg8[%scan3A_344, %scatter3A_795, %scatter3A_796] : memref<2x64x128xf32, #tpu.memory_space<vmem>> -> memref<1x64x128xf32, #tpu.memory_space<vmem>>
        %scatter3A_798 = tpu.memref_squeeze %scatter3A_797 : memref<1x64x128xf32, #tpu.memory_space<vmem>> -> memref<64x128xf32, #tpu.memory_space<vmem>>
        tpu.vector_store_idx %scatter3A_798[%and3A_738, %add3A_25], %gather3A_794 : memref<64x128xf32, #tpu.memory_space<vmem>>[vector<16xi32>, vector<16xi32>], vector<16xf32>,
        %add3A_799 = arith.addi %and3A_738, %select_n3A_330 : vector<16xi32>
        %gather3A_800 = arith.constant 0 : i32
        %gather3A_801 = arith.constant 0 : i32
        %gather3A_802 = tpu.memref_slice %arg7[%scan3A_343, %gather3A_800, %gather3A_801] : memref<2x128x128xf32, #tpu.memory_space<vmem>> -> memref<1x128x128xf32, #tpu.memory_space<vmem>>
        %gather3A_803 = tpu.memref_squeeze %gather3A_802 : memref<1x128x128xf32, #tpu.memory_space<vmem>> -> memref<128x128xf32, #tpu.memory_space<vmem>>
        %gather3A_804 = tpu.vector_load_idx %gather3A_803[%add3A_28, %add3A_799] : memref<128x128xf32, #tpu.memory_space<vmem>>[vector<16xi32>, vector<16xi32>], vector<16xf32>,
        %scatter3A_805 = arith.constant 0 : i32
        %scatter3A_806 = arith.constant 0 : i32
        %scatter3A_807 = tpu.memref_slice %arg8[%scan3A_344, %scatter3A_805, %scatter3A_806] : memref<2x64x128xf32, #tpu.memory_space<vmem>> -> memref<1x64x128xf32, #tpu.memory_space<vmem>>
        %scatter3A_808 = tpu.memref_squeeze %scatter3A_807 : memref<1x64x128xf32, #tpu.memory_space<vmem>> -> memref<64x128xf32, #tpu.memory_space<vmem>>
        tpu.vector_store_idx %scatter3A_808[%and3A_738, %add3A_28], %gather3A_804 : memref<64x128xf32, #tpu.memory_space<vmem>>[vector<16xi32>, vector<16xi32>], vector<16xf32>,
        %add3A_809 = arith.addi %and3A_738, %select_n3A_341 : vector<16xi32>
        %gather3A_810 = arith.constant 0 : i32
        %gather3A_811 = arith.constant 0 : i32
        %gather3A_812 = tpu.memref_slice %arg7[%scan3A_343, %gather3A_810, %gather3A_811] : memref<2x128x128xf32, #tpu.memory_space<vmem>> -> memref<1x128x128xf32, #tpu.memory_space<vmem>>
        %gather3A_813 = tpu.memref_squeeze %gather3A_812 : memref<1x128x128xf32, #tpu.memory_space<vmem>> -> memref<128x128xf32, #tpu.memory_space<vmem>>
        %gather3A_814 = tpu.vector_load_idx %gather3A_813[%add3A_31, %add3A_809] : memref<128x128xf32, #tpu.memory_space<vmem>>[vector<16xi32>, vector<16xi32>], vector<16xf32>,
        %scatter3A_815 = arith.constant 0 : i32
        %scatter3A_816 = arith.constant 0 : i32
        %scatter3A_817 = tpu.memref_slice %arg8[%scan3A_344, %scatter3A_815, %scatter3A_816] : memref<2x64x128xf32, #tpu.memory_space<vmem>> -> memref<1x64x128xf32, #tpu.memory_space<vmem>>
        %scatter3A_818 = tpu.memref_squeeze %scatter3A_817 : memref<1x64x128xf32, #tpu.memory_space<vmem>> -> memref<64x128xf32, #tpu.memory_space<vmem>>
        tpu.vector_store_idx %scatter3A_818[%and3A_738, %add3A_31], %gather3A_814 : memref<64x128xf32, #tpu.memory_space<vmem>>[vector<16xi32>, vector<16xi32>], vector<16xf32>,
        %mul3A_819 = arith.constant 8 : i32
        %mul3A_820 = arith.muli %scan3A_371, %mul3A_819 : i32
        %add3A_821 = vector.broadcast %mul3A_820 : i32 to vector<16xi32>
        %add3A_822 = arith.addi %iota3A, %add3A_821 : vector<16xi32>
        %add3A_823 = arith.constant 5 : i32
        %add3A_824 = vector.broadcast %add3A_823 : i32 to vector<16xi32>
        %add3A_825 = arith.addi %add3A_822, %add3A_824 : vector<16xi32>
        %and3A_826 = arith.constant 63 : i32
        %and3A_827 = vector.broadcast %and3A_826 : i32 to vector<16xi32>
        %and3A_828 = arith.andi %add3A_825, %and3A_827 : vector<16xi32>
        %add3A_829 = arith.addi %and3A_828, %select_n3A_264 : vector<16xi32>
        %gather3A_830 = arith.constant 0 : i32
        %gather3A_831 = arith.constant 0 : i32
        %gather3A_832 = tpu.memref_slice %arg7[%scan3A_343, %gather3A_830, %gather3A_831] : memref<2x128x128xf32, #tpu.memory_space<vmem>> -> memref<1x128x128xf32, #tpu.memory_space<vmem>>
        %gather3A_833 = tpu.memref_squeeze %gather3A_832 : memref<1x128x128xf32, #tpu.memory_space<vmem>> -> memref<128x128xf32, #tpu.memory_space<vmem>>
        %gather3A_834 = tpu.vector_load_idx %gather3A_833[%add3A_10, %add3A_829] : memref<128x128xf32, #tpu.memory_space<vmem>>[vector<16xi32>, vector<16xi32>], vector<16xf32>,
        %scatter3A_835 = arith.constant 0 : i32
        %scatter3A_836 = arith.constant 0 : i32
        %scatter3A_837 = tpu.memref_slice %arg8[%scan3A_344, %scatter3A_835, %scatter3A_836] : memref<2x64x128xf32, #tpu.memory_space<vmem>> -> memref<1x64x128xf32, #tpu.memory_space<vmem>>
        %scatter3A_838 = tpu.memref_squeeze %scatter3A_837 : memref<1x64x128xf32, #tpu.memory_space<vmem>> -> memref<64x128xf32, #tpu.memory_space<vmem>>
        tpu.vector_store_idx %scatter3A_838[%and3A_828, %add3A_10], %gather3A_834 : memref<64x128xf32, #tpu.memory_space<vmem>>[vector<16xi32>, vector<16xi32>], vector<16xf32>,
        %add3A_839 = arith.addi %and3A_828, %select_n3A_275 : vector<16xi32>
        %gather3A_840 = arith.constant 0 : i32
        %gather3A_841 = arith.constant 0 : i32
        %gather3A_842 = tpu.memref_slice %arg7[%scan3A_343, %gather3A_840, %gather3A_841] : memref<2x128x128xf32, #tpu.memory_space<vmem>> -> memref<1x128x128xf32, #tpu.memory_space<vmem>>
        %gather3A_843 = tpu.memref_squeeze %gather3A_842 : memref<1x128x128xf32, #tpu.memory_space<vmem>> -> memref<128x128xf32, #tpu.memory_space<vmem>>
        %gather3A_844 = tpu.vector_load_idx %gather3A_843[%add3A_13, %add3A_839] : memref<128x128xf32, #tpu.memory_space<vmem>>[vector<16xi32>, vector<16xi32>], vector<16xf32>,
        %scatter3A_845 = arith.constant 0 : i32
        %scatter3A_846 = arith.constant 0 : i32
        %scatter3A_847 = tpu.memref_slice %arg8[%scan3A_344, %scatter3A_845, %scatter3A_846] : memref<2x64x128xf32, #tpu.memory_space<vmem>> -> memref<1x64x128xf32, #tpu.memory_space<vmem>>
        %scatter3A_848 = tpu.memref_squeeze %scatter3A_847 : memref<1x64x128xf32, #tpu.memory_space<vmem>> -> memref<64x128xf32, #tpu.memory_space<vmem>>
        tpu.vector_store_idx %scatter3A_848[%and3A_828, %add3A_13], %gather3A_844 : memref<64x128xf32, #tpu.memory_space<vmem>>[vector<16xi32>, vector<16xi32>], vector<16xf32>,
        %add3A_849 = arith.addi %and3A_828, %select_n3A_286 : vector<16xi32>
        %gather3A_850 = arith.constant 0 : i32
        %gather3A_851 = arith.constant 0 : i32
        %gather3A_852 = tpu.memref_slice %arg7[%scan3A_343, %gather3A_850, %gather3A_851] : memref<2x128x128xf32, #tpu.memory_space<vmem>> -> memref<1x128x128xf32, #tpu.memory_space<vmem>>
        %gather3A_853 = tpu.memref_squeeze %gather3A_852 : memref<1x128x128xf32, #tpu.memory_space<vmem>> -> memref<128x128xf32, #tpu.memory_space<vmem>>
        %gather3A_854 = tpu.vector_load_idx %gather3A_853[%add3A_16, %add3A_849] : memref<128x128xf32, #tpu.memory_space<vmem>>[vector<16xi32>, vector<16xi32>], vector<16xf32>,
        %scatter3A_855 = arith.constant 0 : i32
        %scatter3A_856 = arith.constant 0 : i32
        %scatter3A_857 = tpu.memref_slice %arg8[%scan3A_344, %scatter3A_855, %scatter3A_856] : memref<2x64x128xf32, #tpu.memory_space<vmem>> -> memref<1x64x128xf32, #tpu.memory_space<vmem>>
        %scatter3A_858 = tpu.memref_squeeze %scatter3A_857 : memref<1x64x128xf32, #tpu.memory_space<vmem>> -> memref<64x128xf32, #tpu.memory_space<vmem>>
        tpu.vector_store_idx %scatter3A_858[%and3A_828, %add3A_16], %gather3A_854 : memref<64x128xf32, #tpu.memory_space<vmem>>[vector<16xi32>, vector<16xi32>], vector<16xf32>,
        %add3A_859 = arith.addi %and3A_828, %select_n3A_297 : vector<16xi32>
        %gather3A_860 = arith.constant 0 : i32
        %gather3A_861 = arith.constant 0 : i32
        %gather3A_862 = tpu.memref_slice %arg7[%scan3A_343, %gather3A_860, %gather3A_861] : memref<2x128x128xf32, #tpu.memory_space<vmem>> -> memref<1x128x128xf32, #tpu.memory_space<vmem>>
        %gather3A_863 = tpu.memref_squeeze %gather3A_862 : memref<1x128x128xf32, #tpu.memory_space<vmem>> -> memref<128x128xf32, #tpu.memory_space<vmem>>
        %gather3A_864 = tpu.vector_load_idx %gather3A_863[%add3A_19, %add3A_859] : memref<128x128xf32, #tpu.memory_space<vmem>>[vector<16xi32>, vector<16xi32>], vector<16xf32>,
        %scatter3A_865 = arith.constant 0 : i32
        %scatter3A_866 = arith.constant 0 : i32
        %scatter3A_867 = tpu.memref_slice %arg8[%scan3A_344, %scatter3A_865, %scatter3A_866] : memref<2x64x128xf32, #tpu.memory_space<vmem>> -> memref<1x64x128xf32, #tpu.memory_space<vmem>>
        %scatter3A_868 = tpu.memref_squeeze %scatter3A_867 : memref<1x64x128xf32, #tpu.memory_space<vmem>> -> memref<64x128xf32, #tpu.memory_space<vmem>>
        tpu.vector_store_idx %scatter3A_868[%and3A_828, %add3A_19], %gather3A_864 : memref<64x128xf32, #tpu.memory_space<vmem>>[vector<16xi32>, vector<16xi32>], vector<16xf32>,
        %add3A_869 = arith.addi %and3A_828, %select_n3A_308 : vector<16xi32>
        %gather3A_870 = arith.constant 0 : i32
        %gather3A_871 = arith.constant 0 : i32
        %gather3A_872 = tpu.memref_slice %arg7[%scan3A_343, %gather3A_870, %gather3A_871] : memref<2x128x128xf32, #tpu.memory_space<vmem>> -> memref<1x128x128xf32, #tpu.memory_space<vmem>>
        %gather3A_873 = tpu.memref_squeeze %gather3A_872 : memref<1x128x128xf32, #tpu.memory_space<vmem>> -> memref<128x128xf32, #tpu.memory_space<vmem>>
        %gather3A_874 = tpu.vector_load_idx %gather3A_873[%add3A_22, %add3A_869] : memref<128x128xf32, #tpu.memory_space<vmem>>[vector<16xi32>, vector<16xi32>], vector<16xf32>,
        %scatter3A_875 = arith.constant 0 : i32
        %scatter3A_876 = arith.constant 0 : i32
        %scatter3A_877 = tpu.memref_slice %arg8[%scan3A_344, %scatter3A_875, %scatter3A_876] : memref<2x64x128xf32, #tpu.memory_space<vmem>> -> memref<1x64x128xf32, #tpu.memory_space<vmem>>
        %scatter3A_878 = tpu.memref_squeeze %scatter3A_877 : memref<1x64x128xf32, #tpu.memory_space<vmem>> -> memref<64x128xf32, #tpu.memory_space<vmem>>
        tpu.vector_store_idx %scatter3A_878[%and3A_828, %add3A_22], %gather3A_874 : memref<64x128xf32, #tpu.memory_space<vmem>>[vector<16xi32>, vector<16xi32>], vector<16xf32>,
        %add3A_879 = arith.addi %and3A_828, %select_n3A_319 : vector<16xi32>
        %gather3A_880 = arith.constant 0 : i32
        %gather3A_881 = arith.constant 0 : i32
        %gather3A_882 = tpu.memref_slice %arg7[%scan3A_343, %gather3A_880, %gather3A_881] : memref<2x128x128xf32, #tpu.memory_space<vmem>> -> memref<1x128x128xf32, #tpu.memory_space<vmem>>
        %gather3A_883 = tpu.memref_squeeze %gather3A_882 : memref<1x128x128xf32, #tpu.memory_space<vmem>> -> memref<128x128xf32, #tpu.memory_space<vmem>>
        %gather3A_884 = tpu.vector_load_idx %gather3A_883[%add3A_25, %add3A_879] : memref<128x128xf32, #tpu.memory_space<vmem>>[vector<16xi32>, vector<16xi32>], vector<16xf32>,
        %scatter3A_885 = arith.constant 0 : i32
        %scatter3A_886 = arith.constant 0 : i32
        %scatter3A_887 = tpu.memref_slice %arg8[%scan3A_344, %scatter3A_885, %scatter3A_886] : memref<2x64x128xf32, #tpu.memory_space<vmem>> -> memref<1x64x128xf32, #tpu.memory_space<vmem>>
        %scatter3A_888 = tpu.memref_squeeze %scatter3A_887 : memref<1x64x128xf32, #tpu.memory_space<vmem>> -> memref<64x128xf32, #tpu.memory_space<vmem>>
        tpu.vector_store_idx %scatter3A_888[%and3A_828, %add3A_25], %gather3A_884 : memref<64x128xf32, #tpu.memory_space<vmem>>[vector<16xi32>, vector<16xi32>], vector<16xf32>,
        %add3A_889 = arith.addi %and3A_828, %select_n3A_330 : vector<16xi32>
        %gather3A_890 = arith.constant 0 : i32
        %gather3A_891 = arith.constant 0 : i32
        %gather3A_892 = tpu.memref_slice %arg7[%scan3A_343, %gather3A_890, %gather3A_891] : memref<2x128x128xf32, #tpu.memory_space<vmem>> -> memref<1x128x128xf32, #tpu.memory_space<vmem>>
        %gather3A_893 = tpu.memref_squeeze %gather3A_892 : memref<1x128x128xf32, #tpu.memory_space<vmem>> -> memref<128x128xf32, #tpu.memory_space<vmem>>
        %gather3A_894 = tpu.vector_load_idx %gather3A_893[%add3A_28, %add3A_889] : memref<128x128xf32, #tpu.memory_space<vmem>>[vector<16xi32>, vector<16xi32>], vector<16xf32>,
        %scatter3A_895 = arith.constant 0 : i32
        %scatter3A_896 = arith.constant 0 : i32
        %scatter3A_897 = tpu.memref_slice %arg8[%scan3A_344, %scatter3A_895, %scatter3A_896] : memref<2x64x128xf32, #tpu.memory_space<vmem>> -> memref<1x64x128xf32, #tpu.memory_space<vmem>>
        %scatter3A_898 = tpu.memref_squeeze %scatter3A_897 : memref<1x64x128xf32, #tpu.memory_space<vmem>> -> memref<64x128xf32, #tpu.memory_space<vmem>>
        tpu.vector_store_idx %scatter3A_898[%and3A_828, %add3A_28], %gather3A_894 : memref<64x128xf32, #tpu.memory_space<vmem>>[vector<16xi32>, vector<16xi32>], vector<16xf32>,
        %add3A_899 = arith.addi %and3A_828, %select_n3A_341 : vector<16xi32>
        %gather3A_900 = arith.constant 0 : i32
        %gather3A_901 = arith.constant 0 : i32
        %gather3A_902 = tpu.memref_slice %arg7[%scan3A_343, %gather3A_900, %gather3A_901] : memref<2x128x128xf32, #tpu.memory_space<vmem>> -> memref<1x128x128xf32, #tpu.memory_space<vmem>>
        %gather3A_903 = tpu.memref_squeeze %gather3A_902 : memref<1x128x128xf32, #tpu.memory_space<vmem>> -> memref<128x128xf32, #tpu.memory_space<vmem>>
        %gather3A_904 = tpu.vector_load_idx %gather3A_903[%add3A_31, %add3A_899] : memref<128x128xf32, #tpu.memory_space<vmem>>[vector<16xi32>, vector<16xi32>], vector<16xf32>,
        %scatter3A_905 = arith.constant 0 : i32
        %scatter3A_906 = arith.constant 0 : i32
        %scatter3A_907 = tpu.memref_slice %arg8[%scan3A_344, %scatter3A_905, %scatter3A_906] : memref<2x64x128xf32, #tpu.memory_space<vmem>> -> memref<1x64x128xf32, #tpu.memory_space<vmem>>
        %scatter3A_908 = tpu.memref_squeeze %scatter3A_907 : memref<1x64x128xf32, #tpu.memory_space<vmem>> -> memref<64x128xf32, #tpu.memory_space<vmem>>
        tpu.vector_store_idx %scatter3A_908[%and3A_828, %add3A_31], %gather3A_904 : memref<64x128xf32, #tpu.memory_space<vmem>>[vector<16xi32>, vector<16xi32>], vector<16xf32>,
        %mul3A_909 = arith.constant 8 : i32
        %mul3A_910 = arith.muli %scan3A_371, %mul3A_909 : i32
        %add3A_911 = vector.broadcast %mul3A_910 : i32 to vector<16xi32>
        %add3A_912 = arith.addi %iota3A, %add3A_911 : vector<16xi32>
        %add3A_913 = arith.constant 6 : i32
        %add3A_914 = vector.broadcast %add3A_913 : i32 to vector<16xi32>
        %add3A_915 = arith.addi %add3A_912, %add3A_914 : vector<16xi32>
        %and3A_916 = arith.constant 63 : i32
        %and3A_917 = vector.broadcast %and3A_916 : i32 to vector<16xi32>
        %and3A_918 = arith.andi %add3A_915, %and3A_917 : vector<16xi32>
        %add3A_919 = arith.addi %and3A_918, %select_n3A_264 : vector<16xi32>
        %gather3A_920 = arith.constant 0 : i32
        %gather3A_921 = arith.constant 0 : i32
        %gather3A_922 = tpu.memref_slice %arg7[%scan3A_343, %gather3A_920, %gather3A_921] : memref<2x128x128xf32, #tpu.memory_space<vmem>> -> memref<1x128x128xf32, #tpu.memory_space<vmem>>
        %gather3A_923 = tpu.memref_squeeze %gather3A_922 : memref<1x128x128xf32, #tpu.memory_space<vmem>> -> memref<128x128xf32, #tpu.memory_space<vmem>>
        %gather3A_924 = tpu.vector_load_idx %gather3A_923[%add3A_10, %add3A_919] : memref<128x128xf32, #tpu.memory_space<vmem>>[vector<16xi32>, vector<16xi32>], vector<16xf32>,
        %scatter3A_925 = arith.constant 0 : i32
        %scatter3A_926 = arith.constant 0 : i32
        %scatter3A_927 = tpu.memref_slice %arg8[%scan3A_344, %scatter3A_925, %scatter3A_926] : memref<2x64x128xf32, #tpu.memory_space<vmem>> -> memref<1x64x128xf32, #tpu.memory_space<vmem>>
        %scatter3A_928 = tpu.memref_squeeze %scatter3A_927 : memref<1x64x128xf32, #tpu.memory_space<vmem>> -> memref<64x128xf32, #tpu.memory_space<vmem>>
        tpu.vector_store_idx %scatter3A_928[%and3A_918, %add3A_10], %gather3A_924 : memref<64x128xf32, #tpu.memory_space<vmem>>[vector<16xi32>, vector<16xi32>], vector<16xf32>,
        %add3A_929 = arith.addi %and3A_918, %select_n3A_275 : vector<16xi32>
        %gather3A_930 = arith.constant 0 : i32
        %gather3A_931 = arith.constant 0 : i32
        %gather3A_932 = tpu.memref_slice %arg7[%scan3A_343, %gather3A_930, %gather3A_931] : memref<2x128x128xf32, #tpu.memory_space<vmem>> -> memref<1x128x128xf32, #tpu.memory_space<vmem>>
        %gather3A_933 = tpu.memref_squeeze %gather3A_932 : memref<1x128x128xf32, #tpu.memory_space<vmem>> -> memref<128x128xf32, #tpu.memory_space<vmem>>
        %gather3A_934 = tpu.vector_load_idx %gather3A_933[%add3A_13, %add3A_929] : memref<128x128xf32, #tpu.memory_space<vmem>>[vector<16xi32>, vector<16xi32>], vector<16xf32>,
        %scatter3A_935 = arith.constant 0 : i32
        %scatter3A_936 = arith.constant 0 : i32
        %scatter3A_937 = tpu.memref_slice %arg8[%scan3A_344, %scatter3A_935, %scatter3A_936] : memref<2x64x128xf32, #tpu.memory_space<vmem>> -> memref<1x64x128xf32, #tpu.memory_space<vmem>>
        %scatter3A_938 = tpu.memref_squeeze %scatter3A_937 : memref<1x64x128xf32, #tpu.memory_space<vmem>> -> memref<64x128xf32, #tpu.memory_space<vmem>>
        tpu.vector_store_idx %scatter3A_938[%and3A_918, %add3A_13], %gather3A_934 : memref<64x128xf32, #tpu.memory_space<vmem>>[vector<16xi32>, vector<16xi32>], vector<16xf32>,
        %add3A_939 = arith.addi %and3A_918, %select_n3A_286 : vector<16xi32>
        %gather3A_940 = arith.constant 0 : i32
        %gather3A_941 = arith.constant 0 : i32
        %gather3A_942 = tpu.memref_slice %arg7[%scan3A_343, %gather3A_940, %gather3A_941] : memref<2x128x128xf32, #tpu.memory_space<vmem>> -> memref<1x128x128xf32, #tpu.memory_space<vmem>>
        %gather3A_943 = tpu.memref_squeeze %gather3A_942 : memref<1x128x128xf32, #tpu.memory_space<vmem>> -> memref<128x128xf32, #tpu.memory_space<vmem>>
        %gather3A_944 = tpu.vector_load_idx %gather3A_943[%add3A_16, %add3A_939] : memref<128x128xf32, #tpu.memory_space<vmem>>[vector<16xi32>, vector<16xi32>], vector<16xf32>,
        %scatter3A_945 = arith.constant 0 : i32
        %scatter3A_946 = arith.constant 0 : i32
        %scatter3A_947 = tpu.memref_slice %arg8[%scan3A_344, %scatter3A_945, %scatter3A_946] : memref<2x64x128xf32, #tpu.memory_space<vmem>> -> memref<1x64x128xf32, #tpu.memory_space<vmem>>
        %scatter3A_948 = tpu.memref_squeeze %scatter3A_947 : memref<1x64x128xf32, #tpu.memory_space<vmem>> -> memref<64x128xf32, #tpu.memory_space<vmem>>
        tpu.vector_store_idx %scatter3A_948[%and3A_918, %add3A_16], %gather3A_944 : memref<64x128xf32, #tpu.memory_space<vmem>>[vector<16xi32>, vector<16xi32>], vector<16xf32>,
        %add3A_949 = arith.addi %and3A_918, %select_n3A_297 : vector<16xi32>
        %gather3A_950 = arith.constant 0 : i32
        %gather3A_951 = arith.constant 0 : i32
        %gather3A_952 = tpu.memref_slice %arg7[%scan3A_343, %gather3A_950, %gather3A_951] : memref<2x128x128xf32, #tpu.memory_space<vmem>> -> memref<1x128x128xf32, #tpu.memory_space<vmem>>
        %gather3A_953 = tpu.memref_squeeze %gather3A_952 : memref<1x128x128xf32, #tpu.memory_space<vmem>> -> memref<128x128xf32, #tpu.memory_space<vmem>>
        %gather3A_954 = tpu.vector_load_idx %gather3A_953[%add3A_19, %add3A_949] : memref<128x128xf32, #tpu.memory_space<vmem>>[vector<16xi32>, vector<16xi32>], vector<16xf32>,
        %scatter3A_955 = arith.constant 0 : i32
        %scatter3A_956 = arith.constant 0 : i32
        %scatter3A_957 = tpu.memref_slice %arg8[%scan3A_344, %scatter3A_955, %scatter3A_956] : memref<2x64x128xf32, #tpu.memory_space<vmem>> -> memref<1x64x128xf32, #tpu.memory_space<vmem>>
        %scatter3A_958 = tpu.memref_squeeze %scatter3A_957 : memref<1x64x128xf32, #tpu.memory_space<vmem>> -> memref<64x128xf32, #tpu.memory_space<vmem>>
        tpu.vector_store_idx %scatter3A_958[%and3A_918, %add3A_19], %gather3A_954 : memref<64x128xf32, #tpu.memory_space<vmem>>[vector<16xi32>, vector<16xi32>], vector<16xf32>,
        %add3A_959 = arith.addi %and3A_918, %select_n3A_308 : vector<16xi32>
        %gather3A_960 = arith.constant 0 : i32
        %gather3A_961 = arith.constant 0 : i32
        %gather3A_962 = tpu.memref_slice %arg7[%scan3A_343, %gather3A_960, %gather3A_961] : memref<2x128x128xf32, #tpu.memory_space<vmem>> -> memref<1x128x128xf32, #tpu.memory_space<vmem>>
        %gather3A_963 = tpu.memref_squeeze %gather3A_962 : memref<1x128x128xf32, #tpu.memory_space<vmem>> -> memref<128x128xf32, #tpu.memory_space<vmem>>
        %gather3A_964 = tpu.vector_load_idx %gather3A_963[%add3A_22, %add3A_959] : memref<128x128xf32, #tpu.memory_space<vmem>>[vector<16xi32>, vector<16xi32>], vector<16xf32>,
        %scatter3A_965 = arith.constant 0 : i32
        %scatter3A_966 = arith.constant 0 : i32
        %scatter3A_967 = tpu.memref_slice %arg8[%scan3A_344, %scatter3A_965, %scatter3A_966] : memref<2x64x128xf32, #tpu.memory_space<vmem>> -> memref<1x64x128xf32, #tpu.memory_space<vmem>>
        %scatter3A_968 = tpu.memref_squeeze %scatter3A_967 : memref<1x64x128xf32, #tpu.memory_space<vmem>> -> memref<64x128xf32, #tpu.memory_space<vmem>>
        tpu.vector_store_idx %scatter3A_968[%and3A_918, %add3A_22], %gather3A_964 : memref<64x128xf32, #tpu.memory_space<vmem>>[vector<16xi32>, vector<16xi32>], vector<16xf32>,
        %add3A_969 = arith.addi %and3A_918, %select_n3A_319 : vector<16xi32>
        %gather3A_970 = arith.constant 0 : i32
        %gather3A_971 = arith.constant 0 : i32
        %gather3A_972 = tpu.memref_slice %arg7[%scan3A_343, %gather3A_970, %gather3A_971] : memref<2x128x128xf32, #tpu.memory_space<vmem>> -> memref<1x128x128xf32, #tpu.memory_space<vmem>>
        %gather3A_973 = tpu.memref_squeeze %gather3A_972 : memref<1x128x128xf32, #tpu.memory_space<vmem>> -> memref<128x128xf32, #tpu.memory_space<vmem>>
        %gather3A_974 = tpu.vector_load_idx %gather3A_973[%add3A_25, %add3A_969] : memref<128x128xf32, #tpu.memory_space<vmem>>[vector<16xi32>, vector<16xi32>], vector<16xf32>,
        %scatter3A_975 = arith.constant 0 : i32
        %scatter3A_976 = arith.constant 0 : i32
        %scatter3A_977 = tpu.memref_slice %arg8[%scan3A_344, %scatter3A_975, %scatter3A_976] : memref<2x64x128xf32, #tpu.memory_space<vmem>> -> memref<1x64x128xf32, #tpu.memory_space<vmem>>
        %scatter3A_978 = tpu.memref_squeeze %scatter3A_977 : memref<1x64x128xf32, #tpu.memory_space<vmem>> -> memref<64x128xf32, #tpu.memory_space<vmem>>
        tpu.vector_store_idx %scatter3A_978[%and3A_918, %add3A_25], %gather3A_974 : memref<64x128xf32, #tpu.memory_space<vmem>>[vector<16xi32>, vector<16xi32>], vector<16xf32>,
        %add3A_979 = arith.addi %and3A_918, %select_n3A_330 : vector<16xi32>
        %gather3A_980 = arith.constant 0 : i32
        %gather3A_981 = arith.constant 0 : i32
        %gather3A_982 = tpu.memref_slice %arg7[%scan3A_343, %gather3A_980, %gather3A_981] : memref<2x128x128xf32, #tpu.memory_space<vmem>> -> memref<1x128x128xf32, #tpu.memory_space<vmem>>
        %gather3A_983 = tpu.memref_squeeze %gather3A_982 : memref<1x128x128xf32, #tpu.memory_space<vmem>> -> memref<128x128xf32, #tpu.memory_space<vmem>>
        %gather3A_984 = tpu.vector_load_idx %gather3A_983[%add3A_28, %add3A_979] : memref<128x128xf32, #tpu.memory_space<vmem>>[vector<16xi32>, vector<16xi32>], vector<16xf32>,
        %scatter3A_985 = arith.constant 0 : i32
        %scatter3A_986 = arith.constant 0 : i32
        %scatter3A_987 = tpu.memref_slice %arg8[%scan3A_344, %scatter3A_985, %scatter3A_986] : memref<2x64x128xf32, #tpu.memory_space<vmem>> -> memref<1x64x128xf32, #tpu.memory_space<vmem>>
        %scatter3A_988 = tpu.memref_squeeze %scatter3A_987 : memref<1x64x128xf32, #tpu.memory_space<vmem>> -> memref<64x128xf32, #tpu.memory_space<vmem>>
        tpu.vector_store_idx %scatter3A_988[%and3A_918, %add3A_28], %gather3A_984 : memref<64x128xf32, #tpu.memory_space<vmem>>[vector<16xi32>, vector<16xi32>], vector<16xf32>,
        %add3A_989 = arith.addi %and3A_918, %select_n3A_341 : vector<16xi32>
        %gather3A_990 = arith.constant 0 : i32
        %gather3A_991 = arith.constant 0 : i32
        %gather3A_992 = tpu.memref_slice %arg7[%scan3A_343, %gather3A_990, %gather3A_991] : memref<2x128x128xf32, #tpu.memory_space<vmem>> -> memref<1x128x128xf32, #tpu.memory_space<vmem>>
        %gather3A_993 = tpu.memref_squeeze %gather3A_992 : memref<1x128x128xf32, #tpu.memory_space<vmem>> -> memref<128x128xf32, #tpu.memory_space<vmem>>
        %gather3A_994 = tpu.vector_load_idx %gather3A_993[%add3A_31, %add3A_989] : memref<128x128xf32, #tpu.memory_space<vmem>>[vector<16xi32>, vector<16xi32>], vector<16xf32>,
        %scatter3A_995 = arith.constant 0 : i32
        %scatter3A_996 = arith.constant 0 : i32
        %scatter3A_997 = tpu.memref_slice %arg8[%scan3A_344, %scatter3A_995, %scatter3A_996] : memref<2x64x128xf32, #tpu.memory_space<vmem>> -> memref<1x64x128xf32, #tpu.memory_space<vmem>>
        %scatter3A_998 = tpu.memref_squeeze %scatter3A_997 : memref<1x64x128xf32, #tpu.memory_space<vmem>> -> memref<64x128xf32, #tpu.memory_space<vmem>>
        tpu.vector_store_idx %scatter3A_998[%and3A_918, %add3A_31], %gather3A_994 : memref<64x128xf32, #tpu.memory_space<vmem>>[vector<16xi32>, vector<16xi32>], vector<16xf32>,
        %mul3A_999 = arith.constant 8 : i32
        %mul3A_1000 = arith.muli %scan3A_371, %mul3A_999 : i32
        %add3A_1001 = vector.broadcast %mul3A_1000 : i32 to vector<16xi32>
        %add3A_1002 = arith.addi %iota3A, %add3A_1001 : vector<16xi32>
        %add3A_1003 = arith.constant 7 : i32
        %add3A_1004 = vector.broadcast %add3A_1003 : i32 to vector<16xi32>
        %add3A_1005 = arith.addi %add3A_1002, %add3A_1004 : vector<16xi32>
        %and3A_1006 = arith.constant 63 : i32
        %and3A_1007 = vector.broadcast %and3A_1006 : i32 to vector<16xi32>
        %and3A_1008 = arith.andi %add3A_1005, %and3A_1007 : vector<16xi32>
        %add3A_1009 = arith.addi %and3A_1008, %select_n3A_264 : vector<16xi32>
        %gather3A_1010 = arith.constant 0 : i32
        %gather3A_1011 = arith.constant 0 : i32
        %gather3A_1012 = tpu.memref_slice %arg7[%scan3A_343, %gather3A_1010, %gather3A_1011] : memref<2x128x128xf32, #tpu.memory_space<vmem>> -> memref<1x128x128xf32, #tpu.memory_space<vmem>>
        %gather3A_1013 = tpu.memref_squeeze %gather3A_1012 : memref<1x128x128xf32, #tpu.memory_space<vmem>> -> memref<128x128xf32, #tpu.memory_space<vmem>>
        %gather3A_1014 = tpu.vector_load_idx %gather3A_1013[%add3A_10, %add3A_1009] : memref<128x128xf32, #tpu.memory_space<vmem>>[vector<16xi32>, vector<16xi32>], vector<16xf32>,
        %scatter3A_1015 = arith.constant 0 : i32
        %scatter3A_1016 = arith.constant 0 : i32
        %scatter3A_1017 = tpu.memref_slice %arg8[%scan3A_344, %scatter3A_1015, %scatter3A_1016] : memref<2x64x128xf32, #tpu.memory_space<vmem>> -> memref<1x64x128xf32, #tpu.memory_space<vmem>>
        %scatter3A_1018 = tpu.memref_squeeze %scatter3A_1017 : memref<1x64x128xf32, #tpu.memory_space<vmem>> -> memref<64x128xf32, #tpu.memory_space<vmem>>
        tpu.vector_store_idx %scatter3A_1018[%and3A_1008, %add3A_10], %gather3A_1014 : memref<64x128xf32, #tpu.memory_space<vmem>>[vector<16xi32>, vector<16xi32>], vector<16xf32>,
        %add3A_1019 = arith.addi %and3A_1008, %select_n3A_275 : vector<16xi32>
        %gather3A_1020 = arith.constant 0 : i32
        %gather3A_1021 = arith.constant 0 : i32
        %gather3A_1022 = tpu.memref_slice %arg7[%scan3A_343, %gather3A_1020, %gather3A_1021] : memref<2x128x128xf32, #tpu.memory_space<vmem>> -> memref<1x128x128xf32, #tpu.memory_space<vmem>>
        %gather3A_1023 = tpu.memref_squeeze %gather3A_1022 : memref<1x128x128xf32, #tpu.memory_space<vmem>> -> memref<128x128xf32, #tpu.memory_space<vmem>>
        %gather3A_1024 = tpu.vector_load_idx %gather3A_1023[%add3A_13, %add3A_1019] : memref<128x128xf32, #tpu.memory_space<vmem>>[vector<16xi32>, vector<16xi32>], vector<16xf32>,
        %scatter3A_1025 = arith.constant 0 : i32
        %scatter3A_1026 = arith.constant 0 : i32
        %scatter3A_1027 = tpu.memref_slice %arg8[%scan3A_344, %scatter3A_1025, %scatter3A_1026] : memref<2x64x128xf32, #tpu.memory_space<vmem>> -> memref<1x64x128xf32, #tpu.memory_space<vmem>>
        %scatter3A_1028 = tpu.memref_squeeze %scatter3A_1027 : memref<1x64x128xf32, #tpu.memory_space<vmem>> -> memref<64x128xf32, #tpu.memory_space<vmem>>
        tpu.vector_store_idx %scatter3A_1028[%and3A_1008, %add3A_13], %gather3A_1024 : memref<64x128xf32, #tpu.memory_space<vmem>>[vector<16xi32>, vector<16xi32>], vector<16xf32>,
        %add3A_1029 = arith.addi %and3A_1008, %select_n3A_286 : vector<16xi32>
        %gather3A_1030 = arith.constant 0 : i32
        %gather3A_1031 = arith.constant 0 : i32
        %gather3A_1032 = tpu.memref_slice %arg7[%scan3A_343, %gather3A_1030, %gather3A_1031] : memref<2x128x128xf32, #tpu.memory_space<vmem>> -> memref<1x128x128xf32, #tpu.memory_space<vmem>>
        %gather3A_1033 = tpu.memref_squeeze %gather3A_1032 : memref<1x128x128xf32, #tpu.memory_space<vmem>> -> memref<128x128xf32, #tpu.memory_space<vmem>>
        %gather3A_1034 = tpu.vector_load_idx %gather3A_1033[%add3A_16, %add3A_1029] : memref<128x128xf32, #tpu.memory_space<vmem>>[vector<16xi32>, vector<16xi32>], vector<16xf32>,
        %scatter3A_1035 = arith.constant 0 : i32
        %scatter3A_1036 = arith.constant 0 : i32
        %scatter3A_1037 = tpu.memref_slice %arg8[%scan3A_344, %scatter3A_1035, %scatter3A_1036] : memref<2x64x128xf32, #tpu.memory_space<vmem>> -> memref<1x64x128xf32, #tpu.memory_space<vmem>>
        %scatter3A_1038 = tpu.memref_squeeze %scatter3A_1037 : memref<1x64x128xf32, #tpu.memory_space<vmem>> -> memref<64x128xf32, #tpu.memory_space<vmem>>
        tpu.vector_store_idx %scatter3A_1038[%and3A_1008, %add3A_16], %gather3A_1034 : memref<64x128xf32, #tpu.memory_space<vmem>>[vector<16xi32>, vector<16xi32>], vector<16xf32>,
        %add3A_1039 = arith.addi %and3A_1008, %select_n3A_297 : vector<16xi32>
        %gather3A_1040 = arith.constant 0 : i32
        %gather3A_1041 = arith.constant 0 : i32
        %gather3A_1042 = tpu.memref_slice %arg7[%scan3A_343, %gather3A_1040, %gather3A_1041] : memref<2x128x128xf32, #tpu.memory_space<vmem>> -> memref<1x128x128xf32, #tpu.memory_space<vmem>>
        %gather3A_1043 = tpu.memref_squeeze %gather3A_1042 : memref<1x128x128xf32, #tpu.memory_space<vmem>> -> memref<128x128xf32, #tpu.memory_space<vmem>>
        %gather3A_1044 = tpu.vector_load_idx %gather3A_1043[%add3A_19, %add3A_1039] : memref<128x128xf32, #tpu.memory_space<vmem>>[vector<16xi32>, vector<16xi32>], vector<16xf32>,
        %scatter3A_1045 = arith.constant 0 : i32
        %scatter3A_1046 = arith.constant 0 : i32
        %scatter3A_1047 = tpu.memref_slice %arg8[%scan3A_344, %scatter3A_1045, %scatter3A_1046] : memref<2x64x128xf32, #tpu.memory_space<vmem>> -> memref<1x64x128xf32, #tpu.memory_space<vmem>>
        %scatter3A_1048 = tpu.memref_squeeze %scatter3A_1047 : memref<1x64x128xf32, #tpu.memory_space<vmem>> -> memref<64x128xf32, #tpu.memory_space<vmem>>
        tpu.vector_store_idx %scatter3A_1048[%and3A_1008, %add3A_19], %gather3A_1044 : memref<64x128xf32, #tpu.memory_space<vmem>>[vector<16xi32>, vector<16xi32>], vector<16xf32>,
        %add3A_1049 = arith.addi %and3A_1008, %select_n3A_308 : vector<16xi32>
        %gather3A_1050 = arith.constant 0 : i32
        %gather3A_1051 = arith.constant 0 : i32
        %gather3A_1052 = tpu.memref_slice %arg7[%scan3A_343, %gather3A_1050, %gather3A_1051] : memref<2x128x128xf32, #tpu.memory_space<vmem>> -> memref<1x128x128xf32, #tpu.memory_space<vmem>>
        %gather3A_1053 = tpu.memref_squeeze %gather3A_1052 : memref<1x128x128xf32, #tpu.memory_space<vmem>> -> memref<128x128xf32, #tpu.memory_space<vmem>>
        %gather3A_1054 = tpu.vector_load_idx %gather3A_1053[%add3A_22, %add3A_1049] : memref<128x128xf32, #tpu.memory_space<vmem>>[vector<16xi32>, vector<16xi32>], vector<16xf32>,
        %scatter3A_1055 = arith.constant 0 : i32
        %scatter3A_1056 = arith.constant 0 : i32
        %scatter3A_1057 = tpu.memref_slice %arg8[%scan3A_344, %scatter3A_1055, %scatter3A_1056] : memref<2x64x128xf32, #tpu.memory_space<vmem>> -> memref<1x64x128xf32, #tpu.memory_space<vmem>>
        %scatter3A_1058 = tpu.memref_squeeze %scatter3A_1057 : memref<1x64x128xf32, #tpu.memory_space<vmem>> -> memref<64x128xf32, #tpu.memory_space<vmem>>
        tpu.vector_store_idx %scatter3A_1058[%and3A_1008, %add3A_22], %gather3A_1054 : memref<64x128xf32, #tpu.memory_space<vmem>>[vector<16xi32>, vector<16xi32>], vector<16xf32>,
        %add3A_1059 = arith.addi %and3A_1008, %select_n3A_319 : vector<16xi32>
        %gather3A_1060 = arith.constant 0 : i32
        %gather3A_1061 = arith.constant 0 : i32
        %gather3A_1062 = tpu.memref_slice %arg7[%scan3A_343, %gather3A_1060, %gather3A_1061] : memref<2x128x128xf32, #tpu.memory_space<vmem>> -> memref<1x128x128xf32, #tpu.memory_space<vmem>>
        %gather3A_1063 = tpu.memref_squeeze %gather3A_1062 : memref<1x128x128xf32, #tpu.memory_space<vmem>> -> memref<128x128xf32, #tpu.memory_space<vmem>>
        %gather3A_1064 = tpu.vector_load_idx %gather3A_1063[%add3A_25, %add3A_1059] : memref<128x128xf32, #tpu.memory_space<vmem>>[vector<16xi32>, vector<16xi32>], vector<16xf32>,
        %scatter3A_1065 = arith.constant 0 : i32
        %scatter3A_1066 = arith.constant 0 : i32
        %scatter3A_1067 = tpu.memref_slice %arg8[%scan3A_344, %scatter3A_1065, %scatter3A_1066] : memref<2x64x128xf32, #tpu.memory_space<vmem>> -> memref<1x64x128xf32, #tpu.memory_space<vmem>>
        %scatter3A_1068 = tpu.memref_squeeze %scatter3A_1067 : memref<1x64x128xf32, #tpu.memory_space<vmem>> -> memref<64x128xf32, #tpu.memory_space<vmem>>
        tpu.vector_store_idx %scatter3A_1068[%and3A_1008, %add3A_25], %gather3A_1064 : memref<64x128xf32, #tpu.memory_space<vmem>>[vector<16xi32>, vector<16xi32>], vector<16xf32>,
        %add3A_1069 = arith.addi %and3A_1008, %select_n3A_330 : vector<16xi32>
        %gather3A_1070 = arith.constant 0 : i32
        %gather3A_1071 = arith.constant 0 : i32
        %gather3A_1072 = tpu.memref_slice %arg7[%scan3A_343, %gather3A_1070, %gather3A_1071] : memref<2x128x128xf32, #tpu.memory_space<vmem>> -> memref<1x128x128xf32, #tpu.memory_space<vmem>>
        %gather3A_1073 = tpu.memref_squeeze %gather3A_1072 : memref<1x128x128xf32, #tpu.memory_space<vmem>> -> memref<128x128xf32, #tpu.memory_space<vmem>>
        %gather3A_1074 = tpu.vector_load_idx %gather3A_1073[%add3A_28, %add3A_1069] : memref<128x128xf32, #tpu.memory_space<vmem>>[vector<16xi32>, vector<16xi32>], vector<16xf32>,
        %scatter3A_1075 = arith.constant 0 : i32
        %scatter3A_1076 = arith.constant 0 : i32
        %scatter3A_1077 = tpu.memref_slice %arg8[%scan3A_344, %scatter3A_1075, %scatter3A_1076] : memref<2x64x128xf32, #tpu.memory_space<vmem>> -> memref<1x64x128xf32, #tpu.memory_space<vmem>>
        %scatter3A_1078 = tpu.memref_squeeze %scatter3A_1077 : memref<1x64x128xf32, #tpu.memory_space<vmem>> -> memref<64x128xf32, #tpu.memory_space<vmem>>
        tpu.vector_store_idx %scatter3A_1078[%and3A_1008, %add3A_28], %gather3A_1074 : memref<64x128xf32, #tpu.memory_space<vmem>>[vector<16xi32>, vector<16xi32>], vector<16xf32>,
        %add3A_1079 = arith.addi %and3A_1008, %select_n3A_341 : vector<16xi32>
        %gather3A_1080 = arith.constant 0 : i32
        %gather3A_1081 = arith.constant 0 : i32
        %gather3A_1082 = tpu.memref_slice %arg7[%scan3A_343, %gather3A_1080, %gather3A_1081] : memref<2x128x128xf32, #tpu.memory_space<vmem>> -> memref<1x128x128xf32, #tpu.memory_space<vmem>>
        %gather3A_1083 = tpu.memref_squeeze %gather3A_1082 : memref<1x128x128xf32, #tpu.memory_space<vmem>> -> memref<128x128xf32, #tpu.memory_space<vmem>>
        %gather3A_1084 = tpu.vector_load_idx %gather3A_1083[%add3A_31, %add3A_1079] : memref<128x128xf32, #tpu.memory_space<vmem>>[vector<16xi32>, vector<16xi32>], vector<16xf32>,
        %scatter3A_1085 = arith.constant 0 : i32
        %scatter3A_1086 = arith.constant 0 : i32
        %scatter3A_1087 = tpu.memref_slice %arg8[%scan3A_344, %scatter3A_1085, %scatter3A_1086] : memref<2x64x128xf32, #tpu.memory_space<vmem>> -> memref<1x64x128xf32, #tpu.memory_space<vmem>>
        %scatter3A_1088 = tpu.memref_squeeze %scatter3A_1087 : memref<1x64x128xf32, #tpu.memory_space<vmem>> -> memref<64x128xf32, #tpu.memory_space<vmem>>
        tpu.vector_store_idx %scatter3A_1088[%and3A_1008, %add3A_31], %gather3A_1084 : memref<64x128xf32, #tpu.memory_space<vmem>>[vector<16xi32>, vector<16xi32>], vector<16xf32>,
      }
      %scan3A_349 = arith.constant 8 : i32
      %dma_start3A_350 = arith.constant 1 : i32
      %dma_start3A_351 = arith.constant 0 : i32
      %dma_start3A_352 = arith.constant 0 : i32
      %dma_start3A_353 = tpu.memref_slice %arg8[%dma_start3A_350, %dma_start3A_351, %dma_start3A_352] : memref<2x64x128xf32, #tpu.memory_space<vmem>> -> memref<1x64x128xf32, #tpu.memory_space<vmem>>
      %dma_start3A_354 = tpu.memref_squeeze %dma_start3A_353 : memref<1x64x128xf32, #tpu.memory_space<vmem>> -> memref<64x128xf32, #tpu.memory_space<vmem>>
      %dma_start3A_355 = arith.constant 0 : i32
      %dma_start3A_356 = arith.constant 0 : i32
      %dma_start3A_357 = tpu.memref_slice %arg4[%add3A_230, %dma_start3A_355, %dma_start3A_356] : memref<200x64x4096xf32, #tpu.memory_space<hbm>> -> memref<1x64x4096xf32, #tpu.memory_space<hbm>>
      %dma_start3A_358 = tpu.memref_squeeze %dma_start3A_357 : memref<1x64x4096xf32, #tpu.memory_space<hbm>> -> memref<64x4096xf32, #tpu.memory_space<hbm>>
      %dma_start3A_359 = arith.constant 0 : i32
      %dma_start3A_360 = tpu.memref_slice %dma_start3A_358[%dma_start3A_359, %mul3A_2] : memref<64x4096xf32, #tpu.memory_space<hbm>> -> memref<64x128xf32, #tpu.memory_space<hbm>>
      %dma_start3A_361 = arith.constant 0 : i32
      %dma_start3A_362 = arith.constant 0 : i32
      %dma_start3A_363 = tpu.memref_slice %arg4[%add3A_230, %dma_start3A_361, %dma_start3A_362] : memref<200x64x4096xf32, #tpu.memory_space<hbm>> -> memref<1x64x4096xf32, #tpu.memory_space<hbm>>
      %dma_start3A_364 = tpu.memref_squeeze %dma_start3A_363 : memref<1x64x4096xf32, #tpu.memory_space<hbm>> -> memref<64x4096xf32, #tpu.memory_space<hbm>>
      %dma_start3A_365 = arith.constant 0 : i32
      %dma_start3A_366 = tpu.memref_slice %dma_start3A_364[%dma_start3A_365, %mul3A_2] : memref<64x4096xf32, #tpu.memory_space<hbm>> -> memref<64x128xf32, #tpu.memory_space<hbm>>
      %dma_start3A_367 = arith.constant 0 : i32
      %dma_start3A_368 = arith.constant 0 : i32
      %dma_start3A_369 = tpu.memref_slice %arg8[%dma_start3A_350, %dma_start3A_367, %dma_start3A_368] : memref<2x64x128xf32, #tpu.memory_space<vmem>> -> memref<1x64x128xf32, #tpu.memory_space<vmem>>
      %dma_start3A_370 = tpu.memref_squeeze %dma_start3A_369 : memref<1x64x128xf32, #tpu.memory_space<vmem>> -> memref<64x128xf32, #tpu.memory_space<vmem>>
      tpu.enqueue_dma source(%dma_start3A_370 : memref<64x128xf32, #tpu.memory_space<vmem>>) target(%dma_start3A_366 : memref<64x128xf32, #tpu.memory_space<hbm>>) target_semaphore(%arg12 : memref<!tpu.dma_semaphore, #tpu.memory_space<semaphore_mem>>)
    }
    %scan3A_48 = arith.constant 100 : i32
    %dma_wait3A = arith.constant 0 : i32
    %dma_wait3A_49 = arith.constant 198 : i32
    %dma_wait3A_50 = arith.constant 0 : i32
    %dma_wait3A_51 = arith.constant 0 : i32
    %dma_wait3A_52 = tpu.memref_slice %arg8[%dma_wait3A, %dma_wait3A_50, %dma_wait3A_51] : memref<2x64x128xf32, #tpu.memory_space<vmem>> -> memref<1x64x128xf32, #tpu.memory_space<vmem>>
    %dma_wait3A_53 = tpu.memref_squeeze %dma_wait3A_52 : memref<1x64x128xf32, #tpu.memory_space<vmem>> -> memref<64x128xf32, #tpu.memory_space<vmem>>
    %dma_wait3A_54 = arith.constant 0 : i32
    %dma_wait3A_55 = arith.constant 0 : i32
    %dma_wait3A_56 = tpu.memref_slice %arg4[%dma_wait3A_49, %dma_wait3A_54, %dma_wait3A_55] : memref<200x64x4096xf32, #tpu.memory_space<hbm>> -> memref<1x64x4096xf32, #tpu.memory_space<hbm>>
    %dma_wait3A_57 = tpu.memref_squeeze %dma_wait3A_56 : memref<1x64x4096xf32, #tpu.memory_space<hbm>> -> memref<64x4096xf32, #tpu.memory_space<hbm>>
    %dma_wait3A_58 = arith.constant 0 : i32
    %dma_wait3A_59 = tpu.memref_slice %dma_wait3A_57[%dma_wait3A_58, %mul3A_2] : memref<64x4096xf32, #tpu.memory_space<hbm>> -> memref<64x128xf32, #tpu.memory_space<hbm>>
    %dma_wait3A_60 = arith.constant 0 : i32
    %dma_wait3A_61 = arith.constant 0 : i32
    %dma_wait3A_62 = tpu.memref_slice %arg4[%dma_wait3A_49, %dma_wait3A_60, %dma_wait3A_61] : memref<200x64x4096xf32, #tpu.memory_space<hbm>> -> memref<1x64x4096xf32, #tpu.memory_space<hbm>>
    %dma_wait3A_63 = tpu.memref_squeeze %dma_wait3A_62 : memref<1x64x4096xf32, #tpu.memory_space<hbm>> -> memref<64x4096xf32, #tpu.memory_space<hbm>>
    %dma_wait3A_64 = arith.constant 0 : i32
    %dma_wait3A_65 = tpu.memref_slice %dma_wait3A_63[%dma_wait3A_64, %mul3A_2] : memref<64x4096xf32, #tpu.memory_space<hbm>> -> memref<64x128xf32, #tpu.memory_space<hbm>>
    %dma_wait3A_66 = arith.constant 0 : i32
    %dma_wait3A_67 = arith.constant 0 : i32
    %dma_wait3A_68 = tpu.memref_slice %arg8[%dma_wait3A, %dma_wait3A_66, %dma_wait3A_67] : memref<2x64x128xf32, #tpu.memory_space<vmem>> -> memref<1x64x128xf32, #tpu.memory_space<vmem>>
    %dma_wait3A_69 = tpu.memref_squeeze %dma_wait3A_68 : memref<1x64x128xf32, #tpu.memory_space<vmem>> -> memref<64x128xf32, #tpu.memory_space<vmem>>
    tpu.wait_dma2 semaphore(%arg11 : memref<!tpu.dma_semaphore, #tpu.memory_space<semaphore_mem>>) src(%dma_wait3A_69 : memref<64x128xf32, #tpu.memory_space<vmem>>) dst(%dma_wait3A_65 : memref<64x128xf32, #tpu.memory_space<hbm>>)
    %dma_wait3A_70 = arith.constant 1 : i32
    %dma_wait3A_71 = arith.constant 199 : i32
    %dma_wait3A_72 = arith.constant 0 : i32
    %dma_wait3A_73 = arith.constant 0 : i32
    %dma_wait3A_74 = tpu.memref_slice %arg8[%dma_wait3A_70, %dma_wait3A_72, %dma_wait3A_73] : memref<2x64x128xf32, #tpu.memory_space<vmem>> -> memref<1x64x128xf32, #tpu.memory_space<vmem>>
    %dma_wait3A_75 = tpu.memref_squeeze %dma_wait3A_74 : memref<1x64x128xf32, #tpu.memory_space<vmem>> -> memref<64x128xf32, #tpu.memory_space<vmem>>
    %dma_wait3A_76 = arith.constant 0 : i32
    %dma_wait3A_77 = arith.constant 0 : i32
    %dma_wait3A_78 = tpu.memref_slice %arg4[%dma_wait3A_71, %dma_wait3A_76, %dma_wait3A_77] : memref<200x64x4096xf32, #tpu.memory_space<hbm>> -> memref<1x64x4096xf32, #tpu.memory_space<hbm>>
    %dma_wait3A_79 = tpu.memref_squeeze %dma_wait3A_78 : memref<1x64x4096xf32, #tpu.memory_space<hbm>> -> memref<64x4096xf32, #tpu.memory_space<hbm>>
    %dma_wait3A_80 = arith.constant 0 : i32
    %dma_wait3A_81 = tpu.memref_slice %dma_wait3A_79[%dma_wait3A_80, %mul3A_2] : memref<64x4096xf32, #tpu.memory_space<hbm>> -> memref<64x128xf32, #tpu.memory_space<hbm>>
    %dma_wait3A_82 = arith.constant 0 : i32
    %dma_wait3A_83 = arith.constant 0 : i32
    %dma_wait3A_84 = tpu.memref_slice %arg4[%dma_wait3A_71, %dma_wait3A_82, %dma_wait3A_83] : memref<200x64x4096xf32, #tpu.memory_space<hbm>> -> memref<1x64x4096xf32, #tpu.memory_space<hbm>>
    %dma_wait3A_85 = tpu.memref_squeeze %dma_wait3A_84 : memref<1x64x4096xf32, #tpu.memory_space<hbm>> -> memref<64x4096xf32, #tpu.memory_space<hbm>>
    %dma_wait3A_86 = arith.constant 0 : i32
    %dma_wait3A_87 = tpu.memref_slice %dma_wait3A_85[%dma_wait3A_86, %mul3A_2] : memref<64x4096xf32, #tpu.memory_space<hbm>> -> memref<64x128xf32, #tpu.memory_space<hbm>>
    %dma_wait3A_88 = arith.constant 0 : i32
    %dma_wait3A_89 = arith.constant 0 : i32
    %dma_wait3A_90 = tpu.memref_slice %arg8[%dma_wait3A_70, %dma_wait3A_88, %dma_wait3A_89] : memref<2x64x128xf32, #tpu.memory_space<vmem>> -> memref<1x64x128xf32, #tpu.memory_space<vmem>>
    %dma_wait3A_91 = tpu.memref_squeeze %dma_wait3A_90 : memref<1x64x128xf32, #tpu.memory_space<vmem>> -> memref<64x128xf32, #tpu.memory_space<vmem>>
    tpu.wait_dma2 semaphore(%arg12 : memref<!tpu.dma_semaphore, #tpu.memory_space<semaphore_mem>>) src(%dma_wait3A_91 : memref<64x128xf32, #tpu.memory_space<vmem>>) dst(%dma_wait3A_87 : memref<64x128xf32, #tpu.memory_space<hbm>>)
    return
  }
}

module attributes {stable_mosaic.version = 14 : i64} {
  func.func @body(%arg0: i32, %arg1: memref<64x8192xf32, #tpu.memory_space<vmem>>, %arg2: memref<64x8192xf32, #tpu.memory_space<vmem>>, %arg3: memref<8192x128xf32, #tpu.memory_space<vmem>>) attributes {dimension_semantics = [#tpu.dimension_semantics<arbitrary>], iteration_bounds = array<i64: 63>, scalar_prefetch = 0 : i64, scratch_operands = 0 : i64, tpu.core_type = #tpu.core_type<tc>, window_params = [{transform_indices = @transform_0, window_bounds = array<i64: 64, 8192>}, {transform_indices = @transform_1, window_bounds = array<i64: 64, 8192>}, {transform_indices = @transform_2, window_bounds = array<i64: 8192, 128>}]} {
    %iota3A = tpu.iota {dimensions = array<i32: 0>} : vector<64x64xi32>
    %iota3A_0 = tpu.iota {dimensions = array<i32: 1>} : vector<64x64xi32>
    %add3A = arith.constant 0 : i32
    %add3A_1 = vector.broadcast %add3A : i32 to vector<64x64xi32>
    %add3A_2 = arith.addi %iota3A, %add3A_1 : vector<64x64xi32>
    %eq3A = arith.cmpi eq, %add3A_2, %iota3A_0 : vector<64x64xi32>
    %convert_element_type3A = arith.extui %eq3A : vector<64x64xi1> to vector<64x64xi32>
    %convert_element_type3A_3 = arith.sitofp %convert_element_type3A : vector<64x64xi32> to vector<64x64xf32>
    %convert_element_type3A_4 = arith.truncf %convert_element_type3A_3 : vector<64x64xf32> to vector<64x64xbf16>
    %get3A = arith.constant 0 : index
    %get3A_5 = arith.constant 0 : index
    %get3A_6 = vector.load %arg1[%get3A, %get3A_5] : memref<64x8192xf32, #tpu.memory_space<vmem>>, vector<64x8192xf32>
    %convert_element_type3A_7 = arith.truncf %get3A_6 : vector<64x8192xf32> to vector<64x8192xbf16>
    %convert_element_type3A_8 = arith.extf %convert_element_type3A_7 : vector<64x8192xbf16> to vector<64x8192xf32>
    %sub3A = arith.subf %get3A_6, %convert_element_type3A_8 : vector<64x8192xf32>
    %convert_element_type3A_9 = arith.truncf %sub3A : vector<64x8192xf32> to vector<64x8192xbf16>
    %convert_element_type3A_10 = arith.extf %convert_element_type3A_9 : vector<64x8192xbf16> to vector<64x8192xf32>
    %sub3A_11 = arith.subf %sub3A, %convert_element_type3A_10 : vector<64x8192xf32>
    %convert_element_type3A_12 = arith.truncf %sub3A_11 : vector<64x8192xf32> to vector<64x8192xbf16>
    %dot_general3A = arith.constant dense<0.000000e+00> : vector<8192x64xf32>
    %dot_general3A_13 = tpu.matmul %convert_element_type3A_7, %convert_element_type3A_4, %dot_general3A {dimension_numbers = #tpu.dot_dimension_numbers<[0], [0], [1], [1], [0, 1, 1, 1], [], []>, transpose_lhs_hint = false} : vector<64x8192xbf16>, vector<64x64xbf16>, vector<8192x64xf32> -> vector<8192x64xf32>
    %dot_general3A_14 = arith.constant dense<0.000000e+00> : vector<8192x64xf32>
    %dot_general3A_15 = tpu.matmul %convert_element_type3A_9, %convert_element_type3A_4, %dot_general3A_14 {dimension_numbers = #tpu.dot_dimension_numbers<[0], [0], [1], [1], [0, 1, 1, 1], [], []>, transpose_lhs_hint = false} : vector<64x8192xbf16>, vector<64x64xbf16>, vector<8192x64xf32> -> vector<8192x64xf32>
    %add3A_16 = arith.addf %dot_general3A_13, %dot_general3A_15 : vector<8192x64xf32>
    %dot_general3A_17 = arith.constant dense<0.000000e+00> : vector<8192x64xf32>
    %dot_general3A_18 = tpu.matmul %convert_element_type3A_12, %convert_element_type3A_4, %dot_general3A_17 {dimension_numbers = #tpu.dot_dimension_numbers<[0], [0], [1], [1], [0, 1, 1, 1], [], []>, transpose_lhs_hint = false} : vector<64x8192xbf16>, vector<64x64xbf16>, vector<8192x64xf32> -> vector<8192x64xf32>
    %add3A_19 = arith.addf %add3A_16, %dot_general3A_18 : vector<8192x64xf32>
    %get3A_20 = arith.constant 0 : index
    %get3A_21 = arith.constant 0 : index
    %get3A_22 = vector.load %arg2[%get3A_20, %get3A_21] : memref<64x8192xf32, #tpu.memory_space<vmem>>, vector<64x8192xf32>
    %convert_element_type3A_23 = arith.truncf %get3A_22 : vector<64x8192xf32> to vector<64x8192xbf16>
    %convert_element_type3A_24 = arith.extf %convert_element_type3A_23 : vector<64x8192xbf16> to vector<64x8192xf32>
    %sub3A_25 = arith.subf %get3A_22, %convert_element_type3A_24 : vector<64x8192xf32>
    %convert_element_type3A_26 = arith.truncf %sub3A_25 : vector<64x8192xf32> to vector<64x8192xbf16>
    %convert_element_type3A_27 = arith.extf %convert_element_type3A_26 : vector<64x8192xbf16> to vector<64x8192xf32>
    %sub3A_28 = arith.subf %sub3A_25, %convert_element_type3A_27 : vector<64x8192xf32>
    %convert_element_type3A_29 = arith.truncf %sub3A_28 : vector<64x8192xf32> to vector<64x8192xbf16>
    %dot_general3A_30 = arith.constant dense<0.000000e+00> : vector<8192x64xf32>
    %dot_general3A_31 = tpu.matmul %convert_element_type3A_23, %convert_element_type3A_4, %dot_general3A_30 {dimension_numbers = #tpu.dot_dimension_numbers<[0], [0], [1], [1], [0, 1, 1, 1], [], []>, transpose_lhs_hint = false} : vector<64x8192xbf16>, vector<64x64xbf16>, vector<8192x64xf32> -> vector<8192x64xf32>
    %dot_general3A_32 = arith.constant dense<0.000000e+00> : vector<8192x64xf32>
    %dot_general3A_33 = tpu.matmul %convert_element_type3A_26, %convert_element_type3A_4, %dot_general3A_32 {dimension_numbers = #tpu.dot_dimension_numbers<[0], [0], [1], [1], [0, 1, 1, 1], [], []>, transpose_lhs_hint = false} : vector<64x8192xbf16>, vector<64x64xbf16>, vector<8192x64xf32> -> vector<8192x64xf32>
    %add3A_34 = arith.addf %dot_general3A_31, %dot_general3A_33 : vector<8192x64xf32>
    %dot_general3A_35 = arith.constant dense<0.000000e+00> : vector<8192x64xf32>
    %dot_general3A_36 = tpu.matmul %convert_element_type3A_29, %convert_element_type3A_4, %dot_general3A_35 {dimension_numbers = #tpu.dot_dimension_numbers<[0], [0], [1], [1], [0, 1, 1, 1], [], []>, transpose_lhs_hint = false} : vector<64x8192xbf16>, vector<64x64xbf16>, vector<8192x64xf32> -> vector<8192x64xf32>
    %add3A_37 = arith.addf %add3A_34, %dot_general3A_36 : vector<8192x64xf32>
    %concatenate3A = tpu.concatenate %add3A_19, %add3A_37 in 1 : vector<8192x64xf32>, vector<8192x64xf32> -> vector<8192x128xf32>
    %swap3A = arith.constant 0 : index
    %swap3A_38 = arith.constant 0 : index
    %swap3A_39 = vector.load %arg3[%swap3A, %swap3A_38] : memref<8192x128xf32, #tpu.memory_space<vmem>>, vector<8192x128xf32>
    tpu.vector_store %arg3[%swap3A, %swap3A_38], %concatenate3A {strides = array<i32>} : memref<8192x128xf32, #tpu.memory_space<vmem>>, vector<8192x128xf32>,
    return
  }
  func.func @transform_0(%arg0: i32) -> (i32, i32) {
    %c0_i32 = arith.constant 0 : i32
    %c0_i32_0 = arith.constant 0 : i32
    return %c0_i32, %arg0 : i32, i32
  }
  func.func @transform_1(%arg0: i32) -> (i32, i32) {
    %add3A = arith.constant 63 : i32
    %add3A_0 = arith.addi %arg0, %add3A : i32
    %min3A = arith.constant 122 : i32
    %min3A_1 = arith.minsi %add3A_0, %min3A : i32
    %c0_i32 = arith.constant 0 : i32
    %c0_i32_2 = arith.constant 0 : i32
    return %c0_i32, %min3A_1 : i32, i32
  }
  func.func @transform_2(%arg0: i32) -> (i32, i32) {
    %c0_i32 = arith.constant 0 : i32
    %c0_i32_0 = arith.constant 0 : i32
    return %arg0, %c0_i32 : i32, i32
  }
}

</mosaic_0001>

<sc_bundles>
// kernel: kernel.4.cloned.1.call-start
scs
__scs_entry_jumppad:
0x0: {  	(pc) =	sbr.rel $0x88, $3  }
0x1: {  	(tag) =	ssettag $0x0;
	lr =	simm.s32 $0x1  }
0x2: {  	[smem:$0x3F9F] =	sst lr;
	_ =	strace $0xD0000000  }
0x3: {  	_ = 	snop  }
0x4: {  	_ = 	snop  }
0x5: {  	_ = 	snop  }
0x6: {  	_ = 	snop  }
0x7: {  	_ = 	snop  }
__scs_overlays_trampoline_lowered:
0x8: {  	[smem:$0x3FAE] =	sst s0  }
0x9: {  	[smem:$0x3FAF] =	sst s1  }
0xa: {  	[smem:$0x3FB0] =	sst s2  }
0xb: {  	[smem:$0x3FB1] =	sst s3  }
0xc: {  	[smem:$0x3FB2] =	sst s4  }
0xd: {  	[smem:$0x3FB3] =	sst s5  }
0xe: {  	[smem:$0x3FB4] =	sst s6  }
0xf: {  	[smem:$0x3FB5] =	sst s7  }
0x10: {  	[smem:$0x3FB6] =	sst s8  }
0x11: {  	[smem:$0x3FB7] =	sst s9;
	s0 =	simm.s32 @!p0 $0x0  }
0x12: {  	s1 =	sld [smem:$0x3F9D];
	s0 =	simm.s32 @p0 $0x1  }
0x13: {  	[smem:$0x3FB8] =	sst s0;
	s0 =	simm.s32 @!p1 $0x0  }
0x14: {  	s2 =	sld [smem:$0x3F9C];
	s0 =	simm.s32 @p1 $0x1  }
0x15: {  	[smem:$0x3FB9] =	sst s0;
	s0 =	simm.s32 @!p2 $0x0  }
0x16: {  	s3 =	sld [smem:$0x3FDB];
	s0 =	simm.s32 @p2 $0x1  }
0x17: {  	s4 =	simm.s32 $0x1BF5;
	[smem:$0x3FBB] =	sst s0  }
0x18: {  	s0 =	sld [smem:$0x3F9E];
	_ =	swait.ge [sflag:s4], $0x0  }
0x19: {  	s7 =	sld [smem:$0x3F9F]  }
0x1a: {  	s8 =	sadd.s32 $0xFFFFE003, lr  }
0x1b: {  	s9 =	sadd.s32 $0xFFFFFEF7, lr;
	s5 =	simm.s32 $0xFFFFFFFF;
	p2 =	slt.u32 s8, $0xFFFFF086  }
0x1c: {  	p1 =	slt.u32 s9, $0xF7A;
	s5 =	simm.s32 @!p2 $0x0  }
0x1d: {  	s5 =	simm.s32 @p1 $0x1;
	p0 =	seq.s32 s7, s2  }
0x1e: {  	s7 =	smul.u32 @!p0 $0xF7A, s2;
	p2 =	seq.s32 @!p0 s5, $0x0  }
0x1f: {  	s9 =	smul.u32 $0xF7A, s1;
	s8 =	simm.s32 @!p0 $0x1BF5;
	p2 =	por !p2, p0  }
0x20: {  	[sflag:s8] =	ssyncset.s32 @!p0 $0xFFFFF086;
	s6 =	sadd.s32 @!p0 s3, s7;
	s7 =	simm.s32 @!p0 $0x108  }
0x21: {  	s3 =	sadd.s32 s3, s9;
	s6 =	sadd.s32 @!p0 $0x88, s6;
	s7 =	simm.s32 @p2 $0x1082  }
0x22: {  	[simem:s7], [sflag:s8] =	dma.local @!p0 [hbm:s6], $0xF7A  }
0x23: {  	s9 =	sor.u32 $0xD0000000, s2;
	s6 =	simm.s32 $0x108;
	_ =	swait.ge @!p0 [sflag:s8], $0x0  }
0x24: {  	s3 =	sadd.s32 $0x88, s3;
	s6 =	simm.s32 @!p1 $0x1082;
	[sflag:s4] =	ssyncset.s32 $0xFFFFF086  }
0x25: {  	[simem:s6], [sflag:s4] =	dma.local [hbm:s3], $0xF7A  }
0x26: {  	[smem:$0x3F9F] =	sst s1;
	(tag) =	ssettag s2;
	_ =	strace s9  }
0x27: {  	s1 =	sld [smem:$0x3FAF]  }
0x28: {  	s2 =	sld [smem:$0x3FB0]  }
0x29: {  	s4 =	sld [smem:$0x3FB2]  }
0x2a: {  	p0 =	seq.s32 s5, $0x0;
	s5 =	sld [smem:$0x3FB3]  }
0x2b: {  	s6 =	sld [smem:$0x3FB4]  }
0x2c: {  	s7 =	sld [smem:$0x3FB5]  }
0x2d: {  	s3 =	simm.s32 $0x108;
	s8 =	sld [smem:$0x3FB6]  }
0x2e: {  	s3 =	simm.s32 @!p0 $0x1082;
	s9 =	sld [smem:$0x3FB7]  }
0x2f: {  	lr =	sadd.s32 s0, s3;
	s0 =	sld [smem:$0x3FAE]  }
0x30: {  	s3 =	sld [smem:$0x3FB1]  }
0x31: {  	[smem:$0x3FBA] =	sst s10  }
0x32: {  	s10 =	sld [smem:$0x3FB8];
	_ =	sdelay $0x3  }
0x33: {  	p0 =	seq.s32 s10, $0x1;
	s10 =	sld [smem:$0x3FBA];
	_ =	sdelay $0x3  }
0x34: {  	[smem:$0x3FBA] =	sst s10  }
0x35: {  	s10 =	sld [smem:$0x3FB9];
	_ =	sdelay $0x3  }
0x36: {  	p1 =	seq.s32 s10, $0x1;
	s10 =	sld [smem:$0x3FBA];
	_ =	sdelay $0x3  }
0x37: {  	[smem:$0x3FBA] =	sst s10  }
0x38: {  	s10 =	sld [smem:$0x3FBB]  }
0x39: {  	_ = 	snop;
	(pc) =	sbr.ind lr, $3  }
0x3a: {  	_ = 	snop  }
0x3b: {  	_ = 	snop  }
0x3c: {  	p2 =	seq.s32 s10, $0x1;
	s10 =	sld [smem:$0x3FBA]  }
0x3d: {  	_ =	shalt  }
0x3e: {  	_ =	shalt  }
0x3f: {  	_ =	shalt  }
0x40: {  	_ =	shalt  }
0x41: {  	_ =	shalt  }
0x42: {  	_ =	shalt  }
0x43: {  	_ =	shalt  }
0x44: {  	_ =	shalt  }
0x45: {  	_ =	shalt  }
0x46: {  	_ =	shalt  }
0x47: {  	_ =	shalt  }
0x48: {  	_ =	shalt  }
0x49: {  	_ =	shalt  }
0x4a: {  	_ =	shalt  }
0x4b: {  	_ =	shalt  }
0x4c: {  	_ =	shalt  }
0x4d: {  	_ =	shalt  }
0x4e: {  	_ =	shalt  }
0x4f: {  	_ =	shalt  }
0x50: {  	_ =	shalt  }
0x51: {  	_ =	shalt  }
0x52: {  	_ =	shalt  }
0x53: {  	_ =	shalt  }
0x54: {  	_ =	shalt  }
0x55: {  	_ =	shalt  }
0x56: {  	_ =	shalt  }
0x57: {  	_ =	shalt  }
0x58: {  	_ =	shalt  }
0x59: {  	_ =	shalt  }
0x5a: {  	_ =	shalt  }
0x5b: {  	_ =	shalt  }
0x5c: {  	_ =	shalt  }
0x5d: {  	_ =	shalt  }
0x5e: {  	_ =	shalt  }
0x5f: {  	_ =	shalt  }
0x60: {  	_ =	shalt  }
0x61: {  	_ =	shalt  }
0x62: {  	_ =	shalt  }
0x63: {  	_ =	shalt  }
0x64: {  	_ =	shalt  }
0x65: {  	_ =	shalt  }
0x66: {  	_ =	shalt  }
0x67: {  	_ =	shalt  }
0x68: {  	_ =	shalt  }
0x69: {  	_ =	shalt  }
0x6a: {  	_ =	shalt  }
0x6b: {  	_ =	shalt  }
0x6c: {  	_ =	shalt  }
0x6d: {  	_ =	shalt  }
0x6e: {  	_ =	shalt  }
0x6f: {  	_ =	shalt  }
0x70: {  	_ =	shalt  }
0x71: {  	_ =	shalt  }
0x72: {  	_ =	shalt  }
0x73: {  	_ =	shalt  }
0x74: {  	_ =	shalt  }
0x75: {  	_ =	shalt  }
0x76: {  	_ =	shalt  }
0x77: {  	_ =	shalt  }
0x78: {  	_ =	shalt  }
0x79: {  	_ =	shalt  }
0x7a: {  	_ =	shalt  }
0x7b: {  	_ =	shalt  }
0x7c: {  	_ =	shalt  }
0x7d: {  	_ =	shalt  }
0x7e: {  	_ =	shalt  }
0x7f: {  	_ =	shalt  }
0x80: {  	_ =	shalt  }
0x81: {  	_ =	shalt  }
0x82: {  	_ =	shalt  }
0x83: {  	_ =	shalt  }
0x84: {  	_ =	shalt  }
0x85: {  	_ =	shalt  }
0x86: {  	_ =	shalt  }
0x87: {  	_ =	shalt  }
.Lfunc_end0:
.L_simem_size_0:
called_computation_lowered:
.L_overlay_start_0:
0x88: {  	s2 =	sld [smem:$0x3FD9]  }
0x89: {  	s3 =	sld [smem:$0x3FFE];
	_ =	sdelay $0x1  }
0x8a: {  	s1 =	srdreg.scid  }
0x8b: {  	s0 =	sand.u32 $0x1, s1  }
0x8c: {  	s17 =	sshll.u32 s0, $0xA;
	s2 =	sadd.s32 s3, s2  }
0x8d: {  	s2 =	sadd.s32 s2, s17  }
0x8e: {  	[smem:$0x3FC6] =	sst s2  }
0x8f: {  	_ = 	snop  }
0x90: {  	s2 =	sld [smem:$0x3FC9]  }
0x91: {  	s18 =	sld [smem:$0x3FD0];
	(tm) =	ssettm $0x1  }
0x92: {  	s4 =	sld [smem:$0x3FFB];
	_ =	sdelay $0x3  }
0x93: {  	_ =	strace s4  }
0x94: {  	s4 =	sld [smem:$0x3FFC];
	_ =	sdelay $0x3  }
0x95: {  	_ =	strace s4  }
0x96: {  	s4 =	sld [smem:$0x3FFD];
	_ =	sdelay $0x3  }
0x97: {  	_ =	strace s4  }
0x98: {  	_ =	strace $0x8FFFFFFF  }
0x99: {  	s19 =	sld [smem:$0x3FDB];
	_ =	sdelay $0x1  }
0x9a: {  	s5 =	simm.s32 $_scs_section_size  }
0x9b: {  	s6 =	simm.s32 $_size__tile_overlayer_lowered;
	s7 =	simm.s32 $_tile_overlayer_lowered  }
0x9c: {  	s22 =	simm.s32 $0x1BFF;
	s21 =	sshll.u32 s7, $0x1;
	s4 =	sadd.s32 s5, s19  }
0x9d: {  	s8 =	simm.s32 $0x0;
	s20 =	sshll.u32 s6, $0x1;
	s6 =	sadd.s32 s21, s4  }
0x9e: {  	[timem:s8], [sflag:s22] =	dma.local [hbm:s6], s20  }
0x9f: {  	_ =	swait.ge [sflag:s22], s20  }
0xa0: {  	s5 =	ssub.s32 $0x0, s20;
	[sflag:s22] =	ssyncset.done $0x0  }
0xa1: {  	[sflag:s22] =	ssyncadd.s32 s5;
	_ =	sdelay $0x1  }
0xa2: {  	s23 =	simm.s32 $0x1B8B  }
0xa3: {  	_ =	swait.ge [sflag:s23], $0x1  }
0xa4: {  	[sflag:s23] =	ssyncset.done $0x0  }
0xa5: {  	s25 =	simm.s32 $0x1B8E;
	s24 =	sld [smem:$0x3FFE];
	[sflag:s23] =	ssyncadd.s32 $0xFFFFFFFF  }
0xa6: {  	s26 =	simm.s32 $execute0_lowered;
	[smem:$0x3FD2] =	sst s25  }
0xa7: {  	s6 =	sshll.u32 s26, $0x1;
	_ =	strace $0x80000046;
	[dreg:$0x1] =	wrdreg $0xFFFFFFFF  }
0xa8: {  	s28 =	simm.s32 $_size_execute0_lowered;
	s4 =	sadd.s32 s4, s6;
	[dreg:$0x0] =	wrdreg $0x0  }
0xa9: {  	s6 =	sshll.u32 s28, $0x1;
	[dreg:$0x2] =	wrdreg s4  }
0xaa: {  	[dreg:$0x3] =	wrdreg s6  }
0xab: {  	[dreg:$0x4] =	wrdreg $0xC0  }
0xac: {  	_ =	task [dreg:s8], $0x5FFFF  }
0xad: {  	[dreg:$0x1] =	wrdreg $0xFFFFFFFF  }
0xae: {  	[dreg:$0x0] =	wrdreg $0x60  }
0xaf: {  	[dreg:$0x2] =	wrdreg s2  }
0xb0: {  	[dreg:$0x3] =	wrdreg s24  }
0xb1: {  	[dreg:$0x4] =	wrdreg s18  }
0xb2: {  	[dreg:$0x5] =	wrdreg $0x9  }
0xb3: {  	_ =	task.clear_ibuf [dreg:s8], $0x6FFFF;
	_ =	strace $0x90000046  }
0xb4: {  	s29 =	simm.s32 $0x9;
	_ =	strace $0x80000048  }
0xb5: {  	_ =	swait.ge [sflag:s29], $0x1  }
0xb6: {  	[sflag:s29] =	ssyncadd.s32 $0xFFFFFFFF  }
0xb7: {  	_ =	strace $0x90000048  }
0xb8: {  	_ =	sfence  }
0xb9: {  	s30 =	sld [smem:$0x0];
	_ =	sdelay $0x2  }
0xba: {  	s31 =	sshll.u32 s1, $0xD;
	s1 =	sshrl.u32 s1, $0x2  }
0xbb: {  	s3 =	sand.u32 $0x4000, s31;
	s1 =	sadd.s32 s1, s30  }
0xbc: {  	s0 =	sor.u32 s3, s0;
	s1 =	sshll.u32 s1, $0x11  }
0xbd: {  	s0 =	sor.u32 s1, s0  }
0xbe: {  	s0 =	sadd.s32 $0x8F2B, s0  }
0xbf: {  	[sflag:s0] =	ssyncadd.remote.s32 $0x1  }
0xc0: {  	_ =	sfence.sel $0xFFFF  }
0xc1: {  	[dreg:$0x0] =	wrdreg $0xFFFFFFFF;
	(pc) =	sbr.abs _section_cstart, $3  }
0xc2: {  	[dreg:$0x1] =	wrdreg $0xFFFFFFFF  }
0xc3: {  	_ =	task.clear_ibuf [dreg:s8], $0x2FFFF;
	_ =	strace $0x9FFFFFFF  }
0xc4: {  	(tm) =	ssettm $0x7FFFFFFF  }
0xc5: {  	_ =	shalt  }
tec
execute0_lowered:
.L_overlay_start_1:
0x0: {  	(tag) =	ssettag $0x1  }
0x1: {  	s6 =	rddreg [dreg:$0x0]  }
0x2: {  	s5 =	rddreg [dreg:$0x1]  }
0x3: {  	v0 =	vlaneseq.u32;
	s1 =	rddreg [dreg:$0x2]  }
0x4: {  	s0 =	rddreg [dreg:$0x3];
	s2 =	simm.s32 $0x0;
	s4 =	srdreg.scid;
	v1 =	vmul.u32 $0x80, v0;
	v17 =	vor.u32 $0x10, v0;
	v18 =	vor.u32 $0x20, v0  }
0x5: {  	s3 =	stileid.u32;
	s10 =	simm.s32 $0x5;
	s11 =	simm.s32 $0x80;
	v19 =	vor.u32 $0x30, v0;
	v20 =	vor.u32 $0x40, v0;
	v21 =	vor.u32 $0x50, v0  }
0x6: {  	s12 =	simm.s32 $0x6400;
	s13 =	simm.s32 $0xC800;
	s14 =	simm.s32 $0x10800;
	v22 =	vor.u32 $0x60, v0;
	v23 =	vor.u32 $0x70, v0;
	v24 =	vadd.s32 $0x1, v0  }
0x7: {  	s15 =	simm.s32 $0x1;
	s16 =	simm.s32 $0x14800;
	s17 =	simm.s32 $0x2;
	v25 =	vadd.s32 $0x2, v0;
	v26 =	vadd.s32 $0x3, v0;
	v27 =	vadd.s32 $0x4, v0  }
0x8: {  	s18 =	simm.s32 $0x4;
	s19 =	simm.s32 $0x16800;
	s20 =	simm.s32 $0x3;
	v28 =	vadd.s32 $0x5, v0;
	v29 =	vadd.s32 $0x6, v0;
	v30 =	vadd.s32 $0x7, v0  }
0x9: {  	s21 =	simm.s32 $0x0;
	[smem:$0x7FF] =	sst s2;
	s4 =	sand.u32 $0x1, s4;
	v2 =	vor.u32 $0x40, v1;
	v3 =	vor.u32 $0x800, v1;
	v4 =	vor.u32 $0x840, v1  }
0xa: {  	s8 =	sshll.u32 s3, $0x8;
	s5 =	sadd.s32 $0x400, s5;
	s7 =	ssub.s32 $0x2, s4;
	v5 =	vor.u32 $0x1000, v1;
	v6 =	vor.u32 $0x1040, v1;
	v7 =	vor.u32 $0x1800, v1  }
0xb: {  	s4 =	sshll.u32 s4, $0x7;
	_ =	strace $0x80000047;
	v8 =	vor.u32 $0x1840, v1;
	v9 =	vor.u32 $0x2000, v1;
	s9 =	sshrl.u32 s7, $0x1;
	v10 =	vor.u32 $0x2040, v1  }
0xc: {  	s4 =	sor.u32 s4, s8;
	v11 =	vor.u32 $0x2800, v1;
	v12 =	vor.u32 $0x2840, v1;
	v13 =	vor.u32 $0x3000, v1;
	s8 =	simm.s32 $0x400;
	s7 =	ssub.s32 s7, s9  }
0xd: {  	v14 =	vor.u32 $0x3040, v1;
	v15 =	vor.u32 $0x3800, v1;
	v16 =	vor.u32 $0x3840, v1;
	s6 =	sadd.s32 s6, s4;
	s9 =	simm.s32 $0x8000;
	s7 =	smax.u32 s7, $0x1  }
.LBB2_1:
0xe: {  	[tilespmem:s2], [sflag:$0x5] =	stream.strided.gather [hbm4b:s6+s8], $0x6400, s9, s8, $0x38;
	[tilespmem:$0x18800] =	vst v63  }
0xf: {  	_ =	swait.ge [sflag:s10], $0x6400  }
0x10: {  	[sflag:s10] =	ssyncset.done $0x0  }
0x11: {  	s23 =	simm.s32 $0x0;
	[sflag:s10] =	ssyncadd.s32 $0xFFFF9C00  }
0x12: {  	v33 =	vld [tilespmem:s23+$0x70]  }
0x13: {  	v37 =	vld [tilespmem:s23+$0x0]  }
0x14: {  	v36 =	vld [tilespmem:s23+$0x10]  }
0x15: {  	v35 =	vld [tilespmem:s23+$0x20]  }
0x16: {  	v34 =	vld [tilespmem:s23+$0x30]  }
0x17: {  	v31 =	vld [tilespmem:s23+$0x40];
	vm0 =	vgt.s32 v33, $0x7DFFF;
	v38 =	vadd.s32 $0xFFF82000, v33  }
0x18: {  	v32 =	vld [tilespmem:s23+$0x50];
	vm1 =	vgt.s32 v37, $0x7DFFF;
	v39 =	vadd.s32 $0xFFF82000, v37;
	v40 =	vsel vm0, v38, v33  }
0x19: {  	s22 =	simm.s32 $0x80;
	s24 =	simm.s32 $0x400;
	v33 =	vld [tilespmem:s23+$0x60];
	v37 =	vsel vm1, v39, v37;
	vm0 =	vgt.s32 v36, $0x7DFFF;
	v38 =	vadd.s32 $0xFFF82000, v36;
	[tilespmem:s23+$0x6470] =	vst v40  }
.LBB2_2:
0x1a: {  	p0 =	sne.s32 s24, $0x18E00;
	v39 =	vld [tilespmem:s22+$0x70];
	[tilespmem:s23+$0x6400] =	vst v37;
	v36 =	vsel vm0, v38, v36;
	vm0 =	vgt.s32 v35, $0x7DFFF;
	v37 =	vadd.s32 $0xFFF82000, v35  }
0x1b: {  	v38 =	vld [tilespmem:s22+$0x0];
	[tilespmem:s23+$0x6410] =	vst v36;
	v35 =	vsel vm0, v37, v35;
	vm0 =	vgt.s32 v34, $0x7DFFF;
	v37 =	vadd.s32 $0xFFF82000, v34  }
0x1c: {  	v36 =	vld [tilespmem:s22+$0x10];
	[tilespmem:s23+$0x6420] =	vst v35;
	v34 =	vsel vm0, v37, v34;
	vm0 =	vgt.s32 v31, $0x7DFFF;
	v37 =	vadd.s32 $0xFFF82000, v31  }
.Ltmp0:
0x1d: {  	v35 =	vld [tilespmem:s22+$0x20];
	[tilespmem:s23+$0x6430] =	vst v34;
	v31 =	vsel vm0, v37, v31;
	vm0 =	vgt.s32 v32, $0x7DFFF;
	v37 =	vadd.s32 $0xFFF82000, v32;
	(pc) =	sbr.rel @p0 .LBB2_2-.Ltmp0, $4  }
0x1e: {  	v34 =	vld [tilespmem:s22+$0x30];
	[tilespmem:s23+$0x6440] =	vst v31;
	v32 =	vsel vm0, v37, v32;
	vm0 =	vgt.s32 v33, $0x7DFFF;
	v37 =	vadd.s32 $0xFFF82000, v33  }
0x1f: {  	v31 =	vld [tilespmem:s22+$0x40];
	vm1 =	vgt.s32 v39, $0x7DFFF;
	v40 =	vadd.s32 $0xFFF82000, v39;
	[tilespmem:s23+$0x6450] =	vst v32;
	v33 =	vsel vm0, v37, v33  }
0x20: {  	vm0 =	vgt.s32 v38, $0x7DFFF;
	v37 =	vadd.s32 $0xFFF82000, v38;
	v32 =	vld [tilespmem:s22+$0x50];
	v39 =	vsel vm1, v40, v39;
	[tilespmem:s23+$0x6460] =	vst v33;
	s23 =	smov.u32 s22  }
0x21: {  	s22 =	sshra.s32 s24, $0x2;
	s24 =	sadd.s32 $0x200, s24;
	v37 =	vsel vm0, v37, v38;
	vm0 =	vgt.s32 v36, $0x7DFFF;
	v38 =	vadd.s32 $0xFFF82000, v36;
	v33 =	vld [tilespmem:s23+$0x60];
	[tilespmem:s23+$0x6470] =	vst v39  }
0x22: {  	v39 =	vld [tilespmem:s22+$0x70];
	[tilespmem:s23+$0x6400] =	vst v37;
	v36 =	vsel vm0, v38, v36;
	vm4 =	vgt.s32 v35, $0x7DFFF;
	v49 =	vadd.s32 $0xFFF82000, v35  }
0x23: {  	v37 =	vld [tilespmem:s22+$0x0];
	[tilespmem:s23+$0x6410] =	vst v36;
	v35 =	vsel vm4, v49, v35;
	vm5 =	vgt.s32 v34, $0x7DFFF;
	v50 =	vadd.s32 $0xFFF82000, v34  }
0x24: {  	v36 =	vld [tilespmem:s22+$0x10];
	[tilespmem:s23+$0x6420] =	vst v35;
	v34 =	vsel vm5, v50, v34;
	vm6 =	vgt.s32 v31, $0x7DFFF;
	v51 =	vadd.s32 $0xFFF82000, v31  }
0x25: {  	v35 =	vld [tilespmem:s22+$0x20];
	[tilespmem:s23+$0x6430] =	vst v34;
	v31 =	vsel vm6, v51, v31;
	vm7 =	vgt.s32 v32, $0x7DFFF;
	v52 =	vadd.s32 $0xFFF82000, v32  }
0x26: {  	v34 =	vld [tilespmem:s22+$0x30];
	[tilespmem:s23+$0x6440] =	vst v31;
	v31 =	vsel vm7, v52, v32;
	vm8 =	vgt.s32 v33, $0x7DFFF;
	v54 =	vadd.s32 $0xFFF82000, v33  }
0x27: {  	v53 =	vld [tilespmem:s22+$0x40];
	[tilespmem:s23+$0x6450] =	vst v31;
	v31 =	vsel vm8, v54, v33;
	vm9 =	vgt.s32 v39, $0x7DFFF;
	v56 =	vadd.s32 $0xFFF82000, v39  }
0x28: {  	v55 =	vld [tilespmem:s22+$0x50];
	[tilespmem:s23+$0x6460] =	vst v31;
	vm1 =	vgt.s32 v37, $0x7DFFF;
	v31 =	vadd.s32 $0xFFF82000, v37;
	v38 =	vsel vm9, v56, v39  }
0x29: {  	v57 =	vld [tilespmem:s22+$0x60];
	v31 =	vsel vm1, v31, v37;
	vm10 =	vgt.s32 v36, $0x7DFFF;
	v58 =	vadd.s32 $0xFFF82000, v36;
	[tilespmem:s22+$0x6470] =	vst v38  }
0x2a: {  	[tilespmem:s22+$0x6400] =	vst v31;
	v31 =	vsel vm10, v58, v36;
	vm11 =	vgt.s32 v35, $0x7DFFF;
	v59 =	vadd.s32 $0xFFF82000, v35  }
0x2b: {  	[tilespmem:s22+$0x6410] =	vst v31;
	v31 =	vsel vm11, v59, v35;
	vm12 =	vgt.s32 v34, $0x7DFFF;
	v60 =	vadd.s32 $0xFFF82000, v34  }
0x2c: {  	[tilespmem:s22+$0x6420] =	vst v31;
	v31 =	vsel vm12, v60, v34;
	vm13 =	vgt.s32 v53, $0x7DFFF;
	v61 =	vadd.s32 $0xFFF82000, v53  }
0x2d: {  	[tilespmem:s22+$0x6430] =	vst v31;
	v31 =	vsel vm13, v61, v53;
	vm14 =	vgt.s32 v55, $0x7DFFF;
	v62 =	vadd.s32 $0xFFF82000, v55  }
0x2e: {  	[tilespmem:s22+$0x6440] =	vst v31;
	v31 =	vsel vm14, v62, v55;
	vm15 =	vgt.s32 v57, $0x7DFFF;
	v63 =	vadd.s32 $0xFFF82000, v57  }
0x2f: {  	[tilespmem:s22+$0x6450] =	vst v31;
	v31 =	vsel vm15, v63, v57  }
0x30: {  	s23 =	simm.s32 $0x0;
	[tilespmem:s22+$0x6460] =	vst v31;
	s22 =	simm.s32 $0x0  }
0x31: {  	[tilespmem:s13], [sflag:$0x1] =	stream.indirect.gather [hbm4b:s5+s11], $0x80, s12, s11, $0xb8;
	[tilespmem:$0x18800] =	vst v63  }
.LBB2_4:
0x32: {  	s24 =	sshllo.u32 s23, $0x1  }
0x33: {  	s25 =	sshll.u32 s24, $0x9  }
0x34: {  	s25 =	sshrl.u32 s25, $0x2  }
0x35: {  	s26 =	sadd.s32 $0x6400, s25  }
0x36: {  	[tilespmem:s14], [sflag:$0x2] =	stream.indirect.gather [hbm4b:s5+s11], $0x80, s26, s11, $0xb8;
	[tilespmem:$0x18800] =	vst v63  }
0x37: {  	_ =	swait.ge [sflag:s15], $0x4000  }
0x38: {  	p0 =	seq.s32 s23, $0x0;
	[sflag:s15] =	ssyncset.done $0x0  }
0x39: {  	s26 =	simm.s32 @!p0 $0x3;
	[sflag:s15] =	ssyncadd.s32 $0xFFFFC000  }
0x3a: {  	_ =	swait.ge @!p0 [sflag:s26], $0x2000  }
0x3b: {  	s28 =	sshll.u32 s23, $0xA;
	[sflag:s26] =	ssyncset.done @!p0 $0x0  }
0x3c: {  	[sflag:s26] =	ssyncadd.s32 @!p0 $0xFFFFE000;
	s26 =	sshrl.u32 s28, $0x2  }
0x3d: {  	v31 =	vld [tilespmem:s26+$0x0];
	_ =	sdelay $0x4  }
0x3e: {  	v32 =	vadd.s32 s22, v0;
	vm0 =	vgt.s32 v31, $0x7DFFF  }
0x3f: {  	v39 =	vand.u32 $0x3F, v32;
	v33 =	vld [tilespmem:s26+$0x10];
	v31 =	vsel vm0, v2, v1  }
0x40: {  	v34 =	vor.u32 v39, v31;
	_ =	sdelay $0x3  }
0x41: {  	v40 =	vshll.u32 v39, $0x7;
	v35 =	vld [tilespmem:s26+$0x20];
	vm9 =	vgt.s32 v33, $0x7DFFF  }
0x42: {  	v56 =	vor.u32 v0, v40;
	v32 =	vsel vm9, v4, v3;
	v55 =	vld.idx.msk [tilespmem:v34+s13+$0x0], $0xffff  }
0x43: {  	v36 =	vld [tilespmem:s26+$0x30];
	v38 =	vor.u32 v39, v32  }
0x44: {  	v37 =	vld [tilespmem:s26+$0x40]  }
0x45: {  	v41 =	vld [tilespmem:s26+$0x50]  }
0x46: {  	v42 =	vld [tilespmem:s26+$0x60]  }
0x47: {  	v43 =	vld [tilespmem:s26+$0x70];
	vm10 =	vgt.s32 v35, $0x7DFFF;
	[tilespmem:v56+s16+$0x0] =	vst.idx.msk $0xffff, v55  }
0x48: {  	v57 =	vor.u32 v17, v40;
	v33 =	vsel vm10, v6, v5;
	v34 =	vld.idx.msk [tilespmem:v38+s13+$0x0], $0xffff  }
0x49: {  	v58 =	vor.u32 v39, v33;
	_ =	sdelay $0x3  }
0x4a: {  	vm11 =	vgt.s32 v36, $0x7DFFF;
	[tilespmem:v57+s16+$0x0] =	vst.idx.msk $0xffff, v34  }
0x4b: {  	v59 =	vor.u32 v18, v40;
	v34 =	vsel vm11, v8, v7;
	v35 =	vld.idx.msk [tilespmem:v58+s13+$0x0], $0xffff  }
0x4c: {  	v60 =	vor.u32 v39, v34;
	_ =	sdelay $0x3  }
0x4d: {  	vm12 =	vgt.s32 v37, $0x7DFFF;
	[tilespmem:v59+s16+$0x0] =	vst.idx.msk $0xffff, v35  }
0x4e: {  	v61 =	vor.u32 v19, v40;
	v35 =	vsel vm12, v10, v9;
	v36 =	vld.idx.msk [tilespmem:v60+s13+$0x0], $0xffff  }
0x4f: {  	v62 =	vor.u32 v39, v35;
	_ =	sdelay $0x3  }
0x50: {  	vm13 =	vgt.s32 v41, $0x7DFFF;
	[tilespmem:v61+s16+$0x0] =	vst.idx.msk $0xffff, v36  }
0x51: {  	v63 =	vor.u32 v20, v40;
	v36 =	vsel vm13, v12, v11;
	v37 =	vld.idx.msk [tilespmem:v62+s13+$0x0], $0xffff  }
0x52: {  	v44 =	vor.u32 v39, v36;
	_ =	sdelay $0x3  }
0x53: {  	vm14 =	vgt.s32 v42, $0x7DFFF;
	[tilespmem:v63+s16+$0x0] =	vst.idx.msk $0xffff, v37  }
0x54: {  	v45 =	vor.u32 v21, v40;
	v37 =	vsel vm14, v14, v13;
	v38 =	vld.idx.msk [tilespmem:v44+s13+$0x0], $0xffff  }
0x55: {  	v46 =	vor.u32 v39, v37;
	_ =	sdelay $0x3  }
0x56: {  	vm15 =	vgt.s32 v43, $0x7DFFF;
	[tilespmem:v45+s16+$0x0] =	vst.idx.msk $0xffff, v38  }
0x57: {  	v47 =	vor.u32 v22, v40;
	v38 =	vsel vm15, v16, v15;
	v41 =	vld.idx.msk [tilespmem:v46+s13+$0x0], $0xffff  }
0x58: {  	v39 =	vor.u32 v39, v38;
	_ =	sdelay $0x3  }
0x59: {  	v48 =	vadd.s32 s22, v24;
	[tilespmem:v47+s16+$0x0] =	vst.idx.msk $0xffff, v41  }
0x5a: {  	v40 =	vor.u32 v23, v40;
	v41 =	vand.u32 $0x3F, v48;
	v39 =	vld.idx.msk [tilespmem:v39+s13+$0x0], $0xffff  }
0x5b: {  	v49 =	vor.u32 v41, v31;
	_ =	sdelay $0x3  }
0x5c: {  	v50 =	vshll.u32 v41, $0x7;
	[tilespmem:v40+s16+$0x0] =	vst.idx.msk $0xffff, v39  }
0x5d: {  	v51 =	vor.u32 v0, v50;
	v40 =	vld.idx.msk [tilespmem:v49+s13+$0x0], $0xffff  }
0x5e: {  	v52 =	vor.u32 v41, v32;
	_ =	sdelay $0x3  }
0x5f: {  	[tilespmem:v51+s16+$0x0] =	vst.idx.msk $0xffff, v40  }
0x60: {  	v53 =	vor.u32 v17, v50;
	v40 =	vld.idx.msk [tilespmem:v52+s13+$0x0], $0xffff  }
0x61: {  	v54 =	vor.u32 v41, v33;
	_ =	sdelay $0x3  }
0x62: {  	[tilespmem:v53+s16+$0x0] =	vst.idx.msk $0xffff, v40  }
0x63: {  	v55 =	vor.u32 v18, v50;
	v40 =	vld.idx.msk [tilespmem:v54+s13+$0x0], $0xffff  }
0x64: {  	v56 =	vor.u32 v41, v34;
	_ =	sdelay $0x3  }
0x65: {  	[tilespmem:v55+s16+$0x0] =	vst.idx.msk $0xffff, v40  }
0x66: {  	v57 =	vor.u32 v19, v50;
	v40 =	vld.idx.msk [tilespmem:v56+s13+$0x0], $0xffff  }
0x67: {  	v58 =	vor.u32 v41, v35;
	_ =	sdelay $0x3  }
0x68: {  	[tilespmem:v57+s16+$0x0] =	vst.idx.msk $0xffff, v40  }
0x69: {  	v59 =	vor.u32 v20, v50;
	v40 =	vld.idx.msk [tilespmem:v58+s13+$0x0], $0xffff  }
0x6a: {  	v60 =	vor.u32 v41, v36;
	_ =	sdelay $0x3  }
0x6b: {  	[tilespmem:v59+s16+$0x0] =	vst.idx.msk $0xffff, v40  }
0x6c: {  	v61 =	vor.u32 v21, v50;
	v40 =	vld.idx.msk [tilespmem:v60+s13+$0x0], $0xffff  }
0x6d: {  	v62 =	vor.u32 v41, v37;
	_ =	sdelay $0x3  }
0x6e: {  	[tilespmem:v61+s16+$0x0] =	vst.idx.msk $0xffff, v40  }
0x6f: {  	v63 =	vor.u32 v22, v50;
	v40 =	vld.idx.msk [tilespmem:v62+s13+$0x0], $0xffff  }
0x70: {  	v41 =	vor.u32 v41, v38;
	_ =	sdelay $0x3  }
0x71: {  	v44 =	vadd.s32 s22, v25;
	[tilespmem:v63+s16+$0x0] =	vst.idx.msk $0xffff, v40  }
0x72: {  	v39 =	vor.u32 v23, v50;
	v40 =	vand.u32 $0x3F, v44;
	v41 =	vld.idx.msk [tilespmem:v41+s13+$0x0], $0xffff  }
0x73: {  	v45 =	vor.u32 v40, v31;
	_ =	sdelay $0x3  }
0x74: {  	v46 =	vshll.u32 v40, $0x7;
	[tilespmem:v39+s16+$0x0] =	vst.idx.msk $0xffff, v41  }
0x75: {  	v47 =	vor.u32 v0, v46;
	v41 =	vld.idx.msk [tilespmem:v45+s13+$0x0], $0xffff  }
0x76: {  	v48 =	vor.u32 v40, v32;
	_ =	sdelay $0x3  }
0x77: {  	[tilespmem:v47+s16+$0x0] =	vst.idx.msk $0xffff, v41  }
0x78: {  	v49 =	vor.u32 v17, v46;
	v41 =	vld.idx.msk [tilespmem:v48+s13+$0x0], $0xffff  }
0x79: {  	v50 =	vor.u32 v40, v33;
	_ =	sdelay $0x3  }
0x7a: {  	[tilespmem:v49+s16+$0x0] =	vst.idx.msk $0xffff, v41  }
0x7b: {  	v51 =	vor.u32 v18, v46;
	v41 =	vld.idx.msk [tilespmem:v50+s13+$0x0], $0xffff  }
0x7c: {  	v52 =	vor.u32 v40, v34;
	_ =	sdelay $0x3  }
0x7d: {  	[tilespmem:v51+s16+$0x0] =	vst.idx.msk $0xffff, v41  }
0x7e: {  	v53 =	vor.u32 v19, v46;
	v41 =	vld.idx.msk [tilespmem:v52+s13+$0x0], $0xffff  }
0x7f: {  	v54 =	vor.u32 v40, v35;
	_ =	sdelay $0x3  }
0x80: {  	[tilespmem:v53+s16+$0x0] =	vst.idx.msk $0xffff, v41  }
0x81: {  	v55 =	vor.u32 v20, v46;
	v41 =	vld.idx.msk [tilespmem:v54+s13+$0x0], $0xffff  }
0x82: {  	v56 =	vor.u32 v40, v36;
	_ =	sdelay $0x3  }
0x83: {  	[tilespmem:v55+s16+$0x0] =	vst.idx.msk $0xffff, v41  }
0x84: {  	v57 =	vor.u32 v21, v46;
	v41 =	vld.idx.msk [tilespmem:v56+s13+$0x0], $0xffff  }
0x85: {  	v58 =	vor.u32 v40, v37;
	_ =	sdelay $0x3  }
0x86: {  	[tilespmem:v57+s16+$0x0] =	vst.idx.msk $0xffff, v41  }
0x87: {  	v59 =	vor.u32 v22, v46;
	v41 =	vld.idx.msk [tilespmem:v58+s13+$0x0], $0xffff  }
0x88: {  	v40 =	vor.u32 v40, v38;
	_ =	sdelay $0x3  }
0x89: {  	v60 =	vadd.s32 s22, v26;
	[tilespmem:v59+s16+$0x0] =	vst.idx.msk $0xffff, v41  }
0x8a: {  	v39 =	vor.u32 v23, v46;
	v41 =	vand.u32 $0x3F, v60;
	v40 =	vld.idx.msk [tilespmem:v40+s13+$0x0], $0xffff  }
0x8b: {  	v61 =	vor.u32 v41, v31;
	_ =	sdelay $0x3  }
0x8c: {  	v62 =	vshll.u32 v41, $0x7;
	[tilespmem:v39+s16+$0x0] =	vst.idx.msk $0xffff, v40  }
0x8d: {  	v63 =	vor.u32 v0, v62;
	v40 =	vld.idx.msk [tilespmem:v61+s13+$0x0], $0xffff  }
0x8e: {  	v45 =	vor.u32 v41, v32;
	_ =	sdelay $0x3  }
0x8f: {  	[tilespmem:v63+s16+$0x0] =	vst.idx.msk $0xffff, v40  }
0x90: {  	v46 =	vor.u32 v17, v62;
	v40 =	vld.idx.msk [tilespmem:v45+s13+$0x0], $0xffff  }
0x91: {  	v47 =	vor.u32 v41, v33;
	_ =	sdelay $0x3  }
0x92: {  	[tilespmem:v46+s16+$0x0] =	vst.idx.msk $0xffff, v40  }
0x93: {  	v48 =	vor.u32 v18, v62;
	v40 =	vld.idx.msk [tilespmem:v47+s13+$0x0], $0xffff  }
0x94: {  	v49 =	vor.u32 v41, v34;
	_ =	sdelay $0x3  }
0x95: {  	[tilespmem:v48+s16+$0x0] =	vst.idx.msk $0xffff, v40  }
0x96: {  	v50 =	vor.u32 v19, v62;
	v40 =	vld.idx.msk [tilespmem:v49+s13+$0x0], $0xffff  }
0x97: {  	v51 =	vor.u32 v41, v35;
	_ =	sdelay $0x3  }
0x98: {  	[tilespmem:v50+s16+$0x0] =	vst.idx.msk $0xffff, v40  }
0x99: {  	v52 =	vor.u32 v20, v62;
	v40 =	vld.idx.msk [tilespmem:v51+s13+$0x0], $0xffff  }
0x9a: {  	v53 =	vor.u32 v41, v36;
	_ =	sdelay $0x3  }
0x9b: {  	[tilespmem:v52+s16+$0x0] =	vst.idx.msk $0xffff, v40  }
0x9c: {  	v54 =	vor.u32 v21, v62;
	v40 =	vld.idx.msk [tilespmem:v53+s13+$0x0], $0xffff  }
0x9d: {  	v55 =	vor.u32 v41, v37;
	_ =	sdelay $0x3  }
0x9e: {  	[tilespmem:v54+s16+$0x0] =	vst.idx.msk $0xffff, v40  }
0x9f: {  	v56 =	vor.u32 v22, v62;
	v40 =	vld.idx.msk [tilespmem:v55+s13+$0x0], $0xffff  }
0xa0: {  	v41 =	vor.u32 v41, v38;
	_ =	sdelay $0x3  }
0xa1: {  	v57 =	vadd.s32 s22, v27;
	[tilespmem:v56+s16+$0x0] =	vst.idx.msk $0xffff, v40  }
0xa2: {  	v39 =	vor.u32 v23, v62;
	v40 =	vand.u32 $0x3F, v57;
	v41 =	vld.idx.msk [tilespmem:v41+s13+$0x0], $0xffff  }
0xa3: {  	v58 =	vor.u32 v40, v31;
	_ =	sdelay $0x3  }
0xa4: {  	v59 =	vshll.u32 v40, $0x7;
	[tilespmem:v39+s16+$0x0] =	vst.idx.msk $0xffff, v41  }
0xa5: {  	v60 =	vor.u32 v0, v59;
	v41 =	vld.idx.msk [tilespmem:v58+s13+$0x0], $0xffff  }
0xa6: {  	v61 =	vor.u32 v40, v32;
	_ =	sdelay $0x3  }
0xa7: {  	[tilespmem:v60+s16+$0x0] =	vst.idx.msk $0xffff, v41  }
0xa8: {  	v62 =	vor.u32 v17, v59;
	v41 =	vld.idx.msk [tilespmem:v61+s13+$0x0], $0xffff  }
0xa9: {  	v63 =	vor.u32 v40, v33;
	_ =	sdelay $0x3  }
0xaa: {  	[tilespmem:v62+s16+$0x0] =	vst.idx.msk $0xffff, v41  }
0xab: {  	v45 =	vor.u32 v18, v59;
	v41 =	vld.idx.msk [tilespmem:v63+s13+$0x0], $0xffff  }
0xac: {  	v46 =	vor.u32 v40, v34;
	_ =	sdelay $0x3  }
0xad: {  	[tilespmem:v45+s16+$0x0] =	vst.idx.msk $0xffff, v41  }
0xae: {  	v47 =	vor.u32 v19, v59;
	v41 =	vld.idx.msk [tilespmem:v46+s13+$0x0], $0xffff  }
0xaf: {  	v48 =	vor.u32 v40, v35;
	_ =	sdelay $0x3  }
0xb0: {  	[tilespmem:v47+s16+$0x0] =	vst.idx.msk $0xffff, v41  }
0xb1: {  	v49 =	vor.u32 v20, v59;
	v41 =	vld.idx.msk [tilespmem:v48+s13+$0x0], $0xffff  }
0xb2: {  	v50 =	vor.u32 v40, v36;
	_ =	sdelay $0x3  }
0xb3: {  	[tilespmem:v49+s16+$0x0] =	vst.idx.msk $0xffff, v41  }
0xb4: {  	v51 =	vor.u32 v21, v59;
	v41 =	vld.idx.msk [tilespmem:v50+s13+$0x0], $0xffff  }
0xb5: {  	v52 =	vor.u32 v40, v37;
	_ =	sdelay $0x3  }
0xb6: {  	[tilespmem:v51+s16+$0x0] =	vst.idx.msk $0xffff, v41  }
0xb7: {  	v53 =	vor.u32 v22, v59;
	v41 =	vld.idx.msk [tilespmem:v52+s13+$0x0], $0xffff  }
0xb8: {  	v40 =	vor.u32 v40, v38;
	_ =	sdelay $0x3  }
0xb9: {  	v54 =	vadd.s32 s22, v28;
	[tilespmem:v53+s16+$0x0] =	vst.idx.msk $0xffff, v41  }
0xba: {  	v39 =	vor.u32 v23, v59;
	v41 =	vand.u32 $0x3F, v54;
	v40 =	vld.idx.msk [tilespmem:v40+s13+$0x0], $0xffff  }
0xbb: {  	v55 =	vor.u32 v41, v31;
	_ =	sdelay $0x3  }
0xbc: {  	v56 =	vshll.u32 v41, $0x7;
	[tilespmem:v39+s16+$0x0] =	vst.idx.msk $0xffff, v40  }
0xbd: {  	v57 =	vor.u32 v0, v56;
	v40 =	vld.idx.msk [tilespmem:v55+s13+$0x0], $0xffff  }
0xbe: {  	v58 =	vor.u32 v41, v32;
	_ =	sdelay $0x3  }
0xbf: {  	[tilespmem:v57+s16+$0x0] =	vst.idx.msk $0xffff, v40  }
0xc0: {  	v59 =	vor.u32 v17, v56;
	v40 =	vld.idx.msk [tilespmem:v58+s13+$0x0], $0xffff  }
0xc1: {  	v60 =	vor.u32 v41, v33;
	_ =	sdelay $0x3  }
0xc2: {  	[tilespmem:v59+s16+$0x0] =	vst.idx.msk $0xffff, v40  }
0xc3: {  	v61 =	vor.u32 v18, v56;
	v40 =	vld.idx.msk [tilespmem:v60+s13+$0x0], $0xffff  }
0xc4: {  	v62 =	vor.u32 v41, v34;
	_ =	sdelay $0x3  }
0xc5: {  	[tilespmem:v61+s16+$0x0] =	vst.idx.msk $0xffff, v40  }
0xc6: {  	v63 =	vor.u32 v19, v56;
	v40 =	vld.idx.msk [tilespmem:v62+s13+$0x0], $0xffff  }
0xc7: {  	v45 =	vor.u32 v41, v35;
	_ =	sdelay $0x3  }
0xc8: {  	[tilespmem:v63+s16+$0x0] =	vst.idx.msk $0xffff, v40  }
0xc9: {  	v46 =	vor.u32 v20, v56;
	v40 =	vld.idx.msk [tilespmem:v45+s13+$0x0], $0xffff  }
0xca: {  	v47 =	vor.u32 v41, v36;
	_ =	sdelay $0x3  }
0xcb: {  	[tilespmem:v46+s16+$0x0] =	vst.idx.msk $0xffff, v40  }
0xcc: {  	v48 =	vor.u32 v21, v56;
	v40 =	vld.idx.msk [tilespmem:v47+s13+$0x0], $0xffff  }
0xcd: {  	v49 =	vor.u32 v41, v37;
	_ =	sdelay $0x3  }
0xce: {  	[tilespmem:v48+s16+$0x0] =	vst.idx.msk $0xffff, v40  }
0xcf: {  	v50 =	vor.u32 v22, v56;
	v40 =	vld.idx.msk [tilespmem:v49+s13+$0x0], $0xffff  }
0xd0: {  	v41 =	vor.u32 v41, v38;
	_ =	sdelay $0x3  }
0xd1: {  	v51 =	vadd.s32 s22, v29;
	[tilespmem:v50+s16+$0x0] =	vst.idx.msk $0xffff, v40  }
0xd2: {  	v39 =	vor.u32 v23, v56;
	v40 =	vand.u32 $0x3F, v51;
	v41 =	vld.idx.msk [tilespmem:v41+s13+$0x0], $0xffff  }
0xd3: {  	v52 =	vor.u32 v40, v31;
	_ =	sdelay $0x3  }
0xd4: {  	v53 =	vshll.u32 v40, $0x7;
	[tilespmem:v39+s16+$0x0] =	vst.idx.msk $0xffff, v41  }
0xd5: {  	v54 =	vor.u32 v0, v53;
	v41 =	vld.idx.msk [tilespmem:v52+s13+$0x0], $0xffff  }
0xd6: {  	v55 =	vor.u32 v40, v32;
	_ =	sdelay $0x3  }
0xd7: {  	[tilespmem:v54+s16+$0x0] =	vst.idx.msk $0xffff, v41  }
0xd8: {  	v56 =	vor.u32 v17, v53;
	v41 =	vld.idx.msk [tilespmem:v55+s13+$0x0], $0xffff  }
0xd9: {  	v57 =	vor.u32 v40, v33;
	_ =	sdelay $0x3  }
0xda: {  	[tilespmem:v56+s16+$0x0] =	vst.idx.msk $0xffff, v41  }
0xdb: {  	v58 =	vor.u32 v18, v53;
	v41 =	vld.idx.msk [tilespmem:v57+s13+$0x0], $0xffff  }
0xdc: {  	v59 =	vor.u32 v40, v34;
	_ =	sdelay $0x3  }
0xdd: {  	[tilespmem:v58+s16+$0x0] =	vst.idx.msk $0xffff, v41  }
0xde: {  	v60 =	vor.u32 v19, v53;
	v41 =	vld.idx.msk [tilespmem:v59+s13+$0x0], $0xffff  }
0xdf: {  	v61 =	vor.u32 v40, v35;
	_ =	sdelay $0x3  }
0xe0: {  	[tilespmem:v60+s16+$0x0] =	vst.idx.msk $0xffff, v41  }
0xe1: {  	v62 =	vor.u32 v20, v53;
	v41 =	vld.idx.msk [tilespmem:v61+s13+$0x0], $0xffff  }
0xe2: {  	v63 =	vor.u32 v40, v36;
	_ =	sdelay $0x3  }
0xe3: {  	[tilespmem:v62+s16+$0x0] =	vst.idx.msk $0xffff, v41  }
0xe4: {  	v45 =	vor.u32 v21, v53;
	v41 =	vld.idx.msk [tilespmem:v63+s13+$0x0], $0xffff  }
0xe5: {  	v46 =	vor.u32 v40, v37;
	_ =	sdelay $0x3  }
0xe6: {  	[tilespmem:v45+s16+$0x0] =	vst.idx.msk $0xffff, v41  }
0xe7: {  	v47 =	vor.u32 v22, v53;
	v41 =	vld.idx.msk [tilespmem:v46+s13+$0x0], $0xffff  }
0xe8: {  	v40 =	vor.u32 v40, v38;
	_ =	sdelay $0x3  }
0xe9: {  	v48 =	vadd.s32 s22, v30;
	[tilespmem:v47+s16+$0x0] =	vst.idx.msk $0xffff, v41  }
0xea: {  	v39 =	vor.u32 v23, v53;
	v41 =	vand.u32 $0x3F, v48;
	v40 =	vld.idx.msk [tilespmem:v40+s13+$0x0], $0xffff  }
0xeb: {  	v49 =	vor.u32 v41, v31;
	_ =	sdelay $0x3  }
0xec: {  	[tilespmem:v39+s16+$0x0] =	vst.idx.msk $0xffff, v40;
	v39 =	vshll.u32 v41, $0x7  }
0xed: {  	v40 =	vld.idx.msk [tilespmem:v49+s13+$0x0], $0xffff;
	v50 =	vor.u32 v0, v39  }
0xee: {  	v51 =	vor.u32 v41, v32;
	_ =	sdelay $0x3  }
0xef: {  	[tilespmem:v50+s16+$0x0] =	vst.idx.msk $0xffff, v40  }
0xf0: {  	v52 =	vor.u32 v17, v39;
	v40 =	vld.idx.msk [tilespmem:v51+s13+$0x0], $0xffff  }
0xf1: {  	v53 =	vor.u32 v41, v33;
	_ =	sdelay $0x3  }
0xf2: {  	[tilespmem:v52+s16+$0x0] =	vst.idx.msk $0xffff, v40  }
0xf3: {  	v54 =	vor.u32 v18, v39;
	v40 =	vld.idx.msk [tilespmem:v53+s13+$0x0], $0xffff  }
0xf4: {  	v55 =	vor.u32 v41, v34;
	_ =	sdelay $0x3  }
0xf5: {  	[tilespmem:v54+s16+$0x0] =	vst.idx.msk $0xffff, v40  }
0xf6: {  	v56 =	vor.u32 v19, v39;
	v40 =	vld.idx.msk [tilespmem:v55+s13+$0x0], $0xffff  }
0xf7: {  	v57 =	vor.u32 v41, v35;
	_ =	sdelay $0x3  }
0xf8: {  	[tilespmem:v56+s16+$0x0] =	vst.idx.msk $0xffff, v40  }
0xf9: {  	v58 =	vor.u32 v20, v39;
	v40 =	vld.idx.msk [tilespmem:v57+s13+$0x0], $0xffff  }
0xfa: {  	v59 =	vor.u32 v41, v36;
	_ =	sdelay $0x3  }
0xfb: {  	[tilespmem:v58+s16+$0x0] =	vst.idx.msk $0xffff, v40  }
0xfc: {  	v60 =	vor.u32 v21, v39;
	v40 =	vld.idx.msk [tilespmem:v59+s13+$0x0], $0xffff  }
0xfd: {  	v61 =	vor.u32 v41, v37;
	_ =	sdelay $0x3  }
0xfe: {  	[tilespmem:v60+s16+$0x0] =	vst.idx.msk $0xffff, v40  }
0xff: {  	v62 =	vor.u32 v22, v39;
	v40 =	vld.idx.msk [tilespmem:v61+s13+$0x0], $0xffff  }
0x100: {  	v63 =	vor.u32 v41, v38;
	_ =	sdelay $0x3  }
0x101: {  	s28 =	simm.s32 $0x8;
	[tilespmem:v62+s16+$0x0] =	vst.idx.msk $0xffff, v40  }
0x102: {  	s29 =	simm.s32 $0x10;
	v41 =	vadd.s32 s28, v0;
	v40 =	vld.idx.msk [tilespmem:v63+s13+$0x0], $0xffff  }
.LBB2_5:
0x103: {  	p1 =	sne.s32 s29, $0x38;
	v41 =	vand.u32 $0x3F, v41;
	v39 =	vor.u32 v23, v39  }
0x104: {  	v42 =	vor.u32 v41, v31;
	_ =	sdelay $0x3  }
0x105: {  	[tilespmem:v39+s16+$0x0] =	vst.idx.msk $0xffff, v40  }
0x106: {  	v40 =	vshll.u32 v41, $0x7;
	v39 =	vld.idx.msk [tilespmem:v42+s13+$0x0], $0xffff  }
0x107: {  	v42 =	vor.u32 v0, v40  }
0x108: {  	v43 =	vor.u32 v41, v32;
	_ =	sdelay $0x3  }
0x109: {  	[tilespmem:v42+s16+$0x0] =	vst.idx.msk $0xffff, v39  }
0x10a: {  	v39 =	vld.idx.msk [tilespmem:v43+s13+$0x0], $0xffff  }
0x10b: {  	v42 =	vor.u32 v17, v40  }
0x10c: {  	v43 =	vor.u32 v41, v33;
	_ =	sdelay $0x3  }
0x10d: {  	[tilespmem:v42+s16+$0x0] =	vst.idx.msk $0xffff, v39  }
0x10e: {  	v39 =	vld.idx.msk [tilespmem:v43+s13+$0x0], $0xffff  }
0x10f: {  	v42 =	vor.u32 v18, v40  }
0x110: {  	v43 =	vor.u32 v41, v34;
	_ =	sdelay $0x3  }
0x111: {  	[tilespmem:v42+s16+$0x0] =	vst.idx.msk $0xffff, v39  }
0x112: {  	v39 =	vld.idx.msk [tilespmem:v43+s13+$0x0], $0xffff  }
0x113: {  	v42 =	vor.u32 v19, v40  }
0x114: {  	v43 =	vor.u32 v41, v35;
	_ =	sdelay $0x3  }
0x115: {  	[tilespmem:v42+s16+$0x0] =	vst.idx.msk $0xffff, v39  }
0x116: {  	v39 =	vld.idx.msk [tilespmem:v43+s13+$0x0], $0xffff  }
0x117: {  	v42 =	vor.u32 v20, v40  }
0x118: {  	v43 =	vor.u32 v41, v36;
	_ =	sdelay $0x3  }
0x119: {  	[tilespmem:v42+s16+$0x0] =	vst.idx.msk $0xffff, v39  }
0x11a: {  	v39 =	vld.idx.msk [tilespmem:v43+s13+$0x0], $0xffff  }
0x11b: {  	v42 =	vor.u32 v21, v40  }
0x11c: {  	v43 =	vor.u32 v41, v37;
	_ =	sdelay $0x3  }
0x11d: {  	[tilespmem:v42+s16+$0x0] =	vst.idx.msk $0xffff, v39  }
0x11e: {  	v39 =	vld.idx.msk [tilespmem:v43+s13+$0x0], $0xffff  }
0x11f: {  	v42 =	vor.u32 v22, v40  }
0x120: {  	v41 =	vor.u32 v41, v38;
	_ =	sdelay $0x3  }
0x121: {  	[tilespmem:v42+s16+$0x0] =	vst.idx.msk $0xffff, v39  }
0x122: {  	v39 =	vld.idx.msk [tilespmem:v41+s13+$0x0], $0xffff;
	v41 =	vadd.s32 s28, v24  }
0x123: {  	v40 =	vor.u32 v23, v40;
	v41 =	vand.u32 $0x3F, v41  }
0x124: {  	v42 =	vor.u32 v41, v31;
	_ =	sdelay $0x3  }
0x125: {  	[tilespmem:v40+s16+$0x0] =	vst.idx.msk $0xffff, v39  }
0x126: {  	v40 =	vshll.u32 v41, $0x7;
	v39 =	vld.idx.msk [tilespmem:v42+s13+$0x0], $0xffff  }
0x127: {  	v42 =	vor.u32 v0, v40  }
0x128: {  	v43 =	vor.u32 v41, v32;
	_ =	sdelay $0x3  }
0x129: {  	[tilespmem:v42+s16+$0x0] =	vst.idx.msk $0xffff, v39  }
0x12a: {  	v39 =	vld.idx.msk [tilespmem:v43+s13+$0x0], $0xffff  }
0x12b: {  	v42 =	vor.u32 v17, v40  }
0x12c: {  	v43 =	vor.u32 v41, v33;
	_ =	sdelay $0x3  }
0x12d: {  	[tilespmem:v42+s16+$0x0] =	vst.idx.msk $0xffff, v39  }
0x12e: {  	v39 =	vld.idx.msk [tilespmem:v43+s13+$0x0], $0xffff  }
0x12f: {  	v42 =	vor.u32 v18, v40  }
0x130: {  	v43 =	vor.u32 v41, v34;
	_ =	sdelay $0x3  }
0x131: {  	[tilespmem:v42+s16+$0x0] =	vst.idx.msk $0xffff, v39  }
0x132: {  	v39 =	vld.idx.msk [tilespmem:v43+s13+$0x0], $0xffff  }
0x133: {  	v42 =	vor.u32 v19, v40  }
0x134: {  	v43 =	vor.u32 v41, v35;
	_ =	sdelay $0x3  }
0x135: {  	[tilespmem:v42+s16+$0x0] =	vst.idx.msk $0xffff, v39  }
0x136: {  	v39 =	vld.idx.msk [tilespmem:v43+s13+$0x0], $0xffff  }
0x137: {  	v42 =	vor.u32 v20, v40  }
0x138: {  	v43 =	vor.u32 v41, v36;
	_ =	sdelay $0x3  }
0x139: {  	[tilespmem:v42+s16+$0x0] =	vst.idx.msk $0xffff, v39  }
0x13a: {  	v39 =	vld.idx.msk [tilespmem:v43+s13+$0x0], $0xffff  }
0x13b: {  	v42 =	vor.u32 v21, v40  }
0x13c: {  	v43 =	vor.u32 v41, v37;
	_ =	sdelay $0x3  }
0x13d: {  	[tilespmem:v42+s16+$0x0] =	vst.idx.msk $0xffff, v39  }
0x13e: {  	v39 =	vld.idx.msk [tilespmem:v43+s13+$0x0], $0xffff  }
0x13f: {  	v42 =	vor.u32 v22, v40  }
0x140: {  	v41 =	vor.u32 v41, v38;
	_ =	sdelay $0x3  }
0x141: {  	[tilespmem:v42+s16+$0x0] =	vst.idx.msk $0xffff, v39  }
0x142: {  	v39 =	vld.idx.msk [tilespmem:v41+s13+$0x0], $0xffff;
	v41 =	vadd.s32 s28, v25  }
0x143: {  	v40 =	vor.u32 v23, v40;
	v41 =	vand.u32 $0x3F, v41  }
0x144: {  	v42 =	vor.u32 v41, v31;
	_ =	sdelay $0x3  }
0x145: {  	[tilespmem:v40+s16+$0x0] =	vst.idx.msk $0xffff, v39  }
0x146: {  	v40 =	vshll.u32 v41, $0x7;
	v39 =	vld.idx.msk [tilespmem:v42+s13+$0x0], $0xffff  }
0x147: {  	v42 =	vor.u32 v0, v40  }
0x148: {  	v43 =	vor.u32 v41, v32;
	_ =	sdelay $0x3  }
0x149: {  	[tilespmem:v42+s16+$0x0] =	vst.idx.msk $0xffff, v39  }
0x14a: {  	v39 =	vld.idx.msk [tilespmem:v43+s13+$0x0], $0xffff  }
0x14b: {  	v42 =	vor.u32 v17, v40  }
0x14c: {  	v43 =	vor.u32 v41, v33;
	_ =	sdelay $0x3  }
0x14d: {  	[tilespmem:v42+s16+$0x0] =	vst.idx.msk $0xffff, v39  }
0x14e: {  	v39 =	vld.idx.msk [tilespmem:v43+s13+$0x0], $0xffff  }
0x14f: {  	v42 =	vor.u32 v18, v40  }
0x150: {  	v43 =	vor.u32 v41, v34;
	_ =	sdelay $0x3  }
0x151: {  	[tilespmem:v42+s16+$0x0] =	vst.idx.msk $0xffff, v39  }
0x152: {  	v39 =	vld.idx.msk [tilespmem:v43+s13+$0x0], $0xffff  }
0x153: {  	v42 =	vor.u32 v19, v40  }
0x154: {  	v43 =	vor.u32 v41, v35;
	_ =	sdelay $0x3  }
0x155: {  	[tilespmem:v42+s16+$0x0] =	vst.idx.msk $0xffff, v39  }
0x156: {  	v39 =	vld.idx.msk [tilespmem:v43+s13+$0x0], $0xffff  }
0x157: {  	v42 =	vor.u32 v20, v40  }
0x158: {  	v43 =	vor.u32 v41, v36;
	_ =	sdelay $0x3  }
0x159: {  	[tilespmem:v42+s16+$0x0] =	vst.idx.msk $0xffff, v39  }
0x15a: {  	v39 =	vld.idx.msk [tilespmem:v43+s13+$0x0], $0xffff  }
0x15b: {  	v42 =	vor.u32 v21, v40  }
0x15c: {  	v43 =	vor.u32 v41, v37;
	_ =	sdelay $0x3  }
0x15d: {  	[tilespmem:v42+s16+$0x0] =	vst.idx.msk $0xffff, v39  }
0x15e: {  	v39 =	vld.idx.msk [tilespmem:v43+s13+$0x0], $0xffff  }
0x15f: {  	v42 =	vor.u32 v22, v40  }
0x160: {  	v41 =	vor.u32 v41, v38;
	_ =	sdelay $0x3  }
0x161: {  	[tilespmem:v42+s16+$0x0] =	vst.idx.msk $0xffff, v39  }
0x162: {  	v39 =	vld.idx.msk [tilespmem:v41+s13+$0x0], $0xffff;
	v41 =	vadd.s32 s28, v26  }
0x163: {  	v40 =	vor.u32 v23, v40;
	v41 =	vand.u32 $0x3F, v41  }
0x164: {  	v42 =	vor.u32 v41, v31;
	_ =	sdelay $0x3  }
0x165: {  	[tilespmem:v40+s16+$0x0] =	vst.idx.msk $0xffff, v39  }
0x166: {  	v40 =	vshll.u32 v41, $0x7;
	v39 =	vld.idx.msk [tilespmem:v42+s13+$0x0], $0xffff  }
0x167: {  	v42 =	vor.u32 v0, v40  }
0x168: {  	v43 =	vor.u32 v41, v32;
	_ =	sdelay $0x3  }
0x169: {  	[tilespmem:v42+s16+$0x0] =	vst.idx.msk $0xffff, v39  }
0x16a: {  	v39 =	vld.idx.msk [tilespmem:v43+s13+$0x0], $0xffff  }
0x16b: {  	v42 =	vor.u32 v17, v40  }
0x16c: {  	v43 =	vor.u32 v41, v33;
	_ =	sdelay $0x3  }
0x16d: {  	[tilespmem:v42+s16+$0x0] =	vst.idx.msk $0xffff, v39  }
0x16e: {  	v39 =	vld.idx.msk [tilespmem:v43+s13+$0x0], $0xffff  }
0x16f: {  	v42 =	vor.u32 v18, v40  }
0x170: {  	v43 =	vor.u32 v41, v34;
	_ =	sdelay $0x3  }
0x171: {  	[tilespmem:v42+s16+$0x0] =	vst.idx.msk $0xffff, v39  }
0x172: {  	v39 =	vld.idx.msk [tilespmem:v43+s13+$0x0], $0xffff  }
0x173: {  	v42 =	vor.u32 v19, v40  }
0x174: {  	v43 =	vor.u32 v41, v35;
	_ =	sdelay $0x3  }
0x175: {  	[tilespmem:v42+s16+$0x0] =	vst.idx.msk $0xffff, v39  }
0x176: {  	v39 =	vld.idx.msk [tilespmem:v43+s13+$0x0], $0xffff  }
0x177: {  	v42 =	vor.u32 v20, v40  }
0x178: {  	v43 =	vor.u32 v41, v36;
	_ =	sdelay $0x3  }
0x179: {  	[tilespmem:v42+s16+$0x0] =	vst.idx.msk $0xffff, v39  }
0x17a: {  	v39 =	vld.idx.msk [tilespmem:v43+s13+$0x0], $0xffff  }
0x17b: {  	v42 =	vor.u32 v21, v40  }
0x17c: {  	v43 =	vor.u32 v41, v37;
	_ =	sdelay $0x3  }
0x17d: {  	[tilespmem:v42+s16+$0x0] =	vst.idx.msk $0xffff, v39  }
0x17e: {  	v39 =	vld.idx.msk [tilespmem:v43+s13+$0x0], $0xffff  }
0x17f: {  	v42 =	vor.u32 v22, v40  }
0x180: {  	v41 =	vor.u32 v41, v38;
	_ =	sdelay $0x3  }
0x181: {  	[tilespmem:v42+s16+$0x0] =	vst.idx.msk $0xffff, v39  }
0x182: {  	v39 =	vld.idx.msk [tilespmem:v41+s13+$0x0], $0xffff;
	v41 =	vadd.s32 s28, v27  }
0x183: {  	v40 =	vor.u32 v23, v40;
	v41 =	vand.u32 $0x3F, v41  }
0x184: {  	v42 =	vor.u32 v41, v31;
	_ =	sdelay $0x3  }
0x185: {  	[tilespmem:v40+s16+$0x0] =	vst.idx.msk $0xffff, v39  }
0x186: {  	v40 =	vshll.u32 v41, $0x7;
	v39 =	vld.idx.msk [tilespmem:v42+s13+$0x0], $0xffff  }
0x187: {  	v42 =	vor.u32 v0, v40  }
0x188: {  	v43 =	vor.u32 v41, v32;
	_ =	sdelay $0x3  }
0x189: {  	[tilespmem:v42+s16+$0x0] =	vst.idx.msk $0xffff, v39  }
0x18a: {  	v39 =	vld.idx.msk [tilespmem:v43+s13+$0x0], $0xffff  }
0x18b: {  	v42 =	vor.u32 v17, v40  }
0x18c: {  	v43 =	vor.u32 v41, v33;
	_ =	sdelay $0x3  }
0x18d: {  	[tilespmem:v42+s16+$0x0] =	vst.idx.msk $0xffff, v39  }
0x18e: {  	v39 =	vld.idx.msk [tilespmem:v43+s13+$0x0], $0xffff  }
0x18f: {  	v42 =	vor.u32 v18, v40  }
0x190: {  	v43 =	vor.u32 v41, v34;
	_ =	sdelay $0x3  }
0x191: {  	[tilespmem:v42+s16+$0x0] =	vst.idx.msk $0xffff, v39  }
0x192: {  	v39 =	vld.idx.msk [tilespmem:v43+s13+$0x0], $0xffff  }
0x193: {  	v42 =	vor.u32 v19, v40  }
0x194: {  	v43 =	vor.u32 v41, v35;
	_ =	sdelay $0x3  }
0x195: {  	[tilespmem:v42+s16+$0x0] =	vst.idx.msk $0xffff, v39  }
0x196: {  	v39 =	vld.idx.msk [tilespmem:v43+s13+$0x0], $0xffff  }
0x197: {  	v42 =	vor.u32 v20, v40  }
0x198: {  	v43 =	vor.u32 v41, v36;
	_ =	sdelay $0x3  }
0x199: {  	[tilespmem:v42+s16+$0x0] =	vst.idx.msk $0xffff, v39  }
0x19a: {  	v39 =	vld.idx.msk [tilespmem:v43+s13+$0x0], $0xffff  }
0x19b: {  	v42 =	vor.u32 v21, v40  }
0x19c: {  	v43 =	vor.u32 v41, v37;
	_ =	sdelay $0x3  }
0x19d: {  	[tilespmem:v42+s16+$0x0] =	vst.idx.msk $0xffff, v39  }
0x19e: {  	v39 =	vld.idx.msk [tilespmem:v43+s13+$0x0], $0xffff  }
0x19f: {  	v42 =	vor.u32 v22, v40  }
0x1a0: {  	v41 =	vor.u32 v41, v38;
	_ =	sdelay $0x3  }
0x1a1: {  	[tilespmem:v42+s16+$0x0] =	vst.idx.msk $0xffff, v39  }
0x1a2: {  	v39 =	vld.idx.msk [tilespmem:v41+s13+$0x0], $0xffff;
	v41 =	vadd.s32 s28, v28  }
0x1a3: {  	v40 =	vor.u32 v23, v40;
	v41 =	vand.u32 $0x3F, v41  }
0x1a4: {  	v42 =	vor.u32 v41, v31;
	_ =	sdelay $0x3  }
0x1a5: {  	[tilespmem:v40+s16+$0x0] =	vst.idx.msk $0xffff, v39  }
0x1a6: {  	v40 =	vshll.u32 v41, $0x7;
	v39 =	vld.idx.msk [tilespmem:v42+s13+$0x0], $0xffff  }
0x1a7: {  	v42 =	vor.u32 v0, v40  }
0x1a8: {  	v43 =	vor.u32 v41, v32;
	_ =	sdelay $0x3  }
0x1a9: {  	[tilespmem:v42+s16+$0x0] =	vst.idx.msk $0xffff, v39  }
0x1aa: {  	v39 =	vld.idx.msk [tilespmem:v43+s13+$0x0], $0xffff  }
0x1ab: {  	v42 =	vor.u32 v17, v40  }
0x1ac: {  	v43 =	vor.u32 v41, v33;
	_ =	sdelay $0x3  }
0x1ad: {  	[tilespmem:v42+s16+$0x0] =	vst.idx.msk $0xffff, v39  }
0x1ae: {  	v39 =	vld.idx.msk [tilespmem:v43+s13+$0x0], $0xffff  }
0x1af: {  	v42 =	vor.u32 v18, v40  }
0x1b0: {  	v43 =	vor.u32 v41, v34;
	_ =	sdelay $0x3  }
0x1b1: {  	[tilespmem:v42+s16+$0x0] =	vst.idx.msk $0xffff, v39  }
0x1b2: {  	v39 =	vld.idx.msk [tilespmem:v43+s13+$0x0], $0xffff  }
0x1b3: {  	v42 =	vor.u32 v19, v40  }
0x1b4: {  	v43 =	vor.u32 v41, v35;
	_ =	sdelay $0x3  }
0x1b5: {  	[tilespmem:v42+s16+$0x0] =	vst.idx.msk $0xffff, v39  }
0x1b6: {  	v39 =	vld.idx.msk [tilespmem:v43+s13+$0x0], $0xffff  }
0x1b7: {  	v42 =	vor.u32 v20, v40  }
0x1b8: {  	v43 =	vor.u32 v41, v36;
	_ =	sdelay $0x3  }
0x1b9: {  	[tilespmem:v42+s16+$0x0] =	vst.idx.msk $0xffff, v39  }
0x1ba: {  	v39 =	vld.idx.msk [tilespmem:v43+s13+$0x0], $0xffff  }
0x1bb: {  	v42 =	vor.u32 v21, v40  }
0x1bc: {  	v43 =	vor.u32 v41, v37;
	_ =	sdelay $0x3  }
0x1bd: {  	[tilespmem:v42+s16+$0x0] =	vst.idx.msk $0xffff, v39  }
0x1be: {  	v39 =	vld.idx.msk [tilespmem:v43+s13+$0x0], $0xffff  }
0x1bf: {  	v42 =	vor.u32 v22, v40  }
0x1c0: {  	v41 =	vor.u32 v41, v38;
	_ =	sdelay $0x3  }
0x1c1: {  	[tilespmem:v42+s16+$0x0] =	vst.idx.msk $0xffff, v39  }
0x1c2: {  	v39 =	vld.idx.msk [tilespmem:v41+s13+$0x0], $0xffff;
	v41 =	vadd.s32 s28, v29  }
0x1c3: {  	v40 =	vor.u32 v23, v40;
	v41 =	vand.u32 $0x3F, v41  }
0x1c4: {  	v42 =	vor.u32 v41, v31;
	_ =	sdelay $0x3  }
0x1c5: {  	[tilespmem:v40+s16+$0x0] =	vst.idx.msk $0xffff, v39  }
0x1c6: {  	v40 =	vshll.u32 v41, $0x7;
	v39 =	vld.idx.msk [tilespmem:v42+s13+$0x0], $0xffff  }
0x1c7: {  	v42 =	vor.u32 v0, v40  }
0x1c8: {  	v43 =	vor.u32 v41, v32;
	_ =	sdelay $0x3  }
0x1c9: {  	[tilespmem:v42+s16+$0x0] =	vst.idx.msk $0xffff, v39  }
0x1ca: {  	v39 =	vld.idx.msk [tilespmem:v43+s13+$0x0], $0xffff  }
0x1cb: {  	v42 =	vor.u32 v17, v40  }
0x1cc: {  	v43 =	vor.u32 v41, v33;
	_ =	sdelay $0x3  }
0x1cd: {  	[tilespmem:v42+s16+$0x0] =	vst.idx.msk $0xffff, v39  }
0x1ce: {  	v39 =	vld.idx.msk [tilespmem:v43+s13+$0x0], $0xffff  }
0x1cf: {  	v42 =	vor.u32 v18, v40  }
0x1d0: {  	v43 =	vor.u32 v41, v34;
	_ =	sdelay $0x3  }
0x1d1: {  	[tilespmem:v42+s16+$0x0] =	vst.idx.msk $0xffff, v39  }
0x1d2: {  	v39 =	vld.idx.msk [tilespmem:v43+s13+$0x0], $0xffff  }
0x1d3: {  	v42 =	vor.u32 v19, v40  }
0x1d4: {  	v43 =	vor.u32 v41, v35;
	_ =	sdelay $0x3  }
0x1d5: {  	[tilespmem:v42+s16+$0x0] =	vst.idx.msk $0xffff, v39  }
0x1d6: {  	v39 =	vld.idx.msk [tilespmem:v43+s13+$0x0], $0xffff  }
0x1d7: {  	v42 =	vor.u32 v20, v40  }
0x1d8: {  	v43 =	vor.u32 v41, v36;
	_ =	sdelay $0x3  }
0x1d9: {  	[tilespmem:v42+s16+$0x0] =	vst.idx.msk $0xffff, v39  }
0x1da: {  	v39 =	vld.idx.msk [tilespmem:v43+s13+$0x0], $0xffff  }
0x1db: {  	v42 =	vor.u32 v21, v40  }
0x1dc: {  	v43 =	vor.u32 v41, v37;
	_ =	sdelay $0x3  }
0x1dd: {  	[tilespmem:v42+s16+$0x0] =	vst.idx.msk $0xffff, v39  }
0x1de: {  	v39 =	vld.idx.msk [tilespmem:v43+s13+$0x0], $0xffff  }
0x1df: {  	v42 =	vor.u32 v22, v40  }
0x1e0: {  	v41 =	vor.u32 v41, v38;
	_ =	sdelay $0x3  }
0x1e1: {  	[tilespmem:v42+s16+$0x0] =	vst.idx.msk $0xffff, v39  }
0x1e2: {  	v39 =	vld.idx.msk [tilespmem:v41+s13+$0x0], $0xffff;
	v41 =	vadd.s32 s28, v30;
	s28 =	smov.u32 s29  }
0x1e3: {  	v40 =	vor.u32 v23, v40;
	v41 =	vand.u32 $0x3F, v41  }
0x1e4: {  	v42 =	vor.u32 v41, v31;
	_ =	sdelay $0x3  }
0x1e5: {  	[tilespmem:v40+s16+$0x0] =	vst.idx.msk $0xffff, v39  }
0x1e6: {  	v39 =	vshll.u32 v41, $0x7;
	v40 =	vld.idx.msk [tilespmem:v42+s13+$0x0], $0xffff  }
0x1e7: {  	v42 =	vor.u32 v0, v39  }
0x1e8: {  	v43 =	vor.u32 v41, v32;
	_ =	sdelay $0x3  }
0x1e9: {  	[tilespmem:v42+s16+$0x0] =	vst.idx.msk $0xffff, v40  }
0x1ea: {  	v40 =	vld.idx.msk [tilespmem:v43+s13+$0x0], $0xffff  }
0x1eb: {  	v42 =	vor.u32 v17, v39  }
0x1ec: {  	v43 =	vor.u32 v41, v33;
	_ =	sdelay $0x3  }
0x1ed: {  	[tilespmem:v42+s16+$0x0] =	vst.idx.msk $0xffff, v40  }
0x1ee: {  	v40 =	vld.idx.msk [tilespmem:v43+s13+$0x0], $0xffff  }
0x1ef: {  	v42 =	vor.u32 v18, v39  }
0x1f0: {  	v43 =	vor.u32 v41, v34;
	_ =	sdelay $0x3  }
0x1f1: {  	[tilespmem:v42+s16+$0x0] =	vst.idx.msk $0xffff, v40  }
0x1f2: {  	v40 =	vld.idx.msk [tilespmem:v43+s13+$0x0], $0xffff  }
0x1f3: {  	v42 =	vor.u32 v19, v39  }
0x1f4: {  	v43 =	vor.u32 v41, v35;
	_ =	sdelay $0x3  }
0x1f5: {  	[tilespmem:v42+s16+$0x0] =	vst.idx.msk $0xffff, v40  }
0x1f6: {  	v40 =	vld.idx.msk [tilespmem:v43+s13+$0x0], $0xffff  }
0x1f7: {  	v42 =	vor.u32 v20, v39  }
0x1f8: {  	v43 =	vor.u32 v41, v36;
	_ =	sdelay $0x3  }
0x1f9: {  	[tilespmem:v42+s16+$0x0] =	vst.idx.msk $0xffff, v40  }
0x1fa: {  	v40 =	vld.idx.msk [tilespmem:v43+s13+$0x0], $0xffff  }
0x1fb: {  	v42 =	vor.u32 v21, v39  }
0x1fc: {  	v43 =	vor.u32 v41, v37;
	_ =	sdelay $0x3  }
0x1fd: {  	[tilespmem:v42+s16+$0x0] =	vst.idx.msk $0xffff, v40  }
0x1fe: {  	v40 =	vld.idx.msk [tilespmem:v43+s13+$0x0], $0xffff  }
0x1ff: {  	v42 =	vor.u32 v22, v39  }
0x200: {  	v43 =	vor.u32 v41, v38  }
.Ltmp1:
0x201: {  	(pc) =	sbr.rel @p1 .LBB2_5-.Ltmp1, $3  }
0x202: {  	_ =	sdelay $0x1  }
0x203: {  	[tilespmem:v42+s16+$0x0] =	vst.idx.msk $0xffff, v40  }
0x204: {  	s29 =	sadd.s32 $0x8, s29;
	v41 =	vadd.s32 s28, v0;
	v40 =	vld.idx.msk [tilespmem:v43+s13+$0x0], $0xffff  }
0x205: {  	v41 =	vand.u32 $0x3F, v41;
	v39 =	vor.u32 v23, v39  }
0x206: {  	v42 =	vor.u32 v41, v31;
	_ =	sdelay $0x3  }
0x207: {  	v52 =	vshll.u32 v41, $0x7;
	[tilespmem:v39+s16+$0x0] =	vst.idx.msk $0xffff, v40  }
0x208: {  	v53 =	vor.u32 v0, v52;
	v40 =	vld.idx.msk [tilespmem:v42+s13+$0x0], $0xffff  }
0x209: {  	v43 =	vor.u32 v41, v32;
	_ =	sdelay $0x3  }
0x20a: {  	[tilespmem:v53+s16+$0x0] =	vst.idx.msk $0xffff, v40  }
0x20b: {  	v54 =	vor.u32 v17, v52;
	v40 =	vld.idx.msk [tilespmem:v43+s13+$0x0], $0xffff  }
0x20c: {  	v55 =	vor.u32 v41, v33;
	_ =	sdelay $0x3  }
0x20d: {  	[tilespmem:v54+s16+$0x0] =	vst.idx.msk $0xffff, v40  }
0x20e: {  	v56 =	vor.u32 v18, v52;
	v40 =	vld.idx.msk [tilespmem:v55+s13+$0x0], $0xffff  }
0x20f: {  	v57 =	vor.u32 v41, v34;
	_ =	sdelay $0x3  }
0x210: {  	[tilespmem:v56+s16+$0x0] =	vst.idx.msk $0xffff, v40  }
0x211: {  	v58 =	vor.u32 v19, v52;
	v40 =	vld.idx.msk [tilespmem:v57+s13+$0x0], $0xffff  }
0x212: {  	v59 =	vor.u32 v41, v35;
	_ =	sdelay $0x3  }
0x213: {  	[tilespmem:v58+s16+$0x0] =	vst.idx.msk $0xffff, v40  }
0x214: {  	v60 =	vor.u32 v20, v52;
	v40 =	vld.idx.msk [tilespmem:v59+s13+$0x0], $0xffff  }
0x215: {  	v61 =	vor.u32 v41, v36;
	_ =	sdelay $0x3  }
0x216: {  	[tilespmem:v60+s16+$0x0] =	vst.idx.msk $0xffff, v40  }
0x217: {  	v62 =	vor.u32 v21, v52;
	v40 =	vld.idx.msk [tilespmem:v61+s13+$0x0], $0xffff  }
0x218: {  	v63 =	vor.u32 v41, v37;
	_ =	sdelay $0x3  }
0x219: {  	[tilespmem:v62+s16+$0x0] =	vst.idx.msk $0xffff, v40  }
0x21a: {  	v45 =	vor.u32 v22, v52;
	v40 =	vld.idx.msk [tilespmem:v63+s13+$0x0], $0xffff  }
0x21b: {  	v41 =	vor.u32 v41, v38;
	_ =	sdelay $0x3  }
0x21c: {  	v46 =	vadd.s32 s28, v24;
	[tilespmem:v45+s16+$0x0] =	vst.idx.msk $0xffff, v40  }
0x21d: {  	v39 =	vor.u32 v23, v52;
	v40 =	vand.u32 $0x3F, v46;
	v41 =	vld.idx.msk [tilespmem:v41+s13+$0x0], $0xffff  }
0x21e: {  	v47 =	vor.u32 v40, v31;
	_ =	sdelay $0x3  }
0x21f: {  	v48 =	vshll.u32 v40, $0x7;
	[tilespmem:v39+s16+$0x0] =	vst.idx.msk $0xffff, v41  }
0x220: {  	v49 =	vor.u32 v0, v48;
	v41 =	vld.idx.msk [tilespmem:v47+s13+$0x0], $0xffff  }
0x221: {  	v50 =	vor.u32 v40, v32;
	_ =	sdelay $0x3  }
0x222: {  	[tilespmem:v49+s16+$0x0] =	vst.idx.msk $0xffff, v41  }
0x223: {  	v51 =	vor.u32 v17, v48;
	v41 =	vld.idx.msk [tilespmem:v50+s13+$0x0], $0xffff  }
0x224: {  	v52 =	vor.u32 v40, v33;
	_ =	sdelay $0x3  }
0x225: {  	[tilespmem:v51+s16+$0x0] =	vst.idx.msk $0xffff, v41  }
0x226: {  	v53 =	vor.u32 v18, v48;
	v41 =	vld.idx.msk [tilespmem:v52+s13+$0x0], $0xffff  }
0x227: {  	v54 =	vor.u32 v40, v34;
	_ =	sdelay $0x3  }
0x228: {  	[tilespmem:v53+s16+$0x0] =	vst.idx.msk $0xffff, v41  }
0x229: {  	v55 =	vor.u32 v19, v48;
	v41 =	vld.idx.msk [tilespmem:v54+s13+$0x0], $0xffff  }
0x22a: {  	v56 =	vor.u32 v40, v35;
	_ =	sdelay $0x3  }
0x22b: {  	[tilespmem:v55+s16+$0x0] =	vst.idx.msk $0xffff, v41  }
0x22c: {  	v57 =	vor.u32 v20, v48;
	v41 =	vld.idx.msk [tilespmem:v56+s13+$0x0], $0xffff  }
0x22d: {  	v58 =	vor.u32 v40, v36;
	_ =	sdelay $0x3  }
0x22e: {  	[tilespmem:v57+s16+$0x0] =	vst.idx.msk $0xffff, v41  }
0x22f: {  	v59 =	vor.u32 v21, v48;
	v41 =	vld.idx.msk [tilespmem:v58+s13+$0x0], $0xffff  }
0x230: {  	v60 =	vor.u32 v40, v37;
	_ =	sdelay $0x3  }
0x231: {  	[tilespmem:v59+s16+$0x0] =	vst.idx.msk $0xffff, v41  }
0x232: {  	v61 =	vor.u32 v22, v48;
	v41 =	vld.idx.msk [tilespmem:v60+s13+$0x0], $0xffff  }
0x233: {  	v40 =	vor.u32 v40, v38;
	_ =	sdelay $0x3  }
0x234: {  	v62 =	vadd.s32 s28, v25;
	[tilespmem:v61+s16+$0x0] =	vst.idx.msk $0xffff, v41  }
0x235: {  	v39 =	vor.u32 v23, v48;
	v41 =	vand.u32 $0x3F, v62;
	v40 =	vld.idx.msk [tilespmem:v40+s13+$0x0], $0xffff  }
0x236: {  	v63 =	vor.u32 v41, v31;
	_ =	sdelay $0x3  }
0x237: {  	v45 =	vshll.u32 v41, $0x7;
	[tilespmem:v39+s16+$0x0] =	vst.idx.msk $0xffff, v40  }
0x238: {  	v46 =	vor.u32 v0, v45;
	v40 =	vld.idx.msk [tilespmem:v63+s13+$0x0], $0xffff  }
0x239: {  	v47 =	vor.u32 v41, v32;
	_ =	sdelay $0x3  }
0x23a: {  	[tilespmem:v46+s16+$0x0] =	vst.idx.msk $0xffff, v40  }
0x23b: {  	v48 =	vor.u32 v17, v45;
	v40 =	vld.idx.msk [tilespmem:v47+s13+$0x0], $0xffff  }
0x23c: {  	v49 =	vor.u32 v41, v33;
	_ =	sdelay $0x3  }
0x23d: {  	[tilespmem:v48+s16+$0x0] =	vst.idx.msk $0xffff, v40  }
0x23e: {  	v50 =	vor.u32 v18, v45;
	v40 =	vld.idx.msk [tilespmem:v49+s13+$0x0], $0xffff  }
0x23f: {  	v51 =	vor.u32 v41, v34;
	_ =	sdelay $0x3  }
0x240: {  	[tilespmem:v50+s16+$0x0] =	vst.idx.msk $0xffff, v40  }
0x241: {  	v52 =	vor.u32 v19, v45;
	v40 =	vld.idx.msk [tilespmem:v51+s13+$0x0], $0xffff  }
0x242: {  	v53 =	vor.u32 v41, v35;
	_ =	sdelay $0x3  }
0x243: {  	[tilespmem:v52+s16+$0x0] =	vst.idx.msk $0xffff, v40  }
0x244: {  	v54 =	vor.u32 v20, v45;
	v40 =	vld.idx.msk [tilespmem:v53+s13+$0x0], $0xffff  }
0x245: {  	v55 =	vor.u32 v41, v36;
	_ =	sdelay $0x3  }
0x246: {  	[tilespmem:v54+s16+$0x0] =	vst.idx.msk $0xffff, v40  }
0x247: {  	v56 =	vor.u32 v21, v45;
	v40 =	vld.idx.msk [tilespmem:v55+s13+$0x0], $0xffff  }
0x248: {  	v57 =	vor.u32 v41, v37;
	_ =	sdelay $0x3  }
0x249: {  	[tilespmem:v56+s16+$0x0] =	vst.idx.msk $0xffff, v40  }
0x24a: {  	v58 =	vor.u32 v22, v45;
	v40 =	vld.idx.msk [tilespmem:v57+s13+$0x0], $0xffff  }
0x24b: {  	v41 =	vor.u32 v41, v38;
	_ =	sdelay $0x3  }
0x24c: {  	v59 =	vadd.s32 s28, v26;
	[tilespmem:v58+s16+$0x0] =	vst.idx.msk $0xffff, v40  }
0x24d: {  	v39 =	vor.u32 v23, v45;
	v40 =	vand.u32 $0x3F, v59;
	v41 =	vld.idx.msk [tilespmem:v41+s13+$0x0], $0xffff  }
0x24e: {  	v60 =	vor.u32 v40, v31;
	_ =	sdelay $0x3  }
0x24f: {  	v61 =	vshll.u32 v40, $0x7;
	[tilespmem:v39+s16+$0x0] =	vst.idx.msk $0xffff, v41  }
0x250: {  	v62 =	vor.u32 v0, v61;
	v41 =	vld.idx.msk [tilespmem:v60+s13+$0x0], $0xffff  }
0x251: {  	v63 =	vor.u32 v40, v32;
	_ =	sdelay $0x3  }
0x252: {  	[tilespmem:v62+s16+$0x0] =	vst.idx.msk $0xffff, v41  }
0x253: {  	v45 =	vor.u32 v17, v61;
	v41 =	vld.idx.msk [tilespmem:v63+s13+$0x0], $0xffff  }
0x254: {  	v46 =	vor.u32 v40, v33;
	_ =	sdelay $0x3  }
0x255: {  	[tilespmem:v45+s16+$0x0] =	vst.idx.msk $0xffff, v41  }
0x256: {  	v47 =	vor.u32 v18, v61;
	v41 =	vld.idx.msk [tilespmem:v46+s13+$0x0], $0xffff  }
0x257: {  	v48 =	vor.u32 v40, v34;
	_ =	sdelay $0x3  }
0x258: {  	[tilespmem:v47+s16+$0x0] =	vst.idx.msk $0xffff, v41  }
0x259: {  	v49 =	vor.u32 v19, v61;
	v41 =	vld.idx.msk [tilespmem:v48+s13+$0x0], $0xffff  }
0x25a: {  	v50 =	vor.u32 v40, v35;
	_ =	sdelay $0x3  }
0x25b: {  	[tilespmem:v49+s16+$0x0] =	vst.idx.msk $0xffff, v41  }
0x25c: {  	v51 =	vor.u32 v20, v61;
	v41 =	vld.idx.msk [tilespmem:v50+s13+$0x0], $0xffff  }
0x25d: {  	v52 =	vor.u32 v40, v36;
	_ =	sdelay $0x3  }
0x25e: {  	[tilespmem:v51+s16+$0x0] =	vst.idx.msk $0xffff, v41  }
0x25f: {  	v53 =	vor.u32 v21, v61;
	v41 =	vld.idx.msk [tilespmem:v52+s13+$0x0], $0xffff  }
0x260: {  	v54 =	vor.u32 v40, v37;
	_ =	sdelay $0x3  }
0x261: {  	[tilespmem:v53+s16+$0x0] =	vst.idx.msk $0xffff, v41  }
0x262: {  	v55 =	vor.u32 v22, v61;
	v41 =	vld.idx.msk [tilespmem:v54+s13+$0x0], $0xffff  }
0x263: {  	v40 =	vor.u32 v40, v38;
	_ =	sdelay $0x3  }
0x264: {  	v56 =	vadd.s32 s28, v27;
	[tilespmem:v55+s16+$0x0] =	vst.idx.msk $0xffff, v41  }
0x265: {  	v39 =	vor.u32 v23, v61;
	v41 =	vand.u32 $0x3F, v56;
	v40 =	vld.idx.msk [tilespmem:v40+s13+$0x0], $0xffff  }
0x266: {  	v57 =	vor.u32 v41, v31;
	_ =	sdelay $0x3  }
0x267: {  	v58 =	vshll.u32 v41, $0x7;
	[tilespmem:v39+s16+$0x0] =	vst.idx.msk $0xffff, v40  }
0x268: {  	v59 =	vor.u32 v0, v58;
	v40 =	vld.idx.msk [tilespmem:v57+s13+$0x0], $0xffff  }
0x269: {  	v60 =	vor.u32 v41, v32;
	_ =	sdelay $0x3  }
0x26a: {  	[tilespmem:v59+s16+$0x0] =	vst.idx.msk $0xffff, v40  }
0x26b: {  	v61 =	vor.u32 v17, v58;
	v40 =	vld.idx.msk [tilespmem:v60+s13+$0x0], $0xffff  }
0x26c: {  	v62 =	vor.u32 v41, v33;
	_ =	sdelay $0x3  }
0x26d: {  	[tilespmem:v61+s16+$0x0] =	vst.idx.msk $0xffff, v40  }
0x26e: {  	v63 =	vor.u32 v18, v58;
	v40 =	vld.idx.msk [tilespmem:v62+s13+$0x0], $0xffff  }
0x26f: {  	v45 =	vor.u32 v41, v34;
	_ =	sdelay $0x3  }
0x270: {  	[tilespmem:v63+s16+$0x0] =	vst.idx.msk $0xffff, v40  }
0x271: {  	v46 =	vor.u32 v19, v58;
	v40 =	vld.idx.msk [tilespmem:v45+s13+$0x0], $0xffff  }
0x272: {  	v47 =	vor.u32 v41, v35;
	_ =	sdelay $0x3  }
0x273: {  	[tilespmem:v46+s16+$0x0] =	vst.idx.msk $0xffff, v40  }
0x274: {  	v48 =	vor.u32 v20, v58;
	v40 =	vld.idx.msk [tilespmem:v47+s13+$0x0], $0xffff  }
0x275: {  	v49 =	vor.u32 v41, v36;
	_ =	sdelay $0x3  }
0x276: {  	[tilespmem:v48+s16+$0x0] =	vst.idx.msk $0xffff, v40  }
0x277: {  	v50 =	vor.u32 v21, v58;
	v40 =	vld.idx.msk [tilespmem:v49+s13+$0x0], $0xffff  }
0x278: {  	v51 =	vor.u32 v41, v37;
	_ =	sdelay $0x3  }
0x279: {  	[tilespmem:v50+s16+$0x0] =	vst.idx.msk $0xffff, v40  }
0x27a: {  	v52 =	vor.u32 v22, v58;
	v40 =	vld.idx.msk [tilespmem:v51+s13+$0x0], $0xffff  }
0x27b: {  	v41 =	vor.u32 v41, v38;
	_ =	sdelay $0x3  }
0x27c: {  	v53 =	vadd.s32 s28, v28;
	[tilespmem:v52+s16+$0x0] =	vst.idx.msk $0xffff, v40  }
0x27d: {  	v39 =	vor.u32 v23, v58;
	v40 =	vand.u32 $0x3F, v53;
	v41 =	vld.idx.msk [tilespmem:v41+s13+$0x0], $0xffff  }
0x27e: {  	v54 =	vor.u32 v40, v31;
	_ =	sdelay $0x3  }
0x27f: {  	v55 =	vshll.u32 v40, $0x7;
	[tilespmem:v39+s16+$0x0] =	vst.idx.msk $0xffff, v41  }
0x280: {  	v56 =	vor.u32 v0, v55;
	v41 =	vld.idx.msk [tilespmem:v54+s13+$0x0], $0xffff  }
0x281: {  	v57 =	vor.u32 v40, v32;
	_ =	sdelay $0x3  }
0x282: {  	[tilespmem:v56+s16+$0x0] =	vst.idx.msk $0xffff, v41  }
0x283: {  	v58 =	vor.u32 v17, v55;
	v41 =	vld.idx.msk [tilespmem:v57+s13+$0x0], $0xffff  }
0x284: {  	v59 =	vor.u32 v40, v33;
	_ =	sdelay $0x3  }
0x285: {  	[tilespmem:v58+s16+$0x0] =	vst.idx.msk $0xffff, v41  }
0x286: {  	v60 =	vor.u32 v18, v55;
	v41 =	vld.idx.msk [tilespmem:v59+s13+$0x0], $0xffff  }
0x287: {  	v61 =	vor.u32 v40, v34;
	_ =	sdelay $0x3  }
0x288: {  	[tilespmem:v60+s16+$0x0] =	vst.idx.msk $0xffff, v41  }
0x289: {  	v62 =	vor.u32 v19, v55;
	v41 =	vld.idx.msk [tilespmem:v61+s13+$0x0], $0xffff  }
0x28a: {  	v63 =	vor.u32 v40, v35;
	_ =	sdelay $0x3  }
0x28b: {  	[tilespmem:v62+s16+$0x0] =	vst.idx.msk $0xffff, v41  }
0x28c: {  	v45 =	vor.u32 v20, v55;
	v41 =	vld.idx.msk [tilespmem:v63+s13+$0x0], $0xffff  }
0x28d: {  	v46 =	vor.u32 v40, v36;
	_ =	sdelay $0x3  }
0x28e: {  	[tilespmem:v45+s16+$0x0] =	vst.idx.msk $0xffff, v41  }
0x28f: {  	v47 =	vor.u32 v21, v55;
	v41 =	vld.idx.msk [tilespmem:v46+s13+$0x0], $0xffff  }
0x290: {  	v48 =	vor.u32 v40, v37;
	_ =	sdelay $0x3  }
0x291: {  	[tilespmem:v47+s16+$0x0] =	vst.idx.msk $0xffff, v41  }
0x292: {  	v49 =	vor.u32 v22, v55;
	v41 =	vld.idx.msk [tilespmem:v48+s13+$0x0], $0xffff  }
0x293: {  	v40 =	vor.u32 v40, v38;
	_ =	sdelay $0x3  }
0x294: {  	v50 =	vadd.s32 s28, v29;
	[tilespmem:v49+s16+$0x0] =	vst.idx.msk $0xffff, v41  }
0x295: {  	v39 =	vor.u32 v23, v55;
	v41 =	vand.u32 $0x3F, v50;
	v40 =	vld.idx.msk [tilespmem:v40+s13+$0x0], $0xffff  }
0x296: {  	v51 =	vor.u32 v41, v31;
	_ =	sdelay $0x3  }
0x297: {  	v52 =	vshll.u32 v41, $0x7;
	[tilespmem:v39+s16+$0x0] =	vst.idx.msk $0xffff, v40  }
0x298: {  	v53 =	vor.u32 v0, v52;
	v40 =	vld.idx.msk [tilespmem:v51+s13+$0x0], $0xffff  }
0x299: {  	v54 =	vor.u32 v41, v32;
	_ =	sdelay $0x3  }
0x29a: {  	[tilespmem:v53+s16+$0x0] =	vst.idx.msk $0xffff, v40  }
0x29b: {  	v55 =	vor.u32 v17, v52;
	v40 =	vld.idx.msk [tilespmem:v54+s13+$0x0], $0xffff  }
0x29c: {  	v56 =	vor.u32 v41, v33;
	_ =	sdelay $0x3  }
0x29d: {  	[tilespmem:v55+s16+$0x0] =	vst.idx.msk $0xffff, v40  }
0x29e: {  	v57 =	vor.u32 v18, v52;
	v40 =	vld.idx.msk [tilespmem:v56+s13+$0x0], $0xffff  }
0x29f: {  	v58 =	vor.u32 v41, v34;
	_ =	sdelay $0x3  }
0x2a0: {  	[tilespmem:v57+s16+$0x0] =	vst.idx.msk $0xffff, v40  }
0x2a1: {  	v59 =	vor.u32 v19, v52;
	v40 =	vld.idx.msk [tilespmem:v58+s13+$0x0], $0xffff  }
0x2a2: {  	v60 =	vor.u32 v41, v35;
	_ =	sdelay $0x3  }
0x2a3: {  	[tilespmem:v59+s16+$0x0] =	vst.idx.msk $0xffff, v40  }
0x2a4: {  	v61 =	vor.u32 v20, v52;
	v40 =	vld.idx.msk [tilespmem:v60+s13+$0x0], $0xffff  }
0x2a5: {  	v62 =	vor.u32 v41, v36;
	_ =	sdelay $0x3  }
0x2a6: {  	[tilespmem:v61+s16+$0x0] =	vst.idx.msk $0xffff, v40  }
0x2a7: {  	v63 =	vor.u32 v21, v52;
	v40 =	vld.idx.msk [tilespmem:v62+s13+$0x0], $0xffff  }
0x2a8: {  	v45 =	vor.u32 v41, v37;
	_ =	sdelay $0x3  }
0x2a9: {  	[tilespmem:v63+s16+$0x0] =	vst.idx.msk $0xffff, v40  }
0x2aa: {  	v46 =	vor.u32 v22, v52;
	v40 =	vld.idx.msk [tilespmem:v45+s13+$0x0], $0xffff  }
0x2ab: {  	v41 =	vor.u32 v41, v38;
	_ =	sdelay $0x3  }
0x2ac: {  	v47 =	vadd.s32 s28, v30;
	[tilespmem:v46+s16+$0x0] =	vst.idx.msk $0xffff, v40  }
0x2ad: {  	v39 =	vor.u32 v23, v52;
	v40 =	vand.u32 $0x3F, v47;
	v41 =	vld.idx.msk [tilespmem:v41+s13+$0x0], $0xffff  }
0x2ae: {  	v31 =	vor.u32 v40, v31;
	_ =	sdelay $0x3  }
0x2af: {  	v48 =	vshll.u32 v40, $0x7;
	[tilespmem:v39+s16+$0x0] =	vst.idx.msk $0xffff, v41  }
0x2b0: {  	v49 =	vor.u32 v0, v48;
	v31 =	vld.idx.msk [tilespmem:v31+s13+$0x0], $0xffff  }
0x2b1: {  	v50 =	vor.u32 v40, v32;
	_ =	sdelay $0x3  }
0x2b2: {  	[tilespmem:v49+s16+$0x0] =	vst.idx.msk $0xffff, v31  }
0x2b3: {  	v51 =	vor.u32 v17, v48;
	v31 =	vld.idx.msk [tilespmem:v50+s13+$0x0], $0xffff  }
0x2b4: {  	v52 =	vor.u32 v40, v33;
	_ =	sdelay $0x3  }
0x2b5: {  	[tilespmem:v51+s16+$0x0] =	vst.idx.msk $0xffff, v31  }
0x2b6: {  	v53 =	vor.u32 v18, v48;
	v31 =	vld.idx.msk [tilespmem:v52+s13+$0x0], $0xffff  }
0x2b7: {  	v54 =	vor.u32 v40, v34;
	_ =	sdelay $0x3  }
0x2b8: {  	[tilespmem:v53+s16+$0x0] =	vst.idx.msk $0xffff, v31  }
0x2b9: {  	v55 =	vor.u32 v19, v48;
	v31 =	vld.idx.msk [tilespmem:v54+s13+$0x0], $0xffff  }
0x2ba: {  	v56 =	vor.u32 v40, v35;
	_ =	sdelay $0x3  }
0x2bb: {  	[tilespmem:v55+s16+$0x0] =	vst.idx.msk $0xffff, v31  }
0x2bc: {  	v57 =	vor.u32 v20, v48;
	v31 =	vld.idx.msk [tilespmem:v56+s13+$0x0], $0xffff  }
0x2bd: {  	v58 =	vor.u32 v40, v36;
	_ =	sdelay $0x3  }
0x2be: {  	[tilespmem:v57+s16+$0x0] =	vst.idx.msk $0xffff, v31  }
0x2bf: {  	v59 =	vor.u32 v21, v48;
	v31 =	vld.idx.msk [tilespmem:v58+s13+$0x0], $0xffff  }
0x2c0: {  	v60 =	vor.u32 v40, v37;
	_ =	sdelay $0x3  }
0x2c1: {  	[tilespmem:v59+s16+$0x0] =	vst.idx.msk $0xffff, v31  }
0x2c2: {  	v61 =	vor.u32 v22, v48;
	v31 =	vld.idx.msk [tilespmem:v60+s13+$0x0], $0xffff  }
0x2c3: {  	v62 =	vor.u32 v40, v38;
	_ =	sdelay $0x3  }
0x2c4: {  	[tilespmem:v61+s16+$0x0] =	vst.idx.msk $0xffff, v31  }
0x2c5: {  	v63 =	vor.u32 v23, v48;
	v31 =	vld.idx.msk [tilespmem:v62+s13+$0x0], $0xffff  }
0x2c6: {  	p1 =	sne.s32 s23, $0x63  }
.Ltmp2:
0x2c7: {  	_ = 	snop;
	(pc) =	sbr.rel @p1 .LBB2_8-.Ltmp2, $4  }
0x2c8: {  	s31 =	sshll.u32 s23, $0x10  }
0x2c9: {  	s28 =	sadd.s32 s1, s31  }
0x2ca: {  	s28 =	sadd.s32 s4, s28;
	[tilespmem:v63+s16+$0x0] =	vst.idx.msk $0xffff, v31  }
0x2cb: {  	[hbm4b:s28+s8] =	stream.strided.scatter [tilespmem:s16], [sflag:$0x3], $0x2000, s9, s8, $0x38;
	[tilespmem:$0x18800] =	vst v63  }
.Ltmp3:
0x2cc: {  	(pc) =	sbr.rel .LBB2_9-.Ltmp3, $4  }
0x2cd: {  	_ = 	snop  }
0x2ce: {  	_ =	swait.ge [sflag:s17], $0x4000  }
0x2cf: {  	[sflag:s17] =	ssyncset.done $0x0  }
0x2d0: {  	[sflag:s17] =	ssyncadd.s32 $0xFFFFC000  }
.LBB2_8:
.Ltmp4:
0x2d1: {  	s26 =	sadd.s32 $0x6500, s26;
	(pc) =	sbr.rel @p0 .LBB2_10-.Ltmp4, $4  }
0x2d2: {  	[tilespmem:s13], [sflag:$0x1] =	stream.indirect.gather [hbm4b:s5+s11], $0x80, s26, s11, $0xb8;
	[tilespmem:$0x18800] =	vst v63  }
0x2d3: {  	_ =	swait.ge [sflag:s17], $0x4000  }
0x2d4: {  	[sflag:s17] =	ssyncset.done $0x0  }
0x2d5: {  	[sflag:s17] =	ssyncadd.s32 $0xFFFFC000  }
.LBB2_9:
0x2d6: {  	_ =	swait.ge [sflag:s18], $0x2000  }
0x2d7: {  	[sflag:s18] =	ssyncset.done $0x0  }
0x2d8: {  	[sflag:s18] =	ssyncadd.s32 $0xFFFFE000  }
.LBB2_10:
0x2d9: {  	v31 =	vld [tilespmem:s25+$0x0];
	_ =	sdelay $0x3  }
0x2da: {  	s26 =	simm.s32 $0x0  }
0x2db: {  	v32 =	vadd.s32 s26, v0;
	vm0 =	vgt.s32 v31, $0x7DFFF  }
0x2dc: {  	v33 =	vld [tilespmem:s25+$0x10];
	v39 =	vand.u32 $0x3F, v32;
	v31 =	vsel vm0, v2, v1  }
0x2dd: {  	v34 =	vor.u32 v39, v31;
	_ =	sdelay $0x3  }
0x2de: {  	v35 =	vld [tilespmem:s25+$0x20];
	v40 =	vshll.u32 v39, $0x7;
	vm9 =	vgt.s32 v33, $0x7DFFF  }
0x2df: {  	v56 =	vor.u32 v0, v40;
	v32 =	vsel vm9, v4, v3;
	v55 =	vld.idx.msk [tilespmem:v34+s14+$0x0], $0xffff  }
0x2e0: {  	v36 =	vld [tilespmem:s25+$0x30];
	v38 =	vor.u32 v39, v32  }
0x2e1: {  	v37 =	vld [tilespmem:s25+$0x40]  }
0x2e2: {  	v41 =	vld [tilespmem:s25+$0x50]  }
0x2e3: {  	v42 =	vld [tilespmem:s25+$0x60]  }
0x2e4: {  	v43 =	vld [tilespmem:s25+$0x70];
	vm10 =	vgt.s32 v35, $0x7DFFF;
	[tilespmem:v56+s19+$0x0] =	vst.idx.msk $0xffff, v55  }
0x2e5: {  	v57 =	vor.u32 v17, v40;
	v33 =	vsel vm10, v6, v5;
	v34 =	vld.idx.msk [tilespmem:v38+s14+$0x0], $0xffff  }
0x2e6: {  	v58 =	vor.u32 v39, v33;
	_ =	sdelay $0x3  }
0x2e7: {  	vm11 =	vgt.s32 v36, $0x7DFFF;
	[tilespmem:v57+s19+$0x0] =	vst.idx.msk $0xffff, v34  }
0x2e8: {  	v59 =	vor.u32 v18, v40;
	v34 =	vsel vm11, v8, v7;
	v35 =	vld.idx.msk [tilespmem:v58+s14+$0x0], $0xffff  }
0x2e9: {  	v60 =	vor.u32 v39, v34;
	_ =	sdelay $0x3  }
0x2ea: {  	vm12 =	vgt.s32 v37, $0x7DFFF;
	[tilespmem:v59+s19+$0x0] =	vst.idx.msk $0xffff, v35  }
0x2eb: {  	v61 =	vor.u32 v19, v40;
	v35 =	vsel vm12, v10, v9;
	v36 =	vld.idx.msk [tilespmem:v60+s14+$0x0], $0xffff  }
0x2ec: {  	v62 =	vor.u32 v39, v35;
	_ =	sdelay $0x3  }
0x2ed: {  	vm13 =	vgt.s32 v41, $0x7DFFF;
	[tilespmem:v61+s19+$0x0] =	vst.idx.msk $0xffff, v36  }
0x2ee: {  	v63 =	vor.u32 v20, v40;
	v36 =	vsel vm13, v12, v11;
	v37 =	vld.idx.msk [tilespmem:v62+s14+$0x0], $0xffff  }
0x2ef: {  	v44 =	vor.u32 v39, v36;
	_ =	sdelay $0x3  }
0x2f0: {  	vm14 =	vgt.s32 v42, $0x7DFFF;
	[tilespmem:v63+s19+$0x0] =	vst.idx.msk $0xffff, v37  }
0x2f1: {  	v45 =	vor.u32 v21, v40;
	v37 =	vsel vm14, v14, v13;
	v38 =	vld.idx.msk [tilespmem:v44+s14+$0x0], $0xffff  }
0x2f2: {  	v46 =	vor.u32 v39, v37;
	_ =	sdelay $0x3  }
0x2f3: {  	vm15 =	vgt.s32 v43, $0x7DFFF;
	[tilespmem:v45+s19+$0x0] =	vst.idx.msk $0xffff, v38  }
0x2f4: {  	v47 =	vor.u32 v22, v40;
	v38 =	vsel vm15, v16, v15;
	v41 =	vld.idx.msk [tilespmem:v46+s14+$0x0], $0xffff  }
0x2f5: {  	v39 =	vor.u32 v39, v38;
	_ =	sdelay $0x3  }
0x2f6: {  	v48 =	vadd.s32 s26, v24;
	[tilespmem:v47+s19+$0x0] =	vst.idx.msk $0xffff, v41  }
0x2f7: {  	v40 =	vor.u32 v23, v40;
	v41 =	vand.u32 $0x3F, v48;
	v39 =	vld.idx.msk [tilespmem:v39+s14+$0x0], $0xffff  }
0x2f8: {  	v49 =	vor.u32 v41, v31;
	_ =	sdelay $0x3  }
0x2f9: {  	v50 =	vshll.u32 v41, $0x7;
	[tilespmem:v40+s19+$0x0] =	vst.idx.msk $0xffff, v39  }
0x2fa: {  	v51 =	vor.u32 v0, v50;
	v40 =	vld.idx.msk [tilespmem:v49+s14+$0x0], $0xffff  }
0x2fb: {  	v52 =	vor.u32 v41, v32;
	_ =	sdelay $0x3  }
0x2fc: {  	[tilespmem:v51+s19+$0x0] =	vst.idx.msk $0xffff, v40  }
0x2fd: {  	v53 =	vor.u32 v17, v50;
	v40 =	vld.idx.msk [tilespmem:v52+s14+$0x0], $0xffff  }
0x2fe: {  	v54 =	vor.u32 v41, v33;
	_ =	sdelay $0x3  }
0x2ff: {  	[tilespmem:v53+s19+$0x0] =	vst.idx.msk $0xffff, v40  }
0x300: {  	v55 =	vor.u32 v18, v50;
	v40 =	vld.idx.msk [tilespmem:v54+s14+$0x0], $0xffff  }
0x301: {  	v56 =	vor.u32 v41, v34;
	_ =	sdelay $0x3  }
0x302: {  	[tilespmem:v55+s19+$0x0] =	vst.idx.msk $0xffff, v40  }
0x303: {  	v57 =	vor.u32 v19, v50;
	v40 =	vld.idx.msk [tilespmem:v56+s14+$0x0], $0xffff  }
0x304: {  	v58 =	vor.u32 v41, v35;
	_ =	sdelay $0x3  }
0x305: {  	[tilespmem:v57+s19+$0x0] =	vst.idx.msk $0xffff, v40  }
0x306: {  	v59 =	vor.u32 v20, v50;
	v40 =	vld.idx.msk [tilespmem:v58+s14+$0x0], $0xffff  }
0x307: {  	v60 =	vor.u32 v41, v36;
	_ =	sdelay $0x3  }
0x308: {  	[tilespmem:v59+s19+$0x0] =	vst.idx.msk $0xffff, v40  }
0x309: {  	v61 =	vor.u32 v21, v50;
	v40 =	vld.idx.msk [tilespmem:v60+s14+$0x0], $0xffff  }
0x30a: {  	v62 =	vor.u32 v41, v37;
	_ =	sdelay $0x3  }
0x30b: {  	[tilespmem:v61+s19+$0x0] =	vst.idx.msk $0xffff, v40  }
0x30c: {  	v63 =	vor.u32 v22, v50;
	v40 =	vld.idx.msk [tilespmem:v62+s14+$0x0], $0xffff  }
0x30d: {  	v41 =	vor.u32 v41, v38;
	_ =	sdelay $0x3  }
0x30e: {  	v44 =	vadd.s32 s26, v25;
	[tilespmem:v63+s19+$0x0] =	vst.idx.msk $0xffff, v40  }
0x30f: {  	v39 =	vor.u32 v23, v50;
	v40 =	vand.u32 $0x3F, v44;
	v41 =	vld.idx.msk [tilespmem:v41+s14+$0x0], $0xffff  }
0x310: {  	v45 =	vor.u32 v40, v31;
	_ =	sdelay $0x3  }
0x311: {  	v46 =	vshll.u32 v40, $0x7;
	[tilespmem:v39+s19+$0x0] =	vst.idx.msk $0xffff, v41  }
0x312: {  	v47 =	vor.u32 v0, v46;
	v41 =	vld.idx.msk [tilespmem:v45+s14+$0x0], $0xffff  }
0x313: {  	v48 =	vor.u32 v40, v32;
	_ =	sdelay $0x3  }
0x314: {  	[tilespmem:v47+s19+$0x0] =	vst.idx.msk $0xffff, v41  }
0x315: {  	v49 =	vor.u32 v17, v46;
	v41 =	vld.idx.msk [tilespmem:v48+s14+$0x0], $0xffff  }
0x316: {  	v50 =	vor.u32 v40, v33;
	_ =	sdelay $0x3  }
0x317: {  	[tilespmem:v49+s19+$0x0] =	vst.idx.msk $0xffff, v41  }
0x318: {  	v51 =	vor.u32 v18, v46;
	v41 =	vld.idx.msk [tilespmem:v50+s14+$0x0], $0xffff  }
0x319: {  	v52 =	vor.u32 v40, v34;
	_ =	sdelay $0x3  }
0x31a: {  	[tilespmem:v51+s19+$0x0] =	vst.idx.msk $0xffff, v41  }
0x31b: {  	v53 =	vor.u32 v19, v46;
	v41 =	vld.idx.msk [tilespmem:v52+s14+$0x0], $0xffff  }
0x31c: {  	v54 =	vor.u32 v40, v35;
	_ =	sdelay $0x3  }
0x31d: {  	[tilespmem:v53+s19+$0x0] =	vst.idx.msk $0xffff, v41  }
0x31e: {  	v55 =	vor.u32 v20, v46;
	v41 =	vld.idx.msk [tilespmem:v54+s14+$0x0], $0xffff  }
0x31f: {  	v56 =	vor.u32 v40, v36;
	_ =	sdelay $0x3  }
0x320: {  	[tilespmem:v55+s19+$0x0] =	vst.idx.msk $0xffff, v41  }
0x321: {  	v57 =	vor.u32 v21, v46;
	v41 =	vld.idx.msk [tilespmem:v56+s14+$0x0], $0xffff  }
0x322: {  	v58 =	vor.u32 v40, v37;
	_ =	sdelay $0x3  }
0x323: {  	[tilespmem:v57+s19+$0x0] =	vst.idx.msk $0xffff, v41  }
0x324: {  	v59 =	vor.u32 v22, v46;
	v41 =	vld.idx.msk [tilespmem:v58+s14+$0x0], $0xffff  }
0x325: {  	v40 =	vor.u32 v40, v38;
	_ =	sdelay $0x3  }
0x326: {  	v60 =	vadd.s32 s26, v26;
	[tilespmem:v59+s19+$0x0] =	vst.idx.msk $0xffff, v41  }
0x327: {  	v39 =	vor.u32 v23, v46;
	v41 =	vand.u32 $0x3F, v60;
	v40 =	vld.idx.msk [tilespmem:v40+s14+$0x0], $0xffff  }
0x328: {  	v61 =	vor.u32 v41, v31;
	_ =	sdelay $0x3  }
0x329: {  	v62 =	vshll.u32 v41, $0x7;
	[tilespmem:v39+s19+$0x0] =	vst.idx.msk $0xffff, v40  }
0x32a: {  	v63 =	vor.u32 v0, v62;
	v40 =	vld.idx.msk [tilespmem:v61+s14+$0x0], $0xffff  }
0x32b: {  	v45 =	vor.u32 v41, v32;
	_ =	sdelay $0x3  }
0x32c: {  	[tilespmem:v63+s19+$0x0] =	vst.idx.msk $0xffff, v40  }
0x32d: {  	v46 =	vor.u32 v17, v62;
	v40 =	vld.idx.msk [tilespmem:v45+s14+$0x0], $0xffff  }
0x32e: {  	v47 =	vor.u32 v41, v33;
	_ =	sdelay $0x3  }
0x32f: {  	[tilespmem:v46+s19+$0x0] =	vst.idx.msk $0xffff, v40  }
0x330: {  	v48 =	vor.u32 v18, v62;
	v40 =	vld.idx.msk [tilespmem:v47+s14+$0x0], $0xffff  }
0x331: {  	v49 =	vor.u32 v41, v34;
	_ =	sdelay $0x3  }
0x332: {  	[tilespmem:v48+s19+$0x0] =	vst.idx.msk $0xffff, v40  }
0x333: {  	v50 =	vor.u32 v19, v62;
	v40 =	vld.idx.msk [tilespmem:v49+s14+$0x0], $0xffff  }
0x334: {  	v51 =	vor.u32 v41, v35;
	_ =	sdelay $0x3  }
0x335: {  	[tilespmem:v50+s19+$0x0] =	vst.idx.msk $0xffff, v40  }
0x336: {  	v52 =	vor.u32 v20, v62;
	v40 =	vld.idx.msk [tilespmem:v51+s14+$0x0], $0xffff  }
0x337: {  	v53 =	vor.u32 v41, v36;
	_ =	sdelay $0x3  }
0x338: {  	[tilespmem:v52+s19+$0x0] =	vst.idx.msk $0xffff, v40  }
0x339: {  	v54 =	vor.u32 v21, v62;
	v40 =	vld.idx.msk [tilespmem:v53+s14+$0x0], $0xffff  }
0x33a: {  	v55 =	vor.u32 v41, v37;
	_ =	sdelay $0x3  }
0x33b: {  	[tilespmem:v54+s19+$0x0] =	vst.idx.msk $0xffff, v40  }
0x33c: {  	v56 =	vor.u32 v22, v62;
	v40 =	vld.idx.msk [tilespmem:v55+s14+$0x0], $0xffff  }
0x33d: {  	v41 =	vor.u32 v41, v38;
	_ =	sdelay $0x3  }
0x33e: {  	v57 =	vadd.s32 s26, v27;
	[tilespmem:v56+s19+$0x0] =	vst.idx.msk $0xffff, v40  }
0x33f: {  	v39 =	vor.u32 v23, v62;
	v40 =	vand.u32 $0x3F, v57;
	v41 =	vld.idx.msk [tilespmem:v41+s14+$0x0], $0xffff  }
0x340: {  	v58 =	vor.u32 v40, v31;
	_ =	sdelay $0x3  }
0x341: {  	v59 =	vshll.u32 v40, $0x7;
	[tilespmem:v39+s19+$0x0] =	vst.idx.msk $0xffff, v41  }
0x342: {  	v60 =	vor.u32 v0, v59;
	v41 =	vld.idx.msk [tilespmem:v58+s14+$0x0], $0xffff  }
0x343: {  	v61 =	vor.u32 v40, v32;
	_ =	sdelay $0x3  }
0x344: {  	[tilespmem:v60+s19+$0x0] =	vst.idx.msk $0xffff, v41  }
0x345: {  	v62 =	vor.u32 v17, v59;
	v41 =	vld.idx.msk [tilespmem:v61+s14+$0x0], $0xffff  }
0x346: {  	v63 =	vor.u32 v40, v33;
	_ =	sdelay $0x3  }
0x347: {  	[tilespmem:v62+s19+$0x0] =	vst.idx.msk $0xffff, v41  }
0x348: {  	v45 =	vor.u32 v18, v59;
	v41 =	vld.idx.msk [tilespmem:v63+s14+$0x0], $0xffff  }
0x349: {  	v46 =	vor.u32 v40, v34;
	_ =	sdelay $0x3  }
0x34a: {  	[tilespmem:v45+s19+$0x0] =	vst.idx.msk $0xffff, v41  }
0x34b: {  	v47 =	vor.u32 v19, v59;
	v41 =	vld.idx.msk [tilespmem:v46+s14+$0x0], $0xffff  }
0x34c: {  	v48 =	vor.u32 v40, v35;
	_ =	sdelay $0x3  }
0x34d: {  	[tilespmem:v47+s19+$0x0] =	vst.idx.msk $0xffff, v41  }
0x34e: {  	v49 =	vor.u32 v20, v59;
	v41 =	vld.idx.msk [tilespmem:v48+s14+$0x0], $0xffff  }
0x34f: {  	v50 =	vor.u32 v40, v36;
	_ =	sdelay $0x3  }
0x350: {  	[tilespmem:v49+s19+$0x0] =	vst.idx.msk $0xffff, v41  }
0x351: {  	v51 =	vor.u32 v21, v59;
	v41 =	vld.idx.msk [tilespmem:v50+s14+$0x0], $0xffff  }
0x352: {  	v52 =	vor.u32 v40, v37;
	_ =	sdelay $0x3  }
0x353: {  	[tilespmem:v51+s19+$0x0] =	vst.idx.msk $0xffff, v41  }
0x354: {  	v53 =	vor.u32 v22, v59;
	v41 =	vld.idx.msk [tilespmem:v52+s14+$0x0], $0xffff  }
0x355: {  	v40 =	vor.u32 v40, v38;
	_ =	sdelay $0x3  }
0x356: {  	v54 =	vadd.s32 s26, v28;
	[tilespmem:v53+s19+$0x0] =	vst.idx.msk $0xffff, v41  }
0x357: {  	v39 =	vor.u32 v23, v59;
	v41 =	vand.u32 $0x3F, v54;
	v40 =	vld.idx.msk [tilespmem:v40+s14+$0x0], $0xffff  }
0x358: {  	v55 =	vor.u32 v41, v31;
	_ =	sdelay $0x3  }
0x359: {  	v56 =	vshll.u32 v41, $0x7;
	[tilespmem:v39+s19+$0x0] =	vst.idx.msk $0xffff, v40  }
0x35a: {  	v57 =	vor.u32 v0, v56;
	v40 =	vld.idx.msk [tilespmem:v55+s14+$0x0], $0xffff  }
0x35b: {  	v58 =	vor.u32 v41, v32;
	_ =	sdelay $0x3  }
0x35c: {  	[tilespmem:v57+s19+$0x0] =	vst.idx.msk $0xffff, v40  }
0x35d: {  	v59 =	vor.u32 v17, v56;
	v40 =	vld.idx.msk [tilespmem:v58+s14+$0x0], $0xffff  }
0x35e: {  	v60 =	vor.u32 v41, v33;
	_ =	sdelay $0x3  }
0x35f: {  	[tilespmem:v59+s19+$0x0] =	vst.idx.msk $0xffff, v40  }
0x360: {  	v61 =	vor.u32 v18, v56;
	v40 =	vld.idx.msk [tilespmem:v60+s14+$0x0], $0xffff  }
0x361: {  	v62 =	vor.u32 v41, v34;
	_ =	sdelay $0x3  }
0x362: {  	[tilespmem:v61+s19+$0x0] =	vst.idx.msk $0xffff, v40  }
0x363: {  	v63 =	vor.u32 v19, v56;
	v40 =	vld.idx.msk [tilespmem:v62+s14+$0x0], $0xffff  }
0x364: {  	v45 =	vor.u32 v41, v35;
	_ =	sdelay $0x3  }
0x365: {  	[tilespmem:v63+s19+$0x0] =	vst.idx.msk $0xffff, v40  }
0x366: {  	v46 =	vor.u32 v20, v56;
	v40 =	vld.idx.msk [tilespmem:v45+s14+$0x0], $0xffff  }
0x367: {  	v47 =	vor.u32 v41, v36;
	_ =	sdelay $0x3  }
0x368: {  	[tilespmem:v46+s19+$0x0] =	vst.idx.msk $0xffff, v40  }
0x369: {  	v48 =	vor.u32 v21, v56;
	v40 =	vld.idx.msk [tilespmem:v47+s14+$0x0], $0xffff  }
0x36a: {  	v49 =	vor.u32 v41, v37;
	_ =	sdelay $0x3  }
0x36b: {  	[tilespmem:v48+s19+$0x0] =	vst.idx.msk $0xffff, v40  }
0x36c: {  	v50 =	vor.u32 v22, v56;
	v40 =	vld.idx.msk [tilespmem:v49+s14+$0x0], $0xffff  }
0x36d: {  	v41 =	vor.u32 v41, v38;
	_ =	sdelay $0x3  }
0x36e: {  	v51 =	vadd.s32 s26, v29;
	[tilespmem:v50+s19+$0x0] =	vst.idx.msk $0xffff, v40  }
0x36f: {  	v39 =	vor.u32 v23, v56;
	v40 =	vand.u32 $0x3F, v51;
	v41 =	vld.idx.msk [tilespmem:v41+s14+$0x0], $0xffff  }
0x370: {  	v52 =	vor.u32 v40, v31;
	_ =	sdelay $0x3  }
0x371: {  	v53 =	vshll.u32 v40, $0x7;
	[tilespmem:v39+s19+$0x0] =	vst.idx.msk $0xffff, v41  }
0x372: {  	v54 =	vor.u32 v0, v53;
	v41 =	vld.idx.msk [tilespmem:v52+s14+$0x0], $0xffff  }
0x373: {  	v55 =	vor.u32 v40, v32;
	_ =	sdelay $0x3  }
0x374: {  	[tilespmem:v54+s19+$0x0] =	vst.idx.msk $0xffff, v41  }
0x375: {  	v56 =	vor.u32 v17, v53;
	v41 =	vld.idx.msk [tilespmem:v55+s14+$0x0], $0xffff  }
0x376: {  	v57 =	vor.u32 v40, v33;
	_ =	sdelay $0x3  }
0x377: {  	[tilespmem:v56+s19+$0x0] =	vst.idx.msk $0xffff, v41  }
0x378: {  	v58 =	vor.u32 v18, v53;
	v41 =	vld.idx.msk [tilespmem:v57+s14+$0x0], $0xffff  }
0x379: {  	v59 =	vor.u32 v40, v34;
	_ =	sdelay $0x3  }
0x37a: {  	[tilespmem:v58+s19+$0x0] =	vst.idx.msk $0xffff, v41  }
0x37b: {  	v60 =	vor.u32 v19, v53;
	v41 =	vld.idx.msk [tilespmem:v59+s14+$0x0], $0xffff  }
0x37c: {  	v61 =	vor.u32 v40, v35;
	_ =	sdelay $0x3  }
0x37d: {  	[tilespmem:v60+s19+$0x0] =	vst.idx.msk $0xffff, v41  }
0x37e: {  	v62 =	vor.u32 v20, v53;
	v41 =	vld.idx.msk [tilespmem:v61+s14+$0x0], $0xffff  }
0x37f: {  	v63 =	vor.u32 v40, v36;
	_ =	sdelay $0x3  }
0x380: {  	[tilespmem:v62+s19+$0x0] =	vst.idx.msk $0xffff, v41  }
0x381: {  	v45 =	vor.u32 v21, v53;
	v41 =	vld.idx.msk [tilespmem:v63+s14+$0x0], $0xffff  }
0x382: {  	v46 =	vor.u32 v40, v37;
	_ =	sdelay $0x3  }
0x383: {  	[tilespmem:v45+s19+$0x0] =	vst.idx.msk $0xffff, v41  }
0x384: {  	v47 =	vor.u32 v22, v53;
	v41 =	vld.idx.msk [tilespmem:v46+s14+$0x0], $0xffff  }
0x385: {  	v40 =	vor.u32 v40, v38;
	_ =	sdelay $0x3  }
0x386: {  	v48 =	vadd.s32 s26, v30;
	[tilespmem:v47+s19+$0x0] =	vst.idx.msk $0xffff, v41  }
0x387: {  	v39 =	vor.u32 v23, v53;
	v41 =	vand.u32 $0x3F, v48;
	v40 =	vld.idx.msk [tilespmem:v40+s14+$0x0], $0xffff  }
0x388: {  	v49 =	vor.u32 v41, v31;
	_ =	sdelay $0x3  }
0x389: {  	[tilespmem:v39+s19+$0x0] =	vst.idx.msk $0xffff, v40;
	v39 =	vshll.u32 v41, $0x7  }
0x38a: {  	v40 =	vld.idx.msk [tilespmem:v49+s14+$0x0], $0xffff;
	v50 =	vor.u32 v0, v39  }
0x38b: {  	v51 =	vor.u32 v41, v32;
	_ =	sdelay $0x3  }
0x38c: {  	[tilespmem:v50+s19+$0x0] =	vst.idx.msk $0xffff, v40  }
0x38d: {  	v52 =	vor.u32 v17, v39;
	v40 =	vld.idx.msk [tilespmem:v51+s14+$0x0], $0xffff  }
0x38e: {  	v53 =	vor.u32 v41, v33;
	_ =	sdelay $0x3  }
0x38f: {  	[tilespmem:v52+s19+$0x0] =	vst.idx.msk $0xffff, v40  }
0x390: {  	v54 =	vor.u32 v18, v39;
	v40 =	vld.idx.msk [tilespmem:v53+s14+$0x0], $0xffff  }
0x391: {  	v55 =	vor.u32 v41, v34;
	_ =	sdelay $0x3  }
0x392: {  	[tilespmem:v54+s19+$0x0] =	vst.idx.msk $0xffff, v40  }
0x393: {  	v56 =	vor.u32 v19, v39;
	v40 =	vld.idx.msk [tilespmem:v55+s14+$0x0], $0xffff  }
0x394: {  	v57 =	vor.u32 v41, v35;
	_ =	sdelay $0x3  }
0x395: {  	[tilespmem:v56+s19+$0x0] =	vst.idx.msk $0xffff, v40  }
0x396: {  	v58 =	vor.u32 v20, v39;
	v40 =	vld.idx.msk [tilespmem:v57+s14+$0x0], $0xffff  }
0x397: {  	v59 =	vor.u32 v41, v36;
	_ =	sdelay $0x3  }
0x398: {  	[tilespmem:v58+s19+$0x0] =	vst.idx.msk $0xffff, v40  }
0x399: {  	v60 =	vor.u32 v21, v39;
	v40 =	vld.idx.msk [tilespmem:v59+s14+$0x0], $0xffff  }
0x39a: {  	v61 =	vor.u32 v41, v37;
	_ =	sdelay $0x3  }
0x39b: {  	[tilespmem:v60+s19+$0x0] =	vst.idx.msk $0xffff, v40  }
0x39c: {  	v62 =	vor.u32 v22, v39;
	v40 =	vld.idx.msk [tilespmem:v61+s14+$0x0], $0xffff  }
0x39d: {  	v63 =	vor.u32 v41, v38;
	_ =	sdelay $0x3  }
0x39e: {  	s25 =	simm.s32 $0x8;
	[tilespmem:v62+s19+$0x0] =	vst.idx.msk $0xffff, v40  }
0x39f: {  	s26 =	simm.s32 $0x10;
	v41 =	vadd.s32 s25, v0;
	v40 =	vld.idx.msk [tilespmem:v63+s14+$0x0], $0xffff  }
.LBB2_11:
0x3a0: {  	p0 =	sne.s32 s26, $0x38;
	v41 =	vand.u32 $0x3F, v41;
	v39 =	vor.u32 v23, v39  }
0x3a1: {  	v42 =	vor.u32 v41, v31;
	_ =	sdelay $0x3  }
0x3a2: {  	[tilespmem:v39+s19+$0x0] =	vst.idx.msk $0xffff, v40  }
0x3a3: {  	v40 =	vshll.u32 v41, $0x7;
	v39 =	vld.idx.msk [tilespmem:v42+s14+$0x0], $0xffff  }
0x3a4: {  	v42 =	vor.u32 v0, v40  }
0x3a5: {  	v43 =	vor.u32 v41, v32;
	_ =	sdelay $0x3  }
0x3a6: {  	[tilespmem:v42+s19+$0x0] =	vst.idx.msk $0xffff, v39  }
0x3a7: {  	v39 =	vld.idx.msk [tilespmem:v43+s14+$0x0], $0xffff  }
0x3a8: {  	v42 =	vor.u32 v17, v40  }
0x3a9: {  	v43 =	vor.u32 v41, v33;
	_ =	sdelay $0x3  }
0x3aa: {  	[tilespmem:v42+s19+$0x0] =	vst.idx.msk $0xffff, v39  }
0x3ab: {  	v39 =	vld.idx.msk [tilespmem:v43+s14+$0x0], $0xffff  }
0x3ac: {  	v42 =	vor.u32 v18, v40  }
0x3ad: {  	v43 =	vor.u32 v41, v34;
	_ =	sdelay $0x3  }
0x3ae: {  	[tilespmem:v42+s19+$0x0] =	vst.idx.msk $0xffff, v39  }
0x3af: {  	v39 =	vld.idx.msk [tilespmem:v43+s14+$0x0], $0xffff  }
0x3b0: {  	v42 =	vor.u32 v19, v40  }
0x3b1: {  	v43 =	vor.u32 v41, v35;
	_ =	sdelay $0x3  }
0x3b2: {  	[tilespmem:v42+s19+$0x0] =	vst.idx.msk $0xffff, v39  }
0x3b3: {  	v39 =	vld.idx.msk [tilespmem:v43+s14+$0x0], $0xffff  }
0x3b4: {  	v42 =	vor.u32 v20, v40  }
0x3b5: {  	v43 =	vor.u32 v41, v36;
	_ =	sdelay $0x3  }
0x3b6: {  	[tilespmem:v42+s19+$0x0] =	vst.idx.msk $0xffff, v39  }
0x3b7: {  	v39 =	vld.idx.msk [tilespmem:v43+s14+$0x0], $0xffff  }
0x3b8: {  	v42 =	vor.u32 v21, v40  }
0x3b9: {  	v43 =	vor.u32 v41, v37;
	_ =	sdelay $0x3  }
0x3ba: {  	[tilespmem:v42+s19+$0x0] =	vst.idx.msk $0xffff, v39  }
0x3bb: {  	v39 =	vld.idx.msk [tilespmem:v43+s14+$0x0], $0xffff  }
0x3bc: {  	v42 =	vor.u32 v22, v40  }
0x3bd: {  	v41 =	vor.u32 v41, v38;
	_ =	sdelay $0x3  }
0x3be: {  	[tilespmem:v42+s19+$0x0] =	vst.idx.msk $0xffff, v39  }
0x3bf: {  	v39 =	vld.idx.msk [tilespmem:v41+s14+$0x0], $0xffff;
	v41 =	vadd.s32 s25, v24  }
0x3c0: {  	v40 =	vor.u32 v23, v40;
	v41 =	vand.u32 $0x3F, v41  }
0x3c1: {  	v42 =	vor.u32 v41, v31;
	_ =	sdelay $0x3  }
0x3c2: {  	[tilespmem:v40+s19+$0x0] =	vst.idx.msk $0xffff, v39  }
0x3c3: {  	v40 =	vshll.u32 v41, $0x7;
	v39 =	vld.idx.msk [tilespmem:v42+s14+$0x0], $0xffff  }
0x3c4: {  	v42 =	vor.u32 v0, v40  }
0x3c5: {  	v43 =	vor.u32 v41, v32;
	_ =	sdelay $0x3  }
0x3c6: {  	[tilespmem:v42+s19+$0x0] =	vst.idx.msk $0xffff, v39  }
0x3c7: {  	v39 =	vld.idx.msk [tilespmem:v43+s14+$0x0], $0xffff  }
0x3c8: {  	v42 =	vor.u32 v17, v40  }
0x3c9: {  	v43 =	vor.u32 v41, v33;
	_ =	sdelay $0x3  }
0x3ca: {  	[tilespmem:v42+s19+$0x0] =	vst.idx.msk $0xffff, v39  }
0x3cb: {  	v39 =	vld.idx.msk [tilespmem:v43+s14+$0x0], $0xffff  }
0x3cc: {  	v42 =	vor.u32 v18, v40  }
0x3cd: {  	v43 =	vor.u32 v41, v34;
	_ =	sdelay $0x3  }
0x3ce: {  	[tilespmem:v42+s19+$0x0] =	vst.idx.msk $0xffff, v39  }
0x3cf: {  	v39 =	vld.idx.msk [tilespmem:v43+s14+$0x0], $0xffff  }
0x3d0: {  	v42 =	vor.u32 v19, v40  }
0x3d1: {  	v43 =	vor.u32 v41, v35;
	_ =	sdelay $0x3  }
0x3d2: {  	[tilespmem:v42+s19+$0x0] =	vst.idx.msk $0xffff, v39  }
0x3d3: {  	v39 =	vld.idx.msk [tilespmem:v43+s14+$0x0], $0xffff  }
0x3d4: {  	v42 =	vor.u32 v20, v40  }
0x3d5: {  	v43 =	vor.u32 v41, v36;
	_ =	sdelay $0x3  }
0x3d6: {  	[tilespmem:v42+s19+$0x0] =	vst.idx.msk $0xffff, v39  }
0x3d7: {  	v39 =	vld.idx.msk [tilespmem:v43+s14+$0x0], $0xffff  }
0x3d8: {  	v42 =	vor.u32 v21, v40  }
0x3d9: {  	v43 =	vor.u32 v41, v37;
	_ =	sdelay $0x3  }
0x3da: {  	[tilespmem:v42+s19+$0x0] =	vst.idx.msk $0xffff, v39  }
0x3db: {  	v39 =	vld.idx.msk [tilespmem:v43+s14+$0x0], $0xffff  }
0x3dc: {  	v42 =	vor.u32 v22, v40  }
0x3dd: {  	v41 =	vor.u32 v41, v38;
	_ =	sdelay $0x3  }
0x3de: {  	[tilespmem:v42+s19+$0x0] =	vst.idx.msk $0xffff, v39  }
0x3df: {  	v39 =	vld.idx.msk [tilespmem:v41+s14+$0x0], $0xffff;
	v41 =	vadd.s32 s25, v25  }
0x3e0: {  	v40 =	vor.u32 v23, v40;
	v41 =	vand.u32 $0x3F, v41  }
0x3e1: {  	v42 =	vor.u32 v41, v31;
	_ =	sdelay $0x3  }
0x3e2: {  	[tilespmem:v40+s19+$0x0] =	vst.idx.msk $0xffff, v39  }
0x3e3: {  	v40 =	vshll.u32 v41, $0x7;
	v39 =	vld.idx.msk [tilespmem:v42+s14+$0x0], $0xffff  }
0x3e4: {  	v42 =	vor.u32 v0, v40  }
0x3e5: {  	v43 =	vor.u32 v41, v32;
	_ =	sdelay $0x3  }
0x3e6: {  	[tilespmem:v42+s19+$0x0] =	vst.idx.msk $0xffff, v39  }
0x3e7: {  	v39 =	vld.idx.msk [tilespmem:v43+s14+$0x0], $0xffff  }
0x3e8: {  	v42 =	vor.u32 v17, v40  }
0x3e9: {  	v43 =	vor.u32 v41, v33;
	_ =	sdelay $0x3  }
0x3ea: {  	[tilespmem:v42+s19+$0x0] =	vst.idx.msk $0xffff, v39  }
0x3eb: {  	v39 =	vld.idx.msk [tilespmem:v43+s14+$0x0], $0xffff  }
0x3ec: {  	v42 =	vor.u32 v18, v40  }
0x3ed: {  	v43 =	vor.u32 v41, v34;
	_ =	sdelay $0x3  }
0x3ee: {  	[tilespmem:v42+s19+$0x0] =	vst.idx.msk $0xffff, v39  }
0x3ef: {  	v39 =	vld.idx.msk [tilespmem:v43+s14+$0x0], $0xffff  }
0x3f0: {  	v42 =	vor.u32 v19, v40  }
0x3f1: {  	v43 =	vor.u32 v41, v35;
	_ =	sdelay $0x3  }
0x3f2: {  	[tilespmem:v42+s19+$0x0] =	vst.idx.msk $0xffff, v39  }
0x3f3: {  	v39 =	vld.idx.msk [tilespmem:v43+s14+$0x0], $0xffff  }
0x3f4: {  	v42 =	vor.u32 v20, v40  }
0x3f5: {  	v43 =	vor.u32 v41, v36;
	_ =	sdelay $0x3  }
0x3f6: {  	[tilespmem:v42+s19+$0x0] =	vst.idx.msk $0xffff, v39  }
0x3f7: {  	v39 =	vld.idx.msk [tilespmem:v43+s14+$0x0], $0xffff  }
0x3f8: {  	v42 =	vor.u32 v21, v40  }
0x3f9: {  	v43 =	vor.u32 v41, v37;
	_ =	sdelay $0x3  }
0x3fa: {  	[tilespmem:v42+s19+$0x0] =	vst.idx.msk $0xffff, v39  }
0x3fb: {  	v39 =	vld.idx.msk [tilespmem:v43+s14+$0x0], $0xffff  }
0x3fc: {  	v42 =	vor.u32 v22, v40  }
0x3fd: {  	v41 =	vor.u32 v41, v38;
	_ =	sdelay $0x3  }
0x3fe: {  	[tilespmem:v42+s19+$0x0] =	vst.idx.msk $0xffff, v39  }
0x3ff: {  	v39 =	vld.idx.msk [tilespmem:v41+s14+$0x0], $0xffff;
	v41 =	vadd.s32 s25, v26  }
0x400: {  	v40 =	vor.u32 v23, v40;
	v41 =	vand.u32 $0x3F, v41  }
0x401: {  	v42 =	vor.u32 v41, v31;
	_ =	sdelay $0x3  }
0x402: {  	[tilespmem:v40+s19+$0x0] =	vst.idx.msk $0xffff, v39  }
0x403: {  	v40 =	vshll.u32 v41, $0x7;
	v39 =	vld.idx.msk [tilespmem:v42+s14+$0x0], $0xffff  }
0x404: {  	v42 =	vor.u32 v0, v40  }
0x405: {  	v43 =	vor.u32 v41, v32;
	_ =	sdelay $0x3  }
0x406: {  	[tilespmem:v42+s19+$0x0] =	vst.idx.msk $0xffff, v39  }
0x407: {  	v39 =	vld.idx.msk [tilespmem:v43+s14+$0x0], $0xffff  }
0x408: {  	v42 =	vor.u32 v17, v40  }
0x409: {  	v43 =	vor.u32 v41, v33;
	_ =	sdelay $0x3  }
0x40a: {  	[tilespmem:v42+s19+$0x0] =	vst.idx.msk $0xffff, v39  }
0x40b: {  	v39 =	vld.idx.msk [tilespmem:v43+s14+$0x0], $0xffff  }
0x40c: {  	v42 =	vor.u32 v18, v40  }
0x40d: {  	v43 =	vor.u32 v41, v34;
	_ =	sdelay $0x3  }
0x40e: {  	[tilespmem:v42+s19+$0x0] =	vst.idx.msk $0xffff, v39  }
0x40f: {  	v39 =	vld.idx.msk [tilespmem:v43+s14+$0x0], $0xffff  }
0x410: {  	v42 =	vor.u32 v19, v40  }
0x411: {  	v43 =	vor.u32 v41, v35;
	_ =	sdelay $0x3  }
0x412: {  	[tilespmem:v42+s19+$0x0] =	vst.idx.msk $0xffff, v39  }
0x413: {  	v39 =	vld.idx.msk [tilespmem:v43+s14+$0x0], $0xffff  }
0x414: {  	v42 =	vor.u32 v20, v40  }
0x415: {  	v43 =	vor.u32 v41, v36;
	_ =	sdelay $0x3  }
0x416: {  	[tilespmem:v42+s19+$0x0] =	vst.idx.msk $0xffff, v39  }
0x417: {  	v39 =	vld.idx.msk [tilespmem:v43+s14+$0x0], $0xffff  }
0x418: {  	v42 =	vor.u32 v21, v40  }
0x419: {  	v43 =	vor.u32 v41, v37;
	_ =	sdelay $0x3  }
0x41a: {  	[tilespmem:v42+s19+$0x0] =	vst.idx.msk $0xffff, v39  }
0x41b: {  	v39 =	vld.idx.msk [tilespmem:v43+s14+$0x0], $0xffff  }
0x41c: {  	v42 =	vor.u32 v22, v40  }
0x41d: {  	v41 =	vor.u32 v41, v38;
	_ =	sdelay $0x3  }
0x41e: {  	[tilespmem:v42+s19+$0x0] =	vst.idx.msk $0xffff, v39  }
0x41f: {  	v39 =	vld.idx.msk [tilespmem:v41+s14+$0x0], $0xffff;
	v41 =	vadd.s32 s25, v27  }
0x420: {  	v40 =	vor.u32 v23, v40;
	v41 =	vand.u32 $0x3F, v41  }
0x421: {  	v42 =	vor.u32 v41, v31;
	_ =	sdelay $0x3  }
0x422: {  	[tilespmem:v40+s19+$0x0] =	vst.idx.msk $0xffff, v39  }
0x423: {  	v40 =	vshll.u32 v41, $0x7;
	v39 =	vld.idx.msk [tilespmem:v42+s14+$0x0], $0xffff  }
0x424: {  	v42 =	vor.u32 v0, v40  }
0x425: {  	v43 =	vor.u32 v41, v32;
	_ =	sdelay $0x3  }
0x426: {  	[tilespmem:v42+s19+$0x0] =	vst.idx.msk $0xffff, v39  }
0x427: {  	v39 =	vld.idx.msk [tilespmem:v43+s14+$0x0], $0xffff  }
0x428: {  	v42 =	vor.u32 v17, v40  }
0x429: {  	v43 =	vor.u32 v41, v33;
	_ =	sdelay $0x3  }
0x42a: {  	[tilespmem:v42+s19+$0x0] =	vst.idx.msk $0xffff, v39  }
0x42b: {  	v39 =	vld.idx.msk [tilespmem:v43+s14+$0x0], $0xffff  }
0x42c: {  	v42 =	vor.u32 v18, v40  }
0x42d: {  	v43 =	vor.u32 v41, v34;
	_ =	sdelay $0x3  }
0x42e: {  	[tilespmem:v42+s19+$0x0] =	vst.idx.msk $0xffff, v39  }
0x42f: {  	v39 =	vld.idx.msk [tilespmem:v43+s14+$0x0], $0xffff  }
0x430: {  	v42 =	vor.u32 v19, v40  }
0x431: {  	v43 =	vor.u32 v41, v35;
	_ =	sdelay $0x3  }
0x432: {  	[tilespmem:v42+s19+$0x0] =	vst.idx.msk $0xffff, v39  }
0x433: {  	v39 =	vld.idx.msk [tilespmem:v43+s14+$0x0], $0xffff  }
0x434: {  	v42 =	vor.u32 v20, v40  }
0x435: {  	v43 =	vor.u32 v41, v36;
	_ =	sdelay $0x3  }
0x436: {  	[tilespmem:v42+s19+$0x0] =	vst.idx.msk $0xffff, v39  }
0x437: {  	v39 =	vld.idx.msk [tilespmem:v43+s14+$0x0], $0xffff  }
0x438: {  	v42 =	vor.u32 v21, v40  }
0x439: {  	v43 =	vor.u32 v41, v37;
	_ =	sdelay $0x3  }
0x43a: {  	[tilespmem:v42+s19+$0x0] =	vst.idx.msk $0xffff, v39  }
0x43b: {  	v39 =	vld.idx.msk [tilespmem:v43+s14+$0x0], $0xffff  }
0x43c: {  	v42 =	vor.u32 v22, v40  }
0x43d: {  	v41 =	vor.u32 v41, v38;
	_ =	sdelay $0x3  }
0x43e: {  	[tilespmem:v42+s19+$0x0] =	vst.idx.msk $0xffff, v39  }
0x43f: {  	v39 =	vld.idx.msk [tilespmem:v41+s14+$0x0], $0xffff;
	v41 =	vadd.s32 s25, v28  }
0x440: {  	v40 =	vor.u32 v23, v40;
	v41 =	vand.u32 $0x3F, v41  }
0x441: {  	v42 =	vor.u32 v41, v31;
	_ =	sdelay $0x3  }
0x442: {  	[tilespmem:v40+s19+$0x0] =	vst.idx.msk $0xffff, v39  }
0x443: {  	v40 =	vshll.u32 v41, $0x7;
	v39 =	vld.idx.msk [tilespmem:v42+s14+$0x0], $0xffff  }
0x444: {  	v42 =	vor.u32 v0, v40  }
0x445: {  	v43 =	vor.u32 v41, v32;
	_ =	sdelay $0x3  }
0x446: {  	[tilespmem:v42+s19+$0x0] =	vst.idx.msk $0xffff, v39  }
0x447: {  	v39 =	vld.idx.msk [tilespmem:v43+s14+$0x0], $0xffff  }
0x448: {  	v42 =	vor.u32 v17, v40  }
0x449: {  	v43 =	vor.u32 v41, v33;
	_ =	sdelay $0x3  }
0x44a: {  	[tilespmem:v42+s19+$0x0] =	vst.idx.msk $0xffff, v39  }
0x44b: {  	v39 =	vld.idx.msk [tilespmem:v43+s14+$0x0], $0xffff  }
0x44c: {  	v42 =	vor.u32 v18, v40  }
0x44d: {  	v43 =	vor.u32 v41, v34;
	_ =	sdelay $0x3  }
0x44e: {  	[tilespmem:v42+s19+$0x0] =	vst.idx.msk $0xffff, v39  }
0x44f: {  	v39 =	vld.idx.msk [tilespmem:v43+s14+$0x0], $0xffff  }
0x450: {  	v42 =	vor.u32 v19, v40  }
0x451: {  	v43 =	vor.u32 v41, v35;
	_ =	sdelay $0x3  }
0x452: {  	[tilespmem:v42+s19+$0x0] =	vst.idx.msk $0xffff, v39  }
0x453: {  	v39 =	vld.idx.msk [tilespmem:v43+s14+$0x0], $0xffff  }
0x454: {  	v42 =	vor.u32 v20, v40  }
0x455: {  	v43 =	vor.u32 v41, v36;
	_ =	sdelay $0x3  }
0x456: {  	[tilespmem:v42+s19+$0x0] =	vst.idx.msk $0xffff, v39  }
0x457: {  	v39 =	vld.idx.msk [tilespmem:v43+s14+$0x0], $0xffff  }
0x458: {  	v42 =	vor.u32 v21, v40  }
0x459: {  	v43 =	vor.u32 v41, v37;
	_ =	sdelay $0x3  }
0x45a: {  	[tilespmem:v42+s19+$0x0] =	vst.idx.msk $0xffff, v39  }
0x45b: {  	v39 =	vld.idx.msk [tilespmem:v43+s14+$0x0], $0xffff  }
0x45c: {  	v42 =	vor.u32 v22, v40  }
0x45d: {  	v41 =	vor.u32 v41, v38;
	_ =	sdelay $0x3  }
0x45e: {  	[tilespmem:v42+s19+$0x0] =	vst.idx.msk $0xffff, v39  }
0x45f: {  	v39 =	vld.idx.msk [tilespmem:v41+s14+$0x0], $0xffff;
	v41 =	vadd.s32 s25, v29  }
0x460: {  	v40 =	vor.u32 v23, v40;
	v41 =	vand.u32 $0x3F, v41  }
0x461: {  	v42 =	vor.u32 v41, v31;
	_ =	sdelay $0x3  }
0x462: {  	[tilespmem:v40+s19+$0x0] =	vst.idx.msk $0xffff, v39  }
0x463: {  	v40 =	vshll.u32 v41, $0x7;
	v39 =	vld.idx.msk [tilespmem:v42+s14+$0x0], $0xffff  }
0x464: {  	v42 =	vor.u32 v0, v40  }
0x465: {  	v43 =	vor.u32 v41, v32;
	_ =	sdelay $0x3  }
0x466: {  	[tilespmem:v42+s19+$0x0] =	vst.idx.msk $0xffff, v39  }
0x467: {  	v39 =	vld.idx.msk [tilespmem:v43+s14+$0x0], $0xffff  }
0x468: {  	v42 =	vor.u32 v17, v40  }
0x469: {  	v43 =	vor.u32 v41, v33;
	_ =	sdelay $0x3  }
0x46a: {  	[tilespmem:v42+s19+$0x0] =	vst.idx.msk $0xffff, v39  }
0x46b: {  	v39 =	vld.idx.msk [tilespmem:v43+s14+$0x0], $0xffff  }
0x46c: {  	v42 =	vor.u32 v18, v40  }
0x46d: {  	v43 =	vor.u32 v41, v34;
	_ =	sdelay $0x3  }
0x46e: {  	[tilespmem:v42+s19+$0x0] =	vst.idx.msk $0xffff, v39  }
0x46f: {  	v39 =	vld.idx.msk [tilespmem:v43+s14+$0x0], $0xffff  }
0x470: {  	v42 =	vor.u32 v19, v40  }
0x471: {  	v43 =	vor.u32 v41, v35;
	_ =	sdelay $0x3  }
0x472: {  	[tilespmem:v42+s19+$0x0] =	vst.idx.msk $0xffff, v39  }
0x473: {  	v39 =	vld.idx.msk [tilespmem:v43+s14+$0x0], $0xffff  }
0x474: {  	v42 =	vor.u32 v20, v40  }
0x475: {  	v43 =	vor.u32 v41, v36;
	_ =	sdelay $0x3  }
0x476: {  	[tilespmem:v42+s19+$0x0] =	vst.idx.msk $0xffff, v39  }
0x477: {  	v39 =	vld.idx.msk [tilespmem:v43+s14+$0x0], $0xffff  }
0x478: {  	v42 =	vor.u32 v21, v40  }
0x479: {  	v43 =	vor.u32 v41, v37;
	_ =	sdelay $0x3  }
0x47a: {  	[tilespmem:v42+s19+$0x0] =	vst.idx.msk $0xffff, v39  }
0x47b: {  	v39 =	vld.idx.msk [tilespmem:v43+s14+$0x0], $0xffff  }
0x47c: {  	v42 =	vor.u32 v22, v40  }
0x47d: {  	v41 =	vor.u32 v41, v38;
	_ =	sdelay $0x3  }
0x47e: {  	[tilespmem:v42+s19+$0x0] =	vst.idx.msk $0xffff, v39  }
0x47f: {  	v39 =	vld.idx.msk [tilespmem:v41+s14+$0x0], $0xffff;
	v41 =	vadd.s32 s25, v30;
	s25 =	smov.u32 s26  }
0x480: {  	v40 =	vor.u32 v23, v40;
	v41 =	vand.u32 $0x3F, v41  }
0x481: {  	v42 =	vor.u32 v41, v31;
	_ =	sdelay $0x3  }
0x482: {  	[tilespmem:v40+s19+$0x0] =	vst.idx.msk $0xffff, v39  }
0x483: {  	v39 =	vshll.u32 v41, $0x7;
	v40 =	vld.idx.msk [tilespmem:v42+s14+$0x0], $0xffff  }
0x484: {  	v42 =	vor.u32 v0, v39  }
0x485: {  	v43 =	vor.u32 v41, v32;
	_ =	sdelay $0x3  }
0x486: {  	[tilespmem:v42+s19+$0x0] =	vst.idx.msk $0xffff, v40  }
0x487: {  	v40 =	vld.idx.msk [tilespmem:v43+s14+$0x0], $0xffff  }
0x488: {  	v42 =	vor.u32 v17, v39  }
0x489: {  	v43 =	vor.u32 v41, v33;
	_ =	sdelay $0x3  }
0x48a: {  	[tilespmem:v42+s19+$0x0] =	vst.idx.msk $0xffff, v40  }
0x48b: {  	v40 =	vld.idx.msk [tilespmem:v43+s14+$0x0], $0xffff  }
0x48c: {  	v42 =	vor.u32 v18, v39  }
0x48d: {  	v43 =	vor.u32 v41, v34;
	_ =	sdelay $0x3  }
0x48e: {  	[tilespmem:v42+s19+$0x0] =	vst.idx.msk $0xffff, v40  }
0x48f: {  	v40 =	vld.idx.msk [tilespmem:v43+s14+$0x0], $0xffff  }
0x490: {  	v42 =	vor.u32 v19, v39  }
0x491: {  	v43 =	vor.u32 v41, v35;
	_ =	sdelay $0x3  }
0x492: {  	[tilespmem:v42+s19+$0x0] =	vst.idx.msk $0xffff, v40  }
0x493: {  	v40 =	vld.idx.msk [tilespmem:v43+s14+$0x0], $0xffff  }
0x494: {  	v42 =	vor.u32 v20, v39  }
0x495: {  	v43 =	vor.u32 v41, v36;
	_ =	sdelay $0x3  }
0x496: {  	[tilespmem:v42+s19+$0x0] =	vst.idx.msk $0xffff, v40  }
0x497: {  	v40 =	vld.idx.msk [tilespmem:v43+s14+$0x0], $0xffff  }
0x498: {  	v42 =	vor.u32 v21, v39  }
0x499: {  	v43 =	vor.u32 v41, v37;
	_ =	sdelay $0x3  }
0x49a: {  	[tilespmem:v42+s19+$0x0] =	vst.idx.msk $0xffff, v40  }
0x49b: {  	v40 =	vld.idx.msk [tilespmem:v43+s14+$0x0], $0xffff  }
0x49c: {  	v42 =	vor.u32 v22, v39  }
0x49d: {  	v43 =	vor.u32 v41, v38  }
.Ltmp5:
0x49e: {  	(pc) =	sbr.rel @p0 .LBB2_11-.Ltmp5, $3  }
0x49f: {  	_ =	sdelay $0x1  }
0x4a0: {  	[tilespmem:v42+s19+$0x0] =	vst.idx.msk $0xffff, v40  }
0x4a1: {  	s26 =	sadd.s32 $0x8, s26;
	v41 =	vadd.s32 s25, v0;
	v40 =	vld.idx.msk [tilespmem:v43+s14+$0x0], $0xffff  }
0x4a2: {  	v41 =	vand.u32 $0x3F, v41;
	v39 =	vor.u32 v23, v39  }
0x4a3: {  	v42 =	vor.u32 v41, v31;
	_ =	sdelay $0x3  }
0x4a4: {  	v52 =	vshll.u32 v41, $0x7;
	[tilespmem:v39+s19+$0x0] =	vst.idx.msk $0xffff, v40  }
0x4a5: {  	v53 =	vor.u32 v0, v52;
	v40 =	vld.idx.msk [tilespmem:v42+s14+$0x0], $0xffff  }
0x4a6: {  	v43 =	vor.u32 v41, v32;
	_ =	sdelay $0x3  }
0x4a7: {  	[tilespmem:v53+s19+$0x0] =	vst.idx.msk $0xffff, v40  }
0x4a8: {  	v54 =	vor.u32 v17, v52;
	v40 =	vld.idx.msk [tilespmem:v43+s14+$0x0], $0xffff  }
0x4a9: {  	v55 =	vor.u32 v41, v33;
	_ =	sdelay $0x3  }
0x4aa: {  	[tilespmem:v54+s19+$0x0] =	vst.idx.msk $0xffff, v40  }
0x4ab: {  	v56 =	vor.u32 v18, v52;
	v40 =	vld.idx.msk [tilespmem:v55+s14+$0x0], $0xffff  }
0x4ac: {  	v57 =	vor.u32 v41, v34;
	_ =	sdelay $0x3  }
0x4ad: {  	[tilespmem:v56+s19+$0x0] =	vst.idx.msk $0xffff, v40  }
0x4ae: {  	v58 =	vor.u32 v19, v52;
	v40 =	vld.idx.msk [tilespmem:v57+s14+$0x0], $0xffff  }
0x4af: {  	v59 =	vor.u32 v41, v35;
	_ =	sdelay $0x3  }
0x4b0: {  	[tilespmem:v58+s19+$0x0] =	vst.idx.msk $0xffff, v40  }
0x4b1: {  	v60 =	vor.u32 v20, v52;
	v40 =	vld.idx.msk [tilespmem:v59+s14+$0x0], $0xffff  }
0x4b2: {  	v61 =	vor.u32 v41, v36;
	_ =	sdelay $0x3  }
0x4b3: {  	[tilespmem:v60+s19+$0x0] =	vst.idx.msk $0xffff, v40  }
0x4b4: {  	v62 =	vor.u32 v21, v52;
	v40 =	vld.idx.msk [tilespmem:v61+s14+$0x0], $0xffff  }
0x4b5: {  	v63 =	vor.u32 v41, v37;
	_ =	sdelay $0x3  }
0x4b6: {  	[tilespmem:v62+s19+$0x0] =	vst.idx.msk $0xffff, v40  }
0x4b7: {  	v45 =	vor.u32 v22, v52;
	v40 =	vld.idx.msk [tilespmem:v63+s14+$0x0], $0xffff  }
0x4b8: {  	v41 =	vor.u32 v41, v38;
	_ =	sdelay $0x3  }
0x4b9: {  	v46 =	vadd.s32 s25, v24;
	[tilespmem:v45+s19+$0x0] =	vst.idx.msk $0xffff, v40  }
0x4ba: {  	v39 =	vor.u32 v23, v52;
	v40 =	vand.u32 $0x3F, v46;
	v41 =	vld.idx.msk [tilespmem:v41+s14+$0x0], $0xffff  }
0x4bb: {  	v47 =	vor.u32 v40, v31;
	_ =	sdelay $0x3  }
0x4bc: {  	v48 =	vshll.u32 v40, $0x7;
	[tilespmem:v39+s19+$0x0] =	vst.idx.msk $0xffff, v41  }
0x4bd: {  	v49 =	vor.u32 v0, v48;
	v41 =	vld.idx.msk [tilespmem:v47+s14+$0x0], $0xffff  }
0x4be: {  	v50 =	vor.u32 v40, v32;
	_ =	sdelay $0x3  }
0x4bf: {  	[tilespmem:v49+s19+$0x0] =	vst.idx.msk $0xffff, v41  }
0x4c0: {  	v51 =	vor.u32 v17, v48;
	v41 =	vld.idx.msk [tilespmem:v50+s14+$0x0], $0xffff  }
0x4c1: {  	v52 =	vor.u32 v40, v33;
	_ =	sdelay $0x3  }
0x4c2: {  	[tilespmem:v51+s19+$0x0] =	vst.idx.msk $0xffff, v41  }
0x4c3: {  	v53 =	vor.u32 v18, v48;
	v41 =	vld.idx.msk [tilespmem:v52+s14+$0x0], $0xffff  }
0x4c4: {  	v54 =	vor.u32 v40, v34;
	_ =	sdelay $0x3  }
0x4c5: {  	[tilespmem:v53+s19+$0x0] =	vst.idx.msk $0xffff, v41  }
0x4c6: {  	v55 =	vor.u32 v19, v48;
	v41 =	vld.idx.msk [tilespmem:v54+s14+$0x0], $0xffff  }
0x4c7: {  	v56 =	vor.u32 v40, v35;
	_ =	sdelay $0x3  }
0x4c8: {  	[tilespmem:v55+s19+$0x0] =	vst.idx.msk $0xffff, v41  }
0x4c9: {  	v57 =	vor.u32 v20, v48;
	v41 =	vld.idx.msk [tilespmem:v56+s14+$0x0], $0xffff  }
0x4ca: {  	v58 =	vor.u32 v40, v36;
	_ =	sdelay $0x3  }
0x4cb: {  	[tilespmem:v57+s19+$0x0] =	vst.idx.msk $0xffff, v41  }
0x4cc: {  	v59 =	vor.u32 v21, v48;
	v41 =	vld.idx.msk [tilespmem:v58+s14+$0x0], $0xffff  }
0x4cd: {  	v60 =	vor.u32 v40, v37;
	_ =	sdelay $0x3  }
0x4ce: {  	[tilespmem:v59+s19+$0x0] =	vst.idx.msk $0xffff, v41  }
0x4cf: {  	v61 =	vor.u32 v22, v48;
	v41 =	vld.idx.msk [tilespmem:v60+s14+$0x0], $0xffff  }
0x4d0: {  	v40 =	vor.u32 v40, v38;
	_ =	sdelay $0x3  }
0x4d1: {  	v62 =	vadd.s32 s25, v25;
	[tilespmem:v61+s19+$0x0] =	vst.idx.msk $0xffff, v41  }
0x4d2: {  	v39 =	vor.u32 v23, v48;
	v41 =	vand.u32 $0x3F, v62;
	v40 =	vld.idx.msk [tilespmem:v40+s14+$0x0], $0xffff  }
0x4d3: {  	v63 =	vor.u32 v41, v31;
	_ =	sdelay $0x3  }
0x4d4: {  	v45 =	vshll.u32 v41, $0x7;
	[tilespmem:v39+s19+$0x0] =	vst.idx.msk $0xffff, v40  }
0x4d5: {  	v46 =	vor.u32 v0, v45;
	v40 =	vld.idx.msk [tilespmem:v63+s14+$0x0], $0xffff  }
0x4d6: {  	v47 =	vor.u32 v41, v32;
	_ =	sdelay $0x3  }
0x4d7: {  	[tilespmem:v46+s19+$0x0] =	vst.idx.msk $0xffff, v40  }
0x4d8: {  	v48 =	vor.u32 v17, v45;
	v40 =	vld.idx.msk [tilespmem:v47+s14+$0x0], $0xffff  }
0x4d9: {  	v49 =	vor.u32 v41, v33;
	_ =	sdelay $0x3  }
0x4da: {  	[tilespmem:v48+s19+$0x0] =	vst.idx.msk $0xffff, v40  }
0x4db: {  	v50 =	vor.u32 v18, v45;
	v40 =	vld.idx.msk [tilespmem:v49+s14+$0x0], $0xffff  }
0x4dc: {  	v51 =	vor.u32 v41, v34;
	_ =	sdelay $0x3  }
0x4dd: {  	[tilespmem:v50+s19+$0x0] =	vst.idx.msk $0xffff, v40  }
0x4de: {  	v52 =	vor.u32 v19, v45;
	v40 =	vld.idx.msk [tilespmem:v51+s14+$0x0], $0xffff  }
0x4df: {  	v53 =	vor.u32 v41, v35;
	_ =	sdelay $0x3  }
0x4e0: {  	[tilespmem:v52+s19+$0x0] =	vst.idx.msk $0xffff, v40  }
0x4e1: {  	v54 =	vor.u32 v20, v45;
	v40 =	vld.idx.msk [tilespmem:v53+s14+$0x0], $0xffff  }
0x4e2: {  	v55 =	vor.u32 v41, v36;
	_ =	sdelay $0x3  }
0x4e3: {  	[tilespmem:v54+s19+$0x0] =	vst.idx.msk $0xffff, v40  }
0x4e4: {  	v56 =	vor.u32 v21, v45;
	v40 =	vld.idx.msk [tilespmem:v55+s14+$0x0], $0xffff  }
0x4e5: {  	v57 =	vor.u32 v41, v37;
	_ =	sdelay $0x3  }
0x4e6: {  	[tilespmem:v56+s19+$0x0] =	vst.idx.msk $0xffff, v40  }
0x4e7: {  	v58 =	vor.u32 v22, v45;
	v40 =	vld.idx.msk [tilespmem:v57+s14+$0x0], $0xffff  }
0x4e8: {  	v41 =	vor.u32 v41, v38;
	_ =	sdelay $0x3  }
0x4e9: {  	v59 =	vadd.s32 s25, v26;
	[tilespmem:v58+s19+$0x0] =	vst.idx.msk $0xffff, v40  }
0x4ea: {  	v39 =	vor.u32 v23, v45;
	v40 =	vand.u32 $0x3F, v59;
	v41 =	vld.idx.msk [tilespmem:v41+s14+$0x0], $0xffff  }
0x4eb: {  	v60 =	vor.u32 v40, v31;
	_ =	sdelay $0x3  }
0x4ec: {  	v61 =	vshll.u32 v40, $0x7;
	[tilespmem:v39+s19+$0x0] =	vst.idx.msk $0xffff, v41  }
0x4ed: {  	v62 =	vor.u32 v0, v61;
	v41 =	vld.idx.msk [tilespmem:v60+s14+$0x0], $0xffff  }
0x4ee: {  	v63 =	vor.u32 v40, v32;
	_ =	sdelay $0x3  }
0x4ef: {  	[tilespmem:v62+s19+$0x0] =	vst.idx.msk $0xffff, v41  }
0x4f0: {  	v45 =	vor.u32 v17, v61;
	v41 =	vld.idx.msk [tilespmem:v63+s14+$0x0], $0xffff  }
0x4f1: {  	v46 =	vor.u32 v40, v33;
	_ =	sdelay $0x3  }
0x4f2: {  	[tilespmem:v45+s19+$0x0] =	vst.idx.msk $0xffff, v41  }
0x4f3: {  	v47 =	vor.u32 v18, v61;
	v41 =	vld.idx.msk [tilespmem:v46+s14+$0x0], $0xffff  }
0x4f4: {  	v48 =	vor.u32 v40, v34;
	_ =	sdelay $0x3  }
0x4f5: {  	[tilespmem:v47+s19+$0x0] =	vst.idx.msk $0xffff, v41  }
0x4f6: {  	v49 =	vor.u32 v19, v61;
	v41 =	vld.idx.msk [tilespmem:v48+s14+$0x0], $0xffff  }
0x4f7: {  	v50 =	vor.u32 v40, v35;
	_ =	sdelay $0x3  }
0x4f8: {  	[tilespmem:v49+s19+$0x0] =	vst.idx.msk $0xffff, v41  }
0x4f9: {  	v51 =	vor.u32 v20, v61;
	v41 =	vld.idx.msk [tilespmem:v50+s14+$0x0], $0xffff  }
0x4fa: {  	v52 =	vor.u32 v40, v36;
	_ =	sdelay $0x3  }
0x4fb: {  	[tilespmem:v51+s19+$0x0] =	vst.idx.msk $0xffff, v41  }
0x4fc: {  	v53 =	vor.u32 v21, v61;
	v41 =	vld.idx.msk [tilespmem:v52+s14+$0x0], $0xffff  }
0x4fd: {  	v54 =	vor.u32 v40, v37;
	_ =	sdelay $0x3  }
0x4fe: {  	[tilespmem:v53+s19+$0x0] =	vst.idx.msk $0xffff, v41  }
0x4ff: {  	v55 =	vor.u32 v22, v61;
	v41 =	vld.idx.msk [tilespmem:v54+s14+$0x0], $0xffff  }
0x500: {  	v40 =	vor.u32 v40, v38;
	_ =	sdelay $0x3  }
0x501: {  	v56 =	vadd.s32 s25, v27;
	[tilespmem:v55+s19+$0x0] =	vst.idx.msk $0xffff, v41  }
0x502: {  	v39 =	vor.u32 v23, v61;
	v41 =	vand.u32 $0x3F, v56;
	v40 =	vld.idx.msk [tilespmem:v40+s14+$0x0], $0xffff  }
0x503: {  	v57 =	vor.u32 v41, v31;
	_ =	sdelay $0x3  }
0x504: {  	v58 =	vshll.u32 v41, $0x7;
	[tilespmem:v39+s19+$0x0] =	vst.idx.msk $0xffff, v40  }
0x505: {  	v59 =	vor.u32 v0, v58;
	v40 =	vld.idx.msk [tilespmem:v57+s14+$0x0], $0xffff  }
0x506: {  	v60 =	vor.u32 v41, v32;
	_ =	sdelay $0x3  }
0x507: {  	[tilespmem:v59+s19+$0x0] =	vst.idx.msk $0xffff, v40  }
0x508: {  	v61 =	vor.u32 v17, v58;
	v40 =	vld.idx.msk [tilespmem:v60+s14+$0x0], $0xffff  }
0x509: {  	v62 =	vor.u32 v41, v33;
	_ =	sdelay $0x3  }
0x50a: {  	[tilespmem:v61+s19+$0x0] =	vst.idx.msk $0xffff, v40  }
0x50b: {  	v63 =	vor.u32 v18, v58;
	v40 =	vld.idx.msk [tilespmem:v62+s14+$0x0], $0xffff  }
0x50c: {  	v45 =	vor.u32 v41, v34;
	_ =	sdelay $0x3  }
0x50d: {  	[tilespmem:v63+s19+$0x0] =	vst.idx.msk $0xffff, v40  }
0x50e: {  	v46 =	vor.u32 v19, v58;
	v40 =	vld.idx.msk [tilespmem:v45+s14+$0x0], $0xffff  }
0x50f: {  	v47 =	vor.u32 v41, v35;
	_ =	sdelay $0x3  }
0x510: {  	[tilespmem:v46+s19+$0x0] =	vst.idx.msk $0xffff, v40  }
0x511: {  	v48 =	vor.u32 v20, v58;
	v40 =	vld.idx.msk [tilespmem:v47+s14+$0x0], $0xffff  }
0x512: {  	v49 =	vor.u32 v41, v36;
	_ =	sdelay $0x3  }
0x513: {  	[tilespmem:v48+s19+$0x0] =	vst.idx.msk $0xffff, v40  }
0x514: {  	v50 =	vor.u32 v21, v58;
	v40 =	vld.idx.msk [tilespmem:v49+s14+$0x0], $0xffff  }
0x515: {  	v51 =	vor.u32 v41, v37;
	_ =	sdelay $0x3  }
0x516: {  	[tilespmem:v50+s19+$0x0] =	vst.idx.msk $0xffff, v40  }
0x517: {  	v52 =	vor.u32 v22, v58;
	v40 =	vld.idx.msk [tilespmem:v51+s14+$0x0], $0xffff  }
0x518: {  	v41 =	vor.u32 v41, v38;
	_ =	sdelay $0x3  }
0x519: {  	v53 =	vadd.s32 s25, v28;
	[tilespmem:v52+s19+$0x0] =	vst.idx.msk $0xffff, v40  }
0x51a: {  	v39 =	vor.u32 v23, v58;
	v40 =	vand.u32 $0x3F, v53;
	v41 =	vld.idx.msk [tilespmem:v41+s14+$0x0], $0xffff  }
0x51b: {  	v54 =	vor.u32 v40, v31;
	_ =	sdelay $0x3  }
0x51c: {  	v55 =	vshll.u32 v40, $0x7;
	[tilespmem:v39+s19+$0x0] =	vst.idx.msk $0xffff, v41  }
0x51d: {  	v56 =	vor.u32 v0, v55;
	v41 =	vld.idx.msk [tilespmem:v54+s14+$0x0], $0xffff  }
0x51e: {  	v57 =	vor.u32 v40, v32;
	_ =	sdelay $0x3  }
0x51f: {  	[tilespmem:v56+s19+$0x0] =	vst.idx.msk $0xffff, v41  }
0x520: {  	v58 =	vor.u32 v17, v55;
	v41 =	vld.idx.msk [tilespmem:v57+s14+$0x0], $0xffff  }
0x521: {  	v59 =	vor.u32 v40, v33;
	_ =	sdelay $0x3  }
0x522: {  	[tilespmem:v58+s19+$0x0] =	vst.idx.msk $0xffff, v41  }
0x523: {  	v60 =	vor.u32 v18, v55;
	v41 =	vld.idx.msk [tilespmem:v59+s14+$0x0], $0xffff  }
0x524: {  	v61 =	vor.u32 v40, v34;
	_ =	sdelay $0x3  }
0x525: {  	[tilespmem:v60+s19+$0x0] =	vst.idx.msk $0xffff, v41  }
0x526: {  	v62 =	vor.u32 v19, v55;
	v41 =	vld.idx.msk [tilespmem:v61+s14+$0x0], $0xffff  }
0x527: {  	v63 =	vor.u32 v40, v35;
	_ =	sdelay $0x3  }
0x528: {  	[tilespmem:v62+s19+$0x0] =	vst.idx.msk $0xffff, v41  }
0x529: {  	v45 =	vor.u32 v20, v55;
	v41 =	vld.idx.msk [tilespmem:v63+s14+$0x0], $0xffff  }
0x52a: {  	v46 =	vor.u32 v40, v36;
	_ =	sdelay $0x3  }
0x52b: {  	[tilespmem:v45+s19+$0x0] =	vst.idx.msk $0xffff, v41  }
0x52c: {  	v47 =	vor.u32 v21, v55;
	v41 =	vld.idx.msk [tilespmem:v46+s14+$0x0], $0xffff  }
0x52d: {  	v48 =	vor.u32 v40, v37;
	_ =	sdelay $0x3  }
0x52e: {  	[tilespmem:v47+s19+$0x0] =	vst.idx.msk $0xffff, v41  }
0x52f: {  	v49 =	vor.u32 v22, v55;
	v41 =	vld.idx.msk [tilespmem:v48+s14+$0x0], $0xffff  }
0x530: {  	v40 =	vor.u32 v40, v38;
	_ =	sdelay $0x3  }
0x531: {  	v50 =	vadd.s32 s25, v29;
	[tilespmem:v49+s19+$0x0] =	vst.idx.msk $0xffff, v41  }
0x532: {  	v39 =	vor.u32 v23, v55;
	v41 =	vand.u32 $0x3F, v50;
	v40 =	vld.idx.msk [tilespmem:v40+s14+$0x0], $0xffff  }
0x533: {  	v51 =	vor.u32 v41, v31;
	_ =	sdelay $0x3  }
0x534: {  	v52 =	vshll.u32 v41, $0x7;
	[tilespmem:v39+s19+$0x0] =	vst.idx.msk $0xffff, v40  }
0x535: {  	v53 =	vor.u32 v0, v52;
	v40 =	vld.idx.msk [tilespmem:v51+s14+$0x0], $0xffff  }
0x536: {  	v54 =	vor.u32 v41, v32;
	_ =	sdelay $0x3  }
0x537: {  	[tilespmem:v53+s19+$0x0] =	vst.idx.msk $0xffff, v40  }
0x538: {  	v55 =	vor.u32 v17, v52;
	v40 =	vld.idx.msk [tilespmem:v54+s14+$0x0], $0xffff  }
0x539: {  	v56 =	vor.u32 v41, v33;
	_ =	sdelay $0x3  }
0x53a: {  	[tilespmem:v55+s19+$0x0] =	vst.idx.msk $0xffff, v40  }
0x53b: {  	v57 =	vor.u32 v18, v52;
	v40 =	vld.idx.msk [tilespmem:v56+s14+$0x0], $0xffff  }
0x53c: {  	v58 =	vor.u32 v41, v34;
	_ =	sdelay $0x3  }
0x53d: {  	[tilespmem:v57+s19+$0x0] =	vst.idx.msk $0xffff, v40  }
0x53e: {  	v59 =	vor.u32 v19, v52;
	v40 =	vld.idx.msk [tilespmem:v58+s14+$0x0], $0xffff  }
0x53f: {  	v60 =	vor.u32 v41, v35;
	_ =	sdelay $0x3  }
0x540: {  	[tilespmem:v59+s19+$0x0] =	vst.idx.msk $0xffff, v40  }
0x541: {  	v61 =	vor.u32 v20, v52;
	v40 =	vld.idx.msk [tilespmem:v60+s14+$0x0], $0xffff  }
0x542: {  	v62 =	vor.u32 v41, v36;
	_ =	sdelay $0x3  }
0x543: {  	[tilespmem:v61+s19+$0x0] =	vst.idx.msk $0xffff, v40  }
0x544: {  	v63 =	vor.u32 v21, v52;
	v40 =	vld.idx.msk [tilespmem:v62+s14+$0x0], $0xffff  }
0x545: {  	v45 =	vor.u32 v41, v37;
	_ =	sdelay $0x3  }
0x546: {  	[tilespmem:v63+s19+$0x0] =	vst.idx.msk $0xffff, v40  }
0x547: {  	v46 =	vor.u32 v22, v52;
	v40 =	vld.idx.msk [tilespmem:v45+s14+$0x0], $0xffff  }
0x548: {  	v41 =	vor.u32 v41, v38;
	_ =	sdelay $0x3  }
0x549: {  	v47 =	vadd.s32 s25, v30;
	[tilespmem:v46+s19+$0x0] =	vst.idx.msk $0xffff, v40  }
0x54a: {  	v39 =	vor.u32 v23, v52;
	v40 =	vand.u32 $0x3F, v47;
	v41 =	vld.idx.msk [tilespmem:v41+s14+$0x0], $0xffff  }
0x54b: {  	v31 =	vor.u32 v40, v31;
	_ =	sdelay $0x3  }
0x54c: {  	v48 =	vshll.u32 v40, $0x7;
	[tilespmem:v39+s19+$0x0] =	vst.idx.msk $0xffff, v41  }
0x54d: {  	v49 =	vor.u32 v0, v48;
	v31 =	vld.idx.msk [tilespmem:v31+s14+$0x0], $0xffff  }
0x54e: {  	v50 =	vor.u32 v40, v32;
	_ =	sdelay $0x3  }
0x54f: {  	[tilespmem:v49+s19+$0x0] =	vst.idx.msk $0xffff, v31  }
0x550: {  	v51 =	vor.u32 v17, v48;
	v31 =	vld.idx.msk [tilespmem:v50+s14+$0x0], $0xffff  }
0x551: {  	v52 =	vor.u32 v40, v33;
	_ =	sdelay $0x3  }
0x552: {  	[tilespmem:v51+s19+$0x0] =	vst.idx.msk $0xffff, v31  }
0x553: {  	v53 =	vor.u32 v18, v48;
	v31 =	vld.idx.msk [tilespmem:v52+s14+$0x0], $0xffff  }
0x554: {  	v54 =	vor.u32 v40, v34;
	_ =	sdelay $0x3  }
0x555: {  	[tilespmem:v53+s19+$0x0] =	vst.idx.msk $0xffff, v31  }
0x556: {  	v55 =	vor.u32 v19, v48;
	v31 =	vld.idx.msk [tilespmem:v54+s14+$0x0], $0xffff  }
0x557: {  	v56 =	vor.u32 v40, v35;
	_ =	sdelay $0x3  }
0x558: {  	[tilespmem:v55+s19+$0x0] =	vst.idx.msk $0xffff, v31  }
0x559: {  	v57 =	vor.u32 v20, v48;
	v31 =	vld.idx.msk [tilespmem:v56+s14+$0x0], $0xffff  }
0x55a: {  	v58 =	vor.u32 v40, v36;
	_ =	sdelay $0x3  }
0x55b: {  	[tilespmem:v57+s19+$0x0] =	vst.idx.msk $0xffff, v31  }
0x55c: {  	v59 =	vor.u32 v21, v48;
	v31 =	vld.idx.msk [tilespmem:v58+s14+$0x0], $0xffff  }
0x55d: {  	v60 =	vor.u32 v40, v37;
	_ =	sdelay $0x3  }
0x55e: {  	[tilespmem:v59+s19+$0x0] =	vst.idx.msk $0xffff, v31  }
0x55f: {  	v61 =	vor.u32 v22, v48;
	v31 =	vld.idx.msk [tilespmem:v60+s14+$0x0], $0xffff  }
0x560: {  	v62 =	vor.u32 v40, v38;
	_ =	sdelay $0x3  }
0x561: {  	[tilespmem:v61+s19+$0x0] =	vst.idx.msk $0xffff, v31  }
0x562: {  	s23 =	sadd.s32 $0x1, s23;
	v63 =	vor.u32 v23, v48;
	v31 =	vld.idx.msk [tilespmem:v62+s14+$0x0], $0xffff  }
0x563: {  	p0 =	sne.s32 s23, $0x64  }
.Ltmp6:
0x564: {  	_ = 	snop;
	(pc) =	sbr.rel @p0 .LBB2_4-.Ltmp6, $4  }
0x565: {  	s24 =	sshll.u32 s24, $0xF  }
0x566: {  	s24 =	sadd.s32 s1, s24  }
0x567: {  	s24 =	sadd.s32 s4, s24;
	[tilespmem:v63+s19+$0x0] =	vst.idx.msk $0xffff, v31  }
0x568: {  	[hbm4b:s24+s8] =	stream.strided.scatter [tilespmem:s19], [sflag:$0x4], $0x2000, s9, s8, $0x38;
	[tilespmem:$0x18800] =	vst v63  }
0x569: {  	s21 =	sadd.s32 $0x1, s21  }
0x56a: {  	_ =	swait.ge [sflag:s20], $0x2000;
	p0 =	sne.s32 s21, s7  }
.Ltmp7:
0x56b: {  	[sflag:s20] =	ssyncset.done $0x0;
	(pc) =	sbr.rel @p0 .LBB2_1-.Ltmp7, $4  }
0x56c: {  	[sflag:s20] =	ssyncadd.s32 $0xFFFFE000  }
0x56d: {  	_ =	swait.ge [sflag:s18], $0x2000  }
0x56e: {  	[sflag:s18] =	ssyncset.done $0x0  }
0x56f: {  	[sflag:s18] =	ssyncadd.s32 $0xFFFFE000  }
0x570: {  	_ =	sfence.sel $0x180000  }
0x571: {  	[bflag:$0x0] =	sbarrier.arrive $0xFFFF  }
0x572: {  	p0 =	sne.s32 s3, $0x0;
	_ =	strace $0x90000047  }
0x573: {  	s0 =	sadd.s32 @!p0 $0x100000, s0;
	[bflag:$0x2] =	sbarrier.arrive $0xFFFF  }
0x574: {  	[sflag:s0] =	ssyncadd.tile.s32 @!p0 $0x1;
	_ =	shalt  }
.Lfunc_end2:
_tile_overlayer_lowered:
.L_overlay_start_2:
0x575: {  	(tag) =	ssettag $0x2  }
0x576: {  	s0 =	rddreg [dreg:$0x0];
	s2 =	stileid.u32  }
0x577: {  	s1 =	rddreg [dreg:$0x1];
	p0 =	sne.s32 s2, $0x0  }
0x578: {  	s3 =	rddreg [dreg:$0x2];
	[bflag:$0x3] =	sbarrier.arrive $0xFFFF;
	s2 =	simm.s32 @!p0 $0x1C05  }
0x579: {  	[timem:s3], [sflag:s2] =	dma.local @!p0 [hbm:s0], s1  }
0x57a: {  	s0 =	simm.s32 @!p0 $0x5  }
0x57b: {  	_ =	swait.ge @!p0 [sflag:s0], s1  }
0x57c: {  	s1 =	ssub.s32 @!p0 $0x0, s1;
	[sflag:s0] =	ssyncset.done @!p0 $0x0  }
0x57d: {  	[sflag:s0] =	ssyncadd.s32 @!p0 s1  }
0x57e: {  	[bflag:$0x3] =	sbarrier.arrive $0xFFFF  }
0x57f: {  	_ =	shalt  }

</sc_bundles>
